<compile_context>
chip_gen: v7x
topology: tpu7x:2x2x1
jax: 0.10.2.dev20260603
libtpu: 0.0.44.dev20260713+nightly
codegen_flags: <defaults>
</compile_context>

<pallas_src>
import functools

import jax
import jax.numpy as jnp
from jax import lax
from jax.experimental import pallas as pl
from jax.experimental.pallas import tpu as pltpu
from jax.experimental.pallas import tpu_sc as plsc

DIM = 32
DIMW = DIM // 2
NC = 2
NS = 16
NW = NC * NS
GB = 32
NBUF = 2
CH = 625

_MESH = plsc.VectorSubcoreMesh(core_axis_name="c", subcore_axis_name="s")
_PARAMS = pltpu.CompilerParams(
    use_tc_tiling_on_sc=False, needs_layout_passes=False)


@functools.lru_cache(maxsize=None)
def _build_retype(vocab):
    rows_w = vocab // NW
    nch = rows_w // CH
    assert rows_w * NW == vocab and nch * CH == rows_w and nch % 2 == 0

    @functools.partial(
        pl.kernel,
        mesh=_MESH,
        out_type=jax.ShapeDtypeStruct((vocab, DIMW), jnp.int32),
        compiler_params=_PARAMS,
        scratch_types=[
            pltpu.VMEM((NBUF, CH, DIM), jnp.bfloat16),
            pltpu.VMEM((NBUF, CH, DIMW), jnp.int32),
            pltpu.SemaphoreType.DMA,
            pltpu.SemaphoreType.DMA,
            pltpu.SemaphoreType.DMA,
            pltpu.SemaphoreType.DMA,
        ],
    )
    def retype(w_hbm, out_hbm, bfv, i32v, si0, si1, so0, so1):
        sin = (si0, si1)
        sout = (so0, so1)
        wid = lax.axis_index("s") * NC + lax.axis_index("c")

        def base(c):
            return wid * rows_w + c * CH

        def in_copy(c, b):
            return pltpu.make_async_copy(
                w_hbm.at[pl.ds(base(c), CH)], bfv.at[b], sin[b])

        def out_copy(c, b):
            return pltpu.make_async_copy(
                i32v.at[b], out_hbm.at[pl.ds(base(c), CH)], sout[b])

        for b in range(NBUF):
            in_copy(b, b).start()

        def body(it, _):
            c0 = it * NBUF
            for b in range(NBUF):
                c = c0 + b
                in_copy(c, b).wait()

                @pl.when(c >= NBUF)
                def _():
                    out_copy(c - NBUF, b).wait()

                def rows(j, _):
                    for u in range(5):
                        r = j * 5 + u
                        i32v[b, r] = plsc.bitcast(bfv[b, r], jnp.int32)
                    return 0
                lax.fori_loop(0, CH // 5, rows, 0)

                @pl.when(c + NBUF < nch)
                def _():
                    in_copy(c + NBUF, b).start()

                out_copy(c, b).start()
            return 0

        lax.fori_loop(0, nch // NBUF, body, 0)
        for b in range(NBUF):
            out_copy(nch - NBUF + b, b).wait()

    return retype


@functools.lru_cache(maxsize=None)
def _build_gather(batch, hist):
    bat_w = batch // NW
    nblk = bat_w // GB
    assert bat_w * NW == batch and nblk * GB == bat_w and nblk % NBUF == 0

    @functools.partial(
        pl.kernel,
        mesh=_MESH,
        out_type=jax.ShapeDtypeStruct((batch, hist, DIM), jnp.bfloat16),
        compiler_params=_PARAMS,
        scratch_types=[
            pltpu.VMEM((bat_w, hist), jnp.int32),
            pltpu.VMEM((NBUF, GB, hist, DIMW), jnp.int32),
            pltpu.VMEM((GB, hist, DIM), jnp.bfloat16),
            pltpu.SemaphoreType.DMA,
            pltpu.SemaphoreType.DMA,
        ],
    )
    def emb(ids_hbm, t_hbm, out_hbm, idx_v, rows_v, bf_v, sem0, sem1):
        sems = (sem0, sem1)
        wid = lax.axis_index("s") * NC + lax.axis_index("c")
        b_base = wid * bat_w
        pltpu.sync_copy(ids_hbm.at[pl.ds(b_base, bat_w)], idx_v)

        def fire(blk_id, b):
            def one(j, _):
                pltpu.async_copy(
                    t_hbm.at[idx_v.at[blk_id * GB + j]],
                    rows_v.at[b].at[j],
                    sems[b],
                )
                return 0
            lax.fori_loop(0, GB, one, 0)

        def drain(blk_id, b):
            def one(j, _):
                pltpu.make_async_copy(
                    t_hbm.at[idx_v.at[blk_id * GB + j]],
                    rows_v.at[b].at[j],
                    sems[b],
                ).wait()
                return 0
            lax.fori_loop(0, GB, one, 0)

        def repack(b):
            def one(j, _):
                for r in range(hist):
                    w = rows_v[b, j, r]
                    lo = lax.bitwise_and(w, 0xFFFF)
                    hi = lax.shift_right_logical(w, 16)
                    p = plsc.pack(lo, hi, format=plsc.PackFormat.INTERLEAVED)
                    bf_v[j, r] = plsc.bitcast(p, jnp.bfloat16)
                return 0
            lax.fori_loop(0, GB, one, 0)

        for b in range(NBUF):
            fire(b, b)

        def body(it, _):
            g0 = it * NBUF
            for b in range(NBUF):
                blk_id = g0 + b
                drain(blk_id, b)
                repack(b)

                @pl.when(blk_id + NBUF < nblk)
                def _():
                    fire(blk_id + NBUF, b)

                pltpu.sync_copy(
                    bf_v, out_hbm.at[pl.ds(b_base + blk_id * GB, GB)]
                )
            return 0

        lax.fori_loop(0, nblk // NBUF, body, 0)

    return emb


def kernel(ids, weight):
    batch, hist = ids.shape
    table_i32 = _build_retype(weight.shape[0])(weight)
    return _build_gather(batch, hist)(ids.astype(jnp.int32), table_i32)

# --- scband reference (transcript-rebuilt; emitter-appended) ---
"""Pipeline reference for scband-embedding-21105469292722 (READ-ONLY COPY).

The authoritative reference and input builder live on the scoring server;
editing this copy changes nothing except your own understanding.
"""

import jax, jax.numpy as jnp
import numpy as np

VOCAB = 1000000
DIM = 32
BATCH = 16384
HIST = 50


def setup_inputs(seed: int = 0) -> dict:
    key = jax.random.key(seed)
    k_w, k_ids = jax.random.split(key)
    w = jax.random.truncated_normal(k_w, lower=-2.0, upper=2.0, shape=(VOCAB, DIM))
    weight = (w * 0.02).astype(jnp.bfloat16)
    ids = jax.random.randint(k_ids, (BATCH, HIST), 0, VOCAB, dtype=jnp.int64 if jax.config.jax_enable_x64 else jnp.int32)
    return {"ids": ids, "weight": weight}


def reference(ids, weight):
    # Faithful translation of Embedding.__call__: gather rows, cast to bf16
    return jnp.take(weight, ids, axis=0).astype(jnp.bfloat16)

if __name__ == "__main__":
    import jax
    _d = setup_inputs()
    print(jax.jit(kernel)(*tuple(_d.values())))

</pallas_src>

<mosaic_0001>
#map = affine_map<(d0, d1) -> (0, 0)>
module attributes {stable_mosaic.version = 14 : i64} {
  func.func @retype(%arg0: i32, %arg1: i32, %arg2: memref<1000000x32xbf16, #tpu.memory_space<hbm>>, %arg3: memref<1000000x16xi32, #tpu.memory_space<hbm>>, %arg4: memref<2x625x32xbf16, #tpu.memory_space<vmem>>, %arg5: memref<2x625x16xi32, #tpu.memory_space<vmem>>, %arg6: memref<!tpu.dma_semaphore, #tpu.memory_space<semaphore_mem>>, %arg7: memref<!tpu.dma_semaphore, #tpu.memory_space<semaphore_mem>>, %arg8: memref<!tpu.dma_semaphore, #tpu.memory_space<semaphore_mem>>, %arg9: memref<!tpu.dma_semaphore, #tpu.memory_space<semaphore_mem>>) attributes {dimension_semantics = [#tpu.dimension_semantics<core_parallel>, #tpu.dimension_semantics<subcore_parallel>], iteration_bounds = array<i64: 2, 16>, scalar_prefetch = 0 : i64, scratch_operands = 6 : i64, tpu.core_type = #tpu.core_type<sc_vector_subcore>, window_params = [{transform_indices = #map}, {transform_indices = #map}]} {
    %mul3A = arith.constant 2 : i32
    %mul3A_0 = arith.muli %arg1, %mul3A : i32
    %add3A = arith.addi %mul3A_0, %arg0 : i32
    %mul3A_1 = arith.constant 31250 : i32
    %mul3A_2 = arith.muli %add3A, %mul3A_1 : i32
    %add3A_3 = arith.constant 0 : i32
    %add3A_4 = arith.addi %mul3A_2, %add3A_3 : i32
    %dma_start3A = arith.constant 0 : i32
    %dma_start3A_5 = arith.constant 0 : i32
    %dma_start3A_6 = arith.constant 0 : i32
    %dma_start3A_7 = tpu.memref_slice %arg4[%dma_start3A, %dma_start3A_5, %dma_start3A_6] : memref<2x625x32xbf16, #tpu.memory_space<vmem>> -> memref<1x625x32xbf16, #tpu.memory_space<vmem>>
    %dma_start3A_8 = tpu.memref_squeeze %dma_start3A_7 : memref<1x625x32xbf16, #tpu.memory_space<vmem>> -> memref<625x32xbf16, #tpu.memory_space<vmem>>
    %dma_start3A_9 = arith.constant 0 : i32
    %dma_start3A_10 = tpu.memref_slice %arg2[%add3A_4, %dma_start3A_9] : memref<1000000x32xbf16, #tpu.memory_space<hbm>> -> memref<625x32xbf16, #tpu.memory_space<hbm>>
    %dma_start3A_11 = arith.constant 0 : i32
    %dma_start3A_12 = arith.constant 0 : i32
    %dma_start3A_13 = tpu.memref_slice %arg4[%dma_start3A, %dma_start3A_11, %dma_start3A_12] : memref<2x625x32xbf16, #tpu.memory_space<vmem>> -> memref<1x625x32xbf16, #tpu.memory_space<vmem>>
    %dma_start3A_14 = tpu.memref_squeeze %dma_start3A_13 : memref<1x625x32xbf16, #tpu.memory_space<vmem>> -> memref<625x32xbf16, #tpu.memory_space<vmem>>
    %dma_start3A_15 = arith.constant 0 : i32
    %dma_start3A_16 = tpu.memref_slice %arg2[%add3A_4, %dma_start3A_15] : memref<1000000x32xbf16, #tpu.memory_space<hbm>> -> memref<625x32xbf16, #tpu.memory_space<hbm>>
    tpu.enqueue_dma source(%dma_start3A_16 : memref<625x32xbf16, #tpu.memory_space<hbm>>) target(%dma_start3A_14 : memref<625x32xbf16, #tpu.memory_space<vmem>>) target_semaphore(%arg6 : memref<!tpu.dma_semaphore, #tpu.memory_space<semaphore_mem>>)
    %mul3A_17 = arith.constant 31250 : i32
    %mul3A_18 = arith.muli %add3A, %mul3A_17 : i32
    %add3A_19 = arith.constant 625 : i32
    %add3A_20 = arith.addi %mul3A_18, %add3A_19 : i32
    %dma_start3A_21 = arith.constant 1 : i32
    %dma_start3A_22 = arith.constant 0 : i32
    %dma_start3A_23 = arith.constant 0 : i32
    %dma_start3A_24 = tpu.memref_slice %arg4[%dma_start3A_21, %dma_start3A_22, %dma_start3A_23] : memref<2x625x32xbf16, #tpu.memory_space<vmem>> -> memref<1x625x32xbf16, #tpu.memory_space<vmem>>
    %dma_start3A_25 = tpu.memref_squeeze %dma_start3A_24 : memref<1x625x32xbf16, #tpu.memory_space<vmem>> -> memref<625x32xbf16, #tpu.memory_space<vmem>>
    %dma_start3A_26 = arith.constant 0 : i32
    %dma_start3A_27 = tpu.memref_slice %arg2[%add3A_20, %dma_start3A_26] : memref<1000000x32xbf16, #tpu.memory_space<hbm>> -> memref<625x32xbf16, #tpu.memory_space<hbm>>
    %dma_start3A_28 = arith.constant 0 : i32
    %dma_start3A_29 = arith.constant 0 : i32
    %dma_start3A_30 = tpu.memref_slice %arg4[%dma_start3A_21, %dma_start3A_28, %dma_start3A_29] : memref<2x625x32xbf16, #tpu.memory_space<vmem>> -> memref<1x625x32xbf16, #tpu.memory_space<vmem>>
    %dma_start3A_31 = tpu.memref_squeeze %dma_start3A_30 : memref<1x625x32xbf16, #tpu.memory_space<vmem>> -> memref<625x32xbf16, #tpu.memory_space<vmem>>
    %dma_start3A_32 = arith.constant 0 : i32
    %dma_start3A_33 = tpu.memref_slice %arg2[%add3A_20, %dma_start3A_32] : memref<1000000x32xbf16, #tpu.memory_space<hbm>> -> memref<625x32xbf16, #tpu.memory_space<hbm>>
    tpu.enqueue_dma source(%dma_start3A_33 : memref<625x32xbf16, #tpu.memory_space<hbm>>) target(%dma_start3A_31 : memref<625x32xbf16, #tpu.memory_space<vmem>>) target_semaphore(%arg7 : memref<!tpu.dma_semaphore, #tpu.memory_space<semaphore_mem>>)
    %scan3A = arith.constant 0 : i32
    %scan3A_34 = arith.constant 0 : i32
    %scan3A_35 = arith.constant 25 : i32
    %scan3A_36 = arith.addi %scan3A_34, %scan3A_35 : i32
    %scan3A_37 = arith.constant 1 : i32
    %scan3A_38 = scf.for %scan3A_73 = %scan3A_34 to %scan3A_36 step %scan3A_37 iter_args(%scan3A_74 = %scan3A) -> (i32)  : i32 {
      %mul3A_75 = arith.constant 2 : i32
      %mul3A_76 = arith.muli %scan3A_73, %mul3A_75 : i32
      %add3A_77 = arith.constant 0 : i32
      %add3A_78 = arith.addi %mul3A_76, %add3A_77 : i32
      %mul3A_79 = arith.constant 31250 : i32
      %mul3A_80 = arith.muli %add3A, %mul3A_79 : i32
      %mul3A_81 = arith.constant 625 : i32
      %mul3A_82 = arith.muli %add3A_78, %mul3A_81 : i32
      %add3A_83 = arith.addi %mul3A_80, %mul3A_82 : i32
      %dma_wait3A_84 = arith.constant 0 : i32
      %dma_wait3A_85 = arith.constant 0 : i32
      %dma_wait3A_86 = arith.constant 0 : i32
      %dma_wait3A_87 = tpu.memref_slice %arg4[%dma_wait3A_84, %dma_wait3A_85, %dma_wait3A_86] : memref<2x625x32xbf16, #tpu.memory_space<vmem>> -> memref<1x625x32xbf16, #tpu.memory_space<vmem>>
      %dma_wait3A_88 = tpu.memref_squeeze %dma_wait3A_87 : memref<1x625x32xbf16, #tpu.memory_space<vmem>> -> memref<625x32xbf16, #tpu.memory_space<vmem>>
      %dma_wait3A_89 = arith.constant 0 : i32
      %dma_wait3A_90 = tpu.memref_slice %arg2[%add3A_83, %dma_wait3A_89] : memref<1000000x32xbf16, #tpu.memory_space<hbm>> -> memref<625x32xbf16, #tpu.memory_space<hbm>>
      %dma_wait3A_91 = arith.constant 0 : i32
      %dma_wait3A_92 = arith.constant 0 : i32
      %dma_wait3A_93 = tpu.memref_slice %arg4[%dma_wait3A_84, %dma_wait3A_91, %dma_wait3A_92] : memref<2x625x32xbf16, #tpu.memory_space<vmem>> -> memref<1x625x32xbf16, #tpu.memory_space<vmem>>
      %dma_wait3A_94 = tpu.memref_squeeze %dma_wait3A_93 : memref<1x625x32xbf16, #tpu.memory_space<vmem>> -> memref<625x32xbf16, #tpu.memory_space<vmem>>
      %dma_wait3A_95 = arith.constant 0 : i32
      %dma_wait3A_96 = tpu.memref_slice %arg2[%add3A_83, %dma_wait3A_95] : memref<1000000x32xbf16, #tpu.memory_space<hbm>> -> memref<625x32xbf16, #tpu.memory_space<hbm>>
      tpu.wait_dma2 semaphore(%arg6 : memref<!tpu.dma_semaphore, #tpu.memory_space<semaphore_mem>>) src(%dma_wait3A_96 : memref<625x32xbf16, #tpu.memory_space<hbm>>) dst(%dma_wait3A_94 : memref<625x32xbf16, #tpu.memory_space<vmem>>)
      %ge3A = arith.constant 2 : i32
      %ge3A_97 = arith.cmpi sge, %add3A_78, %ge3A : i32
      %convert_element_type3A = arith.extui %ge3A_97 : i1 to i32
      %cond3A = arith.constant 0 : i32
      %cond3A_98 = arith.cmpi ne, %convert_element_type3A, %cond3A : i32
      scf.if %cond3A_98 {
        %sub3A = arith.constant 2 : i32
        %sub3A_188 = arith.subi %add3A_78, %sub3A : i32
        %mul3A_189 = arith.constant 31250 : i32
        %mul3A_190 = arith.muli %add3A, %mul3A_189 : i32
        %mul3A_191 = arith.constant 625 : i32
        %mul3A_192 = arith.muli %sub3A_188, %mul3A_191 : i32
        %add3A_193 = arith.addi %mul3A_190, %mul3A_192 : i32
        %dma_wait3A_194 = arith.constant 0 : i32
        %dma_wait3A_195 = arith.constant 0 : i32
        %dma_wait3A_196 = arith.constant 0 : i32
        %dma_wait3A_197 = tpu.memref_slice %arg5[%dma_wait3A_194, %dma_wait3A_195, %dma_wait3A_196] : memref<2x625x16xi32, #tpu.memory_space<vmem>> -> memref<1x625x16xi32, #tpu.memory_space<vmem>>
        %dma_wait3A_198 = tpu.memref_squeeze %dma_wait3A_197 : memref<1x625x16xi32, #tpu.memory_space<vmem>> -> memref<625x16xi32, #tpu.memory_space<vmem>>
        %dma_wait3A_199 = arith.constant 0 : i32
        %dma_wait3A_200 = tpu.memref_slice %arg3[%add3A_193, %dma_wait3A_199] : memref<1000000x16xi32, #tpu.memory_space<hbm>> -> memref<625x16xi32, #tpu.memory_space<hbm>>
        %dma_wait3A_201 = arith.constant 0 : i32
        %dma_wait3A_202 = tpu.memref_slice %arg3[%add3A_193, %dma_wait3A_201] : memref<1000000x16xi32, #tpu.memory_space<hbm>> -> memref<625x16xi32, #tpu.memory_space<hbm>>
        %dma_wait3A_203 = arith.constant 0 : i32
        %dma_wait3A_204 = arith.constant 0 : i32
        %dma_wait3A_205 = tpu.memref_slice %arg5[%dma_wait3A_194, %dma_wait3A_203, %dma_wait3A_204] : memref<2x625x16xi32, #tpu.memory_space<vmem>> -> memref<1x625x16xi32, #tpu.memory_space<vmem>>
        %dma_wait3A_206 = tpu.memref_squeeze %dma_wait3A_205 : memref<1x625x16xi32, #tpu.memory_space<vmem>> -> memref<625x16xi32, #tpu.memory_space<vmem>>
        tpu.wait_dma2 semaphore(%arg8 : memref<!tpu.dma_semaphore, #tpu.memory_space<semaphore_mem>>) src(%dma_wait3A_206 : memref<625x16xi32, #tpu.memory_space<vmem>>) dst(%dma_wait3A_202 : memref<625x16xi32, #tpu.memory_space<hbm>>)
      } else {
      }
      %scan3A_99 = arith.constant 0 : i32
      %scan3A_100 = arith.constant 0 : i32
      %scan3A_101 = arith.constant 125 : i32
      %scan3A_102 = arith.addi %scan3A_100, %scan3A_101 : i32
      %scan3A_103 = arith.constant 1 : i32
      %scan3A_104 = scf.for %scan3A_188 = %scan3A_100 to %scan3A_102 step %scan3A_103 iter_args(%scan3A_189 = %scan3A_99) -> (i32)  : i32 {
        %mul3A_190 = arith.constant 5 : i32
        %mul3A_191 = arith.muli %scan3A_188, %mul3A_190 : i32
        %add3A_192 = arith.constant 0 : i32
        %add3A_193 = arith.addi %mul3A_191, %add3A_192 : i32
        %get3A = arith.constant 0 : i32
        %get3A_194 = arith.index_cast %get3A : i32 to index
        %get3A_195 = arith.index_cast %add3A_193 : i32 to index
        %get3A_196 = arith.constant 0 : index
        %get3A_197 = tpu.vector_load %arg4[%get3A_194, %get3A_195, %get3A_196] {strides = array<i32>} : memref<2x625x32xbf16, #tpu.memory_space<vmem>>, vector<32xbf16>,
        %bitcast3A = vector.bitcast %get3A_197 : vector<32xbf16> to vector<16xi32>
        %swap3A = arith.constant 0 : i32
        %swap3A_198 = arith.index_cast %swap3A : i32 to index
        %swap3A_199 = arith.index_cast %add3A_193 : i32 to index
        %swap3A_200 = arith.constant 0 : index
        %swap3A_201 = tpu.vector_load %arg5[%swap3A_198, %swap3A_199, %swap3A_200] {strides = array<i32>} : memref<2x625x16xi32, #tpu.memory_space<vmem>>, vector<16xi32>,
        tpu.vector_store %arg5[%swap3A_198, %swap3A_199, %swap3A_200], %bitcast3A {strides = array<i32>} : memref<2x625x16xi32, #tpu.memory_space<vmem>>, vector<16xi32>,
        %mul3A_202 = arith.constant 5 : i32
        %mul3A_203 = arith.muli %scan3A_188, %mul3A_202 : i32
        %add3A_204 = arith.constant 1 : i32
        %add3A_205 = arith.addi %mul3A_203, %add3A_204 : i32
        %get3A_206 = arith.constant 0 : i32
        %get3A_207 = arith.index_cast %get3A_206 : i32 to index
        %get3A_208 = arith.index_cast %add3A_205 : i32 to index
        %get3A_209 = arith.constant 0 : index
        %get3A_210 = tpu.vector_load %arg4[%get3A_207, %get3A_208, %get3A_209] {strides = array<i32>} : memref<2x625x32xbf16, #tpu.memory_space<vmem>>, vector<32xbf16>,
        %bitcast3A_211 = vector.bitcast %get3A_210 : vector<32xbf16> to vector<16xi32>
        %swap3A_212 = arith.constant 0 : i32
        %swap3A_213 = arith.index_cast %swap3A_212 : i32 to index
        %swap3A_214 = arith.index_cast %add3A_205 : i32 to index
        %swap3A_215 = arith.constant 0 : index
        %swap3A_216 = tpu.vector_load %arg5[%swap3A_213, %swap3A_214, %swap3A_215] {strides = array<i32>} : memref<2x625x16xi32, #tpu.memory_space<vmem>>, vector<16xi32>,
        tpu.vector_store %arg5[%swap3A_213, %swap3A_214, %swap3A_215], %bitcast3A_211 {strides = array<i32>} : memref<2x625x16xi32, #tpu.memory_space<vmem>>, vector<16xi32>,
        %mul3A_217 = arith.constant 5 : i32
        %mul3A_218 = arith.muli %scan3A_188, %mul3A_217 : i32
        %add3A_219 = arith.constant 2 : i32
        %add3A_220 = arith.addi %mul3A_218, %add3A_219 : i32
        %get3A_221 = arith.constant 0 : i32
        %get3A_222 = arith.index_cast %get3A_221 : i32 to index
        %get3A_223 = arith.index_cast %add3A_220 : i32 to index
        %get3A_224 = arith.constant 0 : index
        %get3A_225 = tpu.vector_load %arg4[%get3A_222, %get3A_223, %get3A_224] {strides = array<i32>} : memref<2x625x32xbf16, #tpu.memory_space<vmem>>, vector<32xbf16>,
        %bitcast3A_226 = vector.bitcast %get3A_225 : vector<32xbf16> to vector<16xi32>
        %swap3A_227 = arith.constant 0 : i32
        %swap3A_228 = arith.index_cast %swap3A_227 : i32 to index
        %swap3A_229 = arith.index_cast %add3A_220 : i32 to index
        %swap3A_230 = arith.constant 0 : index
        %swap3A_231 = tpu.vector_load %arg5[%swap3A_228, %swap3A_229, %swap3A_230] {strides = array<i32>} : memref<2x625x16xi32, #tpu.memory_space<vmem>>, vector<16xi32>,
        tpu.vector_store %arg5[%swap3A_228, %swap3A_229, %swap3A_230], %bitcast3A_226 {strides = array<i32>} : memref<2x625x16xi32, #tpu.memory_space<vmem>>, vector<16xi32>,
        %mul3A_232 = arith.constant 5 : i32
        %mul3A_233 = arith.muli %scan3A_188, %mul3A_232 : i32
        %add3A_234 = arith.constant 3 : i32
        %add3A_235 = arith.addi %mul3A_233, %add3A_234 : i32
        %get3A_236 = arith.constant 0 : i32
        %get3A_237 = arith.index_cast %get3A_236 : i32 to index
        %get3A_238 = arith.index_cast %add3A_235 : i32 to index
        %get3A_239 = arith.constant 0 : index
        %get3A_240 = tpu.vector_load %arg4[%get3A_237, %get3A_238, %get3A_239] {strides = array<i32>} : memref<2x625x32xbf16, #tpu.memory_space<vmem>>, vector<32xbf16>,
        %bitcast3A_241 = vector.bitcast %get3A_240 : vector<32xbf16> to vector<16xi32>
        %swap3A_242 = arith.constant 0 : i32
        %swap3A_243 = arith.index_cast %swap3A_242 : i32 to index
        %swap3A_244 = arith.index_cast %add3A_235 : i32 to index
        %swap3A_245 = arith.constant 0 : index
        %swap3A_246 = tpu.vector_load %arg5[%swap3A_243, %swap3A_244, %swap3A_245] {strides = array<i32>} : memref<2x625x16xi32, #tpu.memory_space<vmem>>, vector<16xi32>,
        tpu.vector_store %arg5[%swap3A_243, %swap3A_244, %swap3A_245], %bitcast3A_241 {strides = array<i32>} : memref<2x625x16xi32, #tpu.memory_space<vmem>>, vector<16xi32>,
        %mul3A_247 = arith.constant 5 : i32
        %mul3A_248 = arith.muli %scan3A_188, %mul3A_247 : i32
        %add3A_249 = arith.constant 4 : i32
        %add3A_250 = arith.addi %mul3A_248, %add3A_249 : i32
        %get3A_251 = arith.constant 0 : i32
        %get3A_252 = arith.index_cast %get3A_251 : i32 to index
        %get3A_253 = arith.index_cast %add3A_250 : i32 to index
        %get3A_254 = arith.constant 0 : index
        %get3A_255 = tpu.vector_load %arg4[%get3A_252, %get3A_253, %get3A_254] {strides = array<i32>} : memref<2x625x32xbf16, #tpu.memory_space<vmem>>, vector<32xbf16>,
        %bitcast3A_256 = vector.bitcast %get3A_255 : vector<32xbf16> to vector<16xi32>
        %swap3A_257 = arith.constant 0 : i32
        %swap3A_258 = arith.index_cast %swap3A_257 : i32 to index
        %swap3A_259 = arith.index_cast %add3A_250 : i32 to index
        %swap3A_260 = arith.constant 0 : index
        %swap3A_261 = tpu.vector_load %arg5[%swap3A_258, %swap3A_259, %swap3A_260] {strides = array<i32>} : memref<2x625x16xi32, #tpu.memory_space<vmem>>, vector<16xi32>,
        tpu.vector_store %arg5[%swap3A_258, %swap3A_259, %swap3A_260], %bitcast3A_256 {strides = array<i32>} : memref<2x625x16xi32, #tpu.memory_space<vmem>>, vector<16xi32>,
        %scan3A_262 = arith.constant 0 : i32
        scf.yield %scan3A_262 : i32
      }
      %scan3A_105 = arith.constant 125 : i32
      %add3A_106 = arith.constant 2 : i32
      %add3A_107 = arith.addi %add3A_78, %add3A_106 : i32
      %lt3A = arith.constant 50 : i32
      %lt3A_108 = arith.cmpi slt, %add3A_107, %lt3A : i32
      %convert_element_type3A_109 = arith.extui %lt3A_108 : i1 to i32
      %cond3A_110 = arith.constant 0 : i32
      %cond3A_111 = arith.cmpi ne, %convert_element_type3A_109, %cond3A_110 : i32
      scf.if %cond3A_111 {
        %add3A_188 = arith.constant 2 : i32
        %add3A_189 = arith.addi %add3A_78, %add3A_188 : i32
        %mul3A_190 = arith.constant 31250 : i32
        %mul3A_191 = arith.muli %add3A, %mul3A_190 : i32
        %mul3A_192 = arith.constant 625 : i32
        %mul3A_193 = arith.muli %add3A_189, %mul3A_192 : i32
        %add3A_194 = arith.addi %mul3A_191, %mul3A_193 : i32
        %dma_start3A_195 = arith.constant 0 : i32
        %dma_start3A_196 = arith.constant 0 : i32
        %dma_start3A_197 = arith.constant 0 : i32
        %dma_start3A_198 = tpu.memref_slice %arg4[%dma_start3A_195, %dma_start3A_196, %dma_start3A_197] : memref<2x625x32xbf16, #tpu.memory_space<vmem>> -> memref<1x625x32xbf16, #tpu.memory_space<vmem>>
        %dma_start3A_199 = tpu.memref_squeeze %dma_start3A_198 : memref<1x625x32xbf16, #tpu.memory_space<vmem>> -> memref<625x32xbf16, #tpu.memory_space<vmem>>
        %dma_start3A_200 = arith.constant 0 : i32
        %dma_start3A_201 = tpu.memref_slice %arg2[%add3A_194, %dma_start3A_200] : memref<1000000x32xbf16, #tpu.memory_space<hbm>> -> memref<625x32xbf16, #tpu.memory_space<hbm>>
        %dma_start3A_202 = arith.constant 0 : i32
        %dma_start3A_203 = arith.constant 0 : i32
        %dma_start3A_204 = tpu.memref_slice %arg4[%dma_start3A_195, %dma_start3A_202, %dma_start3A_203] : memref<2x625x32xbf16, #tpu.memory_space<vmem>> -> memref<1x625x32xbf16, #tpu.memory_space<vmem>>
        %dma_start3A_205 = tpu.memref_squeeze %dma_start3A_204 : memref<1x625x32xbf16, #tpu.memory_space<vmem>> -> memref<625x32xbf16, #tpu.memory_space<vmem>>
        %dma_start3A_206 = arith.constant 0 : i32
        %dma_start3A_207 = tpu.memref_slice %arg2[%add3A_194, %dma_start3A_206] : memref<1000000x32xbf16, #tpu.memory_space<hbm>> -> memref<625x32xbf16, #tpu.memory_space<hbm>>
        tpu.enqueue_dma source(%dma_start3A_207 : memref<625x32xbf16, #tpu.memory_space<hbm>>) target(%dma_start3A_205 : memref<625x32xbf16, #tpu.memory_space<vmem>>) target_semaphore(%arg6 : memref<!tpu.dma_semaphore, #tpu.memory_space<semaphore_mem>>)
      } else {
      }
      %mul3A_112 = arith.constant 31250 : i32
      %mul3A_113 = arith.muli %add3A, %mul3A_112 : i32
      %mul3A_114 = arith.constant 625 : i32
      %mul3A_115 = arith.muli %add3A_78, %mul3A_114 : i32
      %add3A_116 = arith.addi %mul3A_113, %mul3A_115 : i32
      %dma_start3A_117 = arith.constant 0 : i32
      %dma_start3A_118 = arith.constant 0 : i32
      %dma_start3A_119 = arith.constant 0 : i32
      %dma_start3A_120 = tpu.memref_slice %arg5[%dma_start3A_117, %dma_start3A_118, %dma_start3A_119] : memref<2x625x16xi32, #tpu.memory_space<vmem>> -> memref<1x625x16xi32, #tpu.memory_space<vmem>>
      %dma_start3A_121 = tpu.memref_squeeze %dma_start3A_120 : memref<1x625x16xi32, #tpu.memory_space<vmem>> -> memref<625x16xi32, #tpu.memory_space<vmem>>
      %dma_start3A_122 = arith.constant 0 : i32
      %dma_start3A_123 = tpu.memref_slice %arg3[%add3A_116, %dma_start3A_122] : memref<1000000x16xi32, #tpu.memory_space<hbm>> -> memref<625x16xi32, #tpu.memory_space<hbm>>
      %dma_start3A_124 = arith.constant 0 : i32
      %dma_start3A_125 = tpu.memref_slice %arg3[%add3A_116, %dma_start3A_124] : memref<1000000x16xi32, #tpu.memory_space<hbm>> -> memref<625x16xi32, #tpu.memory_space<hbm>>
      %dma_start3A_126 = arith.constant 0 : i32
      %dma_start3A_127 = arith.constant 0 : i32
      %dma_start3A_128 = tpu.memref_slice %arg5[%dma_start3A_117, %dma_start3A_126, %dma_start3A_127] : memref<2x625x16xi32, #tpu.memory_space<vmem>> -> memref<1x625x16xi32, #tpu.memory_space<vmem>>
      %dma_start3A_129 = tpu.memref_squeeze %dma_start3A_128 : memref<1x625x16xi32, #tpu.memory_space<vmem>> -> memref<625x16xi32, #tpu.memory_space<vmem>>
      tpu.enqueue_dma source(%dma_start3A_129 : memref<625x16xi32, #tpu.memory_space<vmem>>) target(%dma_start3A_125 : memref<625x16xi32, #tpu.memory_space<hbm>>) target_semaphore(%arg8 : memref<!tpu.dma_semaphore, #tpu.memory_space<semaphore_mem>>)
      %add3A_130 = arith.constant 1 : i32
      %add3A_131 = arith.addi %mul3A_76, %add3A_130 : i32
      %mul3A_132 = arith.constant 31250 : i32
      %mul3A_133 = arith.muli %add3A, %mul3A_132 : i32
      %mul3A_134 = arith.constant 625 : i32
      %mul3A_135 = arith.muli %add3A_131, %mul3A_134 : i32
      %add3A_136 = arith.addi %mul3A_133, %mul3A_135 : i32
      %dma_wait3A_137 = arith.constant 1 : i32
      %dma_wait3A_138 = arith.constant 0 : i32
      %dma_wait3A_139 = arith.constant 0 : i32
      %dma_wait3A_140 = tpu.memref_slice %arg4[%dma_wait3A_137, %dma_wait3A_138, %dma_wait3A_139] : memref<2x625x32xbf16, #tpu.memory_space<vmem>> -> memref<1x625x32xbf16, #tpu.memory_space<vmem>>
      %dma_wait3A_141 = tpu.memref_squeeze %dma_wait3A_140 : memref<1x625x32xbf16, #tpu.memory_space<vmem>> -> memref<625x32xbf16, #tpu.memory_space<vmem>>
      %dma_wait3A_142 = arith.constant 0 : i32
      %dma_wait3A_143 = tpu.memref_slice %arg2[%add3A_136, %dma_wait3A_142] : memref<1000000x32xbf16, #tpu.memory_space<hbm>> -> memref<625x32xbf16, #tpu.memory_space<hbm>>
      %dma_wait3A_144 = arith.constant 0 : i32
      %dma_wait3A_145 = arith.constant 0 : i32
      %dma_wait3A_146 = tpu.memref_slice %arg4[%dma_wait3A_137, %dma_wait3A_144, %dma_wait3A_145] : memref<2x625x32xbf16, #tpu.memory_space<vmem>> -> memref<1x625x32xbf16, #tpu.memory_space<vmem>>
      %dma_wait3A_147 = tpu.memref_squeeze %dma_wait3A_146 : memref<1x625x32xbf16, #tpu.memory_space<vmem>> -> memref<625x32xbf16, #tpu.memory_space<vmem>>
      %dma_wait3A_148 = arith.constant 0 : i32
      %dma_wait3A_149 = tpu.memref_slice %arg2[%add3A_136, %dma_wait3A_148] : memref<1000000x32xbf16, #tpu.memory_space<hbm>> -> memref<625x32xbf16, #tpu.memory_space<hbm>>
      tpu.wait_dma2 semaphore(%arg7 : memref<!tpu.dma_semaphore, #tpu.memory_space<semaphore_mem>>) src(%dma_wait3A_149 : memref<625x32xbf16, #tpu.memory_space<hbm>>) dst(%dma_wait3A_147 : memref<625x32xbf16, #tpu.memory_space<vmem>>)
      %ge3A_150 = arith.constant 2 : i32
      %ge3A_151 = arith.cmpi sge, %add3A_131, %ge3A_150 : i32
      %convert_element_type3A_152 = arith.extui %ge3A_151 : i1 to i32
      %cond3A_153 = arith.constant 0 : i32
      %cond3A_154 = arith.cmpi ne, %convert_element_type3A_152, %cond3A_153 : i32
      scf.if %cond3A_154 {
        %sub3A = arith.constant 2 : i32
        %sub3A_188 = arith.subi %add3A_131, %sub3A : i32
        %mul3A_189 = arith.constant 31250 : i32
        %mul3A_190 = arith.muli %add3A, %mul3A_189 : i32
        %mul3A_191 = arith.constant 625 : i32
        %mul3A_192 = arith.muli %sub3A_188, %mul3A_191 : i32
        %add3A_193 = arith.addi %mul3A_190, %mul3A_192 : i32
        %dma_wait3A_194 = arith.constant 1 : i32
        %dma_wait3A_195 = arith.constant 0 : i32
        %dma_wait3A_196 = arith.constant 0 : i32
        %dma_wait3A_197 = tpu.memref_slice %arg5[%dma_wait3A_194, %dma_wait3A_195, %dma_wait3A_196] : memref<2x625x16xi32, #tpu.memory_space<vmem>> -> memref<1x625x16xi32, #tpu.memory_space<vmem>>
        %dma_wait3A_198 = tpu.memref_squeeze %dma_wait3A_197 : memref<1x625x16xi32, #tpu.memory_space<vmem>> -> memref<625x16xi32, #tpu.memory_space<vmem>>
        %dma_wait3A_199 = arith.constant 0 : i32
        %dma_wait3A_200 = tpu.memref_slice %arg3[%add3A_193, %dma_wait3A_199] : memref<1000000x16xi32, #tpu.memory_space<hbm>> -> memref<625x16xi32, #tpu.memory_space<hbm>>
        %dma_wait3A_201 = arith.constant 0 : i32
        %dma_wait3A_202 = tpu.memref_slice %arg3[%add3A_193, %dma_wait3A_201] : memref<1000000x16xi32, #tpu.memory_space<hbm>> -> memref<625x16xi32, #tpu.memory_space<hbm>>
        %dma_wait3A_203 = arith.constant 0 : i32
        %dma_wait3A_204 = arith.constant 0 : i32
        %dma_wait3A_205 = tpu.memref_slice %arg5[%dma_wait3A_194, %dma_wait3A_203, %dma_wait3A_204] : memref<2x625x16xi32, #tpu.memory_space<vmem>> -> memref<1x625x16xi32, #tpu.memory_space<vmem>>
        %dma_wait3A_206 = tpu.memref_squeeze %dma_wait3A_205 : memref<1x625x16xi32, #tpu.memory_space<vmem>> -> memref<625x16xi32, #tpu.memory_space<vmem>>
        tpu.wait_dma2 semaphore(%arg9 : memref<!tpu.dma_semaphore, #tpu.memory_space<semaphore_mem>>) src(%dma_wait3A_206 : memref<625x16xi32, #tpu.memory_space<vmem>>) dst(%dma_wait3A_202 : memref<625x16xi32, #tpu.memory_space<hbm>>)
      } else {
      }
      %scan3A_155 = arith.constant 0 : i32
      %scan3A_156 = arith.constant 0 : i32
      %scan3A_157 = arith.constant 125 : i32
      %scan3A_158 = arith.addi %scan3A_156, %scan3A_157 : i32
      %scan3A_159 = arith.constant 1 : i32
      %scan3A_160 = scf.for %scan3A_188 = %scan3A_156 to %scan3A_158 step %scan3A_159 iter_args(%scan3A_189 = %scan3A_155) -> (i32)  : i32 {
        %mul3A_190 = arith.constant 5 : i32
        %mul3A_191 = arith.muli %scan3A_188, %mul3A_190 : i32
        %add3A_192 = arith.constant 0 : i32
        %add3A_193 = arith.addi %mul3A_191, %add3A_192 : i32
        %get3A = arith.constant 1 : i32
        %get3A_194 = arith.index_cast %get3A : i32 to index
        %get3A_195 = arith.index_cast %add3A_193 : i32 to index
        %get3A_196 = arith.constant 0 : index
        %get3A_197 = tpu.vector_load %arg4[%get3A_194, %get3A_195, %get3A_196] {strides = array<i32>} : memref<2x625x32xbf16, #tpu.memory_space<vmem>>, vector<32xbf16>,
        %bitcast3A = vector.bitcast %get3A_197 : vector<32xbf16> to vector<16xi32>
        %swap3A = arith.constant 1 : i32
        %swap3A_198 = arith.index_cast %swap3A : i32 to index
        %swap3A_199 = arith.index_cast %add3A_193 : i32 to index
        %swap3A_200 = arith.constant 0 : index
        %swap3A_201 = tpu.vector_load %arg5[%swap3A_198, %swap3A_199, %swap3A_200] {strides = array<i32>} : memref<2x625x16xi32, #tpu.memory_space<vmem>>, vector<16xi32>,
        tpu.vector_store %arg5[%swap3A_198, %swap3A_199, %swap3A_200], %bitcast3A {strides = array<i32>} : memref<2x625x16xi32, #tpu.memory_space<vmem>>, vector<16xi32>,
        %mul3A_202 = arith.constant 5 : i32
        %mul3A_203 = arith.muli %scan3A_188, %mul3A_202 : i32
        %add3A_204 = arith.constant 1 : i32
        %add3A_205 = arith.addi %mul3A_203, %add3A_204 : i32
        %get3A_206 = arith.constant 1 : i32
        %get3A_207 = arith.index_cast %get3A_206 : i32 to index
        %get3A_208 = arith.index_cast %add3A_205 : i32 to index
        %get3A_209 = arith.constant 0 : index
        %get3A_210 = tpu.vector_load %arg4[%get3A_207, %get3A_208, %get3A_209] {strides = array<i32>} : memref<2x625x32xbf16, #tpu.memory_space<vmem>>, vector<32xbf16>,
        %bitcast3A_211 = vector.bitcast %get3A_210 : vector<32xbf16> to vector<16xi32>
        %swap3A_212 = arith.constant 1 : i32
        %swap3A_213 = arith.index_cast %swap3A_212 : i32 to index
        %swap3A_214 = arith.index_cast %add3A_205 : i32 to index
        %swap3A_215 = arith.constant 0 : index
        %swap3A_216 = tpu.vector_load %arg5[%swap3A_213, %swap3A_214, %swap3A_215] {strides = array<i32>} : memref<2x625x16xi32, #tpu.memory_space<vmem>>, vector<16xi32>,
        tpu.vector_store %arg5[%swap3A_213, %swap3A_214, %swap3A_215], %bitcast3A_211 {strides = array<i32>} : memref<2x625x16xi32, #tpu.memory_space<vmem>>, vector<16xi32>,
        %mul3A_217 = arith.constant 5 : i32
        %mul3A_218 = arith.muli %scan3A_188, %mul3A_217 : i32
        %add3A_219 = arith.constant 2 : i32
        %add3A_220 = arith.addi %mul3A_218, %add3A_219 : i32
        %get3A_221 = arith.constant 1 : i32
        %get3A_222 = arith.index_cast %get3A_221 : i32 to index
        %get3A_223 = arith.index_cast %add3A_220 : i32 to index
        %get3A_224 = arith.constant 0 : index
        %get3A_225 = tpu.vector_load %arg4[%get3A_222, %get3A_223, %get3A_224] {strides = array<i32>} : memref<2x625x32xbf16, #tpu.memory_space<vmem>>, vector<32xbf16>,
        %bitcast3A_226 = vector.bitcast %get3A_225 : vector<32xbf16> to vector<16xi32>
        %swap3A_227 = arith.constant 1 : i32
        %swap3A_228 = arith.index_cast %swap3A_227 : i32 to index
        %swap3A_229 = arith.index_cast %add3A_220 : i32 to index
        %swap3A_230 = arith.constant 0 : index
        %swap3A_231 = tpu.vector_load %arg5[%swap3A_228, %swap3A_229, %swap3A_230] {strides = array<i32>} : memref<2x625x16xi32, #tpu.memory_space<vmem>>, vector<16xi32>,
        tpu.vector_store %arg5[%swap3A_228, %swap3A_229, %swap3A_230], %bitcast3A_226 {strides = array<i32>} : memref<2x625x16xi32, #tpu.memory_space<vmem>>, vector<16xi32>,
        %mul3A_232 = arith.constant 5 : i32
        %mul3A_233 = arith.muli %scan3A_188, %mul3A_232 : i32
        %add3A_234 = arith.constant 3 : i32
        %add3A_235 = arith.addi %mul3A_233, %add3A_234 : i32
        %get3A_236 = arith.constant 1 : i32
        %get3A_237 = arith.index_cast %get3A_236 : i32 to index
        %get3A_238 = arith.index_cast %add3A_235 : i32 to index
        %get3A_239 = arith.constant 0 : index
        %get3A_240 = tpu.vector_load %arg4[%get3A_237, %get3A_238, %get3A_239] {strides = array<i32>} : memref<2x625x32xbf16, #tpu.memory_space<vmem>>, vector<32xbf16>,
        %bitcast3A_241 = vector.bitcast %get3A_240 : vector<32xbf16> to vector<16xi32>
        %swap3A_242 = arith.constant 1 : i32
        %swap3A_243 = arith.index_cast %swap3A_242 : i32 to index
        %swap3A_244 = arith.index_cast %add3A_235 : i32 to index
        %swap3A_245 = arith.constant 0 : index
        %swap3A_246 = tpu.vector_load %arg5[%swap3A_243, %swap3A_244, %swap3A_245] {strides = array<i32>} : memref<2x625x16xi32, #tpu.memory_space<vmem>>, vector<16xi32>,
        tpu.vector_store %arg5[%swap3A_243, %swap3A_244, %swap3A_245], %bitcast3A_241 {strides = array<i32>} : memref<2x625x16xi32, #tpu.memory_space<vmem>>, vector<16xi32>,
        %mul3A_247 = arith.constant 5 : i32
        %mul3A_248 = arith.muli %scan3A_188, %mul3A_247 : i32
        %add3A_249 = arith.constant 4 : i32
        %add3A_250 = arith.addi %mul3A_248, %add3A_249 : i32
        %get3A_251 = arith.constant 1 : i32
        %get3A_252 = arith.index_cast %get3A_251 : i32 to index
        %get3A_253 = arith.index_cast %add3A_250 : i32 to index
        %get3A_254 = arith.constant 0 : index
        %get3A_255 = tpu.vector_load %arg4[%get3A_252, %get3A_253, %get3A_254] {strides = array<i32>} : memref<2x625x32xbf16, #tpu.memory_space<vmem>>, vector<32xbf16>,
        %bitcast3A_256 = vector.bitcast %get3A_255 : vector<32xbf16> to vector<16xi32>
        %swap3A_257 = arith.constant 1 : i32
        %swap3A_258 = arith.index_cast %swap3A_257 : i32 to index
        %swap3A_259 = arith.index_cast %add3A_250 : i32 to index
        %swap3A_260 = arith.constant 0 : index
        %swap3A_261 = tpu.vector_load %arg5[%swap3A_258, %swap3A_259, %swap3A_260] {strides = array<i32>} : memref<2x625x16xi32, #tpu.memory_space<vmem>>, vector<16xi32>,
        tpu.vector_store %arg5[%swap3A_258, %swap3A_259, %swap3A_260], %bitcast3A_256 {strides = array<i32>} : memref<2x625x16xi32, #tpu.memory_space<vmem>>, vector<16xi32>,
        %scan3A_262 = arith.constant 0 : i32
        scf.yield %scan3A_262 : i32
      }
      %scan3A_161 = arith.constant 125 : i32
      %add3A_162 = arith.constant 2 : i32
      %add3A_163 = arith.addi %add3A_131, %add3A_162 : i32
      %lt3A_164 = arith.constant 50 : i32
      %lt3A_165 = arith.cmpi slt, %add3A_163, %lt3A_164 : i32
      %convert_element_type3A_166 = arith.extui %lt3A_165 : i1 to i32
      %cond3A_167 = arith.constant 0 : i32
      %cond3A_168 = arith.cmpi ne, %convert_element_type3A_166, %cond3A_167 : i32
      scf.if %cond3A_168 {
        %add3A_188 = arith.constant 2 : i32
        %add3A_189 = arith.addi %add3A_131, %add3A_188 : i32
        %mul3A_190 = arith.constant 31250 : i32
        %mul3A_191 = arith.muli %add3A, %mul3A_190 : i32
        %mul3A_192 = arith.constant 625 : i32
        %mul3A_193 = arith.muli %add3A_189, %mul3A_192 : i32
        %add3A_194 = arith.addi %mul3A_191, %mul3A_193 : i32
        %dma_start3A_195 = arith.constant 1 : i32
        %dma_start3A_196 = arith.constant 0 : i32
        %dma_start3A_197 = arith.constant 0 : i32
        %dma_start3A_198 = tpu.memref_slice %arg4[%dma_start3A_195, %dma_start3A_196, %dma_start3A_197] : memref<2x625x32xbf16, #tpu.memory_space<vmem>> -> memref<1x625x32xbf16, #tpu.memory_space<vmem>>
        %dma_start3A_199 = tpu.memref_squeeze %dma_start3A_198 : memref<1x625x32xbf16, #tpu.memory_space<vmem>> -> memref<625x32xbf16, #tpu.memory_space<vmem>>
        %dma_start3A_200 = arith.constant 0 : i32
        %dma_start3A_201 = tpu.memref_slice %arg2[%add3A_194, %dma_start3A_200] : memref<1000000x32xbf16, #tpu.memory_space<hbm>> -> memref<625x32xbf16, #tpu.memory_space<hbm>>
        %dma_start3A_202 = arith.constant 0 : i32
        %dma_start3A_203 = arith.constant 0 : i32
        %dma_start3A_204 = tpu.memref_slice %arg4[%dma_start3A_195, %dma_start3A_202, %dma_start3A_203] : memref<2x625x32xbf16, #tpu.memory_space<vmem>> -> memref<1x625x32xbf16, #tpu.memory_space<vmem>>
        %dma_start3A_205 = tpu.memref_squeeze %dma_start3A_204 : memref<1x625x32xbf16, #tpu.memory_space<vmem>> -> memref<625x32xbf16, #tpu.memory_space<vmem>>
        %dma_start3A_206 = arith.constant 0 : i32
        %dma_start3A_207 = tpu.memref_slice %arg2[%add3A_194, %dma_start3A_206] : memref<1000000x32xbf16, #tpu.memory_space<hbm>> -> memref<625x32xbf16, #tpu.memory_space<hbm>>
        tpu.enqueue_dma source(%dma_start3A_207 : memref<625x32xbf16, #tpu.memory_space<hbm>>) target(%dma_start3A_205 : memref<625x32xbf16, #tpu.memory_space<vmem>>) target_semaphore(%arg7 : memref<!tpu.dma_semaphore, #tpu.memory_space<semaphore_mem>>)
      } else {
      }
      %mul3A_169 = arith.constant 31250 : i32
      %mul3A_170 = arith.muli %add3A, %mul3A_169 : i32
      %mul3A_171 = arith.constant 625 : i32
      %mul3A_172 = arith.muli %add3A_131, %mul3A_171 : i32
      %add3A_173 = arith.addi %mul3A_170, %mul3A_172 : i32
      %dma_start3A_174 = arith.constant 1 : i32
      %dma_start3A_175 = arith.constant 0 : i32
      %dma_start3A_176 = arith.constant 0 : i32
      %dma_start3A_177 = tpu.memref_slice %arg5[%dma_start3A_174, %dma_start3A_175, %dma_start3A_176] : memref<2x625x16xi32, #tpu.memory_space<vmem>> -> memref<1x625x16xi32, #tpu.memory_space<vmem>>
      %dma_start3A_178 = tpu.memref_squeeze %dma_start3A_177 : memref<1x625x16xi32, #tpu.memory_space<vmem>> -> memref<625x16xi32, #tpu.memory_space<vmem>>
      %dma_start3A_179 = arith.constant 0 : i32
      %dma_start3A_180 = tpu.memref_slice %arg3[%add3A_173, %dma_start3A_179] : memref<1000000x16xi32, #tpu.memory_space<hbm>> -> memref<625x16xi32, #tpu.memory_space<hbm>>
      %dma_start3A_181 = arith.constant 0 : i32
      %dma_start3A_182 = tpu.memref_slice %arg3[%add3A_173, %dma_start3A_181] : memref<1000000x16xi32, #tpu.memory_space<hbm>> -> memref<625x16xi32, #tpu.memory_space<hbm>>
      %dma_start3A_183 = arith.constant 0 : i32
      %dma_start3A_184 = arith.constant 0 : i32
      %dma_start3A_185 = tpu.memref_slice %arg5[%dma_start3A_174, %dma_start3A_183, %dma_start3A_184] : memref<2x625x16xi32, #tpu.memory_space<vmem>> -> memref<1x625x16xi32, #tpu.memory_space<vmem>>
      %dma_start3A_186 = tpu.memref_squeeze %dma_start3A_185 : memref<1x625x16xi32, #tpu.memory_space<vmem>> -> memref<625x16xi32, #tpu.memory_space<vmem>>
      tpu.enqueue_dma source(%dma_start3A_186 : memref<625x16xi32, #tpu.memory_space<vmem>>) target(%dma_start3A_182 : memref<625x16xi32, #tpu.memory_space<hbm>>) target_semaphore(%arg9 : memref<!tpu.dma_semaphore, #tpu.memory_space<semaphore_mem>>)
      %scan3A_187 = arith.constant 0 : i32
      scf.yield %scan3A_187 : i32
    }
    %scan3A_39 = arith.constant 25 : i32
    %mul3A_40 = arith.constant 31250 : i32
    %mul3A_41 = arith.muli %add3A, %mul3A_40 : i32
    %add3A_42 = arith.constant 30000 : i32
    %add3A_43 = arith.addi %mul3A_41, %add3A_42 : i32
    %dma_wait3A = arith.constant 0 : i32
    %dma_wait3A_44 = arith.constant 0 : i32
    %dma_wait3A_45 = arith.constant 0 : i32
    %dma_wait3A_46 = tpu.memref_slice %arg5[%dma_wait3A, %dma_wait3A_44, %dma_wait3A_45] : memref<2x625x16xi32, #tpu.memory_space<vmem>> -> memref<1x625x16xi32, #tpu.memory_space<vmem>>
    %dma_wait3A_47 = tpu.memref_squeeze %dma_wait3A_46 : memref<1x625x16xi32, #tpu.memory_space<vmem>> -> memref<625x16xi32, #tpu.memory_space<vmem>>
    %dma_wait3A_48 = arith.constant 0 : i32
    %dma_wait3A_49 = tpu.memref_slice %arg3[%add3A_43, %dma_wait3A_48] : memref<1000000x16xi32, #tpu.memory_space<hbm>> -> memref<625x16xi32, #tpu.memory_space<hbm>>
    %dma_wait3A_50 = arith.constant 0 : i32
    %dma_wait3A_51 = tpu.memref_slice %arg3[%add3A_43, %dma_wait3A_50] : memref<1000000x16xi32, #tpu.memory_space<hbm>> -> memref<625x16xi32, #tpu.memory_space<hbm>>
    %dma_wait3A_52 = arith.constant 0 : i32
    %dma_wait3A_53 = arith.constant 0 : i32
    %dma_wait3A_54 = tpu.memref_slice %arg5[%dma_wait3A, %dma_wait3A_52, %dma_wait3A_53] : memref<2x625x16xi32, #tpu.memory_space<vmem>> -> memref<1x625x16xi32, #tpu.memory_space<vmem>>
    %dma_wait3A_55 = tpu.memref_squeeze %dma_wait3A_54 : memref<1x625x16xi32, #tpu.memory_space<vmem>> -> memref<625x16xi32, #tpu.memory_space<vmem>>
    tpu.wait_dma2 semaphore(%arg8 : memref<!tpu.dma_semaphore, #tpu.memory_space<semaphore_mem>>) src(%dma_wait3A_55 : memref<625x16xi32, #tpu.memory_space<vmem>>) dst(%dma_wait3A_51 : memref<625x16xi32, #tpu.memory_space<hbm>>)
    %mul3A_56 = arith.constant 31250 : i32
    %mul3A_57 = arith.muli %add3A, %mul3A_56 : i32
    %add3A_58 = arith.constant 30625 : i32
    %add3A_59 = arith.addi %mul3A_57, %add3A_58 : i32
    %dma_wait3A_60 = arith.constant 1 : i32
    %dma_wait3A_61 = arith.constant 0 : i32
    %dma_wait3A_62 = arith.constant 0 : i32
    %dma_wait3A_63 = tpu.memref_slice %arg5[%dma_wait3A_60, %dma_wait3A_61, %dma_wait3A_62] : memref<2x625x16xi32, #tpu.memory_space<vmem>> -> memref<1x625x16xi32, #tpu.memory_space<vmem>>
    %dma_wait3A_64 = tpu.memref_squeeze %dma_wait3A_63 : memref<1x625x16xi32, #tpu.memory_space<vmem>> -> memref<625x16xi32, #tpu.memory_space<vmem>>
    %dma_wait3A_65 = arith.constant 0 : i32
    %dma_wait3A_66 = tpu.memref_slice %arg3[%add3A_59, %dma_wait3A_65] : memref<1000000x16xi32, #tpu.memory_space<hbm>> -> memref<625x16xi32, #tpu.memory_space<hbm>>
    %dma_wait3A_67 = arith.constant 0 : i32
    %dma_wait3A_68 = tpu.memref_slice %arg3[%add3A_59, %dma_wait3A_67] : memref<1000000x16xi32, #tpu.memory_space<hbm>> -> memref<625x16xi32, #tpu.memory_space<hbm>>
    %dma_wait3A_69 = arith.constant 0 : i32
    %dma_wait3A_70 = arith.constant 0 : i32
    %dma_wait3A_71 = tpu.memref_slice %arg5[%dma_wait3A_60, %dma_wait3A_69, %dma_wait3A_70] : memref<2x625x16xi32, #tpu.memory_space<vmem>> -> memref<1x625x16xi32, #tpu.memory_space<vmem>>
    %dma_wait3A_72 = tpu.memref_squeeze %dma_wait3A_71 : memref<1x625x16xi32, #tpu.memory_space<vmem>> -> memref<625x16xi32, #tpu.memory_space<vmem>>
    tpu.wait_dma2 semaphore(%arg9 : memref<!tpu.dma_semaphore, #tpu.memory_space<semaphore_mem>>) src(%dma_wait3A_72 : memref<625x16xi32, #tpu.memory_space<vmem>>) dst(%dma_wait3A_68 : memref<625x16xi32, #tpu.memory_space<hbm>>)
    return
  }
}

#map = affine_map<(d0, d1) -> (0, 0)>
#map1 = affine_map<(d0, d1) -> (0, 0, 0)>
module attributes {stable_mosaic.version = 14 : i64} {
  func.func @emb(%arg0: i32, %arg1: i32, %arg2: memref<16384x50xi32, #tpu.memory_space<hbm>>, %arg3: memref<1000000x16xi32, #tpu.memory_space<hbm>>, %arg4: memref<16384x50x32xbf16, #tpu.memory_space<hbm>>, %arg5: memref<512x50xi32, #tpu.memory_space<vmem>>, %arg6: memref<2x32x50x16xi32, #tpu.memory_space<vmem>>, %arg7: memref<32x50x32xbf16, #tpu.memory_space<vmem>>, %arg8: memref<!tpu.dma_semaphore, #tpu.memory_space<semaphore_mem>>, %arg9: memref<!tpu.dma_semaphore, #tpu.memory_space<semaphore_mem>>) attributes {dimension_semantics = [#tpu.dimension_semantics<core_parallel>, #tpu.dimension_semantics<subcore_parallel>], iteration_bounds = array<i64: 2, 16>, scalar_prefetch = 0 : i64, scratch_operands = 5 : i64, tpu.core_type = #tpu.core_type<sc_vector_subcore>, window_params = [{transform_indices = #map}, {transform_indices = #map}, {transform_indices = #map1}]} {
    %mul3A = arith.constant 2 : i32
    %mul3A_0 = arith.muli %arg1, %mul3A : i32
    %add3A = arith.addi %mul3A_0, %arg0 : i32
    %mul3A_1 = arith.constant 512 : i32
    %mul3A_2 = arith.muli %add3A, %mul3A_1 : i32
    "tpu.region"() ({
      %run_scoped3A = tpu.sem_alloc : memref<!tpu.dma_semaphore, #tpu.memory_space<semaphore_mem>>
      %dma_start3A = arith.constant 0 : i32
      %dma_start3A_23 = tpu.memref_slice %arg2[%mul3A_2, %dma_start3A] : memref<16384x50xi32, #tpu.memory_space<hbm>> -> memref<512x50xi32, #tpu.memory_space<hbm>>
      %dma_start3A_24 = arith.constant 0 : i32
      %dma_start3A_25 = tpu.memref_slice %arg2[%mul3A_2, %dma_start3A_24] : memref<16384x50xi32, #tpu.memory_space<hbm>> -> memref<512x50xi32, #tpu.memory_space<hbm>>
      tpu.enqueue_dma source(%dma_start3A_25 : memref<512x50xi32, #tpu.memory_space<hbm>>) target(%arg5 : memref<512x50xi32, #tpu.memory_space<vmem>>) target_semaphore(%run_scoped3A : memref<!tpu.dma_semaphore, #tpu.memory_space<semaphore_mem>>)
      %dma_wait3A = arith.constant 0 : i32
      %dma_wait3A_26 = tpu.memref_slice %arg2[%mul3A_2, %dma_wait3A] : memref<16384x50xi32, #tpu.memory_space<hbm>> -> memref<512x50xi32, #tpu.memory_space<hbm>>
      %dma_wait3A_27 = arith.constant 0 : i32
      %dma_wait3A_28 = tpu.memref_slice %arg2[%mul3A_2, %dma_wait3A_27] : memref<16384x50xi32, #tpu.memory_space<hbm>> -> memref<512x50xi32, #tpu.memory_space<hbm>>
      tpu.wait_dma2 semaphore(%run_scoped3A : memref<!tpu.dma_semaphore, #tpu.memory_space<semaphore_mem>>) src(%dma_wait3A_28 : memref<512x50xi32, #tpu.memory_space<hbm>>) dst(%arg5 : memref<512x50xi32, #tpu.memory_space<vmem>>)
      tpu.yield
    }) : () -> ()
    %scan3A = arith.constant 0 : i32
    %scan3A_3 = arith.constant 0 : i32
    %scan3A_4 = arith.constant 32 : i32
    %scan3A_5 = arith.addi %scan3A_3, %scan3A_4 : i32
    %scan3A_6 = arith.constant 1 : i32
    %scan3A_7 = scf.for %scan3A_23 = %scan3A_3 to %scan3A_5 step %scan3A_6 iter_args(%scan3A_24 = %scan3A) -> (i32)  : i32 {
      %add3A_25 = arith.constant 0 : i32
      %add3A_26 = arith.addi %add3A_25, %scan3A_23 : i32
      %dma_start3A = arith.constant 0 : i32
      %dma_start3A_27 = arith.constant 0 : i32
      %dma_start3A_28 = arith.constant 0 : i32
      %dma_start3A_29 = arith.constant 0 : i32
      %dma_start3A_30 = tpu.memref_slice %arg6[%dma_start3A, %dma_start3A_27, %dma_start3A_28, %dma_start3A_29] : memref<2x32x50x16xi32, #tpu.memory_space<vmem>> -> memref<1x32x50x16xi32, #tpu.memory_space<vmem>>
      %dma_start3A_31 = tpu.memref_squeeze %dma_start3A_30 : memref<1x32x50x16xi32, #tpu.memory_space<vmem>> -> memref<32x50x16xi32, #tpu.memory_space<vmem>>
      %dma_start3A_32 = arith.constant 0 : i32
      %dma_start3A_33 = arith.constant 0 : i32
      %dma_start3A_34 = tpu.memref_slice %dma_start3A_31[%scan3A_23, %dma_start3A_32, %dma_start3A_33] : memref<32x50x16xi32, #tpu.memory_space<vmem>> -> memref<1x50x16xi32, #tpu.memory_space<vmem>>
      %dma_start3A_35 = tpu.memref_squeeze %dma_start3A_34 : memref<1x50x16xi32, #tpu.memory_space<vmem>> -> memref<50x16xi32, #tpu.memory_space<vmem>>
      %dma_start3A_36 = arith.constant 0 : i32
      %dma_start3A_37 = tpu.memref_slice %arg5[%add3A_26, %dma_start3A_36] : memref<512x50xi32, #tpu.memory_space<vmem>> -> memref<1x50xi32, #tpu.memory_space<vmem>>
      %dma_start3A_38 = tpu.memref_squeeze %dma_start3A_37 : memref<1x50xi32, #tpu.memory_space<vmem>> -> memref<50xi32, #tpu.memory_space<vmem>>
      %dma_start3A_39 = arith.constant 0 : i32
      %dma_start3A_40 = arith.constant 0 : i32
      %dma_start3A_41 = tpu.memref_slice %arg3[%dma_start3A_39, %dma_start3A_40] : memref<1000000x16xi32, #tpu.memory_space<hbm>> -> memref<1000000x16xi32, #tpu.memory_space<hbm>>
      tpu.enqueue_indirect_dma source(%dma_start3A_41 : memref<1000000x16xi32, #tpu.memory_space<hbm>>) target(%dma_start3A_35 : memref<50x16xi32, #tpu.memory_space<vmem>>) offsets(%dma_start3A_38 : memref<50xi32, #tpu.memory_space<vmem>>) semaphore(%arg8 : memref<!tpu.dma_semaphore, #tpu.memory_space<semaphore_mem>>)
      %scan3A_42 = arith.constant 0 : i32
      scf.yield %scan3A_42 : i32
    }
    %scan3A_8 = arith.constant 32 : i32
    %scan3A_9 = arith.constant 0 : i32
    %scan3A_10 = arith.constant 0 : i32
    %scan3A_11 = arith.constant 32 : i32
    %scan3A_12 = arith.addi %scan3A_10, %scan3A_11 : i32
    %scan3A_13 = arith.constant 1 : i32
    %scan3A_14 = scf.for %scan3A_23 = %scan3A_10 to %scan3A_12 step %scan3A_13 iter_args(%scan3A_24 = %scan3A_9) -> (i32)  : i32 {
      %add3A_25 = arith.constant 32 : i32
      %add3A_26 = arith.addi %add3A_25, %scan3A_23 : i32
      %dma_start3A = arith.constant 1 : i32
      %dma_start3A_27 = arith.constant 0 : i32
      %dma_start3A_28 = arith.constant 0 : i32
      %dma_start3A_29 = arith.constant 0 : i32
      %dma_start3A_30 = tpu.memref_slice %arg6[%dma_start3A, %dma_start3A_27, %dma_start3A_28, %dma_start3A_29] : memref<2x32x50x16xi32, #tpu.memory_space<vmem>> -> memref<1x32x50x16xi32, #tpu.memory_space<vmem>>
      %dma_start3A_31 = tpu.memref_squeeze %dma_start3A_30 : memref<1x32x50x16xi32, #tpu.memory_space<vmem>> -> memref<32x50x16xi32, #tpu.memory_space<vmem>>
      %dma_start3A_32 = arith.constant 0 : i32
      %dma_start3A_33 = arith.constant 0 : i32
      %dma_start3A_34 = tpu.memref_slice %dma_start3A_31[%scan3A_23, %dma_start3A_32, %dma_start3A_33] : memref<32x50x16xi32, #tpu.memory_space<vmem>> -> memref<1x50x16xi32, #tpu.memory_space<vmem>>
      %dma_start3A_35 = tpu.memref_squeeze %dma_start3A_34 : memref<1x50x16xi32, #tpu.memory_space<vmem>> -> memref<50x16xi32, #tpu.memory_space<vmem>>
      %dma_start3A_36 = arith.constant 0 : i32
      %dma_start3A_37 = tpu.memref_slice %arg5[%add3A_26, %dma_start3A_36] : memref<512x50xi32, #tpu.memory_space<vmem>> -> memref<1x50xi32, #tpu.memory_space<vmem>>
      %dma_start3A_38 = tpu.memref_squeeze %dma_start3A_37 : memref<1x50xi32, #tpu.memory_space<vmem>> -> memref<50xi32, #tpu.memory_space<vmem>>
      %dma_start3A_39 = arith.constant 0 : i32
      %dma_start3A_40 = arith.constant 0 : i32
      %dma_start3A_41 = tpu.memref_slice %arg3[%dma_start3A_39, %dma_start3A_40] : memref<1000000x16xi32, #tpu.memory_space<hbm>> -> memref<1000000x16xi32, #tpu.memory_space<hbm>>
      tpu.enqueue_indirect_dma source(%dma_start3A_41 : memref<1000000x16xi32, #tpu.memory_space<hbm>>) target(%dma_start3A_35 : memref<50x16xi32, #tpu.memory_space<vmem>>) offsets(%dma_start3A_38 : memref<50xi32, #tpu.memory_space<vmem>>) semaphore(%arg9 : memref<!tpu.dma_semaphore, #tpu.memory_space<semaphore_mem>>)
      %scan3A_42 = arith.constant 0 : i32
      scf.yield %scan3A_42 : i32
    }
    %scan3A_15 = arith.constant 32 : i32
    %scan3A_16 = arith.constant 0 : i32
    %scan3A_17 = arith.constant 0 : i32
    %scan3A_18 = arith.constant 8 : i32
    %scan3A_19 = arith.addi %scan3A_17, %scan3A_18 : i32
    %scan3A_20 = arith.constant 1 : i32
    %scan3A_21 = scf.for %scan3A_23 = %scan3A_17 to %scan3A_19 step %scan3A_20 iter_args(%scan3A_24 = %scan3A_16) -> (i32)  : i32 {
      %mul3A_25 = arith.constant 2 : i32
      %mul3A_26 = arith.muli %scan3A_23, %mul3A_25 : i32
      %add3A_27 = arith.constant 0 : i32
      %add3A_28 = arith.addi %mul3A_26, %add3A_27 : i32
      %scan3A_29 = arith.constant 0 : i32
      %scan3A_30 = arith.constant 0 : i32
      %scan3A_31 = arith.constant 32 : i32
      %scan3A_32 = arith.addi %scan3A_30, %scan3A_31 : i32
      %scan3A_33 = arith.constant 1 : i32
      %scan3A_34 = scf.for %scan3A_77 = %scan3A_30 to %scan3A_32 step %scan3A_33 iter_args(%scan3A_78 = %scan3A_29) -> (i32)  : i32 {
        %mul3A_79 = arith.constant 32 : i32
        %mul3A_80 = arith.muli %add3A_28, %mul3A_79 : i32
        %add3A_81 = arith.addi %mul3A_80, %scan3A_77 : i32
        %dma_wait3A = arith.constant 0 : i32
        %dma_wait3A_82 = arith.constant 0 : i32
        %dma_wait3A_83 = arith.constant 0 : i32
        %dma_wait3A_84 = arith.constant 0 : i32
        %dma_wait3A_85 = tpu.memref_slice %arg6[%dma_wait3A, %dma_wait3A_82, %dma_wait3A_83, %dma_wait3A_84] : memref<2x32x50x16xi32, #tpu.memory_space<vmem>> -> memref<1x32x50x16xi32, #tpu.memory_space<vmem>>
        %dma_wait3A_86 = tpu.memref_squeeze %dma_wait3A_85 : memref<1x32x50x16xi32, #tpu.memory_space<vmem>> -> memref<32x50x16xi32, #tpu.memory_space<vmem>>
        %dma_wait3A_87 = arith.constant 0 : i32
        %dma_wait3A_88 = arith.constant 0 : i32
        %dma_wait3A_89 = tpu.memref_slice %dma_wait3A_86[%scan3A_77, %dma_wait3A_87, %dma_wait3A_88] : memref<32x50x16xi32, #tpu.memory_space<vmem>> -> memref<1x50x16xi32, #tpu.memory_space<vmem>>
        %dma_wait3A_90 = tpu.memref_squeeze %dma_wait3A_89 : memref<1x50x16xi32, #tpu.memory_space<vmem>> -> memref<50x16xi32, #tpu.memory_space<vmem>>
        %dma_wait3A_91 = arith.constant 0 : i32
        %dma_wait3A_92 = tpu.memref_slice %arg5[%add3A_81, %dma_wait3A_91] : memref<512x50xi32, #tpu.memory_space<vmem>> -> memref<1x50xi32, #tpu.memory_space<vmem>>
        %dma_wait3A_93 = tpu.memref_squeeze %dma_wait3A_92 : memref<1x50xi32, #tpu.memory_space<vmem>> -> memref<50xi32, #tpu.memory_space<vmem>>
        %dma_wait3A_94 = arith.constant 0 : i32
        %dma_wait3A_95 = arith.constant 0 : i32
        %dma_wait3A_96 = tpu.memref_slice %arg3[%dma_wait3A_94, %dma_wait3A_95] : memref<1000000x16xi32, #tpu.memory_space<hbm>> -> memref<1000000x16xi32, #tpu.memory_space<hbm>>
        tpu.wait_indirect_dma semaphore(%arg8 : memref<!tpu.dma_semaphore, #tpu.memory_space<semaphore_mem>>) src(%dma_wait3A_96 : memref<1000000x16xi32, #tpu.memory_space<hbm>>) dst(%dma_wait3A_90 : memref<50x16xi32, #tpu.memory_space<vmem>>)
        %scan3A_97 = arith.constant 0 : i32
        scf.yield %scan3A_97 : i32
      }
      %scan3A_35 = arith.constant 32 : i32
      %scan3A_36 = arith.constant 0 : i32
      %scan3A_37 = arith.constant 0 : i32
      %scan3A_38 = arith.constant 32 : i32
      %scan3A_39 = arith.addi %scan3A_37, %scan3A_38 : i32
      %scan3A_40 = arith.constant 1 : i32
      %scan3A_41 = scf.for %scan3A_77 = %scan3A_37 to %scan3A_39 step %scan3A_40 iter_args(%scan3A_78 = %scan3A_36) -> (i32)  : i32 {
        %get3A = arith.constant 0 : i32
        %get3A_79 = arith.constant 0 : i32
        %get3A_80 = arith.index_cast %get3A : i32 to index
        %get3A_81 = arith.index_cast %scan3A_77 : i32 to index
        %get3A_82 = arith.index_cast %get3A_79 : i32 to index
        %get3A_83 = arith.constant 0 : index
        %get3A_84 = tpu.vector_load %arg6[%get3A_80, %get3A_81, %get3A_82, %get3A_83] {strides = array<i32>} : memref<2x32x50x16xi32, #tpu.memory_space<vmem>>, vector<16xi32>,
        %and3A = arith.constant 65535 : i32
        %and3A_85 = vector.broadcast %and3A : i32 to vector<16xi32>
        %and3A_86 = arith.andi %get3A_84, %and3A_85 : vector<16xi32>
        %shift_right_logical3A = arith.constant 16 : i32
        %shift_right_logical3A_87 = vector.broadcast %shift_right_logical3A : i32 to vector<16xi32>
        %shift_right_logical3A_88 = arith.shrui %get3A_84, %shift_right_logical3A_87 : vector<16xi32>
        %pack3A = tpu.pack_subelements %and3A_86, %shift_right_logical3A_88 {pack_format = #tpu.pack_format<interleaved>, positions = array<i32: 0, 1>} : vector<16xi32>, vector<16xi32> -> vector<32xi16>
        %bitcast3A = vector.bitcast %pack3A : vector<32xi16> to vector<32xbf16>
        %swap3A = arith.constant 0 : i32
        %swap3A_89 = arith.index_cast %scan3A_77 : i32 to index
        %swap3A_90 = arith.index_cast %swap3A : i32 to index
        %swap3A_91 = arith.constant 0 : index
        %swap3A_92 = tpu.vector_load %arg7[%swap3A_89, %swap3A_90, %swap3A_91] {strides = array<i32>} : memref<32x50x32xbf16, #tpu.memory_space<vmem>>, vector<32xbf16>,
        tpu.vector_store %arg7[%swap3A_89, %swap3A_90, %swap3A_91], %bitcast3A {strides = array<i32>} : memref<32x50x32xbf16, #tpu.memory_space<vmem>>, vector<32xbf16>,
        %get3A_93 = arith.constant 0 : i32
        %get3A_94 = arith.constant 1 : i32
        %get3A_95 = arith.index_cast %get3A_93 : i32 to index
        %get3A_96 = arith.index_cast %scan3A_77 : i32 to index
        %get3A_97 = arith.index_cast %get3A_94 : i32 to index
        %get3A_98 = arith.constant 0 : index
        %get3A_99 = tpu.vector_load %arg6[%get3A_95, %get3A_96, %get3A_97, %get3A_98] {strides = array<i32>} : memref<2x32x50x16xi32, #tpu.memory_space<vmem>>, vector<16xi32>,
        %and3A_100 = arith.constant 65535 : i32
        %and3A_101 = vector.broadcast %and3A_100 : i32 to vector<16xi32>
        %and3A_102 = arith.andi %get3A_99, %and3A_101 : vector<16xi32>
        %shift_right_logical3A_103 = arith.constant 16 : i32
        %shift_right_logical3A_104 = vector.broadcast %shift_right_logical3A_103 : i32 to vector<16xi32>
        %shift_right_logical3A_105 = arith.shrui %get3A_99, %shift_right_logical3A_104 : vector<16xi32>
        %pack3A_106 = tpu.pack_subelements %and3A_102, %shift_right_logical3A_105 {pack_format = #tpu.pack_format<interleaved>, positions = array<i32: 0, 1>} : vector<16xi32>, vector<16xi32> -> vector<32xi16>
        %bitcast3A_107 = vector.bitcast %pack3A_106 : vector<32xi16> to vector<32xbf16>
        %swap3A_108 = arith.constant 1 : i32
        %swap3A_109 = arith.index_cast %scan3A_77 : i32 to index
        %swap3A_110 = arith.index_cast %swap3A_108 : i32 to index
        %swap3A_111 = arith.constant 0 : index
        %swap3A_112 = tpu.vector_load %arg7[%swap3A_109, %swap3A_110, %swap3A_111] {strides = array<i32>} : memref<32x50x32xbf16, #tpu.memory_space<vmem>>, vector<32xbf16>,
        tpu.vector_store %arg7[%swap3A_109, %swap3A_110, %swap3A_111], %bitcast3A_107 {strides = array<i32>} : memref<32x50x32xbf16, #tpu.memory_space<vmem>>, vector<32xbf16>,
        %get3A_113 = arith.constant 0 : i32
        %get3A_114 = arith.constant 2 : i32
        %get3A_115 = arith.index_cast %get3A_113 : i32 to index
        %get3A_116 = arith.index_cast %scan3A_77 : i32 to index
        %get3A_117 = arith.index_cast %get3A_114 : i32 to index
        %get3A_118 = arith.constant 0 : index
        %get3A_119 = tpu.vector_load %arg6[%get3A_115, %get3A_116, %get3A_117, %get3A_118] {strides = array<i32>} : memref<2x32x50x16xi32, #tpu.memory_space<vmem>>, vector<16xi32>,
        %and3A_120 = arith.constant 65535 : i32
        %and3A_121 = vector.broadcast %and3A_120 : i32 to vector<16xi32>
        %and3A_122 = arith.andi %get3A_119, %and3A_121 : vector<16xi32>
        %shift_right_logical3A_123 = arith.constant 16 : i32
        %shift_right_logical3A_124 = vector.broadcast %shift_right_logical3A_123 : i32 to vector<16xi32>
        %shift_right_logical3A_125 = arith.shrui %get3A_119, %shift_right_logical3A_124 : vector<16xi32>
        %pack3A_126 = tpu.pack_subelements %and3A_122, %shift_right_logical3A_125 {pack_format = #tpu.pack_format<interleaved>, positions = array<i32: 0, 1>} : vector<16xi32>, vector<16xi32> -> vector<32xi16>
        %bitcast3A_127 = vector.bitcast %pack3A_126 : vector<32xi16> to vector<32xbf16>
        %swap3A_128 = arith.constant 2 : i32
        %swap3A_129 = arith.index_cast %scan3A_77 : i32 to index
        %swap3A_130 = arith.index_cast %swap3A_128 : i32 to index
        %swap3A_131 = arith.constant 0 : index
        %swap3A_132 = tpu.vector_load %arg7[%swap3A_129, %swap3A_130, %swap3A_131] {strides = array<i32>} : memref<32x50x32xbf16, #tpu.memory_space<vmem>>, vector<32xbf16>,
        tpu.vector_store %arg7[%swap3A_129, %swap3A_130, %swap3A_131], %bitcast3A_127 {strides = array<i32>} : memref<32x50x32xbf16, #tpu.memory_space<vmem>>, vector<32xbf16>,
        %get3A_133 = arith.constant 0 : i32
        %get3A_134 = arith.constant 3 : i32
        %get3A_135 = arith.index_cast %get3A_133 : i32 to index
        %get3A_136 = arith.index_cast %scan3A_77 : i32 to index
        %get3A_137 = arith.index_cast %get3A_134 : i32 to index
        %get3A_138 = arith.constant 0 : index
        %get3A_139 = tpu.vector_load %arg6[%get3A_135, %get3A_136, %get3A_137, %get3A_138] {strides = array<i32>} : memref<2x32x50x16xi32, #tpu.memory_space<vmem>>, vector<16xi32>,
        %and3A_140 = arith.constant 65535 : i32
        %and3A_141 = vector.broadcast %and3A_140 : i32 to vector<16xi32>
        %and3A_142 = arith.andi %get3A_139, %and3A_141 : vector<16xi32>
        %shift_right_logical3A_143 = arith.constant 16 : i32
        %shift_right_logical3A_144 = vector.broadcast %shift_right_logical3A_143 : i32 to vector<16xi32>
        %shift_right_logical3A_145 = arith.shrui %get3A_139, %shift_right_logical3A_144 : vector<16xi32>
        %pack3A_146 = tpu.pack_subelements %and3A_142, %shift_right_logical3A_145 {pack_format = #tpu.pack_format<interleaved>, positions = array<i32: 0, 1>} : vector<16xi32>, vector<16xi32> -> vector<32xi16>
        %bitcast3A_147 = vector.bitcast %pack3A_146 : vector<32xi16> to vector<32xbf16>
        %swap3A_148 = arith.constant 3 : i32
        %swap3A_149 = arith.index_cast %scan3A_77 : i32 to index
        %swap3A_150 = arith.index_cast %swap3A_148 : i32 to index
        %swap3A_151 = arith.constant 0 : index
        %swap3A_152 = tpu.vector_load %arg7[%swap3A_149, %swap3A_150, %swap3A_151] {strides = array<i32>} : memref<32x50x32xbf16, #tpu.memory_space<vmem>>, vector<32xbf16>,
        tpu.vector_store %arg7[%swap3A_149, %swap3A_150, %swap3A_151], %bitcast3A_147 {strides = array<i32>} : memref<32x50x32xbf16, #tpu.memory_space<vmem>>, vector<32xbf16>,
        %get3A_153 = arith.constant 0 : i32
        %get3A_154 = arith.constant 4 : i32
        %get3A_155 = arith.index_cast %get3A_153 : i32 to index
        %get3A_156 = arith.index_cast %scan3A_77 : i32 to index
        %get3A_157 = arith.index_cast %get3A_154 : i32 to index
        %get3A_158 = arith.constant 0 : index
        %get3A_159 = tpu.vector_load %arg6[%get3A_155, %get3A_156, %get3A_157, %get3A_158] {strides = array<i32>} : memref<2x32x50x16xi32, #tpu.memory_space<vmem>>, vector<16xi32>,
        %and3A_160 = arith.constant 65535 : i32
        %and3A_161 = vector.broadcast %and3A_160 : i32 to vector<16xi32>
        %and3A_162 = arith.andi %get3A_159, %and3A_161 : vector<16xi32>
        %shift_right_logical3A_163 = arith.constant 16 : i32
        %shift_right_logical3A_164 = vector.broadcast %shift_right_logical3A_163 : i32 to vector<16xi32>
        %shift_right_logical3A_165 = arith.shrui %get3A_159, %shift_right_logical3A_164 : vector<16xi32>
        %pack3A_166 = tpu.pack_subelements %and3A_162, %shift_right_logical3A_165 {pack_format = #tpu.pack_format<interleaved>, positions = array<i32: 0, 1>} : vector<16xi32>, vector<16xi32> -> vector<32xi16>
        %bitcast3A_167 = vector.bitcast %pack3A_166 : vector<32xi16> to vector<32xbf16>
        %swap3A_168 = arith.constant 4 : i32
        %swap3A_169 = arith.index_cast %scan3A_77 : i32 to index
        %swap3A_170 = arith.index_cast %swap3A_168 : i32 to index
        %swap3A_171 = arith.constant 0 : index
        %swap3A_172 = tpu.vector_load %arg7[%swap3A_169, %swap3A_170, %swap3A_171] {strides = array<i32>} : memref<32x50x32xbf16, #tpu.memory_space<vmem>>, vector<32xbf16>,
        tpu.vector_store %arg7[%swap3A_169, %swap3A_170, %swap3A_171], %bitcast3A_167 {strides = array<i32>} : memref<32x50x32xbf16, #tpu.memory_space<vmem>>, vector<32xbf16>,
        %get3A_173 = arith.constant 0 : i32
        %get3A_174 = arith.constant 5 : i32
        %get3A_175 = arith.index_cast %get3A_173 : i32 to index
        %get3A_176 = arith.index_cast %scan3A_77 : i32 to index
        %get3A_177 = arith.index_cast %get3A_174 : i32 to index
        %get3A_178 = arith.constant 0 : index
        %get3A_179 = tpu.vector_load %arg6[%get3A_175, %get3A_176, %get3A_177, %get3A_178] {strides = array<i32>} : memref<2x32x50x16xi32, #tpu.memory_space<vmem>>, vector<16xi32>,
        %and3A_180 = arith.constant 65535 : i32
        %and3A_181 = vector.broadcast %and3A_180 : i32 to vector<16xi32>
        %and3A_182 = arith.andi %get3A_179, %and3A_181 : vector<16xi32>
        %shift_right_logical3A_183 = arith.constant 16 : i32
        %shift_right_logical3A_184 = vector.broadcast %shift_right_logical3A_183 : i32 to vector<16xi32>
        %shift_right_logical3A_185 = arith.shrui %get3A_179, %shift_right_logical3A_184 : vector<16xi32>
        %pack3A_186 = tpu.pack_subelements %and3A_182, %shift_right_logical3A_185 {pack_format = #tpu.pack_format<interleaved>, positions = array<i32: 0, 1>} : vector<16xi32>, vector<16xi32> -> vector<32xi16>
        %bitcast3A_187 = vector.bitcast %pack3A_186 : vector<32xi16> to vector<32xbf16>
        %swap3A_188 = arith.constant 5 : i32
        %swap3A_189 = arith.index_cast %scan3A_77 : i32 to index
        %swap3A_190 = arith.index_cast %swap3A_188 : i32 to index
        %swap3A_191 = arith.constant 0 : index
        %swap3A_192 = tpu.vector_load %arg7[%swap3A_189, %swap3A_190, %swap3A_191] {strides = array<i32>} : memref<32x50x32xbf16, #tpu.memory_space<vmem>>, vector<32xbf16>,
        tpu.vector_store %arg7[%swap3A_189, %swap3A_190, %swap3A_191], %bitcast3A_187 {strides = array<i32>} : memref<32x50x32xbf16, #tpu.memory_space<vmem>>, vector<32xbf16>,
        %get3A_193 = arith.constant 0 : i32
        %get3A_194 = arith.constant 6 : i32
        %get3A_195 = arith.index_cast %get3A_193 : i32 to index
        %get3A_196 = arith.index_cast %scan3A_77 : i32 to index
        %get3A_197 = arith.index_cast %get3A_194 : i32 to index
        %get3A_198 = arith.constant 0 : index
        %get3A_199 = tpu.vector_load %arg6[%get3A_195, %get3A_196, %get3A_197, %get3A_198] {strides = array<i32>} : memref<2x32x50x16xi32, #tpu.memory_space<vmem>>, vector<16xi32>,
        %and3A_200 = arith.constant 65535 : i32
        %and3A_201 = vector.broadcast %and3A_200 : i32 to vector<16xi32>
        %and3A_202 = arith.andi %get3A_199, %and3A_201 : vector<16xi32>
        %shift_right_logical3A_203 = arith.constant 16 : i32
        %shift_right_logical3A_204 = vector.broadcast %shift_right_logical3A_203 : i32 to vector<16xi32>
        %shift_right_logical3A_205 = arith.shrui %get3A_199, %shift_right_logical3A_204 : vector<16xi32>
        %pack3A_206 = tpu.pack_subelements %and3A_202, %shift_right_logical3A_205 {pack_format = #tpu.pack_format<interleaved>, positions = array<i32: 0, 1>} : vector<16xi32>, vector<16xi32> -> vector<32xi16>
        %bitcast3A_207 = vector.bitcast %pack3A_206 : vector<32xi16> to vector<32xbf16>
        %swap3A_208 = arith.constant 6 : i32
        %swap3A_209 = arith.index_cast %scan3A_77 : i32 to index
        %swap3A_210 = arith.index_cast %swap3A_208 : i32 to index
        %swap3A_211 = arith.constant 0 : index
        %swap3A_212 = tpu.vector_load %arg7[%swap3A_209, %swap3A_210, %swap3A_211] {strides = array<i32>} : memref<32x50x32xbf16, #tpu.memory_space<vmem>>, vector<32xbf16>,
        tpu.vector_store %arg7[%swap3A_209, %swap3A_210, %swap3A_211], %bitcast3A_207 {strides = array<i32>} : memref<32x50x32xbf16, #tpu.memory_space<vmem>>, vector<32xbf16>,
        %get3A_213 = arith.constant 0 : i32
        %get3A_214 = arith.constant 7 : i32
        %get3A_215 = arith.index_cast %get3A_213 : i32 to index
        %get3A_216 = arith.index_cast %scan3A_77 : i32 to index
        %get3A_217 = arith.index_cast %get3A_214 : i32 to index
        %get3A_218 = arith.constant 0 : index
        %get3A_219 = tpu.vector_load %arg6[%get3A_215, %get3A_216, %get3A_217, %get3A_218] {strides = array<i32>} : memref<2x32x50x16xi32, #tpu.memory_space<vmem>>, vector<16xi32>,
        %and3A_220 = arith.constant 65535 : i32
        %and3A_221 = vector.broadcast %and3A_220 : i32 to vector<16xi32>
        %and3A_222 = arith.andi %get3A_219, %and3A_221 : vector<16xi32>
        %shift_right_logical3A_223 = arith.constant 16 : i32
        %shift_right_logical3A_224 = vector.broadcast %shift_right_logical3A_223 : i32 to vector<16xi32>
        %shift_right_logical3A_225 = arith.shrui %get3A_219, %shift_right_logical3A_224 : vector<16xi32>
        %pack3A_226 = tpu.pack_subelements %and3A_222, %shift_right_logical3A_225 {pack_format = #tpu.pack_format<interleaved>, positions = array<i32: 0, 1>} : vector<16xi32>, vector<16xi32> -> vector<32xi16>
        %bitcast3A_227 = vector.bitcast %pack3A_226 : vector<32xi16> to vector<32xbf16>
        %swap3A_228 = arith.constant 7 : i32
        %swap3A_229 = arith.index_cast %scan3A_77 : i32 to index
        %swap3A_230 = arith.index_cast %swap3A_228 : i32 to index
        %swap3A_231 = arith.constant 0 : index
        %swap3A_232 = tpu.vector_load %arg7[%swap3A_229, %swap3A_230, %swap3A_231] {strides = array<i32>} : memref<32x50x32xbf16, #tpu.memory_space<vmem>>, vector<32xbf16>,
        tpu.vector_store %arg7[%swap3A_229, %swap3A_230, %swap3A_231], %bitcast3A_227 {strides = array<i32>} : memref<32x50x32xbf16, #tpu.memory_space<vmem>>, vector<32xbf16>,
        %get3A_233 = arith.constant 0 : i32
        %get3A_234 = arith.constant 8 : i32
        %get3A_235 = arith.index_cast %get3A_233 : i32 to index
        %get3A_236 = arith.index_cast %scan3A_77 : i32 to index
        %get3A_237 = arith.index_cast %get3A_234 : i32 to index
        %get3A_238 = arith.constant 0 : index
        %get3A_239 = tpu.vector_load %arg6[%get3A_235, %get3A_236, %get3A_237, %get3A_238] {strides = array<i32>} : memref<2x32x50x16xi32, #tpu.memory_space<vmem>>, vector<16xi32>,
        %and3A_240 = arith.constant 65535 : i32
        %and3A_241 = vector.broadcast %and3A_240 : i32 to vector<16xi32>
        %and3A_242 = arith.andi %get3A_239, %and3A_241 : vector<16xi32>
        %shift_right_logical3A_243 = arith.constant 16 : i32
        %shift_right_logical3A_244 = vector.broadcast %shift_right_logical3A_243 : i32 to vector<16xi32>
        %shift_right_logical3A_245 = arith.shrui %get3A_239, %shift_right_logical3A_244 : vector<16xi32>
        %pack3A_246 = tpu.pack_subelements %and3A_242, %shift_right_logical3A_245 {pack_format = #tpu.pack_format<interleaved>, positions = array<i32: 0, 1>} : vector<16xi32>, vector<16xi32> -> vector<32xi16>
        %bitcast3A_247 = vector.bitcast %pack3A_246 : vector<32xi16> to vector<32xbf16>
        %swap3A_248 = arith.constant 8 : i32
        %swap3A_249 = arith.index_cast %scan3A_77 : i32 to index
        %swap3A_250 = arith.index_cast %swap3A_248 : i32 to index
        %swap3A_251 = arith.constant 0 : index
        %swap3A_252 = tpu.vector_load %arg7[%swap3A_249, %swap3A_250, %swap3A_251] {strides = array<i32>} : memref<32x50x32xbf16, #tpu.memory_space<vmem>>, vector<32xbf16>,
        tpu.vector_store %arg7[%swap3A_249, %swap3A_250, %swap3A_251], %bitcast3A_247 {strides = array<i32>} : memref<32x50x32xbf16, #tpu.memory_space<vmem>>, vector<32xbf16>,
        %get3A_253 = arith.constant 0 : i32
        %get3A_254 = arith.constant 9 : i32
        %get3A_255 = arith.index_cast %get3A_253 : i32 to index
        %get3A_256 = arith.index_cast %scan3A_77 : i32 to index
        %get3A_257 = arith.index_cast %get3A_254 : i32 to index
        %get3A_258 = arith.constant 0 : index
        %get3A_259 = tpu.vector_load %arg6[%get3A_255, %get3A_256, %get3A_257, %get3A_258] {strides = array<i32>} : memref<2x32x50x16xi32, #tpu.memory_space<vmem>>, vector<16xi32>,
        %and3A_260 = arith.constant 65535 : i32
        %and3A_261 = vector.broadcast %and3A_260 : i32 to vector<16xi32>
        %and3A_262 = arith.andi %get3A_259, %and3A_261 : vector<16xi32>
        %shift_right_logical3A_263 = arith.constant 16 : i32
        %shift_right_logical3A_264 = vector.broadcast %shift_right_logical3A_263 : i32 to vector<16xi32>
        %shift_right_logical3A_265 = arith.shrui %get3A_259, %shift_right_logical3A_264 : vector<16xi32>
        %pack3A_266 = tpu.pack_subelements %and3A_262, %shift_right_logical3A_265 {pack_format = #tpu.pack_format<interleaved>, positions = array<i32: 0, 1>} : vector<16xi32>, vector<16xi32> -> vector<32xi16>
        %bitcast3A_267 = vector.bitcast %pack3A_266 : vector<32xi16> to vector<32xbf16>
        %swap3A_268 = arith.constant 9 : i32
        %swap3A_269 = arith.index_cast %scan3A_77 : i32 to index
        %swap3A_270 = arith.index_cast %swap3A_268 : i32 to index
        %swap3A_271 = arith.constant 0 : index
        %swap3A_272 = tpu.vector_load %arg7[%swap3A_269, %swap3A_270, %swap3A_271] {strides = array<i32>} : memref<32x50x32xbf16, #tpu.memory_space<vmem>>, vector<32xbf16>,
        tpu.vector_store %arg7[%swap3A_269, %swap3A_270, %swap3A_271], %bitcast3A_267 {strides = array<i32>} : memref<32x50x32xbf16, #tpu.memory_space<vmem>>, vector<32xbf16>,
        %get3A_273 = arith.constant 0 : i32
        %get3A_274 = arith.constant 10 : i32
        %get3A_275 = arith.index_cast %get3A_273 : i32 to index
        %get3A_276 = arith.index_cast %scan3A_77 : i32 to index
        %get3A_277 = arith.index_cast %get3A_274 : i32 to index
        %get3A_278 = arith.constant 0 : index
        %get3A_279 = tpu.vector_load %arg6[%get3A_275, %get3A_276, %get3A_277, %get3A_278] {strides = array<i32>} : memref<2x32x50x16xi32, #tpu.memory_space<vmem>>, vector<16xi32>,
        %and3A_280 = arith.constant 65535 : i32
        %and3A_281 = vector.broadcast %and3A_280 : i32 to vector<16xi32>
        %and3A_282 = arith.andi %get3A_279, %and3A_281 : vector<16xi32>
        %shift_right_logical3A_283 = arith.constant 16 : i32
        %shift_right_logical3A_284 = vector.broadcast %shift_right_logical3A_283 : i32 to vector<16xi32>
        %shift_right_logical3A_285 = arith.shrui %get3A_279, %shift_right_logical3A_284 : vector<16xi32>
        %pack3A_286 = tpu.pack_subelements %and3A_282, %shift_right_logical3A_285 {pack_format = #tpu.pack_format<interleaved>, positions = array<i32: 0, 1>} : vector<16xi32>, vector<16xi32> -> vector<32xi16>
        %bitcast3A_287 = vector.bitcast %pack3A_286 : vector<32xi16> to vector<32xbf16>
        %swap3A_288 = arith.constant 10 : i32
        %swap3A_289 = arith.index_cast %scan3A_77 : i32 to index
        %swap3A_290 = arith.index_cast %swap3A_288 : i32 to index
        %swap3A_291 = arith.constant 0 : index
        %swap3A_292 = tpu.vector_load %arg7[%swap3A_289, %swap3A_290, %swap3A_291] {strides = array<i32>} : memref<32x50x32xbf16, #tpu.memory_space<vmem>>, vector<32xbf16>,
        tpu.vector_store %arg7[%swap3A_289, %swap3A_290, %swap3A_291], %bitcast3A_287 {strides = array<i32>} : memref<32x50x32xbf16, #tpu.memory_space<vmem>>, vector<32xbf16>,
        %get3A_293 = arith.constant 0 : i32
        %get3A_294 = arith.constant 11 : i32
        %get3A_295 = arith.index_cast %get3A_293 : i32 to index
        %get3A_296 = arith.index_cast %scan3A_77 : i32 to index
        %get3A_297 = arith.index_cast %get3A_294 : i32 to index
        %get3A_298 = arith.constant 0 : index
        %get3A_299 = tpu.vector_load %arg6[%get3A_295, %get3A_296, %get3A_297, %get3A_298] {strides = array<i32>} : memref<2x32x50x16xi32, #tpu.memory_space<vmem>>, vector<16xi32>,
        %and3A_300 = arith.constant 65535 : i32
        %and3A_301 = vector.broadcast %and3A_300 : i32 to vector<16xi32>
        %and3A_302 = arith.andi %get3A_299, %and3A_301 : vector<16xi32>
        %shift_right_logical3A_303 = arith.constant 16 : i32
        %shift_right_logical3A_304 = vector.broadcast %shift_right_logical3A_303 : i32 to vector<16xi32>
        %shift_right_logical3A_305 = arith.shrui %get3A_299, %shift_right_logical3A_304 : vector<16xi32>
        %pack3A_306 = tpu.pack_subelements %and3A_302, %shift_right_logical3A_305 {pack_format = #tpu.pack_format<interleaved>, positions = array<i32: 0, 1>} : vector<16xi32>, vector<16xi32> -> vector<32xi16>
        %bitcast3A_307 = vector.bitcast %pack3A_306 : vector<32xi16> to vector<32xbf16>
        %swap3A_308 = arith.constant 11 : i32
        %swap3A_309 = arith.index_cast %scan3A_77 : i32 to index
        %swap3A_310 = arith.index_cast %swap3A_308 : i32 to index
        %swap3A_311 = arith.constant 0 : index
        %swap3A_312 = tpu.vector_load %arg7[%swap3A_309, %swap3A_310, %swap3A_311] {strides = array<i32>} : memref<32x50x32xbf16, #tpu.memory_space<vmem>>, vector<32xbf16>,
        tpu.vector_store %arg7[%swap3A_309, %swap3A_310, %swap3A_311], %bitcast3A_307 {strides = array<i32>} : memref<32x50x32xbf16, #tpu.memory_space<vmem>>, vector<32xbf16>,
        %get3A_313 = arith.constant 0 : i32
        %get3A_314 = arith.constant 12 : i32
        %get3A_315 = arith.index_cast %get3A_313 : i32 to index
        %get3A_316 = arith.index_cast %scan3A_77 : i32 to index
        %get3A_317 = arith.index_cast %get3A_314 : i32 to index
        %get3A_318 = arith.constant 0 : index
        %get3A_319 = tpu.vector_load %arg6[%get3A_315, %get3A_316, %get3A_317, %get3A_318] {strides = array<i32>} : memref<2x32x50x16xi32, #tpu.memory_space<vmem>>, vector<16xi32>,
        %and3A_320 = arith.constant 65535 : i32
        %and3A_321 = vector.broadcast %and3A_320 : i32 to vector<16xi32>
        %and3A_322 = arith.andi %get3A_319, %and3A_321 : vector<16xi32>
        %shift_right_logical3A_323 = arith.constant 16 : i32
        %shift_right_logical3A_324 = vector.broadcast %shift_right_logical3A_323 : i32 to vector<16xi32>
        %shift_right_logical3A_325 = arith.shrui %get3A_319, %shift_right_logical3A_324 : vector<16xi32>
        %pack3A_326 = tpu.pack_subelements %and3A_322, %shift_right_logical3A_325 {pack_format = #tpu.pack_format<interleaved>, positions = array<i32: 0, 1>} : vector<16xi32>, vector<16xi32> -> vector<32xi16>
        %bitcast3A_327 = vector.bitcast %pack3A_326 : vector<32xi16> to vector<32xbf16>
        %swap3A_328 = arith.constant 12 : i32
        %swap3A_329 = arith.index_cast %scan3A_77 : i32 to index
        %swap3A_330 = arith.index_cast %swap3A_328 : i32 to index
        %swap3A_331 = arith.constant 0 : index
        %swap3A_332 = tpu.vector_load %arg7[%swap3A_329, %swap3A_330, %swap3A_331] {strides = array<i32>} : memref<32x50x32xbf16, #tpu.memory_space<vmem>>, vector<32xbf16>,
        tpu.vector_store %arg7[%swap3A_329, %swap3A_330, %swap3A_331], %bitcast3A_327 {strides = array<i32>} : memref<32x50x32xbf16, #tpu.memory_space<vmem>>, vector<32xbf16>,
        %get3A_333 = arith.constant 0 : i32
        %get3A_334 = arith.constant 13 : i32
        %get3A_335 = arith.index_cast %get3A_333 : i32 to index
        %get3A_336 = arith.index_cast %scan3A_77 : i32 to index
        %get3A_337 = arith.index_cast %get3A_334 : i32 to index
        %get3A_338 = arith.constant 0 : index
        %get3A_339 = tpu.vector_load %arg6[%get3A_335, %get3A_336, %get3A_337, %get3A_338] {strides = array<i32>} : memref<2x32x50x16xi32, #tpu.memory_space<vmem>>, vector<16xi32>,
        %and3A_340 = arith.constant 65535 : i32
        %and3A_341 = vector.broadcast %and3A_340 : i32 to vector<16xi32>
        %and3A_342 = arith.andi %get3A_339, %and3A_341 : vector<16xi32>
        %shift_right_logical3A_343 = arith.constant 16 : i32
        %shift_right_logical3A_344 = vector.broadcast %shift_right_logical3A_343 : i32 to vector<16xi32>
        %shift_right_logical3A_345 = arith.shrui %get3A_339, %shift_right_logical3A_344 : vector<16xi32>
        %pack3A_346 = tpu.pack_subelements %and3A_342, %shift_right_logical3A_345 {pack_format = #tpu.pack_format<interleaved>, positions = array<i32: 0, 1>} : vector<16xi32>, vector<16xi32> -> vector<32xi16>
        %bitcast3A_347 = vector.bitcast %pack3A_346 : vector<32xi16> to vector<32xbf16>
        %swap3A_348 = arith.constant 13 : i32
        %swap3A_349 = arith.index_cast %scan3A_77 : i32 to index
        %swap3A_350 = arith.index_cast %swap3A_348 : i32 to index
        %swap3A_351 = arith.constant 0 : index
        %swap3A_352 = tpu.vector_load %arg7[%swap3A_349, %swap3A_350, %swap3A_351] {strides = array<i32>} : memref<32x50x32xbf16, #tpu.memory_space<vmem>>, vector<32xbf16>,
        tpu.vector_store %arg7[%swap3A_349, %swap3A_350, %swap3A_351], %bitcast3A_347 {strides = array<i32>} : memref<32x50x32xbf16, #tpu.memory_space<vmem>>, vector<32xbf16>,
        %get3A_353 = arith.constant 0 : i32
        %get3A_354 = arith.constant 14 : i32
        %get3A_355 = arith.index_cast %get3A_353 : i32 to index
        %get3A_356 = arith.index_cast %scan3A_77 : i32 to index
        %get3A_357 = arith.index_cast %get3A_354 : i32 to index
        %get3A_358 = arith.constant 0 : index
        %get3A_359 = tpu.vector_load %arg6[%get3A_355, %get3A_356, %get3A_357, %get3A_358] {strides = array<i32>} : memref<2x32x50x16xi32, #tpu.memory_space<vmem>>, vector<16xi32>,
        %and3A_360 = arith.constant 65535 : i32
        %and3A_361 = vector.broadcast %and3A_360 : i32 to vector<16xi32>
        %and3A_362 = arith.andi %get3A_359, %and3A_361 : vector<16xi32>
        %shift_right_logical3A_363 = arith.constant 16 : i32
        %shift_right_logical3A_364 = vector.broadcast %shift_right_logical3A_363 : i32 to vector<16xi32>
        %shift_right_logical3A_365 = arith.shrui %get3A_359, %shift_right_logical3A_364 : vector<16xi32>
        %pack3A_366 = tpu.pack_subelements %and3A_362, %shift_right_logical3A_365 {pack_format = #tpu.pack_format<interleaved>, positions = array<i32: 0, 1>} : vector<16xi32>, vector<16xi32> -> vector<32xi16>
        %bitcast3A_367 = vector.bitcast %pack3A_366 : vector<32xi16> to vector<32xbf16>
        %swap3A_368 = arith.constant 14 : i32
        %swap3A_369 = arith.index_cast %scan3A_77 : i32 to index
        %swap3A_370 = arith.index_cast %swap3A_368 : i32 to index
        %swap3A_371 = arith.constant 0 : index
        %swap3A_372 = tpu.vector_load %arg7[%swap3A_369, %swap3A_370, %swap3A_371] {strides = array<i32>} : memref<32x50x32xbf16, #tpu.memory_space<vmem>>, vector<32xbf16>,
        tpu.vector_store %arg7[%swap3A_369, %swap3A_370, %swap3A_371], %bitcast3A_367 {strides = array<i32>} : memref<32x50x32xbf16, #tpu.memory_space<vmem>>, vector<32xbf16>,
        %get3A_373 = arith.constant 0 : i32
        %get3A_374 = arith.constant 15 : i32
        %get3A_375 = arith.index_cast %get3A_373 : i32 to index
        %get3A_376 = arith.index_cast %scan3A_77 : i32 to index
        %get3A_377 = arith.index_cast %get3A_374 : i32 to index
        %get3A_378 = arith.constant 0 : index
        %get3A_379 = tpu.vector_load %arg6[%get3A_375, %get3A_376, %get3A_377, %get3A_378] {strides = array<i32>} : memref<2x32x50x16xi32, #tpu.memory_space<vmem>>, vector<16xi32>,
        %and3A_380 = arith.constant 65535 : i32
        %and3A_381 = vector.broadcast %and3A_380 : i32 to vector<16xi32>
        %and3A_382 = arith.andi %get3A_379, %and3A_381 : vector<16xi32>
        %shift_right_logical3A_383 = arith.constant 16 : i32
        %shift_right_logical3A_384 = vector.broadcast %shift_right_logical3A_383 : i32 to vector<16xi32>
        %shift_right_logical3A_385 = arith.shrui %get3A_379, %shift_right_logical3A_384 : vector<16xi32>
        %pack3A_386 = tpu.pack_subelements %and3A_382, %shift_right_logical3A_385 {pack_format = #tpu.pack_format<interleaved>, positions = array<i32: 0, 1>} : vector<16xi32>, vector<16xi32> -> vector<32xi16>
        %bitcast3A_387 = vector.bitcast %pack3A_386 : vector<32xi16> to vector<32xbf16>
        %swap3A_388 = arith.constant 15 : i32
        %swap3A_389 = arith.index_cast %scan3A_77 : i32 to index
        %swap3A_390 = arith.index_cast %swap3A_388 : i32 to index
        %swap3A_391 = arith.constant 0 : index
        %swap3A_392 = tpu.vector_load %arg7[%swap3A_389, %swap3A_390, %swap3A_391] {strides = array<i32>} : memref<32x50x32xbf16, #tpu.memory_space<vmem>>, vector<32xbf16>,
        tpu.vector_store %arg7[%swap3A_389, %swap3A_390, %swap3A_391], %bitcast3A_387 {strides = array<i32>} : memref<32x50x32xbf16, #tpu.memory_space<vmem>>, vector<32xbf16>,
        %get3A_393 = arith.constant 0 : i32
        %get3A_394 = arith.constant 16 : i32
        %get3A_395 = arith.index_cast %get3A_393 : i32 to index
        %get3A_396 = arith.index_cast %scan3A_77 : i32 to index
        %get3A_397 = arith.index_cast %get3A_394 : i32 to index
        %get3A_398 = arith.constant 0 : index
        %get3A_399 = tpu.vector_load %arg6[%get3A_395, %get3A_396, %get3A_397, %get3A_398] {strides = array<i32>} : memref<2x32x50x16xi32, #tpu.memory_space<vmem>>, vector<16xi32>,
        %and3A_400 = arith.constant 65535 : i32
        %and3A_401 = vector.broadcast %and3A_400 : i32 to vector<16xi32>
        %and3A_402 = arith.andi %get3A_399, %and3A_401 : vector<16xi32>
        %shift_right_logical3A_403 = arith.constant 16 : i32
        %shift_right_logical3A_404 = vector.broadcast %shift_right_logical3A_403 : i32 to vector<16xi32>
        %shift_right_logical3A_405 = arith.shrui %get3A_399, %shift_right_logical3A_404 : vector<16xi32>
        %pack3A_406 = tpu.pack_subelements %and3A_402, %shift_right_logical3A_405 {pack_format = #tpu.pack_format<interleaved>, positions = array<i32: 0, 1>} : vector<16xi32>, vector<16xi32> -> vector<32xi16>
        %bitcast3A_407 = vector.bitcast %pack3A_406 : vector<32xi16> to vector<32xbf16>
        %swap3A_408 = arith.constant 16 : i32
        %swap3A_409 = arith.index_cast %scan3A_77 : i32 to index
        %swap3A_410 = arith.index_cast %swap3A_408 : i32 to index
        %swap3A_411 = arith.constant 0 : index
        %swap3A_412 = tpu.vector_load %arg7[%swap3A_409, %swap3A_410, %swap3A_411] {strides = array<i32>} : memref<32x50x32xbf16, #tpu.memory_space<vmem>>, vector<32xbf16>,
        tpu.vector_store %arg7[%swap3A_409, %swap3A_410, %swap3A_411], %bitcast3A_407 {strides = array<i32>} : memref<32x50x32xbf16, #tpu.memory_space<vmem>>, vector<32xbf16>,
        %get3A_413 = arith.constant 0 : i32
        %get3A_414 = arith.constant 17 : i32
        %get3A_415 = arith.index_cast %get3A_413 : i32 to index
        %get3A_416 = arith.index_cast %scan3A_77 : i32 to index
        %get3A_417 = arith.index_cast %get3A_414 : i32 to index
        %get3A_418 = arith.constant 0 : index
        %get3A_419 = tpu.vector_load %arg6[%get3A_415, %get3A_416, %get3A_417, %get3A_418] {strides = array<i32>} : memref<2x32x50x16xi32, #tpu.memory_space<vmem>>, vector<16xi32>,
        %and3A_420 = arith.constant 65535 : i32
        %and3A_421 = vector.broadcast %and3A_420 : i32 to vector<16xi32>
        %and3A_422 = arith.andi %get3A_419, %and3A_421 : vector<16xi32>
        %shift_right_logical3A_423 = arith.constant 16 : i32
        %shift_right_logical3A_424 = vector.broadcast %shift_right_logical3A_423 : i32 to vector<16xi32>
        %shift_right_logical3A_425 = arith.shrui %get3A_419, %shift_right_logical3A_424 : vector<16xi32>
        %pack3A_426 = tpu.pack_subelements %and3A_422, %shift_right_logical3A_425 {pack_format = #tpu.pack_format<interleaved>, positions = array<i32: 0, 1>} : vector<16xi32>, vector<16xi32> -> vector<32xi16>
        %bitcast3A_427 = vector.bitcast %pack3A_426 : vector<32xi16> to vector<32xbf16>
        %swap3A_428 = arith.constant 17 : i32
        %swap3A_429 = arith.index_cast %scan3A_77 : i32 to index
        %swap3A_430 = arith.index_cast %swap3A_428 : i32 to index
        %swap3A_431 = arith.constant 0 : index
        %swap3A_432 = tpu.vector_load %arg7[%swap3A_429, %swap3A_430, %swap3A_431] {strides = array<i32>} : memref<32x50x32xbf16, #tpu.memory_space<vmem>>, vector<32xbf16>,
        tpu.vector_store %arg7[%swap3A_429, %swap3A_430, %swap3A_431], %bitcast3A_427 {strides = array<i32>} : memref<32x50x32xbf16, #tpu.memory_space<vmem>>, vector<32xbf16>,
        %get3A_433 = arith.constant 0 : i32
        %get3A_434 = arith.constant 18 : i32
        %get3A_435 = arith.index_cast %get3A_433 : i32 to index
        %get3A_436 = arith.index_cast %scan3A_77 : i32 to index
        %get3A_437 = arith.index_cast %get3A_434 : i32 to index
        %get3A_438 = arith.constant 0 : index
        %get3A_439 = tpu.vector_load %arg6[%get3A_435, %get3A_436, %get3A_437, %get3A_438] {strides = array<i32>} : memref<2x32x50x16xi32, #tpu.memory_space<vmem>>, vector<16xi32>,
        %and3A_440 = arith.constant 65535 : i32
        %and3A_441 = vector.broadcast %and3A_440 : i32 to vector<16xi32>
        %and3A_442 = arith.andi %get3A_439, %and3A_441 : vector<16xi32>
        %shift_right_logical3A_443 = arith.constant 16 : i32
        %shift_right_logical3A_444 = vector.broadcast %shift_right_logical3A_443 : i32 to vector<16xi32>
        %shift_right_logical3A_445 = arith.shrui %get3A_439, %shift_right_logical3A_444 : vector<16xi32>
        %pack3A_446 = tpu.pack_subelements %and3A_442, %shift_right_logical3A_445 {pack_format = #tpu.pack_format<interleaved>, positions = array<i32: 0, 1>} : vector<16xi32>, vector<16xi32> -> vector<32xi16>
        %bitcast3A_447 = vector.bitcast %pack3A_446 : vector<32xi16> to vector<32xbf16>
        %swap3A_448 = arith.constant 18 : i32
        %swap3A_449 = arith.index_cast %scan3A_77 : i32 to index
        %swap3A_450 = arith.index_cast %swap3A_448 : i32 to index
        %swap3A_451 = arith.constant 0 : index
        %swap3A_452 = tpu.vector_load %arg7[%swap3A_449, %swap3A_450, %swap3A_451] {strides = array<i32>} : memref<32x50x32xbf16, #tpu.memory_space<vmem>>, vector<32xbf16>,
        tpu.vector_store %arg7[%swap3A_449, %swap3A_450, %swap3A_451], %bitcast3A_447 {strides = array<i32>} : memref<32x50x32xbf16, #tpu.memory_space<vmem>>, vector<32xbf16>,
        %get3A_453 = arith.constant 0 : i32
        %get3A_454 = arith.constant 19 : i32
        %get3A_455 = arith.index_cast %get3A_453 : i32 to index
        %get3A_456 = arith.index_cast %scan3A_77 : i32 to index
        %get3A_457 = arith.index_cast %get3A_454 : i32 to index
        %get3A_458 = arith.constant 0 : index
        %get3A_459 = tpu.vector_load %arg6[%get3A_455, %get3A_456, %get3A_457, %get3A_458] {strides = array<i32>} : memref<2x32x50x16xi32, #tpu.memory_space<vmem>>, vector<16xi32>,
        %and3A_460 = arith.constant 65535 : i32
        %and3A_461 = vector.broadcast %and3A_460 : i32 to vector<16xi32>
        %and3A_462 = arith.andi %get3A_459, %and3A_461 : vector<16xi32>
        %shift_right_logical3A_463 = arith.constant 16 : i32
        %shift_right_logical3A_464 = vector.broadcast %shift_right_logical3A_463 : i32 to vector<16xi32>
        %shift_right_logical3A_465 = arith.shrui %get3A_459, %shift_right_logical3A_464 : vector<16xi32>
        %pack3A_466 = tpu.pack_subelements %and3A_462, %shift_right_logical3A_465 {pack_format = #tpu.pack_format<interleaved>, positions = array<i32: 0, 1>} : vector<16xi32>, vector<16xi32> -> vector<32xi16>
        %bitcast3A_467 = vector.bitcast %pack3A_466 : vector<32xi16> to vector<32xbf16>
        %swap3A_468 = arith.constant 19 : i32
        %swap3A_469 = arith.index_cast %scan3A_77 : i32 to index
        %swap3A_470 = arith.index_cast %swap3A_468 : i32 to index
        %swap3A_471 = arith.constant 0 : index
        %swap3A_472 = tpu.vector_load %arg7[%swap3A_469, %swap3A_470, %swap3A_471] {strides = array<i32>} : memref<32x50x32xbf16, #tpu.memory_space<vmem>>, vector<32xbf16>,
        tpu.vector_store %arg7[%swap3A_469, %swap3A_470, %swap3A_471], %bitcast3A_467 {strides = array<i32>} : memref<32x50x32xbf16, #tpu.memory_space<vmem>>, vector<32xbf16>,
        %get3A_473 = arith.constant 0 : i32
        %get3A_474 = arith.constant 20 : i32
        %get3A_475 = arith.index_cast %get3A_473 : i32 to index
        %get3A_476 = arith.index_cast %scan3A_77 : i32 to index
        %get3A_477 = arith.index_cast %get3A_474 : i32 to index
        %get3A_478 = arith.constant 0 : index
        %get3A_479 = tpu.vector_load %arg6[%get3A_475, %get3A_476, %get3A_477, %get3A_478] {strides = array<i32>} : memref<2x32x50x16xi32, #tpu.memory_space<vmem>>, vector<16xi32>,
        %and3A_480 = arith.constant 65535 : i32
        %and3A_481 = vector.broadcast %and3A_480 : i32 to vector<16xi32>
        %and3A_482 = arith.andi %get3A_479, %and3A_481 : vector<16xi32>
        %shift_right_logical3A_483 = arith.constant 16 : i32
        %shift_right_logical3A_484 = vector.broadcast %shift_right_logical3A_483 : i32 to vector<16xi32>
        %shift_right_logical3A_485 = arith.shrui %get3A_479, %shift_right_logical3A_484 : vector<16xi32>
        %pack3A_486 = tpu.pack_subelements %and3A_482, %shift_right_logical3A_485 {pack_format = #tpu.pack_format<interleaved>, positions = array<i32: 0, 1>} : vector<16xi32>, vector<16xi32> -> vector<32xi16>
        %bitcast3A_487 = vector.bitcast %pack3A_486 : vector<32xi16> to vector<32xbf16>
        %swap3A_488 = arith.constant 20 : i32
        %swap3A_489 = arith.index_cast %scan3A_77 : i32 to index
        %swap3A_490 = arith.index_cast %swap3A_488 : i32 to index
        %swap3A_491 = arith.constant 0 : index
        %swap3A_492 = tpu.vector_load %arg7[%swap3A_489, %swap3A_490, %swap3A_491] {strides = array<i32>} : memref<32x50x32xbf16, #tpu.memory_space<vmem>>, vector<32xbf16>,
        tpu.vector_store %arg7[%swap3A_489, %swap3A_490, %swap3A_491], %bitcast3A_487 {strides = array<i32>} : memref<32x50x32xbf16, #tpu.memory_space<vmem>>, vector<32xbf16>,
        %get3A_493 = arith.constant 0 : i32
        %get3A_494 = arith.constant 21 : i32
        %get3A_495 = arith.index_cast %get3A_493 : i32 to index
        %get3A_496 = arith.index_cast %scan3A_77 : i32 to index
        %get3A_497 = arith.index_cast %get3A_494 : i32 to index
        %get3A_498 = arith.constant 0 : index
        %get3A_499 = tpu.vector_load %arg6[%get3A_495, %get3A_496, %get3A_497, %get3A_498] {strides = array<i32>} : memref<2x32x50x16xi32, #tpu.memory_space<vmem>>, vector<16xi32>,
        %and3A_500 = arith.constant 65535 : i32
        %and3A_501 = vector.broadcast %and3A_500 : i32 to vector<16xi32>
        %and3A_502 = arith.andi %get3A_499, %and3A_501 : vector<16xi32>
        %shift_right_logical3A_503 = arith.constant 16 : i32
        %shift_right_logical3A_504 = vector.broadcast %shift_right_logical3A_503 : i32 to vector<16xi32>
        %shift_right_logical3A_505 = arith.shrui %get3A_499, %shift_right_logical3A_504 : vector<16xi32>
        %pack3A_506 = tpu.pack_subelements %and3A_502, %shift_right_logical3A_505 {pack_format = #tpu.pack_format<interleaved>, positions = array<i32: 0, 1>} : vector<16xi32>, vector<16xi32> -> vector<32xi16>
        %bitcast3A_507 = vector.bitcast %pack3A_506 : vector<32xi16> to vector<32xbf16>
        %swap3A_508 = arith.constant 21 : i32
        %swap3A_509 = arith.index_cast %scan3A_77 : i32 to index
        %swap3A_510 = arith.index_cast %swap3A_508 : i32 to index
        %swap3A_511 = arith.constant 0 : index
        %swap3A_512 = tpu.vector_load %arg7[%swap3A_509, %swap3A_510, %swap3A_511] {strides = array<i32>} : memref<32x50x32xbf16, #tpu.memory_space<vmem>>, vector<32xbf16>,
        tpu.vector_store %arg7[%swap3A_509, %swap3A_510, %swap3A_511], %bitcast3A_507 {strides = array<i32>} : memref<32x50x32xbf16, #tpu.memory_space<vmem>>, vector<32xbf16>,
        %get3A_513 = arith.constant 0 : i32
        %get3A_514 = arith.constant 22 : i32
        %get3A_515 = arith.index_cast %get3A_513 : i32 to index
        %get3A_516 = arith.index_cast %scan3A_77 : i32 to index
        %get3A_517 = arith.index_cast %get3A_514 : i32 to index
        %get3A_518 = arith.constant 0 : index
        %get3A_519 = tpu.vector_load %arg6[%get3A_515, %get3A_516, %get3A_517, %get3A_518] {strides = array<i32>} : memref<2x32x50x16xi32, #tpu.memory_space<vmem>>, vector<16xi32>,
        %and3A_520 = arith.constant 65535 : i32
        %and3A_521 = vector.broadcast %and3A_520 : i32 to vector<16xi32>
        %and3A_522 = arith.andi %get3A_519, %and3A_521 : vector<16xi32>
        %shift_right_logical3A_523 = arith.constant 16 : i32
        %shift_right_logical3A_524 = vector.broadcast %shift_right_logical3A_523 : i32 to vector<16xi32>
        %shift_right_logical3A_525 = arith.shrui %get3A_519, %shift_right_logical3A_524 : vector<16xi32>
        %pack3A_526 = tpu.pack_subelements %and3A_522, %shift_right_logical3A_525 {pack_format = #tpu.pack_format<interleaved>, positions = array<i32: 0, 1>} : vector<16xi32>, vector<16xi32> -> vector<32xi16>
        %bitcast3A_527 = vector.bitcast %pack3A_526 : vector<32xi16> to vector<32xbf16>
        %swap3A_528 = arith.constant 22 : i32
        %swap3A_529 = arith.index_cast %scan3A_77 : i32 to index
        %swap3A_530 = arith.index_cast %swap3A_528 : i32 to index
        %swap3A_531 = arith.constant 0 : index
        %swap3A_532 = tpu.vector_load %arg7[%swap3A_529, %swap3A_530, %swap3A_531] {strides = array<i32>} : memref<32x50x32xbf16, #tpu.memory_space<vmem>>, vector<32xbf16>,
        tpu.vector_store %arg7[%swap3A_529, %swap3A_530, %swap3A_531], %bitcast3A_527 {strides = array<i32>} : memref<32x50x32xbf16, #tpu.memory_space<vmem>>, vector<32xbf16>,
        %get3A_533 = arith.constant 0 : i32
        %get3A_534 = arith.constant 23 : i32
        %get3A_535 = arith.index_cast %get3A_533 : i32 to index
        %get3A_536 = arith.index_cast %scan3A_77 : i32 to index
        %get3A_537 = arith.index_cast %get3A_534 : i32 to index
        %get3A_538 = arith.constant 0 : index
        %get3A_539 = tpu.vector_load %arg6[%get3A_535, %get3A_536, %get3A_537, %get3A_538] {strides = array<i32>} : memref<2x32x50x16xi32, #tpu.memory_space<vmem>>, vector<16xi32>,
        %and3A_540 = arith.constant 65535 : i32
        %and3A_541 = vector.broadcast %and3A_540 : i32 to vector<16xi32>
        %and3A_542 = arith.andi %get3A_539, %and3A_541 : vector<16xi32>
        %shift_right_logical3A_543 = arith.constant 16 : i32
        %shift_right_logical3A_544 = vector.broadcast %shift_right_logical3A_543 : i32 to vector<16xi32>
        %shift_right_logical3A_545 = arith.shrui %get3A_539, %shift_right_logical3A_544 : vector<16xi32>
        %pack3A_546 = tpu.pack_subelements %and3A_542, %shift_right_logical3A_545 {pack_format = #tpu.pack_format<interleaved>, positions = array<i32: 0, 1>} : vector<16xi32>, vector<16xi32> -> vector<32xi16>
        %bitcast3A_547 = vector.bitcast %pack3A_546 : vector<32xi16> to vector<32xbf16>
        %swap3A_548 = arith.constant 23 : i32
        %swap3A_549 = arith.index_cast %scan3A_77 : i32 to index
        %swap3A_550 = arith.index_cast %swap3A_548 : i32 to index
        %swap3A_551 = arith.constant 0 : index
        %swap3A_552 = tpu.vector_load %arg7[%swap3A_549, %swap3A_550, %swap3A_551] {strides = array<i32>} : memref<32x50x32xbf16, #tpu.memory_space<vmem>>, vector<32xbf16>,
        tpu.vector_store %arg7[%swap3A_549, %swap3A_550, %swap3A_551], %bitcast3A_547 {strides = array<i32>} : memref<32x50x32xbf16, #tpu.memory_space<vmem>>, vector<32xbf16>,
        %get3A_553 = arith.constant 0 : i32
        %get3A_554 = arith.constant 24 : i32
        %get3A_555 = arith.index_cast %get3A_553 : i32 to index
        %get3A_556 = arith.index_cast %scan3A_77 : i32 to index
        %get3A_557 = arith.index_cast %get3A_554 : i32 to index
        %get3A_558 = arith.constant 0 : index
        %get3A_559 = tpu.vector_load %arg6[%get3A_555, %get3A_556, %get3A_557, %get3A_558] {strides = array<i32>} : memref<2x32x50x16xi32, #tpu.memory_space<vmem>>, vector<16xi32>,
        %and3A_560 = arith.constant 65535 : i32
        %and3A_561 = vector.broadcast %and3A_560 : i32 to vector<16xi32>
        %and3A_562 = arith.andi %get3A_559, %and3A_561 : vector<16xi32>
        %shift_right_logical3A_563 = arith.constant 16 : i32
        %shift_right_logical3A_564 = vector.broadcast %shift_right_logical3A_563 : i32 to vector<16xi32>
        %shift_right_logical3A_565 = arith.shrui %get3A_559, %shift_right_logical3A_564 : vector<16xi32>
        %pack3A_566 = tpu.pack_subelements %and3A_562, %shift_right_logical3A_565 {pack_format = #tpu.pack_format<interleaved>, positions = array<i32: 0, 1>} : vector<16xi32>, vector<16xi32> -> vector<32xi16>
        %bitcast3A_567 = vector.bitcast %pack3A_566 : vector<32xi16> to vector<32xbf16>
        %swap3A_568 = arith.constant 24 : i32
        %swap3A_569 = arith.index_cast %scan3A_77 : i32 to index
        %swap3A_570 = arith.index_cast %swap3A_568 : i32 to index
        %swap3A_571 = arith.constant 0 : index
        %swap3A_572 = tpu.vector_load %arg7[%swap3A_569, %swap3A_570, %swap3A_571] {strides = array<i32>} : memref<32x50x32xbf16, #tpu.memory_space<vmem>>, vector<32xbf16>,
        tpu.vector_store %arg7[%swap3A_569, %swap3A_570, %swap3A_571], %bitcast3A_567 {strides = array<i32>} : memref<32x50x32xbf16, #tpu.memory_space<vmem>>, vector<32xbf16>,
        %get3A_573 = arith.constant 0 : i32
        %get3A_574 = arith.constant 25 : i32
        %get3A_575 = arith.index_cast %get3A_573 : i32 to index
        %get3A_576 = arith.index_cast %scan3A_77 : i32 to index
        %get3A_577 = arith.index_cast %get3A_574 : i32 to index
        %get3A_578 = arith.constant 0 : index
        %get3A_579 = tpu.vector_load %arg6[%get3A_575, %get3A_576, %get3A_577, %get3A_578] {strides = array<i32>} : memref<2x32x50x16xi32, #tpu.memory_space<vmem>>, vector<16xi32>,
        %and3A_580 = arith.constant 65535 : i32
        %and3A_581 = vector.broadcast %and3A_580 : i32 to vector<16xi32>
        %and3A_582 = arith.andi %get3A_579, %and3A_581 : vector<16xi32>
        %shift_right_logical3A_583 = arith.constant 16 : i32
        %shift_right_logical3A_584 = vector.broadcast %shift_right_logical3A_583 : i32 to vector<16xi32>
        %shift_right_logical3A_585 = arith.shrui %get3A_579, %shift_right_logical3A_584 : vector<16xi32>
        %pack3A_586 = tpu.pack_subelements %and3A_582, %shift_right_logical3A_585 {pack_format = #tpu.pack_format<interleaved>, positions = array<i32: 0, 1>} : vector<16xi32>, vector<16xi32> -> vector<32xi16>
        %bitcast3A_587 = vector.bitcast %pack3A_586 : vector<32xi16> to vector<32xbf16>
        %swap3A_588 = arith.constant 25 : i32
        %swap3A_589 = arith.index_cast %scan3A_77 : i32 to index
        %swap3A_590 = arith.index_cast %swap3A_588 : i32 to index
        %swap3A_591 = arith.constant 0 : index
        %swap3A_592 = tpu.vector_load %arg7[%swap3A_589, %swap3A_590, %swap3A_591] {strides = array<i32>} : memref<32x50x32xbf16, #tpu.memory_space<vmem>>, vector<32xbf16>,
        tpu.vector_store %arg7[%swap3A_589, %swap3A_590, %swap3A_591], %bitcast3A_587 {strides = array<i32>} : memref<32x50x32xbf16, #tpu.memory_space<vmem>>, vector<32xbf16>,
        %get3A_593 = arith.constant 0 : i32
        %get3A_594 = arith.constant 26 : i32
        %get3A_595 = arith.index_cast %get3A_593 : i32 to index
        %get3A_596 = arith.index_cast %scan3A_77 : i32 to index
        %get3A_597 = arith.index_cast %get3A_594 : i32 to index
        %get3A_598 = arith.constant 0 : index
        %get3A_599 = tpu.vector_load %arg6[%get3A_595, %get3A_596, %get3A_597, %get3A_598] {strides = array<i32>} : memref<2x32x50x16xi32, #tpu.memory_space<vmem>>, vector<16xi32>,
        %and3A_600 = arith.constant 65535 : i32
        %and3A_601 = vector.broadcast %and3A_600 : i32 to vector<16xi32>
        %and3A_602 = arith.andi %get3A_599, %and3A_601 : vector<16xi32>
        %shift_right_logical3A_603 = arith.constant 16 : i32
        %shift_right_logical3A_604 = vector.broadcast %shift_right_logical3A_603 : i32 to vector<16xi32>
        %shift_right_logical3A_605 = arith.shrui %get3A_599, %shift_right_logical3A_604 : vector<16xi32>
        %pack3A_606 = tpu.pack_subelements %and3A_602, %shift_right_logical3A_605 {pack_format = #tpu.pack_format<interleaved>, positions = array<i32: 0, 1>} : vector<16xi32>, vector<16xi32> -> vector<32xi16>
        %bitcast3A_607 = vector.bitcast %pack3A_606 : vector<32xi16> to vector<32xbf16>
        %swap3A_608 = arith.constant 26 : i32
        %swap3A_609 = arith.index_cast %scan3A_77 : i32 to index
        %swap3A_610 = arith.index_cast %swap3A_608 : i32 to index
        %swap3A_611 = arith.constant 0 : index
        %swap3A_612 = tpu.vector_load %arg7[%swap3A_609, %swap3A_610, %swap3A_611] {strides = array<i32>} : memref<32x50x32xbf16, #tpu.memory_space<vmem>>, vector<32xbf16>,
        tpu.vector_store %arg7[%swap3A_609, %swap3A_610, %swap3A_611], %bitcast3A_607 {strides = array<i32>} : memref<32x50x32xbf16, #tpu.memory_space<vmem>>, vector<32xbf16>,
        %get3A_613 = arith.constant 0 : i32
        %get3A_614 = arith.constant 27 : i32
        %get3A_615 = arith.index_cast %get3A_613 : i32 to index
        %get3A_616 = arith.index_cast %scan3A_77 : i32 to index
        %get3A_617 = arith.index_cast %get3A_614 : i32 to index
        %get3A_618 = arith.constant 0 : index
        %get3A_619 = tpu.vector_load %arg6[%get3A_615, %get3A_616, %get3A_617, %get3A_618] {strides = array<i32>} : memref<2x32x50x16xi32, #tpu.memory_space<vmem>>, vector<16xi32>,
        %and3A_620 = arith.constant 65535 : i32
        %and3A_621 = vector.broadcast %and3A_620 : i32 to vector<16xi32>
        %and3A_622 = arith.andi %get3A_619, %and3A_621 : vector<16xi32>
        %shift_right_logical3A_623 = arith.constant 16 : i32
        %shift_right_logical3A_624 = vector.broadcast %shift_right_logical3A_623 : i32 to vector<16xi32>
        %shift_right_logical3A_625 = arith.shrui %get3A_619, %shift_right_logical3A_624 : vector<16xi32>
        %pack3A_626 = tpu.pack_subelements %and3A_622, %shift_right_logical3A_625 {pack_format = #tpu.pack_format<interleaved>, positions = array<i32: 0, 1>} : vector<16xi32>, vector<16xi32> -> vector<32xi16>
        %bitcast3A_627 = vector.bitcast %pack3A_626 : vector<32xi16> to vector<32xbf16>
        %swap3A_628 = arith.constant 27 : i32
        %swap3A_629 = arith.index_cast %scan3A_77 : i32 to index
        %swap3A_630 = arith.index_cast %swap3A_628 : i32 to index
        %swap3A_631 = arith.constant 0 : index
        %swap3A_632 = tpu.vector_load %arg7[%swap3A_629, %swap3A_630, %swap3A_631] {strides = array<i32>} : memref<32x50x32xbf16, #tpu.memory_space<vmem>>, vector<32xbf16>,
        tpu.vector_store %arg7[%swap3A_629, %swap3A_630, %swap3A_631], %bitcast3A_627 {strides = array<i32>} : memref<32x50x32xbf16, #tpu.memory_space<vmem>>, vector<32xbf16>,
        %get3A_633 = arith.constant 0 : i32
        %get3A_634 = arith.constant 28 : i32
        %get3A_635 = arith.index_cast %get3A_633 : i32 to index
        %get3A_636 = arith.index_cast %scan3A_77 : i32 to index
        %get3A_637 = arith.index_cast %get3A_634 : i32 to index
        %get3A_638 = arith.constant 0 : index
        %get3A_639 = tpu.vector_load %arg6[%get3A_635, %get3A_636, %get3A_637, %get3A_638] {strides = array<i32>} : memref<2x32x50x16xi32, #tpu.memory_space<vmem>>, vector<16xi32>,
        %and3A_640 = arith.constant 65535 : i32
        %and3A_641 = vector.broadcast %and3A_640 : i32 to vector<16xi32>
        %and3A_642 = arith.andi %get3A_639, %and3A_641 : vector<16xi32>
        %shift_right_logical3A_643 = arith.constant 16 : i32
        %shift_right_logical3A_644 = vector.broadcast %shift_right_logical3A_643 : i32 to vector<16xi32>
        %shift_right_logical3A_645 = arith.shrui %get3A_639, %shift_right_logical3A_644 : vector<16xi32>
        %pack3A_646 = tpu.pack_subelements %and3A_642, %shift_right_logical3A_645 {pack_format = #tpu.pack_format<interleaved>, positions = array<i32: 0, 1>} : vector<16xi32>, vector<16xi32> -> vector<32xi16>
        %bitcast3A_647 = vector.bitcast %pack3A_646 : vector<32xi16> to vector<32xbf16>
        %swap3A_648 = arith.constant 28 : i32
        %swap3A_649 = arith.index_cast %scan3A_77 : i32 to index
        %swap3A_650 = arith.index_cast %swap3A_648 : i32 to index
        %swap3A_651 = arith.constant 0 : index
        %swap3A_652 = tpu.vector_load %arg7[%swap3A_649, %swap3A_650, %swap3A_651] {strides = array<i32>} : memref<32x50x32xbf16, #tpu.memory_space<vmem>>, vector<32xbf16>,
        tpu.vector_store %arg7[%swap3A_649, %swap3A_650, %swap3A_651], %bitcast3A_647 {strides = array<i32>} : memref<32x50x32xbf16, #tpu.memory_space<vmem>>, vector<32xbf16>,
        %get3A_653 = arith.constant 0 : i32
        %get3A_654 = arith.constant 29 : i32
        %get3A_655 = arith.index_cast %get3A_653 : i32 to index
        %get3A_656 = arith.index_cast %scan3A_77 : i32 to index
        %get3A_657 = arith.index_cast %get3A_654 : i32 to index
        %get3A_658 = arith.constant 0 : index
        %get3A_659 = tpu.vector_load %arg6[%get3A_655, %get3A_656, %get3A_657, %get3A_658] {strides = array<i32>} : memref<2x32x50x16xi32, #tpu.memory_space<vmem>>, vector<16xi32>,
        %and3A_660 = arith.constant 65535 : i32
        %and3A_661 = vector.broadcast %and3A_660 : i32 to vector<16xi32>
        %and3A_662 = arith.andi %get3A_659, %and3A_661 : vector<16xi32>
        %shift_right_logical3A_663 = arith.constant 16 : i32
        %shift_right_logical3A_664 = vector.broadcast %shift_right_logical3A_663 : i32 to vector<16xi32>
        %shift_right_logical3A_665 = arith.shrui %get3A_659, %shift_right_logical3A_664 : vector<16xi32>
        %pack3A_666 = tpu.pack_subelements %and3A_662, %shift_right_logical3A_665 {pack_format = #tpu.pack_format<interleaved>, positions = array<i32: 0, 1>} : vector<16xi32>, vector<16xi32> -> vector<32xi16>
        %bitcast3A_667 = vector.bitcast %pack3A_666 : vector<32xi16> to vector<32xbf16>
        %swap3A_668 = arith.constant 29 : i32
        %swap3A_669 = arith.index_cast %scan3A_77 : i32 to index
        %swap3A_670 = arith.index_cast %swap3A_668 : i32 to index
        %swap3A_671 = arith.constant 0 : index
        %swap3A_672 = tpu.vector_load %arg7[%swap3A_669, %swap3A_670, %swap3A_671] {strides = array<i32>} : memref<32x50x32xbf16, #tpu.memory_space<vmem>>, vector<32xbf16>,
        tpu.vector_store %arg7[%swap3A_669, %swap3A_670, %swap3A_671], %bitcast3A_667 {strides = array<i32>} : memref<32x50x32xbf16, #tpu.memory_space<vmem>>, vector<32xbf16>,
        %get3A_673 = arith.constant 0 : i32
        %get3A_674 = arith.constant 30 : i32
        %get3A_675 = arith.index_cast %get3A_673 : i32 to index
        %get3A_676 = arith.index_cast %scan3A_77 : i32 to index
        %get3A_677 = arith.index_cast %get3A_674 : i32 to index
        %get3A_678 = arith.constant 0 : index
        %get3A_679 = tpu.vector_load %arg6[%get3A_675, %get3A_676, %get3A_677, %get3A_678] {strides = array<i32>} : memref<2x32x50x16xi32, #tpu.memory_space<vmem>>, vector<16xi32>,
        %and3A_680 = arith.constant 65535 : i32
        %and3A_681 = vector.broadcast %and3A_680 : i32 to vector<16xi32>
        %and3A_682 = arith.andi %get3A_679, %and3A_681 : vector<16xi32>
        %shift_right_logical3A_683 = arith.constant 16 : i32
        %shift_right_logical3A_684 = vector.broadcast %shift_right_logical3A_683 : i32 to vector<16xi32>
        %shift_right_logical3A_685 = arith.shrui %get3A_679, %shift_right_logical3A_684 : vector<16xi32>
        %pack3A_686 = tpu.pack_subelements %and3A_682, %shift_right_logical3A_685 {pack_format = #tpu.pack_format<interleaved>, positions = array<i32: 0, 1>} : vector<16xi32>, vector<16xi32> -> vector<32xi16>
        %bitcast3A_687 = vector.bitcast %pack3A_686 : vector<32xi16> to vector<32xbf16>
        %swap3A_688 = arith.constant 30 : i32
        %swap3A_689 = arith.index_cast %scan3A_77 : i32 to index
        %swap3A_690 = arith.index_cast %swap3A_688 : i32 to index
        %swap3A_691 = arith.constant 0 : index
        %swap3A_692 = tpu.vector_load %arg7[%swap3A_689, %swap3A_690, %swap3A_691] {strides = array<i32>} : memref<32x50x32xbf16, #tpu.memory_space<vmem>>, vector<32xbf16>,
        tpu.vector_store %arg7[%swap3A_689, %swap3A_690, %swap3A_691], %bitcast3A_687 {strides = array<i32>} : memref<32x50x32xbf16, #tpu.memory_space<vmem>>, vector<32xbf16>,
        %get3A_693 = arith.constant 0 : i32
        %get3A_694 = arith.constant 31 : i32
        %get3A_695 = arith.index_cast %get3A_693 : i32 to index
        %get3A_696 = arith.index_cast %scan3A_77 : i32 to index
        %get3A_697 = arith.index_cast %get3A_694 : i32 to index
        %get3A_698 = arith.constant 0 : index
        %get3A_699 = tpu.vector_load %arg6[%get3A_695, %get3A_696, %get3A_697, %get3A_698] {strides = array<i32>} : memref<2x32x50x16xi32, #tpu.memory_space<vmem>>, vector<16xi32>,
        %and3A_700 = arith.constant 65535 : i32
        %and3A_701 = vector.broadcast %and3A_700 : i32 to vector<16xi32>
        %and3A_702 = arith.andi %get3A_699, %and3A_701 : vector<16xi32>
        %shift_right_logical3A_703 = arith.constant 16 : i32
        %shift_right_logical3A_704 = vector.broadcast %shift_right_logical3A_703 : i32 to vector<16xi32>
        %shift_right_logical3A_705 = arith.shrui %get3A_699, %shift_right_logical3A_704 : vector<16xi32>
        %pack3A_706 = tpu.pack_subelements %and3A_702, %shift_right_logical3A_705 {pack_format = #tpu.pack_format<interleaved>, positions = array<i32: 0, 1>} : vector<16xi32>, vector<16xi32> -> vector<32xi16>
        %bitcast3A_707 = vector.bitcast %pack3A_706 : vector<32xi16> to vector<32xbf16>
        %swap3A_708 = arith.constant 31 : i32
        %swap3A_709 = arith.index_cast %scan3A_77 : i32 to index
        %swap3A_710 = arith.index_cast %swap3A_708 : i32 to index
        %swap3A_711 = arith.constant 0 : index
        %swap3A_712 = tpu.vector_load %arg7[%swap3A_709, %swap3A_710, %swap3A_711] {strides = array<i32>} : memref<32x50x32xbf16, #tpu.memory_space<vmem>>, vector<32xbf16>,
        tpu.vector_store %arg7[%swap3A_709, %swap3A_710, %swap3A_711], %bitcast3A_707 {strides = array<i32>} : memref<32x50x32xbf16, #tpu.memory_space<vmem>>, vector<32xbf16>,
        %get3A_713 = arith.constant 0 : i32
        %get3A_714 = arith.constant 32 : i32
        %get3A_715 = arith.index_cast %get3A_713 : i32 to index
        %get3A_716 = arith.index_cast %scan3A_77 : i32 to index
        %get3A_717 = arith.index_cast %get3A_714 : i32 to index
        %get3A_718 = arith.constant 0 : index
        %get3A_719 = tpu.vector_load %arg6[%get3A_715, %get3A_716, %get3A_717, %get3A_718] {strides = array<i32>} : memref<2x32x50x16xi32, #tpu.memory_space<vmem>>, vector<16xi32>,
        %and3A_720 = arith.constant 65535 : i32
        %and3A_721 = vector.broadcast %and3A_720 : i32 to vector<16xi32>
        %and3A_722 = arith.andi %get3A_719, %and3A_721 : vector<16xi32>
        %shift_right_logical3A_723 = arith.constant 16 : i32
        %shift_right_logical3A_724 = vector.broadcast %shift_right_logical3A_723 : i32 to vector<16xi32>
        %shift_right_logical3A_725 = arith.shrui %get3A_719, %shift_right_logical3A_724 : vector<16xi32>
        %pack3A_726 = tpu.pack_subelements %and3A_722, %shift_right_logical3A_725 {pack_format = #tpu.pack_format<interleaved>, positions = array<i32: 0, 1>} : vector<16xi32>, vector<16xi32> -> vector<32xi16>
        %bitcast3A_727 = vector.bitcast %pack3A_726 : vector<32xi16> to vector<32xbf16>
        %swap3A_728 = arith.constant 32 : i32
        %swap3A_729 = arith.index_cast %scan3A_77 : i32 to index
        %swap3A_730 = arith.index_cast %swap3A_728 : i32 to index
        %swap3A_731 = arith.constant 0 : index
        %swap3A_732 = tpu.vector_load %arg7[%swap3A_729, %swap3A_730, %swap3A_731] {strides = array<i32>} : memref<32x50x32xbf16, #tpu.memory_space<vmem>>, vector<32xbf16>,
        tpu.vector_store %arg7[%swap3A_729, %swap3A_730, %swap3A_731], %bitcast3A_727 {strides = array<i32>} : memref<32x50x32xbf16, #tpu.memory_space<vmem>>, vector<32xbf16>,
        %get3A_733 = arith.constant 0 : i32
        %get3A_734 = arith.constant 33 : i32
        %get3A_735 = arith.index_cast %get3A_733 : i32 to index
        %get3A_736 = arith.index_cast %scan3A_77 : i32 to index
        %get3A_737 = arith.index_cast %get3A_734 : i32 to index
        %get3A_738 = arith.constant 0 : index
        %get3A_739 = tpu.vector_load %arg6[%get3A_735, %get3A_736, %get3A_737, %get3A_738] {strides = array<i32>} : memref<2x32x50x16xi32, #tpu.memory_space<vmem>>, vector<16xi32>,
        %and3A_740 = arith.constant 65535 : i32
        %and3A_741 = vector.broadcast %and3A_740 : i32 to vector<16xi32>
        %and3A_742 = arith.andi %get3A_739, %and3A_741 : vector<16xi32>
        %shift_right_logical3A_743 = arith.constant 16 : i32
        %shift_right_logical3A_744 = vector.broadcast %shift_right_logical3A_743 : i32 to vector<16xi32>
        %shift_right_logical3A_745 = arith.shrui %get3A_739, %shift_right_logical3A_744 : vector<16xi32>
        %pack3A_746 = tpu.pack_subelements %and3A_742, %shift_right_logical3A_745 {pack_format = #tpu.pack_format<interleaved>, positions = array<i32: 0, 1>} : vector<16xi32>, vector<16xi32> -> vector<32xi16>
        %bitcast3A_747 = vector.bitcast %pack3A_746 : vector<32xi16> to vector<32xbf16>
        %swap3A_748 = arith.constant 33 : i32
        %swap3A_749 = arith.index_cast %scan3A_77 : i32 to index
        %swap3A_750 = arith.index_cast %swap3A_748 : i32 to index
        %swap3A_751 = arith.constant 0 : index
        %swap3A_752 = tpu.vector_load %arg7[%swap3A_749, %swap3A_750, %swap3A_751] {strides = array<i32>} : memref<32x50x32xbf16, #tpu.memory_space<vmem>>, vector<32xbf16>,
        tpu.vector_store %arg7[%swap3A_749, %swap3A_750, %swap3A_751], %bitcast3A_747 {strides = array<i32>} : memref<32x50x32xbf16, #tpu.memory_space<vmem>>, vector<32xbf16>,
        %get3A_753 = arith.constant 0 : i32
        %get3A_754 = arith.constant 34 : i32
        %get3A_755 = arith.index_cast %get3A_753 : i32 to index
        %get3A_756 = arith.index_cast %scan3A_77 : i32 to index
        %get3A_757 = arith.index_cast %get3A_754 : i32 to index
        %get3A_758 = arith.constant 0 : index
        %get3A_759 = tpu.vector_load %arg6[%get3A_755, %get3A_756, %get3A_757, %get3A_758] {strides = array<i32>} : memref<2x32x50x16xi32, #tpu.memory_space<vmem>>, vector<16xi32>,
        %and3A_760 = arith.constant 65535 : i32
        %and3A_761 = vector.broadcast %and3A_760 : i32 to vector<16xi32>
        %and3A_762 = arith.andi %get3A_759, %and3A_761 : vector<16xi32>
        %shift_right_logical3A_763 = arith.constant 16 : i32
        %shift_right_logical3A_764 = vector.broadcast %shift_right_logical3A_763 : i32 to vector<16xi32>
        %shift_right_logical3A_765 = arith.shrui %get3A_759, %shift_right_logical3A_764 : vector<16xi32>
        %pack3A_766 = tpu.pack_subelements %and3A_762, %shift_right_logical3A_765 {pack_format = #tpu.pack_format<interleaved>, positions = array<i32: 0, 1>} : vector<16xi32>, vector<16xi32> -> vector<32xi16>
        %bitcast3A_767 = vector.bitcast %pack3A_766 : vector<32xi16> to vector<32xbf16>
        %swap3A_768 = arith.constant 34 : i32
        %swap3A_769 = arith.index_cast %scan3A_77 : i32 to index
        %swap3A_770 = arith.index_cast %swap3A_768 : i32 to index
        %swap3A_771 = arith.constant 0 : index
        %swap3A_772 = tpu.vector_load %arg7[%swap3A_769, %swap3A_770, %swap3A_771] {strides = array<i32>} : memref<32x50x32xbf16, #tpu.memory_space<vmem>>, vector<32xbf16>,
        tpu.vector_store %arg7[%swap3A_769, %swap3A_770, %swap3A_771], %bitcast3A_767 {strides = array<i32>} : memref<32x50x32xbf16, #tpu.memory_space<vmem>>, vector<32xbf16>,
        %get3A_773 = arith.constant 0 : i32
        %get3A_774 = arith.constant 35 : i32
        %get3A_775 = arith.index_cast %get3A_773 : i32 to index
        %get3A_776 = arith.index_cast %scan3A_77 : i32 to index
        %get3A_777 = arith.index_cast %get3A_774 : i32 to index
        %get3A_778 = arith.constant 0 : index
        %get3A_779 = tpu.vector_load %arg6[%get3A_775, %get3A_776, %get3A_777, %get3A_778] {strides = array<i32>} : memref<2x32x50x16xi32, #tpu.memory_space<vmem>>, vector<16xi32>,
        %and3A_780 = arith.constant 65535 : i32
        %and3A_781 = vector.broadcast %and3A_780 : i32 to vector<16xi32>
        %and3A_782 = arith.andi %get3A_779, %and3A_781 : vector<16xi32>
        %shift_right_logical3A_783 = arith.constant 16 : i32
        %shift_right_logical3A_784 = vector.broadcast %shift_right_logical3A_783 : i32 to vector<16xi32>
        %shift_right_logical3A_785 = arith.shrui %get3A_779, %shift_right_logical3A_784 : vector<16xi32>
        %pack3A_786 = tpu.pack_subelements %and3A_782, %shift_right_logical3A_785 {pack_format = #tpu.pack_format<interleaved>, positions = array<i32: 0, 1>} : vector<16xi32>, vector<16xi32> -> vector<32xi16>
        %bitcast3A_787 = vector.bitcast %pack3A_786 : vector<32xi16> to vector<32xbf16>
        %swap3A_788 = arith.constant 35 : i32
        %swap3A_789 = arith.index_cast %scan3A_77 : i32 to index
        %swap3A_790 = arith.index_cast %swap3A_788 : i32 to index
        %swap3A_791 = arith.constant 0 : index
        %swap3A_792 = tpu.vector_load %arg7[%swap3A_789, %swap3A_790, %swap3A_791] {strides = array<i32>} : memref<32x50x32xbf16, #tpu.memory_space<vmem>>, vector<32xbf16>,
        tpu.vector_store %arg7[%swap3A_789, %swap3A_790, %swap3A_791], %bitcast3A_787 {strides = array<i32>} : memref<32x50x32xbf16, #tpu.memory_space<vmem>>, vector<32xbf16>,
        %get3A_793 = arith.constant 0 : i32
        %get3A_794 = arith.constant 36 : i32
        %get3A_795 = arith.index_cast %get3A_793 : i32 to index
        %get3A_796 = arith.index_cast %scan3A_77 : i32 to index
        %get3A_797 = arith.index_cast %get3A_794 : i32 to index
        %get3A_798 = arith.constant 0 : index
        %get3A_799 = tpu.vector_load %arg6[%get3A_795, %get3A_796, %get3A_797, %get3A_798] {strides = array<i32>} : memref<2x32x50x16xi32, #tpu.memory_space<vmem>>, vector<16xi32>,
        %and3A_800 = arith.constant 65535 : i32
        %and3A_801 = vector.broadcast %and3A_800 : i32 to vector<16xi32>
        %and3A_802 = arith.andi %get3A_799, %and3A_801 : vector<16xi32>
        %shift_right_logical3A_803 = arith.constant 16 : i32
        %shift_right_logical3A_804 = vector.broadcast %shift_right_logical3A_803 : i32 to vector<16xi32>
        %shift_right_logical3A_805 = arith.shrui %get3A_799, %shift_right_logical3A_804 : vector<16xi32>
        %pack3A_806 = tpu.pack_subelements %and3A_802, %shift_right_logical3A_805 {pack_format = #tpu.pack_format<interleaved>, positions = array<i32: 0, 1>} : vector<16xi32>, vector<16xi32> -> vector<32xi16>
        %bitcast3A_807 = vector.bitcast %pack3A_806 : vector<32xi16> to vector<32xbf16>
        %swap3A_808 = arith.constant 36 : i32
        %swap3A_809 = arith.index_cast %scan3A_77 : i32 to index
        %swap3A_810 = arith.index_cast %swap3A_808 : i32 to index
        %swap3A_811 = arith.constant 0 : index
        %swap3A_812 = tpu.vector_load %arg7[%swap3A_809, %swap3A_810, %swap3A_811] {strides = array<i32>} : memref<32x50x32xbf16, #tpu.memory_space<vmem>>, vector<32xbf16>,
        tpu.vector_store %arg7[%swap3A_809, %swap3A_810, %swap3A_811], %bitcast3A_807 {strides = array<i32>} : memref<32x50x32xbf16, #tpu.memory_space<vmem>>, vector<32xbf16>,
        %get3A_813 = arith.constant 0 : i32
        %get3A_814 = arith.constant 37 : i32
        %get3A_815 = arith.index_cast %get3A_813 : i32 to index
        %get3A_816 = arith.index_cast %scan3A_77 : i32 to index
        %get3A_817 = arith.index_cast %get3A_814 : i32 to index
        %get3A_818 = arith.constant 0 : index
        %get3A_819 = tpu.vector_load %arg6[%get3A_815, %get3A_816, %get3A_817, %get3A_818] {strides = array<i32>} : memref<2x32x50x16xi32, #tpu.memory_space<vmem>>, vector<16xi32>,
        %and3A_820 = arith.constant 65535 : i32
        %and3A_821 = vector.broadcast %and3A_820 : i32 to vector<16xi32>
        %and3A_822 = arith.andi %get3A_819, %and3A_821 : vector<16xi32>
        %shift_right_logical3A_823 = arith.constant 16 : i32
        %shift_right_logical3A_824 = vector.broadcast %shift_right_logical3A_823 : i32 to vector<16xi32>
        %shift_right_logical3A_825 = arith.shrui %get3A_819, %shift_right_logical3A_824 : vector<16xi32>
        %pack3A_826 = tpu.pack_subelements %and3A_822, %shift_right_logical3A_825 {pack_format = #tpu.pack_format<interleaved>, positions = array<i32: 0, 1>} : vector<16xi32>, vector<16xi32> -> vector<32xi16>
        %bitcast3A_827 = vector.bitcast %pack3A_826 : vector<32xi16> to vector<32xbf16>
        %swap3A_828 = arith.constant 37 : i32
        %swap3A_829 = arith.index_cast %scan3A_77 : i32 to index
        %swap3A_830 = arith.index_cast %swap3A_828 : i32 to index
        %swap3A_831 = arith.constant 0 : index
        %swap3A_832 = tpu.vector_load %arg7[%swap3A_829, %swap3A_830, %swap3A_831] {strides = array<i32>} : memref<32x50x32xbf16, #tpu.memory_space<vmem>>, vector<32xbf16>,
        tpu.vector_store %arg7[%swap3A_829, %swap3A_830, %swap3A_831], %bitcast3A_827 {strides = array<i32>} : memref<32x50x32xbf16, #tpu.memory_space<vmem>>, vector<32xbf16>,
        %get3A_833 = arith.constant 0 : i32
        %get3A_834 = arith.constant 38 : i32
        %get3A_835 = arith.index_cast %get3A_833 : i32 to index
        %get3A_836 = arith.index_cast %scan3A_77 : i32 to index
        %get3A_837 = arith.index_cast %get3A_834 : i32 to index
        %get3A_838 = arith.constant 0 : index
        %get3A_839 = tpu.vector_load %arg6[%get3A_835, %get3A_836, %get3A_837, %get3A_838] {strides = array<i32>} : memref<2x32x50x16xi32, #tpu.memory_space<vmem>>, vector<16xi32>,
        %and3A_840 = arith.constant 65535 : i32
        %and3A_841 = vector.broadcast %and3A_840 : i32 to vector<16xi32>
        %and3A_842 = arith.andi %get3A_839, %and3A_841 : vector<16xi32>
        %shift_right_logical3A_843 = arith.constant 16 : i32
        %shift_right_logical3A_844 = vector.broadcast %shift_right_logical3A_843 : i32 to vector<16xi32>
        %shift_right_logical3A_845 = arith.shrui %get3A_839, %shift_right_logical3A_844 : vector<16xi32>
        %pack3A_846 = tpu.pack_subelements %and3A_842, %shift_right_logical3A_845 {pack_format = #tpu.pack_format<interleaved>, positions = array<i32: 0, 1>} : vector<16xi32>, vector<16xi32> -> vector<32xi16>
        %bitcast3A_847 = vector.bitcast %pack3A_846 : vector<32xi16> to vector<32xbf16>
        %swap3A_848 = arith.constant 38 : i32
        %swap3A_849 = arith.index_cast %scan3A_77 : i32 to index
        %swap3A_850 = arith.index_cast %swap3A_848 : i32 to index
        %swap3A_851 = arith.constant 0 : index
        %swap3A_852 = tpu.vector_load %arg7[%swap3A_849, %swap3A_850, %swap3A_851] {strides = array<i32>} : memref<32x50x32xbf16, #tpu.memory_space<vmem>>, vector<32xbf16>,
        tpu.vector_store %arg7[%swap3A_849, %swap3A_850, %swap3A_851], %bitcast3A_847 {strides = array<i32>} : memref<32x50x32xbf16, #tpu.memory_space<vmem>>, vector<32xbf16>,
        %get3A_853 = arith.constant 0 : i32
        %get3A_854 = arith.constant 39 : i32
        %get3A_855 = arith.index_cast %get3A_853 : i32 to index
        %get3A_856 = arith.index_cast %scan3A_77 : i32 to index
        %get3A_857 = arith.index_cast %get3A_854 : i32 to index
        %get3A_858 = arith.constant 0 : index
        %get3A_859 = tpu.vector_load %arg6[%get3A_855, %get3A_856, %get3A_857, %get3A_858] {strides = array<i32>} : memref<2x32x50x16xi32, #tpu.memory_space<vmem>>, vector<16xi32>,
        %and3A_860 = arith.constant 65535 : i32
        %and3A_861 = vector.broadcast %and3A_860 : i32 to vector<16xi32>
        %and3A_862 = arith.andi %get3A_859, %and3A_861 : vector<16xi32>
        %shift_right_logical3A_863 = arith.constant 16 : i32
        %shift_right_logical3A_864 = vector.broadcast %shift_right_logical3A_863 : i32 to vector<16xi32>
        %shift_right_logical3A_865 = arith.shrui %get3A_859, %shift_right_logical3A_864 : vector<16xi32>
        %pack3A_866 = tpu.pack_subelements %and3A_862, %shift_right_logical3A_865 {pack_format = #tpu.pack_format<interleaved>, positions = array<i32: 0, 1>} : vector<16xi32>, vector<16xi32> -> vector<32xi16>
        %bitcast3A_867 = vector.bitcast %pack3A_866 : vector<32xi16> to vector<32xbf16>
        %swap3A_868 = arith.constant 39 : i32
        %swap3A_869 = arith.index_cast %scan3A_77 : i32 to index
        %swap3A_870 = arith.index_cast %swap3A_868 : i32 to index
        %swap3A_871 = arith.constant 0 : index
        %swap3A_872 = tpu.vector_load %arg7[%swap3A_869, %swap3A_870, %swap3A_871] {strides = array<i32>} : memref<32x50x32xbf16, #tpu.memory_space<vmem>>, vector<32xbf16>,
        tpu.vector_store %arg7[%swap3A_869, %swap3A_870, %swap3A_871], %bitcast3A_867 {strides = array<i32>} : memref<32x50x32xbf16, #tpu.memory_space<vmem>>, vector<32xbf16>,
        %get3A_873 = arith.constant 0 : i32
        %get3A_874 = arith.constant 40 : i32
        %get3A_875 = arith.index_cast %get3A_873 : i32 to index
        %get3A_876 = arith.index_cast %scan3A_77 : i32 to index
        %get3A_877 = arith.index_cast %get3A_874 : i32 to index
        %get3A_878 = arith.constant 0 : index
        %get3A_879 = tpu.vector_load %arg6[%get3A_875, %get3A_876, %get3A_877, %get3A_878] {strides = array<i32>} : memref<2x32x50x16xi32, #tpu.memory_space<vmem>>, vector<16xi32>,
        %and3A_880 = arith.constant 65535 : i32
        %and3A_881 = vector.broadcast %and3A_880 : i32 to vector<16xi32>
        %and3A_882 = arith.andi %get3A_879, %and3A_881 : vector<16xi32>
        %shift_right_logical3A_883 = arith.constant 16 : i32
        %shift_right_logical3A_884 = vector.broadcast %shift_right_logical3A_883 : i32 to vector<16xi32>
        %shift_right_logical3A_885 = arith.shrui %get3A_879, %shift_right_logical3A_884 : vector<16xi32>
        %pack3A_886 = tpu.pack_subelements %and3A_882, %shift_right_logical3A_885 {pack_format = #tpu.pack_format<interleaved>, positions = array<i32: 0, 1>} : vector<16xi32>, vector<16xi32> -> vector<32xi16>
        %bitcast3A_887 = vector.bitcast %pack3A_886 : vector<32xi16> to vector<32xbf16>
        %swap3A_888 = arith.constant 40 : i32
        %swap3A_889 = arith.index_cast %scan3A_77 : i32 to index
        %swap3A_890 = arith.index_cast %swap3A_888 : i32 to index
        %swap3A_891 = arith.constant 0 : index
        %swap3A_892 = tpu.vector_load %arg7[%swap3A_889, %swap3A_890, %swap3A_891] {strides = array<i32>} : memref<32x50x32xbf16, #tpu.memory_space<vmem>>, vector<32xbf16>,
        tpu.vector_store %arg7[%swap3A_889, %swap3A_890, %swap3A_891], %bitcast3A_887 {strides = array<i32>} : memref<32x50x32xbf16, #tpu.memory_space<vmem>>, vector<32xbf16>,
        %get3A_893 = arith.constant 0 : i32
        %get3A_894 = arith.constant 41 : i32
        %get3A_895 = arith.index_cast %get3A_893 : i32 to index
        %get3A_896 = arith.index_cast %scan3A_77 : i32 to index
        %get3A_897 = arith.index_cast %get3A_894 : i32 to index
        %get3A_898 = arith.constant 0 : index
        %get3A_899 = tpu.vector_load %arg6[%get3A_895, %get3A_896, %get3A_897, %get3A_898] {strides = array<i32>} : memref<2x32x50x16xi32, #tpu.memory_space<vmem>>, vector<16xi32>,
        %and3A_900 = arith.constant 65535 : i32
        %and3A_901 = vector.broadcast %and3A_900 : i32 to vector<16xi32>
        %and3A_902 = arith.andi %get3A_899, %and3A_901 : vector<16xi32>
        %shift_right_logical3A_903 = arith.constant 16 : i32
        %shift_right_logical3A_904 = vector.broadcast %shift_right_logical3A_903 : i32 to vector<16xi32>
        %shift_right_logical3A_905 = arith.shrui %get3A_899, %shift_right_logical3A_904 : vector<16xi32>
        %pack3A_906 = tpu.pack_subelements %and3A_902, %shift_right_logical3A_905 {pack_format = #tpu.pack_format<interleaved>, positions = array<i32: 0, 1>} : vector<16xi32>, vector<16xi32> -> vector<32xi16>
        %bitcast3A_907 = vector.bitcast %pack3A_906 : vector<32xi16> to vector<32xbf16>
        %swap3A_908 = arith.constant 41 : i32
        %swap3A_909 = arith.index_cast %scan3A_77 : i32 to index
        %swap3A_910 = arith.index_cast %swap3A_908 : i32 to index
        %swap3A_911 = arith.constant 0 : index
        %swap3A_912 = tpu.vector_load %arg7[%swap3A_909, %swap3A_910, %swap3A_911] {strides = array<i32>} : memref<32x50x32xbf16, #tpu.memory_space<vmem>>, vector<32xbf16>,
        tpu.vector_store %arg7[%swap3A_909, %swap3A_910, %swap3A_911], %bitcast3A_907 {strides = array<i32>} : memref<32x50x32xbf16, #tpu.memory_space<vmem>>, vector<32xbf16>,
        %get3A_913 = arith.constant 0 : i32
        %get3A_914 = arith.constant 42 : i32
        %get3A_915 = arith.index_cast %get3A_913 : i32 to index
        %get3A_916 = arith.index_cast %scan3A_77 : i32 to index
        %get3A_917 = arith.index_cast %get3A_914 : i32 to index
        %get3A_918 = arith.constant 0 : index
        %get3A_919 = tpu.vector_load %arg6[%get3A_915, %get3A_916, %get3A_917, %get3A_918] {strides = array<i32>} : memref<2x32x50x16xi32, #tpu.memory_space<vmem>>, vector<16xi32>,
        %and3A_920 = arith.constant 65535 : i32
        %and3A_921 = vector.broadcast %and3A_920 : i32 to vector<16xi32>
        %and3A_922 = arith.andi %get3A_919, %and3A_921 : vector<16xi32>
        %shift_right_logical3A_923 = arith.constant 16 : i32
        %shift_right_logical3A_924 = vector.broadcast %shift_right_logical3A_923 : i32 to vector<16xi32>
        %shift_right_logical3A_925 = arith.shrui %get3A_919, %shift_right_logical3A_924 : vector<16xi32>
        %pack3A_926 = tpu.pack_subelements %and3A_922, %shift_right_logical3A_925 {pack_format = #tpu.pack_format<interleaved>, positions = array<i32: 0, 1>} : vector<16xi32>, vector<16xi32> -> vector<32xi16>
        %bitcast3A_927 = vector.bitcast %pack3A_926 : vector<32xi16> to vector<32xbf16>
        %swap3A_928 = arith.constant 42 : i32
        %swap3A_929 = arith.index_cast %scan3A_77 : i32 to index
        %swap3A_930 = arith.index_cast %swap3A_928 : i32 to index
        %swap3A_931 = arith.constant 0 : index
        %swap3A_932 = tpu.vector_load %arg7[%swap3A_929, %swap3A_930, %swap3A_931] {strides = array<i32>} : memref<32x50x32xbf16, #tpu.memory_space<vmem>>, vector<32xbf16>,
        tpu.vector_store %arg7[%swap3A_929, %swap3A_930, %swap3A_931], %bitcast3A_927 {strides = array<i32>} : memref<32x50x32xbf16, #tpu.memory_space<vmem>>, vector<32xbf16>,
        %get3A_933 = arith.constant 0 : i32
        %get3A_934 = arith.constant 43 : i32
        %get3A_935 = arith.index_cast %get3A_933 : i32 to index
        %get3A_936 = arith.index_cast %scan3A_77 : i32 to index
        %get3A_937 = arith.index_cast %get3A_934 : i32 to index
        %get3A_938 = arith.constant 0 : index
        %get3A_939 = tpu.vector_load %arg6[%get3A_935, %get3A_936, %get3A_937, %get3A_938] {strides = array<i32>} : memref<2x32x50x16xi32, #tpu.memory_space<vmem>>, vector<16xi32>,
        %and3A_940 = arith.constant 65535 : i32
        %and3A_941 = vector.broadcast %and3A_940 : i32 to vector<16xi32>
        %and3A_942 = arith.andi %get3A_939, %and3A_941 : vector<16xi32>
        %shift_right_logical3A_943 = arith.constant 16 : i32
        %shift_right_logical3A_944 = vector.broadcast %shift_right_logical3A_943 : i32 to vector<16xi32>
        %shift_right_logical3A_945 = arith.shrui %get3A_939, %shift_right_logical3A_944 : vector<16xi32>
        %pack3A_946 = tpu.pack_subelements %and3A_942, %shift_right_logical3A_945 {pack_format = #tpu.pack_format<interleaved>, positions = array<i32: 0, 1>} : vector<16xi32>, vector<16xi32> -> vector<32xi16>
        %bitcast3A_947 = vector.bitcast %pack3A_946 : vector<32xi16> to vector<32xbf16>
        %swap3A_948 = arith.constant 43 : i32
        %swap3A_949 = arith.index_cast %scan3A_77 : i32 to index
        %swap3A_950 = arith.index_cast %swap3A_948 : i32 to index
        %swap3A_951 = arith.constant 0 : index
        %swap3A_952 = tpu.vector_load %arg7[%swap3A_949, %swap3A_950, %swap3A_951] {strides = array<i32>} : memref<32x50x32xbf16, #tpu.memory_space<vmem>>, vector<32xbf16>,
        tpu.vector_store %arg7[%swap3A_949, %swap3A_950, %swap3A_951], %bitcast3A_947 {strides = array<i32>} : memref<32x50x32xbf16, #tpu.memory_space<vmem>>, vector<32xbf16>,
        %get3A_953 = arith.constant 0 : i32
        %get3A_954 = arith.constant 44 : i32
        %get3A_955 = arith.index_cast %get3A_953 : i32 to index
        %get3A_956 = arith.index_cast %scan3A_77 : i32 to index
        %get3A_957 = arith.index_cast %get3A_954 : i32 to index
        %get3A_958 = arith.constant 0 : index
        %get3A_959 = tpu.vector_load %arg6[%get3A_955, %get3A_956, %get3A_957, %get3A_958] {strides = array<i32>} : memref<2x32x50x16xi32, #tpu.memory_space<vmem>>, vector<16xi32>,
        %and3A_960 = arith.constant 65535 : i32
        %and3A_961 = vector.broadcast %and3A_960 : i32 to vector<16xi32>
        %and3A_962 = arith.andi %get3A_959, %and3A_961 : vector<16xi32>
        %shift_right_logical3A_963 = arith.constant 16 : i32
        %shift_right_logical3A_964 = vector.broadcast %shift_right_logical3A_963 : i32 to vector<16xi32>
        %shift_right_logical3A_965 = arith.shrui %get3A_959, %shift_right_logical3A_964 : vector<16xi32>
        %pack3A_966 = tpu.pack_subelements %and3A_962, %shift_right_logical3A_965 {pack_format = #tpu.pack_format<interleaved>, positions = array<i32: 0, 1>} : vector<16xi32>, vector<16xi32> -> vector<32xi16>
        %bitcast3A_967 = vector.bitcast %pack3A_966 : vector<32xi16> to vector<32xbf16>
        %swap3A_968 = arith.constant 44 : i32
        %swap3A_969 = arith.index_cast %scan3A_77 : i32 to index
        %swap3A_970 = arith.index_cast %swap3A_968 : i32 to index
        %swap3A_971 = arith.constant 0 : index
        %swap3A_972 = tpu.vector_load %arg7[%swap3A_969, %swap3A_970, %swap3A_971] {strides = array<i32>} : memref<32x50x32xbf16, #tpu.memory_space<vmem>>, vector<32xbf16>,
        tpu.vector_store %arg7[%swap3A_969, %swap3A_970, %swap3A_971], %bitcast3A_967 {strides = array<i32>} : memref<32x50x32xbf16, #tpu.memory_space<vmem>>, vector<32xbf16>,
        %get3A_973 = arith.constant 0 : i32
        %get3A_974 = arith.constant 45 : i32
        %get3A_975 = arith.index_cast %get3A_973 : i32 to index
        %get3A_976 = arith.index_cast %scan3A_77 : i32 to index
        %get3A_977 = arith.index_cast %get3A_974 : i32 to index
        %get3A_978 = arith.constant 0 : index
        %get3A_979 = tpu.vector_load %arg6[%get3A_975, %get3A_976, %get3A_977, %get3A_978] {strides = array<i32>} : memref<2x32x50x16xi32, #tpu.memory_space<vmem>>, vector<16xi32>,
        %and3A_980 = arith.constant 65535 : i32
        %and3A_981 = vector.broadcast %and3A_980 : i32 to vector<16xi32>
        %and3A_982 = arith.andi %get3A_979, %and3A_981 : vector<16xi32>
        %shift_right_logical3A_983 = arith.constant 16 : i32
        %shift_right_logical3A_984 = vector.broadcast %shift_right_logical3A_983 : i32 to vector<16xi32>
        %shift_right_logical3A_985 = arith.shrui %get3A_979, %shift_right_logical3A_984 : vector<16xi32>
        %pack3A_986 = tpu.pack_subelements %and3A_982, %shift_right_logical3A_985 {pack_format = #tpu.pack_format<interleaved>, positions = array<i32: 0, 1>} : vector<16xi32>, vector<16xi32> -> vector<32xi16>
        %bitcast3A_987 = vector.bitcast %pack3A_986 : vector<32xi16> to vector<32xbf16>
        %swap3A_988 = arith.constant 45 : i32
        %swap3A_989 = arith.index_cast %scan3A_77 : i32 to index
        %swap3A_990 = arith.index_cast %swap3A_988 : i32 to index
        %swap3A_991 = arith.constant 0 : index
        %swap3A_992 = tpu.vector_load %arg7[%swap3A_989, %swap3A_990, %swap3A_991] {strides = array<i32>} : memref<32x50x32xbf16, #tpu.memory_space<vmem>>, vector<32xbf16>,
        tpu.vector_store %arg7[%swap3A_989, %swap3A_990, %swap3A_991], %bitcast3A_987 {strides = array<i32>} : memref<32x50x32xbf16, #tpu.memory_space<vmem>>, vector<32xbf16>,
        %get3A_993 = arith.constant 0 : i32
        %get3A_994 = arith.constant 46 : i32
        %get3A_995 = arith.index_cast %get3A_993 : i32 to index
        %get3A_996 = arith.index_cast %scan3A_77 : i32 to index
        %get3A_997 = arith.index_cast %get3A_994 : i32 to index
        %get3A_998 = arith.constant 0 : index
        %get3A_999 = tpu.vector_load %arg6[%get3A_995, %get3A_996, %get3A_997, %get3A_998] {strides = array<i32>} : memref<2x32x50x16xi32, #tpu.memory_space<vmem>>, vector<16xi32>,
        %and3A_1000 = arith.constant 65535 : i32
        %and3A_1001 = vector.broadcast %and3A_1000 : i32 to vector<16xi32>
        %and3A_1002 = arith.andi %get3A_999, %and3A_1001 : vector<16xi32>
        %shift_right_logical3A_1003 = arith.constant 16 : i32
        %shift_right_logical3A_1004 = vector.broadcast %shift_right_logical3A_1003 : i32 to vector<16xi32>
        %shift_right_logical3A_1005 = arith.shrui %get3A_999, %shift_right_logical3A_1004 : vector<16xi32>
        %pack3A_1006 = tpu.pack_subelements %and3A_1002, %shift_right_logical3A_1005 {pack_format = #tpu.pack_format<interleaved>, positions = array<i32: 0, 1>} : vector<16xi32>, vector<16xi32> -> vector<32xi16>
        %bitcast3A_1007 = vector.bitcast %pack3A_1006 : vector<32xi16> to vector<32xbf16>
        %swap3A_1008 = arith.constant 46 : i32
        %swap3A_1009 = arith.index_cast %scan3A_77 : i32 to index
        %swap3A_1010 = arith.index_cast %swap3A_1008 : i32 to index
        %swap3A_1011 = arith.constant 0 : index
        %swap3A_1012 = tpu.vector_load %arg7[%swap3A_1009, %swap3A_1010, %swap3A_1011] {strides = array<i32>} : memref<32x50x32xbf16, #tpu.memory_space<vmem>>, vector<32xbf16>,
        tpu.vector_store %arg7[%swap3A_1009, %swap3A_1010, %swap3A_1011], %bitcast3A_1007 {strides = array<i32>} : memref<32x50x32xbf16, #tpu.memory_space<vmem>>, vector<32xbf16>,
        %get3A_1013 = arith.constant 0 : i32
        %get3A_1014 = arith.constant 47 : i32
        %get3A_1015 = arith.index_cast %get3A_1013 : i32 to index
        %get3A_1016 = arith.index_cast %scan3A_77 : i32 to index
        %get3A_1017 = arith.index_cast %get3A_1014 : i32 to index
        %get3A_1018 = arith.constant 0 : index
        %get3A_1019 = tpu.vector_load %arg6[%get3A_1015, %get3A_1016, %get3A_1017, %get3A_1018] {strides = array<i32>} : memref<2x32x50x16xi32, #tpu.memory_space<vmem>>, vector<16xi32>,
        %and3A_1020 = arith.constant 65535 : i32
        %and3A_1021 = vector.broadcast %and3A_1020 : i32 to vector<16xi32>
        %and3A_1022 = arith.andi %get3A_1019, %and3A_1021 : vector<16xi32>
        %shift_right_logical3A_1023 = arith.constant 16 : i32
        %shift_right_logical3A_1024 = vector.broadcast %shift_right_logical3A_1023 : i32 to vector<16xi32>
        %shift_right_logical3A_1025 = arith.shrui %get3A_1019, %shift_right_logical3A_1024 : vector<16xi32>
        %pack3A_1026 = tpu.pack_subelements %and3A_1022, %shift_right_logical3A_1025 {pack_format = #tpu.pack_format<interleaved>, positions = array<i32: 0, 1>} : vector<16xi32>, vector<16xi32> -> vector<32xi16>
        %bitcast3A_1027 = vector.bitcast %pack3A_1026 : vector<32xi16> to vector<32xbf16>
        %swap3A_1028 = arith.constant 47 : i32
        %swap3A_1029 = arith.index_cast %scan3A_77 : i32 to index
        %swap3A_1030 = arith.index_cast %swap3A_1028 : i32 to index
        %swap3A_1031 = arith.constant 0 : index
        %swap3A_1032 = tpu.vector_load %arg7[%swap3A_1029, %swap3A_1030, %swap3A_1031] {strides = array<i32>} : memref<32x50x32xbf16, #tpu.memory_space<vmem>>, vector<32xbf16>,
        tpu.vector_store %arg7[%swap3A_1029, %swap3A_1030, %swap3A_1031], %bitcast3A_1027 {strides = array<i32>} : memref<32x50x32xbf16, #tpu.memory_space<vmem>>, vector<32xbf16>,
        %get3A_1033 = arith.constant 0 : i32
        %get3A_1034 = arith.constant 48 : i32
        %get3A_1035 = arith.index_cast %get3A_1033 : i32 to index
        %get3A_1036 = arith.index_cast %scan3A_77 : i32 to index
        %get3A_1037 = arith.index_cast %get3A_1034 : i32 to index
        %get3A_1038 = arith.constant 0 : index
        %get3A_1039 = tpu.vector_load %arg6[%get3A_1035, %get3A_1036, %get3A_1037, %get3A_1038] {strides = array<i32>} : memref<2x32x50x16xi32, #tpu.memory_space<vmem>>, vector<16xi32>,
        %and3A_1040 = arith.constant 65535 : i32
        %and3A_1041 = vector.broadcast %and3A_1040 : i32 to vector<16xi32>
        %and3A_1042 = arith.andi %get3A_1039, %and3A_1041 : vector<16xi32>
        %shift_right_logical3A_1043 = arith.constant 16 : i32
        %shift_right_logical3A_1044 = vector.broadcast %shift_right_logical3A_1043 : i32 to vector<16xi32>
        %shift_right_logical3A_1045 = arith.shrui %get3A_1039, %shift_right_logical3A_1044 : vector<16xi32>
        %pack3A_1046 = tpu.pack_subelements %and3A_1042, %shift_right_logical3A_1045 {pack_format = #tpu.pack_format<interleaved>, positions = array<i32: 0, 1>} : vector<16xi32>, vector<16xi32> -> vector<32xi16>
        %bitcast3A_1047 = vector.bitcast %pack3A_1046 : vector<32xi16> to vector<32xbf16>
        %swap3A_1048 = arith.constant 48 : i32
        %swap3A_1049 = arith.index_cast %scan3A_77 : i32 to index
        %swap3A_1050 = arith.index_cast %swap3A_1048 : i32 to index
        %swap3A_1051 = arith.constant 0 : index
        %swap3A_1052 = tpu.vector_load %arg7[%swap3A_1049, %swap3A_1050, %swap3A_1051] {strides = array<i32>} : memref<32x50x32xbf16, #tpu.memory_space<vmem>>, vector<32xbf16>,
        tpu.vector_store %arg7[%swap3A_1049, %swap3A_1050, %swap3A_1051], %bitcast3A_1047 {strides = array<i32>} : memref<32x50x32xbf16, #tpu.memory_space<vmem>>, vector<32xbf16>,
        %get3A_1053 = arith.constant 0 : i32
        %get3A_1054 = arith.constant 49 : i32
        %get3A_1055 = arith.index_cast %get3A_1053 : i32 to index
        %get3A_1056 = arith.index_cast %scan3A_77 : i32 to index
        %get3A_1057 = arith.index_cast %get3A_1054 : i32 to index
        %get3A_1058 = arith.constant 0 : index
        %get3A_1059 = tpu.vector_load %arg6[%get3A_1055, %get3A_1056, %get3A_1057, %get3A_1058] {strides = array<i32>} : memref<2x32x50x16xi32, #tpu.memory_space<vmem>>, vector<16xi32>,
        %and3A_1060 = arith.constant 65535 : i32
        %and3A_1061 = vector.broadcast %and3A_1060 : i32 to vector<16xi32>
        %and3A_1062 = arith.andi %get3A_1059, %and3A_1061 : vector<16xi32>
        %shift_right_logical3A_1063 = arith.constant 16 : i32
        %shift_right_logical3A_1064 = vector.broadcast %shift_right_logical3A_1063 : i32 to vector<16xi32>
        %shift_right_logical3A_1065 = arith.shrui %get3A_1059, %shift_right_logical3A_1064 : vector<16xi32>
        %pack3A_1066 = tpu.pack_subelements %and3A_1062, %shift_right_logical3A_1065 {pack_format = #tpu.pack_format<interleaved>, positions = array<i32: 0, 1>} : vector<16xi32>, vector<16xi32> -> vector<32xi16>
        %bitcast3A_1067 = vector.bitcast %pack3A_1066 : vector<32xi16> to vector<32xbf16>
        %swap3A_1068 = arith.constant 49 : i32
        %swap3A_1069 = arith.index_cast %scan3A_77 : i32 to index
        %swap3A_1070 = arith.index_cast %swap3A_1068 : i32 to index
        %swap3A_1071 = arith.constant 0 : index
        %swap3A_1072 = tpu.vector_load %arg7[%swap3A_1069, %swap3A_1070, %swap3A_1071] {strides = array<i32>} : memref<32x50x32xbf16, #tpu.memory_space<vmem>>, vector<32xbf16>,
        tpu.vector_store %arg7[%swap3A_1069, %swap3A_1070, %swap3A_1071], %bitcast3A_1067 {strides = array<i32>} : memref<32x50x32xbf16, #tpu.memory_space<vmem>>, vector<32xbf16>,
        %scan3A_1073 = arith.constant 0 : i32
        scf.yield %scan3A_1073 : i32
      }
      %scan3A_42 = arith.constant 32 : i32
      %add3A_43 = arith.constant 2 : i32
      %add3A_44 = arith.addi %add3A_28, %add3A_43 : i32
      %lt3A = arith.constant 16 : i32
      %lt3A_45 = arith.cmpi slt, %add3A_44, %lt3A : i32
      %convert_element_type3A = arith.extui %lt3A_45 : i1 to i32
      %cond3A = arith.constant 0 : i32
      %cond3A_46 = arith.cmpi ne, %convert_element_type3A, %cond3A : i32
      scf.if %cond3A_46 {
        %add3A_77 = arith.constant 2 : i32
        %add3A_78 = arith.addi %add3A_28, %add3A_77 : i32
        %scan3A_79 = arith.constant 0 : i32
        %scan3A_80 = arith.constant 0 : i32
        %scan3A_81 = arith.constant 32 : i32
        %scan3A_82 = arith.addi %scan3A_80, %scan3A_81 : i32
        %scan3A_83 = arith.constant 1 : i32
        %scan3A_84 = scf.for %scan3A_86 = %scan3A_80 to %scan3A_82 step %scan3A_83 iter_args(%scan3A_87 = %scan3A_79) -> (i32)  : i32 {
          %mul3A_88 = arith.constant 32 : i32
          %mul3A_89 = arith.muli %add3A_78, %mul3A_88 : i32
          %add3A_90 = arith.addi %mul3A_89, %scan3A_86 : i32
          %dma_start3A = arith.constant 0 : i32
          %dma_start3A_91 = arith.constant 0 : i32
          %dma_start3A_92 = arith.constant 0 : i32
          %dma_start3A_93 = arith.constant 0 : i32
          %dma_start3A_94 = tpu.memref_slice %arg6[%dma_start3A, %dma_start3A_91, %dma_start3A_92, %dma_start3A_93] : memref<2x32x50x16xi32, #tpu.memory_space<vmem>> -> memref<1x32x50x16xi32, #tpu.memory_space<vmem>>
          %dma_start3A_95 = tpu.memref_squeeze %dma_start3A_94 : memref<1x32x50x16xi32, #tpu.memory_space<vmem>> -> memref<32x50x16xi32, #tpu.memory_space<vmem>>
          %dma_start3A_96 = arith.constant 0 : i32
          %dma_start3A_97 = arith.constant 0 : i32
          %dma_start3A_98 = tpu.memref_slice %dma_start3A_95[%scan3A_86, %dma_start3A_96, %dma_start3A_97] : memref<32x50x16xi32, #tpu.memory_space<vmem>> -> memref<1x50x16xi32, #tpu.memory_space<vmem>>
          %dma_start3A_99 = tpu.memref_squeeze %dma_start3A_98 : memref<1x50x16xi32, #tpu.memory_space<vmem>> -> memref<50x16xi32, #tpu.memory_space<vmem>>
          %dma_start3A_100 = arith.constant 0 : i32
          %dma_start3A_101 = tpu.memref_slice %arg5[%add3A_90, %dma_start3A_100] : memref<512x50xi32, #tpu.memory_space<vmem>> -> memref<1x50xi32, #tpu.memory_space<vmem>>
          %dma_start3A_102 = tpu.memref_squeeze %dma_start3A_101 : memref<1x50xi32, #tpu.memory_space<vmem>> -> memref<50xi32, #tpu.memory_space<vmem>>
          %dma_start3A_103 = arith.constant 0 : i32
          %dma_start3A_104 = arith.constant 0 : i32
          %dma_start3A_105 = tpu.memref_slice %arg3[%dma_start3A_103, %dma_start3A_104] : memref<1000000x16xi32, #tpu.memory_space<hbm>> -> memref<1000000x16xi32, #tpu.memory_space<hbm>>
          tpu.enqueue_indirect_dma source(%dma_start3A_105 : memref<1000000x16xi32, #tpu.memory_space<hbm>>) target(%dma_start3A_99 : memref<50x16xi32, #tpu.memory_space<vmem>>) offsets(%dma_start3A_102 : memref<50xi32, #tpu.memory_space<vmem>>) semaphore(%arg8 : memref<!tpu.dma_semaphore, #tpu.memory_space<semaphore_mem>>)
          %scan3A_106 = arith.constant 0 : i32
          scf.yield %scan3A_106 : i32
        }
        %scan3A_85 = arith.constant 32 : i32
      } else {
      }
      %mul3A_47 = arith.constant 32 : i32
      %mul3A_48 = arith.muli %add3A_28, %mul3A_47 : i32
      %add3A_49 = arith.addi %mul3A_2, %mul3A_48 : i32
      "tpu.region"() ({
        %run_scoped3A = tpu.sem_alloc : memref<!tpu.dma_semaphore, #tpu.memory_space<semaphore_mem>>
        %dma_start3A = arith.constant 0 : i32
        %dma_start3A_77 = arith.constant 0 : i32
        %dma_start3A_78 = tpu.memref_slice %arg4[%add3A_49, %dma_start3A, %dma_start3A_77] : memref<16384x50x32xbf16, #tpu.memory_space<hbm>> -> memref<32x50x32xbf16, #tpu.memory_space<hbm>>
        %dma_start3A_79 = arith.constant 0 : i32
        %dma_start3A_80 = arith.constant 0 : i32
        %dma_start3A_81 = tpu.memref_slice %arg4[%add3A_49, %dma_start3A_79, %dma_start3A_80] : memref<16384x50x32xbf16, #tpu.memory_space<hbm>> -> memref<32x50x32xbf16, #tpu.memory_space<hbm>>
        tpu.enqueue_dma source(%arg7 : memref<32x50x32xbf16, #tpu.memory_space<vmem>>) target(%dma_start3A_81 : memref<32x50x32xbf16, #tpu.memory_space<hbm>>) target_semaphore(%run_scoped3A : memref<!tpu.dma_semaphore, #tpu.memory_space<semaphore_mem>>)
        %dma_wait3A = arith.constant 0 : i32
        %dma_wait3A_82 = arith.constant 0 : i32
        %dma_wait3A_83 = tpu.memref_slice %arg4[%add3A_49, %dma_wait3A, %dma_wait3A_82] : memref<16384x50x32xbf16, #tpu.memory_space<hbm>> -> memref<32x50x32xbf16, #tpu.memory_space<hbm>>
        %dma_wait3A_84 = arith.constant 0 : i32
        %dma_wait3A_85 = arith.constant 0 : i32
        %dma_wait3A_86 = tpu.memref_slice %arg4[%add3A_49, %dma_wait3A_84, %dma_wait3A_85] : memref<16384x50x32xbf16, #tpu.memory_space<hbm>> -> memref<32x50x32xbf16, #tpu.memory_space<hbm>>
        tpu.wait_dma2 semaphore(%run_scoped3A : memref<!tpu.dma_semaphore, #tpu.memory_space<semaphore_mem>>) src(%arg7 : memref<32x50x32xbf16, #tpu.memory_space<vmem>>) dst(%dma_wait3A_86 : memref<32x50x32xbf16, #tpu.memory_space<hbm>>)
        tpu.yield
      }) : () -> ()
      %add3A_50 = arith.constant 1 : i32
      %add3A_51 = arith.addi %mul3A_26, %add3A_50 : i32
      %scan3A_52 = arith.constant 0 : i32
      %scan3A_53 = arith.constant 0 : i32
      %scan3A_54 = arith.constant 32 : i32
      %scan3A_55 = arith.addi %scan3A_53, %scan3A_54 : i32
      %scan3A_56 = arith.constant 1 : i32
      %scan3A_57 = scf.for %scan3A_77 = %scan3A_53 to %scan3A_55 step %scan3A_56 iter_args(%scan3A_78 = %scan3A_52) -> (i32)  : i32 {
        %mul3A_79 = arith.constant 32 : i32
        %mul3A_80 = arith.muli %add3A_51, %mul3A_79 : i32
        %add3A_81 = arith.addi %mul3A_80, %scan3A_77 : i32
        %dma_wait3A = arith.constant 1 : i32
        %dma_wait3A_82 = arith.constant 0 : i32
        %dma_wait3A_83 = arith.constant 0 : i32
        %dma_wait3A_84 = arith.constant 0 : i32
        %dma_wait3A_85 = tpu.memref_slice %arg6[%dma_wait3A, %dma_wait3A_82, %dma_wait3A_83, %dma_wait3A_84] : memref<2x32x50x16xi32, #tpu.memory_space<vmem>> -> memref<1x32x50x16xi32, #tpu.memory_space<vmem>>
        %dma_wait3A_86 = tpu.memref_squeeze %dma_wait3A_85 : memref<1x32x50x16xi32, #tpu.memory_space<vmem>> -> memref<32x50x16xi32, #tpu.memory_space<vmem>>
        %dma_wait3A_87 = arith.constant 0 : i32
        %dma_wait3A_88 = arith.constant 0 : i32
        %dma_wait3A_89 = tpu.memref_slice %dma_wait3A_86[%scan3A_77, %dma_wait3A_87, %dma_wait3A_88] : memref<32x50x16xi32, #tpu.memory_space<vmem>> -> memref<1x50x16xi32, #tpu.memory_space<vmem>>
        %dma_wait3A_90 = tpu.memref_squeeze %dma_wait3A_89 : memref<1x50x16xi32, #tpu.memory_space<vmem>> -> memref<50x16xi32, #tpu.memory_space<vmem>>
        %dma_wait3A_91 = arith.constant 0 : i32
        %dma_wait3A_92 = tpu.memref_slice %arg5[%add3A_81, %dma_wait3A_91] : memref<512x50xi32, #tpu.memory_space<vmem>> -> memref<1x50xi32, #tpu.memory_space<vmem>>
        %dma_wait3A_93 = tpu.memref_squeeze %dma_wait3A_92 : memref<1x50xi32, #tpu.memory_space<vmem>> -> memref<50xi32, #tpu.memory_space<vmem>>
        %dma_wait3A_94 = arith.constant 0 : i32
        %dma_wait3A_95 = arith.constant 0 : i32
        %dma_wait3A_96 = tpu.memref_slice %arg3[%dma_wait3A_94, %dma_wait3A_95] : memref<1000000x16xi32, #tpu.memory_space<hbm>> -> memref<1000000x16xi32, #tpu.memory_space<hbm>>
        tpu.wait_indirect_dma semaphore(%arg9 : memref<!tpu.dma_semaphore, #tpu.memory_space<semaphore_mem>>) src(%dma_wait3A_96 : memref<1000000x16xi32, #tpu.memory_space<hbm>>) dst(%dma_wait3A_90 : memref<50x16xi32, #tpu.memory_space<vmem>>)
        %scan3A_97 = arith.constant 0 : i32
        scf.yield %scan3A_97 : i32
      }
      %scan3A_58 = arith.constant 32 : i32
      %scan3A_59 = arith.constant 0 : i32
      %scan3A_60 = arith.constant 0 : i32
      %scan3A_61 = arith.constant 32 : i32
      %scan3A_62 = arith.addi %scan3A_60, %scan3A_61 : i32
      %scan3A_63 = arith.constant 1 : i32
      %scan3A_64 = scf.for %scan3A_77 = %scan3A_60 to %scan3A_62 step %scan3A_63 iter_args(%scan3A_78 = %scan3A_59) -> (i32)  : i32 {
        %get3A = arith.constant 1 : i32
        %get3A_79 = arith.constant 0 : i32
        %get3A_80 = arith.index_cast %get3A : i32 to index
        %get3A_81 = arith.index_cast %scan3A_77 : i32 to index
        %get3A_82 = arith.index_cast %get3A_79 : i32 to index
        %get3A_83 = arith.constant 0 : index
        %get3A_84 = tpu.vector_load %arg6[%get3A_80, %get3A_81, %get3A_82, %get3A_83] {strides = array<i32>} : memref<2x32x50x16xi32, #tpu.memory_space<vmem>>, vector<16xi32>,
        %and3A = arith.constant 65535 : i32
        %and3A_85 = vector.broadcast %and3A : i32 to vector<16xi32>
        %and3A_86 = arith.andi %get3A_84, %and3A_85 : vector<16xi32>
        %shift_right_logical3A = arith.constant 16 : i32
        %shift_right_logical3A_87 = vector.broadcast %shift_right_logical3A : i32 to vector<16xi32>
        %shift_right_logical3A_88 = arith.shrui %get3A_84, %shift_right_logical3A_87 : vector<16xi32>
        %pack3A = tpu.pack_subelements %and3A_86, %shift_right_logical3A_88 {pack_format = #tpu.pack_format<interleaved>, positions = array<i32: 0, 1>} : vector<16xi32>, vector<16xi32> -> vector<32xi16>
        %bitcast3A = vector.bitcast %pack3A : vector<32xi16> to vector<32xbf16>
        %swap3A = arith.constant 0 : i32
        %swap3A_89 = arith.index_cast %scan3A_77 : i32 to index
        %swap3A_90 = arith.index_cast %swap3A : i32 to index
        %swap3A_91 = arith.constant 0 : index
        %swap3A_92 = tpu.vector_load %arg7[%swap3A_89, %swap3A_90, %swap3A_91] {strides = array<i32>} : memref<32x50x32xbf16, #tpu.memory_space<vmem>>, vector<32xbf16>,
        tpu.vector_store %arg7[%swap3A_89, %swap3A_90, %swap3A_91], %bitcast3A {strides = array<i32>} : memref<32x50x32xbf16, #tpu.memory_space<vmem>>, vector<32xbf16>,
        %get3A_93 = arith.constant 1 : i32
        %get3A_94 = arith.constant 1 : i32
        %get3A_95 = arith.index_cast %get3A_93 : i32 to index
        %get3A_96 = arith.index_cast %scan3A_77 : i32 to index
        %get3A_97 = arith.index_cast %get3A_94 : i32 to index
        %get3A_98 = arith.constant 0 : index
        %get3A_99 = tpu.vector_load %arg6[%get3A_95, %get3A_96, %get3A_97, %get3A_98] {strides = array<i32>} : memref<2x32x50x16xi32, #tpu.memory_space<vmem>>, vector<16xi32>,
        %and3A_100 = arith.constant 65535 : i32
        %and3A_101 = vector.broadcast %and3A_100 : i32 to vector<16xi32>
        %and3A_102 = arith.andi %get3A_99, %and3A_101 : vector<16xi32>
        %shift_right_logical3A_103 = arith.constant 16 : i32
        %shift_right_logical3A_104 = vector.broadcast %shift_right_logical3A_103 : i32 to vector<16xi32>
        %shift_right_logical3A_105 = arith.shrui %get3A_99, %shift_right_logical3A_104 : vector<16xi32>
        %pack3A_106 = tpu.pack_subelements %and3A_102, %shift_right_logical3A_105 {pack_format = #tpu.pack_format<interleaved>, positions = array<i32: 0, 1>} : vector<16xi32>, vector<16xi32> -> vector<32xi16>
        %bitcast3A_107 = vector.bitcast %pack3A_106 : vector<32xi16> to vector<32xbf16>
        %swap3A_108 = arith.constant 1 : i32
        %swap3A_109 = arith.index_cast %scan3A_77 : i32 to index
        %swap3A_110 = arith.index_cast %swap3A_108 : i32 to index
        %swap3A_111 = arith.constant 0 : index
        %swap3A_112 = tpu.vector_load %arg7[%swap3A_109, %swap3A_110, %swap3A_111] {strides = array<i32>} : memref<32x50x32xbf16, #tpu.memory_space<vmem>>, vector<32xbf16>,
        tpu.vector_store %arg7[%swap3A_109, %swap3A_110, %swap3A_111], %bitcast3A_107 {strides = array<i32>} : memref<32x50x32xbf16, #tpu.memory_space<vmem>>, vector<32xbf16>,
        %get3A_113 = arith.constant 1 : i32
        %get3A_114 = arith.constant 2 : i32
        %get3A_115 = arith.index_cast %get3A_113 : i32 to index
        %get3A_116 = arith.index_cast %scan3A_77 : i32 to index
        %get3A_117 = arith.index_cast %get3A_114 : i32 to index
        %get3A_118 = arith.constant 0 : index
        %get3A_119 = tpu.vector_load %arg6[%get3A_115, %get3A_116, %get3A_117, %get3A_118] {strides = array<i32>} : memref<2x32x50x16xi32, #tpu.memory_space<vmem>>, vector<16xi32>,
        %and3A_120 = arith.constant 65535 : i32
        %and3A_121 = vector.broadcast %and3A_120 : i32 to vector<16xi32>
        %and3A_122 = arith.andi %get3A_119, %and3A_121 : vector<16xi32>
        %shift_right_logical3A_123 = arith.constant 16 : i32
        %shift_right_logical3A_124 = vector.broadcast %shift_right_logical3A_123 : i32 to vector<16xi32>
        %shift_right_logical3A_125 = arith.shrui %get3A_119, %shift_right_logical3A_124 : vector<16xi32>
        %pack3A_126 = tpu.pack_subelements %and3A_122, %shift_right_logical3A_125 {pack_format = #tpu.pack_format<interleaved>, positions = array<i32: 0, 1>} : vector<16xi32>, vector<16xi32> -> vector<32xi16>
        %bitcast3A_127 = vector.bitcast %pack3A_126 : vector<32xi16> to vector<32xbf16>
        %swap3A_128 = arith.constant 2 : i32
        %swap3A_129 = arith.index_cast %scan3A_77 : i32 to index
        %swap3A_130 = arith.index_cast %swap3A_128 : i32 to index
        %swap3A_131 = arith.constant 0 : index
        %swap3A_132 = tpu.vector_load %arg7[%swap3A_129, %swap3A_130, %swap3A_131] {strides = array<i32>} : memref<32x50x32xbf16, #tpu.memory_space<vmem>>, vector<32xbf16>,
        tpu.vector_store %arg7[%swap3A_129, %swap3A_130, %swap3A_131], %bitcast3A_127 {strides = array<i32>} : memref<32x50x32xbf16, #tpu.memory_space<vmem>>, vector<32xbf16>,
        %get3A_133 = arith.constant 1 : i32
        %get3A_134 = arith.constant 3 : i32
        %get3A_135 = arith.index_cast %get3A_133 : i32 to index
        %get3A_136 = arith.index_cast %scan3A_77 : i32 to index
        %get3A_137 = arith.index_cast %get3A_134 : i32 to index
        %get3A_138 = arith.constant 0 : index
        %get3A_139 = tpu.vector_load %arg6[%get3A_135, %get3A_136, %get3A_137, %get3A_138] {strides = array<i32>} : memref<2x32x50x16xi32, #tpu.memory_space<vmem>>, vector<16xi32>,
        %and3A_140 = arith.constant 65535 : i32
        %and3A_141 = vector.broadcast %and3A_140 : i32 to vector<16xi32>
        %and3A_142 = arith.andi %get3A_139, %and3A_141 : vector<16xi32>
        %shift_right_logical3A_143 = arith.constant 16 : i32
        %shift_right_logical3A_144 = vector.broadcast %shift_right_logical3A_143 : i32 to vector<16xi32>
        %shift_right_logical3A_145 = arith.shrui %get3A_139, %shift_right_logical3A_144 : vector<16xi32>
        %pack3A_146 = tpu.pack_subelements %and3A_142, %shift_right_logical3A_145 {pack_format = #tpu.pack_format<interleaved>, positions = array<i32: 0, 1>} : vector<16xi32>, vector<16xi32> -> vector<32xi16>
        %bitcast3A_147 = vector.bitcast %pack3A_146 : vector<32xi16> to vector<32xbf16>
        %swap3A_148 = arith.constant 3 : i32
        %swap3A_149 = arith.index_cast %scan3A_77 : i32 to index
        %swap3A_150 = arith.index_cast %swap3A_148 : i32 to index
        %swap3A_151 = arith.constant 0 : index
        %swap3A_152 = tpu.vector_load %arg7[%swap3A_149, %swap3A_150, %swap3A_151] {strides = array<i32>} : memref<32x50x32xbf16, #tpu.memory_space<vmem>>, vector<32xbf16>,
        tpu.vector_store %arg7[%swap3A_149, %swap3A_150, %swap3A_151], %bitcast3A_147 {strides = array<i32>} : memref<32x50x32xbf16, #tpu.memory_space<vmem>>, vector<32xbf16>,
        %get3A_153 = arith.constant 1 : i32
        %get3A_154 = arith.constant 4 : i32
        %get3A_155 = arith.index_cast %get3A_153 : i32 to index
        %get3A_156 = arith.index_cast %scan3A_77 : i32 to index
        %get3A_157 = arith.index_cast %get3A_154 : i32 to index
        %get3A_158 = arith.constant 0 : index
        %get3A_159 = tpu.vector_load %arg6[%get3A_155, %get3A_156, %get3A_157, %get3A_158] {strides = array<i32>} : memref<2x32x50x16xi32, #tpu.memory_space<vmem>>, vector<16xi32>,
        %and3A_160 = arith.constant 65535 : i32
        %and3A_161 = vector.broadcast %and3A_160 : i32 to vector<16xi32>
        %and3A_162 = arith.andi %get3A_159, %and3A_161 : vector<16xi32>
        %shift_right_logical3A_163 = arith.constant 16 : i32
        %shift_right_logical3A_164 = vector.broadcast %shift_right_logical3A_163 : i32 to vector<16xi32>
        %shift_right_logical3A_165 = arith.shrui %get3A_159, %shift_right_logical3A_164 : vector<16xi32>
        %pack3A_166 = tpu.pack_subelements %and3A_162, %shift_right_logical3A_165 {pack_format = #tpu.pack_format<interleaved>, positions = array<i32: 0, 1>} : vector<16xi32>, vector<16xi32> -> vector<32xi16>
        %bitcast3A_167 = vector.bitcast %pack3A_166 : vector<32xi16> to vector<32xbf16>
        %swap3A_168 = arith.constant 4 : i32
        %swap3A_169 = arith.index_cast %scan3A_77 : i32 to index
        %swap3A_170 = arith.index_cast %swap3A_168 : i32 to index
        %swap3A_171 = arith.constant 0 : index
        %swap3A_172 = tpu.vector_load %arg7[%swap3A_169, %swap3A_170, %swap3A_171] {strides = array<i32>} : memref<32x50x32xbf16, #tpu.memory_space<vmem>>, vector<32xbf16>,
        tpu.vector_store %arg7[%swap3A_169, %swap3A_170, %swap3A_171], %bitcast3A_167 {strides = array<i32>} : memref<32x50x32xbf16, #tpu.memory_space<vmem>>, vector<32xbf16>,
        %get3A_173 = arith.constant 1 : i32
        %get3A_174 = arith.constant 5 : i32
        %get3A_175 = arith.index_cast %get3A_173 : i32 to index
        %get3A_176 = arith.index_cast %scan3A_77 : i32 to index
        %get3A_177 = arith.index_cast %get3A_174 : i32 to index
        %get3A_178 = arith.constant 0 : index
        %get3A_179 = tpu.vector_load %arg6[%get3A_175, %get3A_176, %get3A_177, %get3A_178] {strides = array<i32>} : memref<2x32x50x16xi32, #tpu.memory_space<vmem>>, vector<16xi32>,
        %and3A_180 = arith.constant 65535 : i32
        %and3A_181 = vector.broadcast %and3A_180 : i32 to vector<16xi32>
        %and3A_182 = arith.andi %get3A_179, %and3A_181 : vector<16xi32>
        %shift_right_logical3A_183 = arith.constant 16 : i32
        %shift_right_logical3A_184 = vector.broadcast %shift_right_logical3A_183 : i32 to vector<16xi32>
        %shift_right_logical3A_185 = arith.shrui %get3A_179, %shift_right_logical3A_184 : vector<16xi32>
        %pack3A_186 = tpu.pack_subelements %and3A_182, %shift_right_logical3A_185 {pack_format = #tpu.pack_format<interleaved>, positions = array<i32: 0, 1>} : vector<16xi32>, vector<16xi32> -> vector<32xi16>
        %bitcast3A_187 = vector.bitcast %pack3A_186 : vector<32xi16> to vector<32xbf16>
        %swap3A_188 = arith.constant 5 : i32
        %swap3A_189 = arith.index_cast %scan3A_77 : i32 to index
        %swap3A_190 = arith.index_cast %swap3A_188 : i32 to index
        %swap3A_191 = arith.constant 0 : index
        %swap3A_192 = tpu.vector_load %arg7[%swap3A_189, %swap3A_190, %swap3A_191] {strides = array<i32>} : memref<32x50x32xbf16, #tpu.memory_space<vmem>>, vector<32xbf16>,
        tpu.vector_store %arg7[%swap3A_189, %swap3A_190, %swap3A_191], %bitcast3A_187 {strides = array<i32>} : memref<32x50x32xbf16, #tpu.memory_space<vmem>>, vector<32xbf16>,
        %get3A_193 = arith.constant 1 : i32
        %get3A_194 = arith.constant 6 : i32
        %get3A_195 = arith.index_cast %get3A_193 : i32 to index
        %get3A_196 = arith.index_cast %scan3A_77 : i32 to index
        %get3A_197 = arith.index_cast %get3A_194 : i32 to index
        %get3A_198 = arith.constant 0 : index
        %get3A_199 = tpu.vector_load %arg6[%get3A_195, %get3A_196, %get3A_197, %get3A_198] {strides = array<i32>} : memref<2x32x50x16xi32, #tpu.memory_space<vmem>>, vector<16xi32>,
        %and3A_200 = arith.constant 65535 : i32
        %and3A_201 = vector.broadcast %and3A_200 : i32 to vector<16xi32>
        %and3A_202 = arith.andi %get3A_199, %and3A_201 : vector<16xi32>
        %shift_right_logical3A_203 = arith.constant 16 : i32
        %shift_right_logical3A_204 = vector.broadcast %shift_right_logical3A_203 : i32 to vector<16xi32>
        %shift_right_logical3A_205 = arith.shrui %get3A_199, %shift_right_logical3A_204 : vector<16xi32>
        %pack3A_206 = tpu.pack_subelements %and3A_202, %shift_right_logical3A_205 {pack_format = #tpu.pack_format<interleaved>, positions = array<i32: 0, 1>} : vector<16xi32>, vector<16xi32> -> vector<32xi16>
        %bitcast3A_207 = vector.bitcast %pack3A_206 : vector<32xi16> to vector<32xbf16>
        %swap3A_208 = arith.constant 6 : i32
        %swap3A_209 = arith.index_cast %scan3A_77 : i32 to index
        %swap3A_210 = arith.index_cast %swap3A_208 : i32 to index
        %swap3A_211 = arith.constant 0 : index
        %swap3A_212 = tpu.vector_load %arg7[%swap3A_209, %swap3A_210, %swap3A_211] {strides = array<i32>} : memref<32x50x32xbf16, #tpu.memory_space<vmem>>, vector<32xbf16>,
        tpu.vector_store %arg7[%swap3A_209, %swap3A_210, %swap3A_211], %bitcast3A_207 {strides = array<i32>} : memref<32x50x32xbf16, #tpu.memory_space<vmem>>, vector<32xbf16>,
        %get3A_213 = arith.constant 1 : i32
        %get3A_214 = arith.constant 7 : i32
        %get3A_215 = arith.index_cast %get3A_213 : i32 to index
        %get3A_216 = arith.index_cast %scan3A_77 : i32 to index
        %get3A_217 = arith.index_cast %get3A_214 : i32 to index
        %get3A_218 = arith.constant 0 : index
        %get3A_219 = tpu.vector_load %arg6[%get3A_215, %get3A_216, %get3A_217, %get3A_218] {strides = array<i32>} : memref<2x32x50x16xi32, #tpu.memory_space<vmem>>, vector<16xi32>,
        %and3A_220 = arith.constant 65535 : i32
        %and3A_221 = vector.broadcast %and3A_220 : i32 to vector<16xi32>
        %and3A_222 = arith.andi %get3A_219, %and3A_221 : vector<16xi32>
        %shift_right_logical3A_223 = arith.constant 16 : i32
        %shift_right_logical3A_224 = vector.broadcast %shift_right_logical3A_223 : i32 to vector<16xi32>
        %shift_right_logical3A_225 = arith.shrui %get3A_219, %shift_right_logical3A_224 : vector<16xi32>
        %pack3A_226 = tpu.pack_subelements %and3A_222, %shift_right_logical3A_225 {pack_format = #tpu.pack_format<interleaved>, positions = array<i32: 0, 1>} : vector<16xi32>, vector<16xi32> -> vector<32xi16>
        %bitcast3A_227 = vector.bitcast %pack3A_226 : vector<32xi16> to vector<32xbf16>
        %swap3A_228 = arith.constant 7 : i32
        %swap3A_229 = arith.index_cast %scan3A_77 : i32 to index
        %swap3A_230 = arith.index_cast %swap3A_228 : i32 to index
        %swap3A_231 = arith.constant 0 : index
        %swap3A_232 = tpu.vector_load %arg7[%swap3A_229, %swap3A_230, %swap3A_231] {strides = array<i32>} : memref<32x50x32xbf16, #tpu.memory_space<vmem>>, vector<32xbf16>,
        tpu.vector_store %arg7[%swap3A_229, %swap3A_230, %swap3A_231], %bitcast3A_227 {strides = array<i32>} : memref<32x50x32xbf16, #tpu.memory_space<vmem>>, vector<32xbf16>,
        %get3A_233 = arith.constant 1 : i32
        %get3A_234 = arith.constant 8 : i32
        %get3A_235 = arith.index_cast %get3A_233 : i32 to index
        %get3A_236 = arith.index_cast %scan3A_77 : i32 to index
        %get3A_237 = arith.index_cast %get3A_234 : i32 to index
        %get3A_238 = arith.constant 0 : index
        %get3A_239 = tpu.vector_load %arg6[%get3A_235, %get3A_236, %get3A_237, %get3A_238] {strides = array<i32>} : memref<2x32x50x16xi32, #tpu.memory_space<vmem>>, vector<16xi32>,
        %and3A_240 = arith.constant 65535 : i32
        %and3A_241 = vector.broadcast %and3A_240 : i32 to vector<16xi32>
        %and3A_242 = arith.andi %get3A_239, %and3A_241 : vector<16xi32>
        %shift_right_logical3A_243 = arith.constant 16 : i32
        %shift_right_logical3A_244 = vector.broadcast %shift_right_logical3A_243 : i32 to vector<16xi32>
        %shift_right_logical3A_245 = arith.shrui %get3A_239, %shift_right_logical3A_244 : vector<16xi32>
        %pack3A_246 = tpu.pack_subelements %and3A_242, %shift_right_logical3A_245 {pack_format = #tpu.pack_format<interleaved>, positions = array<i32: 0, 1>} : vector<16xi32>, vector<16xi32> -> vector<32xi16>
        %bitcast3A_247 = vector.bitcast %pack3A_246 : vector<32xi16> to vector<32xbf16>
        %swap3A_248 = arith.constant 8 : i32
        %swap3A_249 = arith.index_cast %scan3A_77 : i32 to index
        %swap3A_250 = arith.index_cast %swap3A_248 : i32 to index
        %swap3A_251 = arith.constant 0 : index
        %swap3A_252 = tpu.vector_load %arg7[%swap3A_249, %swap3A_250, %swap3A_251] {strides = array<i32>} : memref<32x50x32xbf16, #tpu.memory_space<vmem>>, vector<32xbf16>,
        tpu.vector_store %arg7[%swap3A_249, %swap3A_250, %swap3A_251], %bitcast3A_247 {strides = array<i32>} : memref<32x50x32xbf16, #tpu.memory_space<vmem>>, vector<32xbf16>,
        %get3A_253 = arith.constant 1 : i32
        %get3A_254 = arith.constant 9 : i32
        %get3A_255 = arith.index_cast %get3A_253 : i32 to index
        %get3A_256 = arith.index_cast %scan3A_77 : i32 to index
        %get3A_257 = arith.index_cast %get3A_254 : i32 to index
        %get3A_258 = arith.constant 0 : index
        %get3A_259 = tpu.vector_load %arg6[%get3A_255, %get3A_256, %get3A_257, %get3A_258] {strides = array<i32>} : memref<2x32x50x16xi32, #tpu.memory_space<vmem>>, vector<16xi32>,
        %and3A_260 = arith.constant 65535 : i32
        %and3A_261 = vector.broadcast %and3A_260 : i32 to vector<16xi32>
        %and3A_262 = arith.andi %get3A_259, %and3A_261 : vector<16xi32>
        %shift_right_logical3A_263 = arith.constant 16 : i32
        %shift_right_logical3A_264 = vector.broadcast %shift_right_logical3A_263 : i32 to vector<16xi32>
        %shift_right_logical3A_265 = arith.shrui %get3A_259, %shift_right_logical3A_264 : vector<16xi32>
        %pack3A_266 = tpu.pack_subelements %and3A_262, %shift_right_logical3A_265 {pack_format = #tpu.pack_format<interleaved>, positions = array<i32: 0, 1>} : vector<16xi32>, vector<16xi32> -> vector<32xi16>
        %bitcast3A_267 = vector.bitcast %pack3A_266 : vector<32xi16> to vector<32xbf16>
        %swap3A_268 = arith.constant 9 : i32
        %swap3A_269 = arith.index_cast %scan3A_77 : i32 to index
        %swap3A_270 = arith.index_cast %swap3A_268 : i32 to index
        %swap3A_271 = arith.constant 0 : index
        %swap3A_272 = tpu.vector_load %arg7[%swap3A_269, %swap3A_270, %swap3A_271] {strides = array<i32>} : memref<32x50x32xbf16, #tpu.memory_space<vmem>>, vector<32xbf16>,
        tpu.vector_store %arg7[%swap3A_269, %swap3A_270, %swap3A_271], %bitcast3A_267 {strides = array<i32>} : memref<32x50x32xbf16, #tpu.memory_space<vmem>>, vector<32xbf16>,
        %get3A_273 = arith.constant 1 : i32
        %get3A_274 = arith.constant 10 : i32
        %get3A_275 = arith.index_cast %get3A_273 : i32 to index
        %get3A_276 = arith.index_cast %scan3A_77 : i32 to index
        %get3A_277 = arith.index_cast %get3A_274 : i32 to index
        %get3A_278 = arith.constant 0 : index
        %get3A_279 = tpu.vector_load %arg6[%get3A_275, %get3A_276, %get3A_277, %get3A_278] {strides = array<i32>} : memref<2x32x50x16xi32, #tpu.memory_space<vmem>>, vector<16xi32>,
        %and3A_280 = arith.constant 65535 : i32
        %and3A_281 = vector.broadcast %and3A_280 : i32 to vector<16xi32>
        %and3A_282 = arith.andi %get3A_279, %and3A_281 : vector<16xi32>
        %shift_right_logical3A_283 = arith.constant 16 : i32
        %shift_right_logical3A_284 = vector.broadcast %shift_right_logical3A_283 : i32 to vector<16xi32>
        %shift_right_logical3A_285 = arith.shrui %get3A_279, %shift_right_logical3A_284 : vector<16xi32>
        %pack3A_286 = tpu.pack_subelements %and3A_282, %shift_right_logical3A_285 {pack_format = #tpu.pack_format<interleaved>, positions = array<i32: 0, 1>} : vector<16xi32>, vector<16xi32> -> vector<32xi16>
        %bitcast3A_287 = vector.bitcast %pack3A_286 : vector<32xi16> to vector<32xbf16>
        %swap3A_288 = arith.constant 10 : i32
        %swap3A_289 = arith.index_cast %scan3A_77 : i32 to index
        %swap3A_290 = arith.index_cast %swap3A_288 : i32 to index
        %swap3A_291 = arith.constant 0 : index
        %swap3A_292 = tpu.vector_load %arg7[%swap3A_289, %swap3A_290, %swap3A_291] {strides = array<i32>} : memref<32x50x32xbf16, #tpu.memory_space<vmem>>, vector<32xbf16>,
        tpu.vector_store %arg7[%swap3A_289, %swap3A_290, %swap3A_291], %bitcast3A_287 {strides = array<i32>} : memref<32x50x32xbf16, #tpu.memory_space<vmem>>, vector<32xbf16>,
        %get3A_293 = arith.constant 1 : i32
        %get3A_294 = arith.constant 11 : i32
        %get3A_295 = arith.index_cast %get3A_293 : i32 to index
        %get3A_296 = arith.index_cast %scan3A_77 : i32 to index
        %get3A_297 = arith.index_cast %get3A_294 : i32 to index
        %get3A_298 = arith.constant 0 : index
        %get3A_299 = tpu.vector_load %arg6[%get3A_295, %get3A_296, %get3A_297, %get3A_298] {strides = array<i32>} : memref<2x32x50x16xi32, #tpu.memory_space<vmem>>, vector<16xi32>,
        %and3A_300 = arith.constant 65535 : i32
        %and3A_301 = vector.broadcast %and3A_300 : i32 to vector<16xi32>
        %and3A_302 = arith.andi %get3A_299, %and3A_301 : vector<16xi32>
        %shift_right_logical3A_303 = arith.constant 16 : i32
        %shift_right_logical3A_304 = vector.broadcast %shift_right_logical3A_303 : i32 to vector<16xi32>
        %shift_right_logical3A_305 = arith.shrui %get3A_299, %shift_right_logical3A_304 : vector<16xi32>
        %pack3A_306 = tpu.pack_subelements %and3A_302, %shift_right_logical3A_305 {pack_format = #tpu.pack_format<interleaved>, positions = array<i32: 0, 1>} : vector<16xi32>, vector<16xi32> -> vector<32xi16>
        %bitcast3A_307 = vector.bitcast %pack3A_306 : vector<32xi16> to vector<32xbf16>
        %swap3A_308 = arith.constant 11 : i32
        %swap3A_309 = arith.index_cast %scan3A_77 : i32 to index
        %swap3A_310 = arith.index_cast %swap3A_308 : i32 to index
        %swap3A_311 = arith.constant 0 : index
        %swap3A_312 = tpu.vector_load %arg7[%swap3A_309, %swap3A_310, %swap3A_311] {strides = array<i32>} : memref<32x50x32xbf16, #tpu.memory_space<vmem>>, vector<32xbf16>,
        tpu.vector_store %arg7[%swap3A_309, %swap3A_310, %swap3A_311], %bitcast3A_307 {strides = array<i32>} : memref<32x50x32xbf16, #tpu.memory_space<vmem>>, vector<32xbf16>,
        %get3A_313 = arith.constant 1 : i32
        %get3A_314 = arith.constant 12 : i32
        %get3A_315 = arith.index_cast %get3A_313 : i32 to index
        %get3A_316 = arith.index_cast %scan3A_77 : i32 to index
        %get3A_317 = arith.index_cast %get3A_314 : i32 to index
        %get3A_318 = arith.constant 0 : index
        %get3A_319 = tpu.vector_load %arg6[%get3A_315, %get3A_316, %get3A_317, %get3A_318] {strides = array<i32>} : memref<2x32x50x16xi32, #tpu.memory_space<vmem>>, vector<16xi32>,
        %and3A_320 = arith.constant 65535 : i32
        %and3A_321 = vector.broadcast %and3A_320 : i32 to vector<16xi32>
        %and3A_322 = arith.andi %get3A_319, %and3A_321 : vector<16xi32>
        %shift_right_logical3A_323 = arith.constant 16 : i32
        %shift_right_logical3A_324 = vector.broadcast %shift_right_logical3A_323 : i32 to vector<16xi32>
        %shift_right_logical3A_325 = arith.shrui %get3A_319, %shift_right_logical3A_324 : vector<16xi32>
        %pack3A_326 = tpu.pack_subelements %and3A_322, %shift_right_logical3A_325 {pack_format = #tpu.pack_format<interleaved>, positions = array<i32: 0, 1>} : vector<16xi32>, vector<16xi32> -> vector<32xi16>
        %bitcast3A_327 = vector.bitcast %pack3A_326 : vector<32xi16> to vector<32xbf16>
        %swap3A_328 = arith.constant 12 : i32
        %swap3A_329 = arith.index_cast %scan3A_77 : i32 to index
        %swap3A_330 = arith.index_cast %swap3A_328 : i32 to index
        %swap3A_331 = arith.constant 0 : index
        %swap3A_332 = tpu.vector_load %arg7[%swap3A_329, %swap3A_330, %swap3A_331] {strides = array<i32>} : memref<32x50x32xbf16, #tpu.memory_space<vmem>>, vector<32xbf16>,
        tpu.vector_store %arg7[%swap3A_329, %swap3A_330, %swap3A_331], %bitcast3A_327 {strides = array<i32>} : memref<32x50x32xbf16, #tpu.memory_space<vmem>>, vector<32xbf16>,
        %get3A_333 = arith.constant 1 : i32
        %get3A_334 = arith.constant 13 : i32
        %get3A_335 = arith.index_cast %get3A_333 : i32 to index
        %get3A_336 = arith.index_cast %scan3A_77 : i32 to index
        %get3A_337 = arith.index_cast %get3A_334 : i32 to index
        %get3A_338 = arith.constant 0 : index
        %get3A_339 = tpu.vector_load %arg6[%get3A_335, %get3A_336, %get3A_337, %get3A_338] {strides = array<i32>} : memref<2x32x50x16xi32, #tpu.memory_space<vmem>>, vector<16xi32>,
        %and3A_340 = arith.constant 65535 : i32
        %and3A_341 = vector.broadcast %and3A_340 : i32 to vector<16xi32>
        %and3A_342 = arith.andi %get3A_339, %and3A_341 : vector<16xi32>
        %shift_right_logical3A_343 = arith.constant 16 : i32
        %shift_right_logical3A_344 = vector.broadcast %shift_right_logical3A_343 : i32 to vector<16xi32>
        %shift_right_logical3A_345 = arith.shrui %get3A_339, %shift_right_logical3A_344 : vector<16xi32>
        %pack3A_346 = tpu.pack_subelements %and3A_342, %shift_right_logical3A_345 {pack_format = #tpu.pack_format<interleaved>, positions = array<i32: 0, 1>} : vector<16xi32>, vector<16xi32> -> vector<32xi16>
        %bitcast3A_347 = vector.bitcast %pack3A_346 : vector<32xi16> to vector<32xbf16>
        %swap3A_348 = arith.constant 13 : i32
        %swap3A_349 = arith.index_cast %scan3A_77 : i32 to index
        %swap3A_350 = arith.index_cast %swap3A_348 : i32 to index
        %swap3A_351 = arith.constant 0 : index
        %swap3A_352 = tpu.vector_load %arg7[%swap3A_349, %swap3A_350, %swap3A_351] {strides = array<i32>} : memref<32x50x32xbf16, #tpu.memory_space<vmem>>, vector<32xbf16>,
        tpu.vector_store %arg7[%swap3A_349, %swap3A_350, %swap3A_351], %bitcast3A_347 {strides = array<i32>} : memref<32x50x32xbf16, #tpu.memory_space<vmem>>, vector<32xbf16>,
        %get3A_353 = arith.constant 1 : i32
        %get3A_354 = arith.constant 14 : i32
        %get3A_355 = arith.index_cast %get3A_353 : i32 to index
        %get3A_356 = arith.index_cast %scan3A_77 : i32 to index
        %get3A_357 = arith.index_cast %get3A_354 : i32 to index
        %get3A_358 = arith.constant 0 : index
        %get3A_359 = tpu.vector_load %arg6[%get3A_355, %get3A_356, %get3A_357, %get3A_358] {strides = array<i32>} : memref<2x32x50x16xi32, #tpu.memory_space<vmem>>, vector<16xi32>,
        %and3A_360 = arith.constant 65535 : i32
        %and3A_361 = vector.broadcast %and3A_360 : i32 to vector<16xi32>
        %and3A_362 = arith.andi %get3A_359, %and3A_361 : vector<16xi32>
        %shift_right_logical3A_363 = arith.constant 16 : i32
        %shift_right_logical3A_364 = vector.broadcast %shift_right_logical3A_363 : i32 to vector<16xi32>
        %shift_right_logical3A_365 = arith.shrui %get3A_359, %shift_right_logical3A_364 : vector<16xi32>
        %pack3A_366 = tpu.pack_subelements %and3A_362, %shift_right_logical3A_365 {pack_format = #tpu.pack_format<interleaved>, positions = array<i32: 0, 1>} : vector<16xi32>, vector<16xi32> -> vector<32xi16>
        %bitcast3A_367 = vector.bitcast %pack3A_366 : vector<32xi16> to vector<32xbf16>
        %swap3A_368 = arith.constant 14 : i32
        %swap3A_369 = arith.index_cast %scan3A_77 : i32 to index
        %swap3A_370 = arith.index_cast %swap3A_368 : i32 to index
        %swap3A_371 = arith.constant 0 : index
        %swap3A_372 = tpu.vector_load %arg7[%swap3A_369, %swap3A_370, %swap3A_371] {strides = array<i32>} : memref<32x50x32xbf16, #tpu.memory_space<vmem>>, vector<32xbf16>,
        tpu.vector_store %arg7[%swap3A_369, %swap3A_370, %swap3A_371], %bitcast3A_367 {strides = array<i32>} : memref<32x50x32xbf16, #tpu.memory_space<vmem>>, vector<32xbf16>,
        %get3A_373 = arith.constant 1 : i32
        %get3A_374 = arith.constant 15 : i32
        %get3A_375 = arith.index_cast %get3A_373 : i32 to index
        %get3A_376 = arith.index_cast %scan3A_77 : i32 to index
        %get3A_377 = arith.index_cast %get3A_374 : i32 to index
        %get3A_378 = arith.constant 0 : index
        %get3A_379 = tpu.vector_load %arg6[%get3A_375, %get3A_376, %get3A_377, %get3A_378] {strides = array<i32>} : memref<2x32x50x16xi32, #tpu.memory_space<vmem>>, vector<16xi32>,
        %and3A_380 = arith.constant 65535 : i32
        %and3A_381 = vector.broadcast %and3A_380 : i32 to vector<16xi32>
        %and3A_382 = arith.andi %get3A_379, %and3A_381 : vector<16xi32>
        %shift_right_logical3A_383 = arith.constant 16 : i32
        %shift_right_logical3A_384 = vector.broadcast %shift_right_logical3A_383 : i32 to vector<16xi32>
        %shift_right_logical3A_385 = arith.shrui %get3A_379, %shift_right_logical3A_384 : vector<16xi32>
        %pack3A_386 = tpu.pack_subelements %and3A_382, %shift_right_logical3A_385 {pack_format = #tpu.pack_format<interleaved>, positions = array<i32: 0, 1>} : vector<16xi32>, vector<16xi32> -> vector<32xi16>
        %bitcast3A_387 = vector.bitcast %pack3A_386 : vector<32xi16> to vector<32xbf16>
        %swap3A_388 = arith.constant 15 : i32
        %swap3A_389 = arith.index_cast %scan3A_77 : i32 to index
        %swap3A_390 = arith.index_cast %swap3A_388 : i32 to index
        %swap3A_391 = arith.constant 0 : index
        %swap3A_392 = tpu.vector_load %arg7[%swap3A_389, %swap3A_390, %swap3A_391] {strides = array<i32>} : memref<32x50x32xbf16, #tpu.memory_space<vmem>>, vector<32xbf16>,
        tpu.vector_store %arg7[%swap3A_389, %swap3A_390, %swap3A_391], %bitcast3A_387 {strides = array<i32>} : memref<32x50x32xbf16, #tpu.memory_space<vmem>>, vector<32xbf16>,
        %get3A_393 = arith.constant 1 : i32
        %get3A_394 = arith.constant 16 : i32
        %get3A_395 = arith.index_cast %get3A_393 : i32 to index
        %get3A_396 = arith.index_cast %scan3A_77 : i32 to index
        %get3A_397 = arith.index_cast %get3A_394 : i32 to index
        %get3A_398 = arith.constant 0 : index
        %get3A_399 = tpu.vector_load %arg6[%get3A_395, %get3A_396, %get3A_397, %get3A_398] {strides = array<i32>} : memref<2x32x50x16xi32, #tpu.memory_space<vmem>>, vector<16xi32>,
        %and3A_400 = arith.constant 65535 : i32
        %and3A_401 = vector.broadcast %and3A_400 : i32 to vector<16xi32>
        %and3A_402 = arith.andi %get3A_399, %and3A_401 : vector<16xi32>
        %shift_right_logical3A_403 = arith.constant 16 : i32
        %shift_right_logical3A_404 = vector.broadcast %shift_right_logical3A_403 : i32 to vector<16xi32>
        %shift_right_logical3A_405 = arith.shrui %get3A_399, %shift_right_logical3A_404 : vector<16xi32>
        %pack3A_406 = tpu.pack_subelements %and3A_402, %shift_right_logical3A_405 {pack_format = #tpu.pack_format<interleaved>, positions = array<i32: 0, 1>} : vector<16xi32>, vector<16xi32> -> vector<32xi16>
        %bitcast3A_407 = vector.bitcast %pack3A_406 : vector<32xi16> to vector<32xbf16>
        %swap3A_408 = arith.constant 16 : i32
        %swap3A_409 = arith.index_cast %scan3A_77 : i32 to index
        %swap3A_410 = arith.index_cast %swap3A_408 : i32 to index
        %swap3A_411 = arith.constant 0 : index
        %swap3A_412 = tpu.vector_load %arg7[%swap3A_409, %swap3A_410, %swap3A_411] {strides = array<i32>} : memref<32x50x32xbf16, #tpu.memory_space<vmem>>, vector<32xbf16>,
        tpu.vector_store %arg7[%swap3A_409, %swap3A_410, %swap3A_411], %bitcast3A_407 {strides = array<i32>} : memref<32x50x32xbf16, #tpu.memory_space<vmem>>, vector<32xbf16>,
        %get3A_413 = arith.constant 1 : i32
        %get3A_414 = arith.constant 17 : i32
        %get3A_415 = arith.index_cast %get3A_413 : i32 to index
        %get3A_416 = arith.index_cast %scan3A_77 : i32 to index
        %get3A_417 = arith.index_cast %get3A_414 : i32 to index
        %get3A_418 = arith.constant 0 : index
        %get3A_419 = tpu.vector_load %arg6[%get3A_415, %get3A_416, %get3A_417, %get3A_418] {strides = array<i32>} : memref<2x32x50x16xi32, #tpu.memory_space<vmem>>, vector<16xi32>,
        %and3A_420 = arith.constant 65535 : i32
        %and3A_421 = vector.broadcast %and3A_420 : i32 to vector<16xi32>
        %and3A_422 = arith.andi %get3A_419, %and3A_421 : vector<16xi32>
        %shift_right_logical3A_423 = arith.constant 16 : i32
        %shift_right_logical3A_424 = vector.broadcast %shift_right_logical3A_423 : i32 to vector<16xi32>
        %shift_right_logical3A_425 = arith.shrui %get3A_419, %shift_right_logical3A_424 : vector<16xi32>
        %pack3A_426 = tpu.pack_subelements %and3A_422, %shift_right_logical3A_425 {pack_format = #tpu.pack_format<interleaved>, positions = array<i32: 0, 1>} : vector<16xi32>, vector<16xi32> -> vector<32xi16>
        %bitcast3A_427 = vector.bitcast %pack3A_426 : vector<32xi16> to vector<32xbf16>
        %swap3A_428 = arith.constant 17 : i32
        %swap3A_429 = arith.index_cast %scan3A_77 : i32 to index
        %swap3A_430 = arith.index_cast %swap3A_428 : i32 to index
        %swap3A_431 = arith.constant 0 : index
        %swap3A_432 = tpu.vector_load %arg7[%swap3A_429, %swap3A_430, %swap3A_431] {strides = array<i32>} : memref<32x50x32xbf16, #tpu.memory_space<vmem>>, vector<32xbf16>,
        tpu.vector_store %arg7[%swap3A_429, %swap3A_430, %swap3A_431], %bitcast3A_427 {strides = array<i32>} : memref<32x50x32xbf16, #tpu.memory_space<vmem>>, vector<32xbf16>,
        %get3A_433 = arith.constant 1 : i32
        %get3A_434 = arith.constant 18 : i32
        %get3A_435 = arith.index_cast %get3A_433 : i32 to index
        %get3A_436 = arith.index_cast %scan3A_77 : i32 to index
        %get3A_437 = arith.index_cast %get3A_434 : i32 to index
        %get3A_438 = arith.constant 0 : index
        %get3A_439 = tpu.vector_load %arg6[%get3A_435, %get3A_436, %get3A_437, %get3A_438] {strides = array<i32>} : memref<2x32x50x16xi32, #tpu.memory_space<vmem>>, vector<16xi32>,
        %and3A_440 = arith.constant 65535 : i32
        %and3A_441 = vector.broadcast %and3A_440 : i32 to vector<16xi32>
        %and3A_442 = arith.andi %get3A_439, %and3A_441 : vector<16xi32>
        %shift_right_logical3A_443 = arith.constant 16 : i32
        %shift_right_logical3A_444 = vector.broadcast %shift_right_logical3A_443 : i32 to vector<16xi32>
        %shift_right_logical3A_445 = arith.shrui %get3A_439, %shift_right_logical3A_444 : vector<16xi32>
        %pack3A_446 = tpu.pack_subelements %and3A_442, %shift_right_logical3A_445 {pack_format = #tpu.pack_format<interleaved>, positions = array<i32: 0, 1>} : vector<16xi32>, vector<16xi32> -> vector<32xi16>
        %bitcast3A_447 = vector.bitcast %pack3A_446 : vector<32xi16> to vector<32xbf16>
        %swap3A_448 = arith.constant 18 : i32
        %swap3A_449 = arith.index_cast %scan3A_77 : i32 to index
        %swap3A_450 = arith.index_cast %swap3A_448 : i32 to index
        %swap3A_451 = arith.constant 0 : index
        %swap3A_452 = tpu.vector_load %arg7[%swap3A_449, %swap3A_450, %swap3A_451] {strides = array<i32>} : memref<32x50x32xbf16, #tpu.memory_space<vmem>>, vector<32xbf16>,
        tpu.vector_store %arg7[%swap3A_449, %swap3A_450, %swap3A_451], %bitcast3A_447 {strides = array<i32>} : memref<32x50x32xbf16, #tpu.memory_space<vmem>>, vector<32xbf16>,
        %get3A_453 = arith.constant 1 : i32
        %get3A_454 = arith.constant 19 : i32
        %get3A_455 = arith.index_cast %get3A_453 : i32 to index
        %get3A_456 = arith.index_cast %scan3A_77 : i32 to index
        %get3A_457 = arith.index_cast %get3A_454 : i32 to index
        %get3A_458 = arith.constant 0 : index
        %get3A_459 = tpu.vector_load %arg6[%get3A_455, %get3A_456, %get3A_457, %get3A_458] {strides = array<i32>} : memref<2x32x50x16xi32, #tpu.memory_space<vmem>>, vector<16xi32>,
        %and3A_460 = arith.constant 65535 : i32
        %and3A_461 = vector.broadcast %and3A_460 : i32 to vector<16xi32>
        %and3A_462 = arith.andi %get3A_459, %and3A_461 : vector<16xi32>
        %shift_right_logical3A_463 = arith.constant 16 : i32
        %shift_right_logical3A_464 = vector.broadcast %shift_right_logical3A_463 : i32 to vector<16xi32>
        %shift_right_logical3A_465 = arith.shrui %get3A_459, %shift_right_logical3A_464 : vector<16xi32>
        %pack3A_466 = tpu.pack_subelements %and3A_462, %shift_right_logical3A_465 {pack_format = #tpu.pack_format<interleaved>, positions = array<i32: 0, 1>} : vector<16xi32>, vector<16xi32> -> vector<32xi16>
        %bitcast3A_467 = vector.bitcast %pack3A_466 : vector<32xi16> to vector<32xbf16>
        %swap3A_468 = arith.constant 19 : i32
        %swap3A_469 = arith.index_cast %scan3A_77 : i32 to index
        %swap3A_470 = arith.index_cast %swap3A_468 : i32 to index
        %swap3A_471 = arith.constant 0 : index
        %swap3A_472 = tpu.vector_load %arg7[%swap3A_469, %swap3A_470, %swap3A_471] {strides = array<i32>} : memref<32x50x32xbf16, #tpu.memory_space<vmem>>, vector<32xbf16>,
        tpu.vector_store %arg7[%swap3A_469, %swap3A_470, %swap3A_471], %bitcast3A_467 {strides = array<i32>} : memref<32x50x32xbf16, #tpu.memory_space<vmem>>, vector<32xbf16>,
        %get3A_473 = arith.constant 1 : i32
        %get3A_474 = arith.constant 20 : i32
        %get3A_475 = arith.index_cast %get3A_473 : i32 to index
        %get3A_476 = arith.index_cast %scan3A_77 : i32 to index
        %get3A_477 = arith.index_cast %get3A_474 : i32 to index
        %get3A_478 = arith.constant 0 : index
        %get3A_479 = tpu.vector_load %arg6[%get3A_475, %get3A_476, %get3A_477, %get3A_478] {strides = array<i32>} : memref<2x32x50x16xi32, #tpu.memory_space<vmem>>, vector<16xi32>,
        %and3A_480 = arith.constant 65535 : i32
        %and3A_481 = vector.broadcast %and3A_480 : i32 to vector<16xi32>
        %and3A_482 = arith.andi %get3A_479, %and3A_481 : vector<16xi32>
        %shift_right_logical3A_483 = arith.constant 16 : i32
        %shift_right_logical3A_484 = vector.broadcast %shift_right_logical3A_483 : i32 to vector<16xi32>
        %shift_right_logical3A_485 = arith.shrui %get3A_479, %shift_right_logical3A_484 : vector<16xi32>
        %pack3A_486 = tpu.pack_subelements %and3A_482, %shift_right_logical3A_485 {pack_format = #tpu.pack_format<interleaved>, positions = array<i32: 0, 1>} : vector<16xi32>, vector<16xi32> -> vector<32xi16>
        %bitcast3A_487 = vector.bitcast %pack3A_486 : vector<32xi16> to vector<32xbf16>
        %swap3A_488 = arith.constant 20 : i32
        %swap3A_489 = arith.index_cast %scan3A_77 : i32 to index
        %swap3A_490 = arith.index_cast %swap3A_488 : i32 to index
        %swap3A_491 = arith.constant 0 : index
        %swap3A_492 = tpu.vector_load %arg7[%swap3A_489, %swap3A_490, %swap3A_491] {strides = array<i32>} : memref<32x50x32xbf16, #tpu.memory_space<vmem>>, vector<32xbf16>,
        tpu.vector_store %arg7[%swap3A_489, %swap3A_490, %swap3A_491], %bitcast3A_487 {strides = array<i32>} : memref<32x50x32xbf16, #tpu.memory_space<vmem>>, vector<32xbf16>,
        %get3A_493 = arith.constant 1 : i32
        %get3A_494 = arith.constant 21 : i32
        %get3A_495 = arith.index_cast %get3A_493 : i32 to index
        %get3A_496 = arith.index_cast %scan3A_77 : i32 to index
        %get3A_497 = arith.index_cast %get3A_494 : i32 to index
        %get3A_498 = arith.constant 0 : index
        %get3A_499 = tpu.vector_load %arg6[%get3A_495, %get3A_496, %get3A_497, %get3A_498] {strides = array<i32>} : memref<2x32x50x16xi32, #tpu.memory_space<vmem>>, vector<16xi32>,
        %and3A_500 = arith.constant 65535 : i32
        %and3A_501 = vector.broadcast %and3A_500 : i32 to vector<16xi32>
        %and3A_502 = arith.andi %get3A_499, %and3A_501 : vector<16xi32>
        %shift_right_logical3A_503 = arith.constant 16 : i32
        %shift_right_logical3A_504 = vector.broadcast %shift_right_logical3A_503 : i32 to vector<16xi32>
        %shift_right_logical3A_505 = arith.shrui %get3A_499, %shift_right_logical3A_504 : vector<16xi32>
        %pack3A_506 = tpu.pack_subelements %and3A_502, %shift_right_logical3A_505 {pack_format = #tpu.pack_format<interleaved>, positions = array<i32: 0, 1>} : vector<16xi32>, vector<16xi32> -> vector<32xi16>
        %bitcast3A_507 = vector.bitcast %pack3A_506 : vector<32xi16> to vector<32xbf16>
        %swap3A_508 = arith.constant 21 : i32
        %swap3A_509 = arith.index_cast %scan3A_77 : i32 to index
        %swap3A_510 = arith.index_cast %swap3A_508 : i32 to index
        %swap3A_511 = arith.constant 0 : index
        %swap3A_512 = tpu.vector_load %arg7[%swap3A_509, %swap3A_510, %swap3A_511] {strides = array<i32>} : memref<32x50x32xbf16, #tpu.memory_space<vmem>>, vector<32xbf16>,
        tpu.vector_store %arg7[%swap3A_509, %swap3A_510, %swap3A_511], %bitcast3A_507 {strides = array<i32>} : memref<32x50x32xbf16, #tpu.memory_space<vmem>>, vector<32xbf16>,
        %get3A_513 = arith.constant 1 : i32
        %get3A_514 = arith.constant 22 : i32
        %get3A_515 = arith.index_cast %get3A_513 : i32 to index
        %get3A_516 = arith.index_cast %scan3A_77 : i32 to index
        %get3A_517 = arith.index_cast %get3A_514 : i32 to index
        %get3A_518 = arith.constant 0 : index
        %get3A_519 = tpu.vector_load %arg6[%get3A_515, %get3A_516, %get3A_517, %get3A_518] {strides = array<i32>} : memref<2x32x50x16xi32, #tpu.memory_space<vmem>>, vector<16xi32>,
        %and3A_520 = arith.constant 65535 : i32
        %and3A_521 = vector.broadcast %and3A_520 : i32 to vector<16xi32>
        %and3A_522 = arith.andi %get3A_519, %and3A_521 : vector<16xi32>
        %shift_right_logical3A_523 = arith.constant 16 : i32
        %shift_right_logical3A_524 = vector.broadcast %shift_right_logical3A_523 : i32 to vector<16xi32>
        %shift_right_logical3A_525 = arith.shrui %get3A_519, %shift_right_logical3A_524 : vector<16xi32>
        %pack3A_526 = tpu.pack_subelements %and3A_522, %shift_right_logical3A_525 {pack_format = #tpu.pack_format<interleaved>, positions = array<i32: 0, 1>} : vector<16xi32>, vector<16xi32> -> vector<32xi16>
        %bitcast3A_527 = vector.bitcast %pack3A_526 : vector<32xi16> to vector<32xbf16>
        %swap3A_528 = arith.constant 22 : i32
        %swap3A_529 = arith.index_cast %scan3A_77 : i32 to index
        %swap3A_530 = arith.index_cast %swap3A_528 : i32 to index
        %swap3A_531 = arith.constant 0 : index
        %swap3A_532 = tpu.vector_load %arg7[%swap3A_529, %swap3A_530, %swap3A_531] {strides = array<i32>} : memref<32x50x32xbf16, #tpu.memory_space<vmem>>, vector<32xbf16>,
        tpu.vector_store %arg7[%swap3A_529, %swap3A_530, %swap3A_531], %bitcast3A_527 {strides = array<i32>} : memref<32x50x32xbf16, #tpu.memory_space<vmem>>, vector<32xbf16>,
        %get3A_533 = arith.constant 1 : i32
        %get3A_534 = arith.constant 23 : i32
        %get3A_535 = arith.index_cast %get3A_533 : i32 to index
        %get3A_536 = arith.index_cast %scan3A_77 : i32 to index
        %get3A_537 = arith.index_cast %get3A_534 : i32 to index
        %get3A_538 = arith.constant 0 : index
        %get3A_539 = tpu.vector_load %arg6[%get3A_535, %get3A_536, %get3A_537, %get3A_538] {strides = array<i32>} : memref<2x32x50x16xi32, #tpu.memory_space<vmem>>, vector<16xi32>,
        %and3A_540 = arith.constant 65535 : i32
        %and3A_541 = vector.broadcast %and3A_540 : i32 to vector<16xi32>
        %and3A_542 = arith.andi %get3A_539, %and3A_541 : vector<16xi32>
        %shift_right_logical3A_543 = arith.constant 16 : i32
        %shift_right_logical3A_544 = vector.broadcast %shift_right_logical3A_543 : i32 to vector<16xi32>
        %shift_right_logical3A_545 = arith.shrui %get3A_539, %shift_right_logical3A_544 : vector<16xi32>
        %pack3A_546 = tpu.pack_subelements %and3A_542, %shift_right_logical3A_545 {pack_format = #tpu.pack_format<interleaved>, positions = array<i32: 0, 1>} : vector<16xi32>, vector<16xi32> -> vector<32xi16>
        %bitcast3A_547 = vector.bitcast %pack3A_546 : vector<32xi16> to vector<32xbf16>
        %swap3A_548 = arith.constant 23 : i32
        %swap3A_549 = arith.index_cast %scan3A_77 : i32 to index
        %swap3A_550 = arith.index_cast %swap3A_548 : i32 to index
        %swap3A_551 = arith.constant 0 : index
        %swap3A_552 = tpu.vector_load %arg7[%swap3A_549, %swap3A_550, %swap3A_551] {strides = array<i32>} : memref<32x50x32xbf16, #tpu.memory_space<vmem>>, vector<32xbf16>,
        tpu.vector_store %arg7[%swap3A_549, %swap3A_550, %swap3A_551], %bitcast3A_547 {strides = array<i32>} : memref<32x50x32xbf16, #tpu.memory_space<vmem>>, vector<32xbf16>,
        %get3A_553 = arith.constant 1 : i32
        %get3A_554 = arith.constant 24 : i32
        %get3A_555 = arith.index_cast %get3A_553 : i32 to index
        %get3A_556 = arith.index_cast %scan3A_77 : i32 to index
        %get3A_557 = arith.index_cast %get3A_554 : i32 to index
        %get3A_558 = arith.constant 0 : index
        %get3A_559 = tpu.vector_load %arg6[%get3A_555, %get3A_556, %get3A_557, %get3A_558] {strides = array<i32>} : memref<2x32x50x16xi32, #tpu.memory_space<vmem>>, vector<16xi32>,
        %and3A_560 = arith.constant 65535 : i32
        %and3A_561 = vector.broadcast %and3A_560 : i32 to vector<16xi32>
        %and3A_562 = arith.andi %get3A_559, %and3A_561 : vector<16xi32>
        %shift_right_logical3A_563 = arith.constant 16 : i32
        %shift_right_logical3A_564 = vector.broadcast %shift_right_logical3A_563 : i32 to vector<16xi32>
        %shift_right_logical3A_565 = arith.shrui %get3A_559, %shift_right_logical3A_564 : vector<16xi32>
        %pack3A_566 = tpu.pack_subelements %and3A_562, %shift_right_logical3A_565 {pack_format = #tpu.pack_format<interleaved>, positions = array<i32: 0, 1>} : vector<16xi32>, vector<16xi32> -> vector<32xi16>
        %bitcast3A_567 = vector.bitcast %pack3A_566 : vector<32xi16> to vector<32xbf16>
        %swap3A_568 = arith.constant 24 : i32
        %swap3A_569 = arith.index_cast %scan3A_77 : i32 to index
        %swap3A_570 = arith.index_cast %swap3A_568 : i32 to index
        %swap3A_571 = arith.constant 0 : index
        %swap3A_572 = tpu.vector_load %arg7[%swap3A_569, %swap3A_570, %swap3A_571] {strides = array<i32>} : memref<32x50x32xbf16, #tpu.memory_space<vmem>>, vector<32xbf16>,
        tpu.vector_store %arg7[%swap3A_569, %swap3A_570, %swap3A_571], %bitcast3A_567 {strides = array<i32>} : memref<32x50x32xbf16, #tpu.memory_space<vmem>>, vector<32xbf16>,
        %get3A_573 = arith.constant 1 : i32
        %get3A_574 = arith.constant 25 : i32
        %get3A_575 = arith.index_cast %get3A_573 : i32 to index
        %get3A_576 = arith.index_cast %scan3A_77 : i32 to index
        %get3A_577 = arith.index_cast %get3A_574 : i32 to index
        %get3A_578 = arith.constant 0 : index
        %get3A_579 = tpu.vector_load %arg6[%get3A_575, %get3A_576, %get3A_577, %get3A_578] {strides = array<i32>} : memref<2x32x50x16xi32, #tpu.memory_space<vmem>>, vector<16xi32>,
        %and3A_580 = arith.constant 65535 : i32
        %and3A_581 = vector.broadcast %and3A_580 : i32 to vector<16xi32>
        %and3A_582 = arith.andi %get3A_579, %and3A_581 : vector<16xi32>
        %shift_right_logical3A_583 = arith.constant 16 : i32
        %shift_right_logical3A_584 = vector.broadcast %shift_right_logical3A_583 : i32 to vector<16xi32>
        %shift_right_logical3A_585 = arith.shrui %get3A_579, %shift_right_logical3A_584 : vector<16xi32>
        %pack3A_586 = tpu.pack_subelements %and3A_582, %shift_right_logical3A_585 {pack_format = #tpu.pack_format<interleaved>, positions = array<i32: 0, 1>} : vector<16xi32>, vector<16xi32> -> vector<32xi16>
        %bitcast3A_587 = vector.bitcast %pack3A_586 : vector<32xi16> to vector<32xbf16>
        %swap3A_588 = arith.constant 25 : i32
        %swap3A_589 = arith.index_cast %scan3A_77 : i32 to index
        %swap3A_590 = arith.index_cast %swap3A_588 : i32 to index
        %swap3A_591 = arith.constant 0 : index
        %swap3A_592 = tpu.vector_load %arg7[%swap3A_589, %swap3A_590, %swap3A_591] {strides = array<i32>} : memref<32x50x32xbf16, #tpu.memory_space<vmem>>, vector<32xbf16>,
        tpu.vector_store %arg7[%swap3A_589, %swap3A_590, %swap3A_591], %bitcast3A_587 {strides = array<i32>} : memref<32x50x32xbf16, #tpu.memory_space<vmem>>, vector<32xbf16>,
        %get3A_593 = arith.constant 1 : i32
        %get3A_594 = arith.constant 26 : i32
        %get3A_595 = arith.index_cast %get3A_593 : i32 to index
        %get3A_596 = arith.index_cast %scan3A_77 : i32 to index
        %get3A_597 = arith.index_cast %get3A_594 : i32 to index
        %get3A_598 = arith.constant 0 : index
        %get3A_599 = tpu.vector_load %arg6[%get3A_595, %get3A_596, %get3A_597, %get3A_598] {strides = array<i32>} : memref<2x32x50x16xi32, #tpu.memory_space<vmem>>, vector<16xi32>,
        %and3A_600 = arith.constant 65535 : i32
        %and3A_601 = vector.broadcast %and3A_600 : i32 to vector<16xi32>
        %and3A_602 = arith.andi %get3A_599, %and3A_601 : vector<16xi32>
        %shift_right_logical3A_603 = arith.constant 16 : i32
        %shift_right_logical3A_604 = vector.broadcast %shift_right_logical3A_603 : i32 to vector<16xi32>
        %shift_right_logical3A_605 = arith.shrui %get3A_599, %shift_right_logical3A_604 : vector<16xi32>
        %pack3A_606 = tpu.pack_subelements %and3A_602, %shift_right_logical3A_605 {pack_format = #tpu.pack_format<interleaved>, positions = array<i32: 0, 1>} : vector<16xi32>, vector<16xi32> -> vector<32xi16>
        %bitcast3A_607 = vector.bitcast %pack3A_606 : vector<32xi16> to vector<32xbf16>
        %swap3A_608 = arith.constant 26 : i32
        %swap3A_609 = arith.index_cast %scan3A_77 : i32 to index
        %swap3A_610 = arith.index_cast %swap3A_608 : i32 to index
        %swap3A_611 = arith.constant 0 : index
        %swap3A_612 = tpu.vector_load %arg7[%swap3A_609, %swap3A_610, %swap3A_611] {strides = array<i32>} : memref<32x50x32xbf16, #tpu.memory_space<vmem>>, vector<32xbf16>,
        tpu.vector_store %arg7[%swap3A_609, %swap3A_610, %swap3A_611], %bitcast3A_607 {strides = array<i32>} : memref<32x50x32xbf16, #tpu.memory_space<vmem>>, vector<32xbf16>,
        %get3A_613 = arith.constant 1 : i32
        %get3A_614 = arith.constant 27 : i32
        %get3A_615 = arith.index_cast %get3A_613 : i32 to index
        %get3A_616 = arith.index_cast %scan3A_77 : i32 to index
        %get3A_617 = arith.index_cast %get3A_614 : i32 to index
        %get3A_618 = arith.constant 0 : index
        %get3A_619 = tpu.vector_load %arg6[%get3A_615, %get3A_616, %get3A_617, %get3A_618] {strides = array<i32>} : memref<2x32x50x16xi32, #tpu.memory_space<vmem>>, vector<16xi32>,
        %and3A_620 = arith.constant 65535 : i32
        %and3A_621 = vector.broadcast %and3A_620 : i32 to vector<16xi32>
        %and3A_622 = arith.andi %get3A_619, %and3A_621 : vector<16xi32>
        %shift_right_logical3A_623 = arith.constant 16 : i32
        %shift_right_logical3A_624 = vector.broadcast %shift_right_logical3A_623 : i32 to vector<16xi32>
        %shift_right_logical3A_625 = arith.shrui %get3A_619, %shift_right_logical3A_624 : vector<16xi32>
        %pack3A_626 = tpu.pack_subelements %and3A_622, %shift_right_logical3A_625 {pack_format = #tpu.pack_format<interleaved>, positions = array<i32: 0, 1>} : vector<16xi32>, vector<16xi32> -> vector<32xi16>
        %bitcast3A_627 = vector.bitcast %pack3A_626 : vector<32xi16> to vector<32xbf16>
        %swap3A_628 = arith.constant 27 : i32
        %swap3A_629 = arith.index_cast %scan3A_77 : i32 to index
        %swap3A_630 = arith.index_cast %swap3A_628 : i32 to index
        %swap3A_631 = arith.constant 0 : index
        %swap3A_632 = tpu.vector_load %arg7[%swap3A_629, %swap3A_630, %swap3A_631] {strides = array<i32>} : memref<32x50x32xbf16, #tpu.memory_space<vmem>>, vector<32xbf16>,
        tpu.vector_store %arg7[%swap3A_629, %swap3A_630, %swap3A_631], %bitcast3A_627 {strides = array<i32>} : memref<32x50x32xbf16, #tpu.memory_space<vmem>>, vector<32xbf16>,
        %get3A_633 = arith.constant 1 : i32
        %get3A_634 = arith.constant 28 : i32
        %get3A_635 = arith.index_cast %get3A_633 : i32 to index
        %get3A_636 = arith.index_cast %scan3A_77 : i32 to index
        %get3A_637 = arith.index_cast %get3A_634 : i32 to index
        %get3A_638 = arith.constant 0 : index
        %get3A_639 = tpu.vector_load %arg6[%get3A_635, %get3A_636, %get3A_637, %get3A_638] {strides = array<i32>} : memref<2x32x50x16xi32, #tpu.memory_space<vmem>>, vector<16xi32>,
        %and3A_640 = arith.constant 65535 : i32
        %and3A_641 = vector.broadcast %and3A_640 : i32 to vector<16xi32>
        %and3A_642 = arith.andi %get3A_639, %and3A_641 : vector<16xi32>
        %shift_right_logical3A_643 = arith.constant 16 : i32
        %shift_right_logical3A_644 = vector.broadcast %shift_right_logical3A_643 : i32 to vector<16xi32>
        %shift_right_logical3A_645 = arith.shrui %get3A_639, %shift_right_logical3A_644 : vector<16xi32>
        %pack3A_646 = tpu.pack_subelements %and3A_642, %shift_right_logical3A_645 {pack_format = #tpu.pack_format<interleaved>, positions = array<i32: 0, 1>} : vector<16xi32>, vector<16xi32> -> vector<32xi16>
        %bitcast3A_647 = vector.bitcast %pack3A_646 : vector<32xi16> to vector<32xbf16>
        %swap3A_648 = arith.constant 28 : i32
        %swap3A_649 = arith.index_cast %scan3A_77 : i32 to index
        %swap3A_650 = arith.index_cast %swap3A_648 : i32 to index
        %swap3A_651 = arith.constant 0 : index
        %swap3A_652 = tpu.vector_load %arg7[%swap3A_649, %swap3A_650, %swap3A_651] {strides = array<i32>} : memref<32x50x32xbf16, #tpu.memory_space<vmem>>, vector<32xbf16>,
        tpu.vector_store %arg7[%swap3A_649, %swap3A_650, %swap3A_651], %bitcast3A_647 {strides = array<i32>} : memref<32x50x32xbf16, #tpu.memory_space<vmem>>, vector<32xbf16>,
        %get3A_653 = arith.constant 1 : i32
        %get3A_654 = arith.constant 29 : i32
        %get3A_655 = arith.index_cast %get3A_653 : i32 to index
        %get3A_656 = arith.index_cast %scan3A_77 : i32 to index
        %get3A_657 = arith.index_cast %get3A_654 : i32 to index
        %get3A_658 = arith.constant 0 : index
        %get3A_659 = tpu.vector_load %arg6[%get3A_655, %get3A_656, %get3A_657, %get3A_658] {strides = array<i32>} : memref<2x32x50x16xi32, #tpu.memory_space<vmem>>, vector<16xi32>,
        %and3A_660 = arith.constant 65535 : i32
        %and3A_661 = vector.broadcast %and3A_660 : i32 to vector<16xi32>
        %and3A_662 = arith.andi %get3A_659, %and3A_661 : vector<16xi32>
        %shift_right_logical3A_663 = arith.constant 16 : i32
        %shift_right_logical3A_664 = vector.broadcast %shift_right_logical3A_663 : i32 to vector<16xi32>
        %shift_right_logical3A_665 = arith.shrui %get3A_659, %shift_right_logical3A_664 : vector<16xi32>
        %pack3A_666 = tpu.pack_subelements %and3A_662, %shift_right_logical3A_665 {pack_format = #tpu.pack_format<interleaved>, positions = array<i32: 0, 1>} : vector<16xi32>, vector<16xi32> -> vector<32xi16>
        %bitcast3A_667 = vector.bitcast %pack3A_666 : vector<32xi16> to vector<32xbf16>
        %swap3A_668 = arith.constant 29 : i32
        %swap3A_669 = arith.index_cast %scan3A_77 : i32 to index
        %swap3A_670 = arith.index_cast %swap3A_668 : i32 to index
        %swap3A_671 = arith.constant 0 : index
        %swap3A_672 = tpu.vector_load %arg7[%swap3A_669, %swap3A_670, %swap3A_671] {strides = array<i32>} : memref<32x50x32xbf16, #tpu.memory_space<vmem>>, vector<32xbf16>,
        tpu.vector_store %arg7[%swap3A_669, %swap3A_670, %swap3A_671], %bitcast3A_667 {strides = array<i32>} : memref<32x50x32xbf16, #tpu.memory_space<vmem>>, vector<32xbf16>,
        %get3A_673 = arith.constant 1 : i32
        %get3A_674 = arith.constant 30 : i32
        %get3A_675 = arith.index_cast %get3A_673 : i32 to index
        %get3A_676 = arith.index_cast %scan3A_77 : i32 to index
        %get3A_677 = arith.index_cast %get3A_674 : i32 to index
        %get3A_678 = arith.constant 0 : index
        %get3A_679 = tpu.vector_load %arg6[%get3A_675, %get3A_676, %get3A_677, %get3A_678] {strides = array<i32>} : memref<2x32x50x16xi32, #tpu.memory_space<vmem>>, vector<16xi32>,
        %and3A_680 = arith.constant 65535 : i32
        %and3A_681 = vector.broadcast %and3A_680 : i32 to vector<16xi32>
        %and3A_682 = arith.andi %get3A_679, %and3A_681 : vector<16xi32>
        %shift_right_logical3A_683 = arith.constant 16 : i32
        %shift_right_logical3A_684 = vector.broadcast %shift_right_logical3A_683 : i32 to vector<16xi32>
        %shift_right_logical3A_685 = arith.shrui %get3A_679, %shift_right_logical3A_684 : vector<16xi32>
        %pack3A_686 = tpu.pack_subelements %and3A_682, %shift_right_logical3A_685 {pack_format = #tpu.pack_format<interleaved>, positions = array<i32: 0, 1>} : vector<16xi32>, vector<16xi32> -> vector<32xi16>
        %bitcast3A_687 = vector.bitcast %pack3A_686 : vector<32xi16> to vector<32xbf16>
        %swap3A_688 = arith.constant 30 : i32
        %swap3A_689 = arith.index_cast %scan3A_77 : i32 to index
        %swap3A_690 = arith.index_cast %swap3A_688 : i32 to index
        %swap3A_691 = arith.constant 0 : index
        %swap3A_692 = tpu.vector_load %arg7[%swap3A_689, %swap3A_690, %swap3A_691] {strides = array<i32>} : memref<32x50x32xbf16, #tpu.memory_space<vmem>>, vector<32xbf16>,
        tpu.vector_store %arg7[%swap3A_689, %swap3A_690, %swap3A_691], %bitcast3A_687 {strides = array<i32>} : memref<32x50x32xbf16, #tpu.memory_space<vmem>>, vector<32xbf16>,
        %get3A_693 = arith.constant 1 : i32
        %get3A_694 = arith.constant 31 : i32
        %get3A_695 = arith.index_cast %get3A_693 : i32 to index
        %get3A_696 = arith.index_cast %scan3A_77 : i32 to index
        %get3A_697 = arith.index_cast %get3A_694 : i32 to index
        %get3A_698 = arith.constant 0 : index
        %get3A_699 = tpu.vector_load %arg6[%get3A_695, %get3A_696, %get3A_697, %get3A_698] {strides = array<i32>} : memref<2x32x50x16xi32, #tpu.memory_space<vmem>>, vector<16xi32>,
        %and3A_700 = arith.constant 65535 : i32
        %and3A_701 = vector.broadcast %and3A_700 : i32 to vector<16xi32>
        %and3A_702 = arith.andi %get3A_699, %and3A_701 : vector<16xi32>
        %shift_right_logical3A_703 = arith.constant 16 : i32
        %shift_right_logical3A_704 = vector.broadcast %shift_right_logical3A_703 : i32 to vector<16xi32>
        %shift_right_logical3A_705 = arith.shrui %get3A_699, %shift_right_logical3A_704 : vector<16xi32>
        %pack3A_706 = tpu.pack_subelements %and3A_702, %shift_right_logical3A_705 {pack_format = #tpu.pack_format<interleaved>, positions = array<i32: 0, 1>} : vector<16xi32>, vector<16xi32> -> vector<32xi16>
        %bitcast3A_707 = vector.bitcast %pack3A_706 : vector<32xi16> to vector<32xbf16>
        %swap3A_708 = arith.constant 31 : i32
        %swap3A_709 = arith.index_cast %scan3A_77 : i32 to index
        %swap3A_710 = arith.index_cast %swap3A_708 : i32 to index
        %swap3A_711 = arith.constant 0 : index
        %swap3A_712 = tpu.vector_load %arg7[%swap3A_709, %swap3A_710, %swap3A_711] {strides = array<i32>} : memref<32x50x32xbf16, #tpu.memory_space<vmem>>, vector<32xbf16>,
        tpu.vector_store %arg7[%swap3A_709, %swap3A_710, %swap3A_711], %bitcast3A_707 {strides = array<i32>} : memref<32x50x32xbf16, #tpu.memory_space<vmem>>, vector<32xbf16>,
        %get3A_713 = arith.constant 1 : i32
        %get3A_714 = arith.constant 32 : i32
        %get3A_715 = arith.index_cast %get3A_713 : i32 to index
        %get3A_716 = arith.index_cast %scan3A_77 : i32 to index
        %get3A_717 = arith.index_cast %get3A_714 : i32 to index
        %get3A_718 = arith.constant 0 : index
        %get3A_719 = tpu.vector_load %arg6[%get3A_715, %get3A_716, %get3A_717, %get3A_718] {strides = array<i32>} : memref<2x32x50x16xi32, #tpu.memory_space<vmem>>, vector<16xi32>,
        %and3A_720 = arith.constant 65535 : i32
        %and3A_721 = vector.broadcast %and3A_720 : i32 to vector<16xi32>
        %and3A_722 = arith.andi %get3A_719, %and3A_721 : vector<16xi32>
        %shift_right_logical3A_723 = arith.constant 16 : i32
        %shift_right_logical3A_724 = vector.broadcast %shift_right_logical3A_723 : i32 to vector<16xi32>
        %shift_right_logical3A_725 = arith.shrui %get3A_719, %shift_right_logical3A_724 : vector<16xi32>
        %pack3A_726 = tpu.pack_subelements %and3A_722, %shift_right_logical3A_725 {pack_format = #tpu.pack_format<interleaved>, positions = array<i32: 0, 1>} : vector<16xi32>, vector<16xi32> -> vector<32xi16>
        %bitcast3A_727 = vector.bitcast %pack3A_726 : vector<32xi16> to vector<32xbf16>
        %swap3A_728 = arith.constant 32 : i32
        %swap3A_729 = arith.index_cast %scan3A_77 : i32 to index
        %swap3A_730 = arith.index_cast %swap3A_728 : i32 to index
        %swap3A_731 = arith.constant 0 : index
        %swap3A_732 = tpu.vector_load %arg7[%swap3A_729, %swap3A_730, %swap3A_731] {strides = array<i32>} : memref<32x50x32xbf16, #tpu.memory_space<vmem>>, vector<32xbf16>,
        tpu.vector_store %arg7[%swap3A_729, %swap3A_730, %swap3A_731], %bitcast3A_727 {strides = array<i32>} : memref<32x50x32xbf16, #tpu.memory_space<vmem>>, vector<32xbf16>,
        %get3A_733 = arith.constant 1 : i32
        %get3A_734 = arith.constant 33 : i32
        %get3A_735 = arith.index_cast %get3A_733 : i32 to index
        %get3A_736 = arith.index_cast %scan3A_77 : i32 to index
        %get3A_737 = arith.index_cast %get3A_734 : i32 to index
        %get3A_738 = arith.constant 0 : index
        %get3A_739 = tpu.vector_load %arg6[%get3A_735, %get3A_736, %get3A_737, %get3A_738] {strides = array<i32>} : memref<2x32x50x16xi32, #tpu.memory_space<vmem>>, vector<16xi32>,
        %and3A_740 = arith.constant 65535 : i32
        %and3A_741 = vector.broadcast %and3A_740 : i32 to vector<16xi32>
        %and3A_742 = arith.andi %get3A_739, %and3A_741 : vector<16xi32>
        %shift_right_logical3A_743 = arith.constant 16 : i32
        %shift_right_logical3A_744 = vector.broadcast %shift_right_logical3A_743 : i32 to vector<16xi32>
        %shift_right_logical3A_745 = arith.shrui %get3A_739, %shift_right_logical3A_744 : vector<16xi32>
        %pack3A_746 = tpu.pack_subelements %and3A_742, %shift_right_logical3A_745 {pack_format = #tpu.pack_format<interleaved>, positions = array<i32: 0, 1>} : vector<16xi32>, vector<16xi32> -> vector<32xi16>
        %bitcast3A_747 = vector.bitcast %pack3A_746 : vector<32xi16> to vector<32xbf16>
        %swap3A_748 = arith.constant 33 : i32
        %swap3A_749 = arith.index_cast %scan3A_77 : i32 to index
        %swap3A_750 = arith.index_cast %swap3A_748 : i32 to index
        %swap3A_751 = arith.constant 0 : index
        %swap3A_752 = tpu.vector_load %arg7[%swap3A_749, %swap3A_750, %swap3A_751] {strides = array<i32>} : memref<32x50x32xbf16, #tpu.memory_space<vmem>>, vector<32xbf16>,
        tpu.vector_store %arg7[%swap3A_749, %swap3A_750, %swap3A_751], %bitcast3A_747 {strides = array<i32>} : memref<32x50x32xbf16, #tpu.memory_space<vmem>>, vector<32xbf16>,
        %get3A_753 = arith.constant 1 : i32
        %get3A_754 = arith.constant 34 : i32
        %get3A_755 = arith.index_cast %get3A_753 : i32 to index
        %get3A_756 = arith.index_cast %scan3A_77 : i32 to index
        %get3A_757 = arith.index_cast %get3A_754 : i32 to index
        %get3A_758 = arith.constant 0 : index
        %get3A_759 = tpu.vector_load %arg6[%get3A_755, %get3A_756, %get3A_757, %get3A_758] {strides = array<i32>} : memref<2x32x50x16xi32, #tpu.memory_space<vmem>>, vector<16xi32>,
        %and3A_760 = arith.constant 65535 : i32
        %and3A_761 = vector.broadcast %and3A_760 : i32 to vector<16xi32>
        %and3A_762 = arith.andi %get3A_759, %and3A_761 : vector<16xi32>
        %shift_right_logical3A_763 = arith.constant 16 : i32
        %shift_right_logical3A_764 = vector.broadcast %shift_right_logical3A_763 : i32 to vector<16xi32>
        %shift_right_logical3A_765 = arith.shrui %get3A_759, %shift_right_logical3A_764 : vector<16xi32>
        %pack3A_766 = tpu.pack_subelements %and3A_762, %shift_right_logical3A_765 {pack_format = #tpu.pack_format<interleaved>, positions = array<i32: 0, 1>} : vector<16xi32>, vector<16xi32> -> vector<32xi16>
        %bitcast3A_767 = vector.bitcast %pack3A_766 : vector<32xi16> to vector<32xbf16>
        %swap3A_768 = arith.constant 34 : i32
        %swap3A_769 = arith.index_cast %scan3A_77 : i32 to index
        %swap3A_770 = arith.index_cast %swap3A_768 : i32 to index
        %swap3A_771 = arith.constant 0 : index
        %swap3A_772 = tpu.vector_load %arg7[%swap3A_769, %swap3A_770, %swap3A_771] {strides = array<i32>} : memref<32x50x32xbf16, #tpu.memory_space<vmem>>, vector<32xbf16>,
        tpu.vector_store %arg7[%swap3A_769, %swap3A_770, %swap3A_771], %bitcast3A_767 {strides = array<i32>} : memref<32x50x32xbf16, #tpu.memory_space<vmem>>, vector<32xbf16>,
        %get3A_773 = arith.constant 1 : i32
        %get3A_774 = arith.constant 35 : i32
        %get3A_775 = arith.index_cast %get3A_773 : i32 to index
        %get3A_776 = arith.index_cast %scan3A_77 : i32 to index
        %get3A_777 = arith.index_cast %get3A_774 : i32 to index
        %get3A_778 = arith.constant 0 : index
        %get3A_779 = tpu.vector_load %arg6[%get3A_775, %get3A_776, %get3A_777, %get3A_778] {strides = array<i32>} : memref<2x32x50x16xi32, #tpu.memory_space<vmem>>, vector<16xi32>,
        %and3A_780 = arith.constant 65535 : i32
        %and3A_781 = vector.broadcast %and3A_780 : i32 to vector<16xi32>
        %and3A_782 = arith.andi %get3A_779, %and3A_781 : vector<16xi32>
        %shift_right_logical3A_783 = arith.constant 16 : i32
        %shift_right_logical3A_784 = vector.broadcast %shift_right_logical3A_783 : i32 to vector<16xi32>
        %shift_right_logical3A_785 = arith.shrui %get3A_779, %shift_right_logical3A_784 : vector<16xi32>
        %pack3A_786 = tpu.pack_subelements %and3A_782, %shift_right_logical3A_785 {pack_format = #tpu.pack_format<interleaved>, positions = array<i32: 0, 1>} : vector<16xi32>, vector<16xi32> -> vector<32xi16>
        %bitcast3A_787 = vector.bitcast %pack3A_786 : vector<32xi16> to vector<32xbf16>
        %swap3A_788 = arith.constant 35 : i32
        %swap3A_789 = arith.index_cast %scan3A_77 : i32 to index
        %swap3A_790 = arith.index_cast %swap3A_788 : i32 to index
        %swap3A_791 = arith.constant 0 : index
        %swap3A_792 = tpu.vector_load %arg7[%swap3A_789, %swap3A_790, %swap3A_791] {strides = array<i32>} : memref<32x50x32xbf16, #tpu.memory_space<vmem>>, vector<32xbf16>,
        tpu.vector_store %arg7[%swap3A_789, %swap3A_790, %swap3A_791], %bitcast3A_787 {strides = array<i32>} : memref<32x50x32xbf16, #tpu.memory_space<vmem>>, vector<32xbf16>,
        %get3A_793 = arith.constant 1 : i32
        %get3A_794 = arith.constant 36 : i32
        %get3A_795 = arith.index_cast %get3A_793 : i32 to index
        %get3A_796 = arith.index_cast %scan3A_77 : i32 to index
        %get3A_797 = arith.index_cast %get3A_794 : i32 to index
        %get3A_798 = arith.constant 0 : index
        %get3A_799 = tpu.vector_load %arg6[%get3A_795, %get3A_796, %get3A_797, %get3A_798] {strides = array<i32>} : memref<2x32x50x16xi32, #tpu.memory_space<vmem>>, vector<16xi32>,
        %and3A_800 = arith.constant 65535 : i32
        %and3A_801 = vector.broadcast %and3A_800 : i32 to vector<16xi32>
        %and3A_802 = arith.andi %get3A_799, %and3A_801 : vector<16xi32>
        %shift_right_logical3A_803 = arith.constant 16 : i32
        %shift_right_logical3A_804 = vector.broadcast %shift_right_logical3A_803 : i32 to vector<16xi32>
        %shift_right_logical3A_805 = arith.shrui %get3A_799, %shift_right_logical3A_804 : vector<16xi32>
        %pack3A_806 = tpu.pack_subelements %and3A_802, %shift_right_logical3A_805 {pack_format = #tpu.pack_format<interleaved>, positions = array<i32: 0, 1>} : vector<16xi32>, vector<16xi32> -> vector<32xi16>
        %bitcast3A_807 = vector.bitcast %pack3A_806 : vector<32xi16> to vector<32xbf16>
        %swap3A_808 = arith.constant 36 : i32
        %swap3A_809 = arith.index_cast %scan3A_77 : i32 to index
        %swap3A_810 = arith.index_cast %swap3A_808 : i32 to index
        %swap3A_811 = arith.constant 0 : index
        %swap3A_812 = tpu.vector_load %arg7[%swap3A_809, %swap3A_810, %swap3A_811] {strides = array<i32>} : memref<32x50x32xbf16, #tpu.memory_space<vmem>>, vector<32xbf16>,
        tpu.vector_store %arg7[%swap3A_809, %swap3A_810, %swap3A_811], %bitcast3A_807 {strides = array<i32>} : memref<32x50x32xbf16, #tpu.memory_space<vmem>>, vector<32xbf16>,
        %get3A_813 = arith.constant 1 : i32
        %get3A_814 = arith.constant 37 : i32
        %get3A_815 = arith.index_cast %get3A_813 : i32 to index
        %get3A_816 = arith.index_cast %scan3A_77 : i32 to index
        %get3A_817 = arith.index_cast %get3A_814 : i32 to index
        %get3A_818 = arith.constant 0 : index
        %get3A_819 = tpu.vector_load %arg6[%get3A_815, %get3A_816, %get3A_817, %get3A_818] {strides = array<i32>} : memref<2x32x50x16xi32, #tpu.memory_space<vmem>>, vector<16xi32>,
        %and3A_820 = arith.constant 65535 : i32
        %and3A_821 = vector.broadcast %and3A_820 : i32 to vector<16xi32>
        %and3A_822 = arith.andi %get3A_819, %and3A_821 : vector<16xi32>
        %shift_right_logical3A_823 = arith.constant 16 : i32
        %shift_right_logical3A_824 = vector.broadcast %shift_right_logical3A_823 : i32 to vector<16xi32>
        %shift_right_logical3A_825 = arith.shrui %get3A_819, %shift_right_logical3A_824 : vector<16xi32>
        %pack3A_826 = tpu.pack_subelements %and3A_822, %shift_right_logical3A_825 {pack_format = #tpu.pack_format<interleaved>, positions = array<i32: 0, 1>} : vector<16xi32>, vector<16xi32> -> vector<32xi16>
        %bitcast3A_827 = vector.bitcast %pack3A_826 : vector<32xi16> to vector<32xbf16>
        %swap3A_828 = arith.constant 37 : i32
        %swap3A_829 = arith.index_cast %scan3A_77 : i32 to index
        %swap3A_830 = arith.index_cast %swap3A_828 : i32 to index
        %swap3A_831 = arith.constant 0 : index
        %swap3A_832 = tpu.vector_load %arg7[%swap3A_829, %swap3A_830, %swap3A_831] {strides = array<i32>} : memref<32x50x32xbf16, #tpu.memory_space<vmem>>, vector<32xbf16>,
        tpu.vector_store %arg7[%swap3A_829, %swap3A_830, %swap3A_831], %bitcast3A_827 {strides = array<i32>} : memref<32x50x32xbf16, #tpu.memory_space<vmem>>, vector<32xbf16>,
        %get3A_833 = arith.constant 1 : i32
        %get3A_834 = arith.constant 38 : i32
        %get3A_835 = arith.index_cast %get3A_833 : i32 to index
        %get3A_836 = arith.index_cast %scan3A_77 : i32 to index
        %get3A_837 = arith.index_cast %get3A_834 : i32 to index
        %get3A_838 = arith.constant 0 : index
        %get3A_839 = tpu.vector_load %arg6[%get3A_835, %get3A_836, %get3A_837, %get3A_838] {strides = array<i32>} : memref<2x32x50x16xi32, #tpu.memory_space<vmem>>, vector<16xi32>,
        %and3A_840 = arith.constant 65535 : i32
        %and3A_841 = vector.broadcast %and3A_840 : i32 to vector<16xi32>
        %and3A_842 = arith.andi %get3A_839, %and3A_841 : vector<16xi32>
        %shift_right_logical3A_843 = arith.constant 16 : i32
        %shift_right_logical3A_844 = vector.broadcast %shift_right_logical3A_843 : i32 to vector<16xi32>
        %shift_right_logical3A_845 = arith.shrui %get3A_839, %shift_right_logical3A_844 : vector<16xi32>
        %pack3A_846 = tpu.pack_subelements %and3A_842, %shift_right_logical3A_845 {pack_format = #tpu.pack_format<interleaved>, positions = array<i32: 0, 1>} : vector<16xi32>, vector<16xi32> -> vector<32xi16>
        %bitcast3A_847 = vector.bitcast %pack3A_846 : vector<32xi16> to vector<32xbf16>
        %swap3A_848 = arith.constant 38 : i32
        %swap3A_849 = arith.index_cast %scan3A_77 : i32 to index
        %swap3A_850 = arith.index_cast %swap3A_848 : i32 to index
        %swap3A_851 = arith.constant 0 : index
        %swap3A_852 = tpu.vector_load %arg7[%swap3A_849, %swap3A_850, %swap3A_851] {strides = array<i32>} : memref<32x50x32xbf16, #tpu.memory_space<vmem>>, vector<32xbf16>,
        tpu.vector_store %arg7[%swap3A_849, %swap3A_850, %swap3A_851], %bitcast3A_847 {strides = array<i32>} : memref<32x50x32xbf16, #tpu.memory_space<vmem>>, vector<32xbf16>,
        %get3A_853 = arith.constant 1 : i32
        %get3A_854 = arith.constant 39 : i32
        %get3A_855 = arith.index_cast %get3A_853 : i32 to index
        %get3A_856 = arith.index_cast %scan3A_77 : i32 to index
        %get3A_857 = arith.index_cast %get3A_854 : i32 to index
        %get3A_858 = arith.constant 0 : index
        %get3A_859 = tpu.vector_load %arg6[%get3A_855, %get3A_856, %get3A_857, %get3A_858] {strides = array<i32>} : memref<2x32x50x16xi32, #tpu.memory_space<vmem>>, vector<16xi32>,
        %and3A_860 = arith.constant 65535 : i32
        %and3A_861 = vector.broadcast %and3A_860 : i32 to vector<16xi32>
        %and3A_862 = arith.andi %get3A_859, %and3A_861 : vector<16xi32>
        %shift_right_logical3A_863 = arith.constant 16 : i32
        %shift_right_logical3A_864 = vector.broadcast %shift_right_logical3A_863 : i32 to vector<16xi32>
        %shift_right_logical3A_865 = arith.shrui %get3A_859, %shift_right_logical3A_864 : vector<16xi32>
        %pack3A_866 = tpu.pack_subelements %and3A_862, %shift_right_logical3A_865 {pack_format = #tpu.pack_format<interleaved>, positions = array<i32: 0, 1>} : vector<16xi32>, vector<16xi32> -> vector<32xi16>
        %bitcast3A_867 = vector.bitcast %pack3A_866 : vector<32xi16> to vector<32xbf16>
        %swap3A_868 = arith.constant 39 : i32
        %swap3A_869 = arith.index_cast %scan3A_77 : i32 to index
        %swap3A_870 = arith.index_cast %swap3A_868 : i32 to index
        %swap3A_871 = arith.constant 0 : index
        %swap3A_872 = tpu.vector_load %arg7[%swap3A_869, %swap3A_870, %swap3A_871] {strides = array<i32>} : memref<32x50x32xbf16, #tpu.memory_space<vmem>>, vector<32xbf16>,
        tpu.vector_store %arg7[%swap3A_869, %swap3A_870, %swap3A_871], %bitcast3A_867 {strides = array<i32>} : memref<32x50x32xbf16, #tpu.memory_space<vmem>>, vector<32xbf16>,
        %get3A_873 = arith.constant 1 : i32
        %get3A_874 = arith.constant 40 : i32
        %get3A_875 = arith.index_cast %get3A_873 : i32 to index
        %get3A_876 = arith.index_cast %scan3A_77 : i32 to index
        %get3A_877 = arith.index_cast %get3A_874 : i32 to index
        %get3A_878 = arith.constant 0 : index
        %get3A_879 = tpu.vector_load %arg6[%get3A_875, %get3A_876, %get3A_877, %get3A_878] {strides = array<i32>} : memref<2x32x50x16xi32, #tpu.memory_space<vmem>>, vector<16xi32>,
        %and3A_880 = arith.constant 65535 : i32
        %and3A_881 = vector.broadcast %and3A_880 : i32 to vector<16xi32>
        %and3A_882 = arith.andi %get3A_879, %and3A_881 : vector<16xi32>
        %shift_right_logical3A_883 = arith.constant 16 : i32
        %shift_right_logical3A_884 = vector.broadcast %shift_right_logical3A_883 : i32 to vector<16xi32>
        %shift_right_logical3A_885 = arith.shrui %get3A_879, %shift_right_logical3A_884 : vector<16xi32>
        %pack3A_886 = tpu.pack_subelements %and3A_882, %shift_right_logical3A_885 {pack_format = #tpu.pack_format<interleaved>, positions = array<i32: 0, 1>} : vector<16xi32>, vector<16xi32> -> vector<32xi16>
        %bitcast3A_887 = vector.bitcast %pack3A_886 : vector<32xi16> to vector<32xbf16>
        %swap3A_888 = arith.constant 40 : i32
        %swap3A_889 = arith.index_cast %scan3A_77 : i32 to index
        %swap3A_890 = arith.index_cast %swap3A_888 : i32 to index
        %swap3A_891 = arith.constant 0 : index
        %swap3A_892 = tpu.vector_load %arg7[%swap3A_889, %swap3A_890, %swap3A_891] {strides = array<i32>} : memref<32x50x32xbf16, #tpu.memory_space<vmem>>, vector<32xbf16>,
        tpu.vector_store %arg7[%swap3A_889, %swap3A_890, %swap3A_891], %bitcast3A_887 {strides = array<i32>} : memref<32x50x32xbf16, #tpu.memory_space<vmem>>, vector<32xbf16>,
        %get3A_893 = arith.constant 1 : i32
        %get3A_894 = arith.constant 41 : i32
        %get3A_895 = arith.index_cast %get3A_893 : i32 to index
        %get3A_896 = arith.index_cast %scan3A_77 : i32 to index
        %get3A_897 = arith.index_cast %get3A_894 : i32 to index
        %get3A_898 = arith.constant 0 : index
        %get3A_899 = tpu.vector_load %arg6[%get3A_895, %get3A_896, %get3A_897, %get3A_898] {strides = array<i32>} : memref<2x32x50x16xi32, #tpu.memory_space<vmem>>, vector<16xi32>,
        %and3A_900 = arith.constant 65535 : i32
        %and3A_901 = vector.broadcast %and3A_900 : i32 to vector<16xi32>
        %and3A_902 = arith.andi %get3A_899, %and3A_901 : vector<16xi32>
        %shift_right_logical3A_903 = arith.constant 16 : i32
        %shift_right_logical3A_904 = vector.broadcast %shift_right_logical3A_903 : i32 to vector<16xi32>
        %shift_right_logical3A_905 = arith.shrui %get3A_899, %shift_right_logical3A_904 : vector<16xi32>
        %pack3A_906 = tpu.pack_subelements %and3A_902, %shift_right_logical3A_905 {pack_format = #tpu.pack_format<interleaved>, positions = array<i32: 0, 1>} : vector<16xi32>, vector<16xi32> -> vector<32xi16>
        %bitcast3A_907 = vector.bitcast %pack3A_906 : vector<32xi16> to vector<32xbf16>
        %swap3A_908 = arith.constant 41 : i32
        %swap3A_909 = arith.index_cast %scan3A_77 : i32 to index
        %swap3A_910 = arith.index_cast %swap3A_908 : i32 to index
        %swap3A_911 = arith.constant 0 : index
        %swap3A_912 = tpu.vector_load %arg7[%swap3A_909, %swap3A_910, %swap3A_911] {strides = array<i32>} : memref<32x50x32xbf16, #tpu.memory_space<vmem>>, vector<32xbf16>,
        tpu.vector_store %arg7[%swap3A_909, %swap3A_910, %swap3A_911], %bitcast3A_907 {strides = array<i32>} : memref<32x50x32xbf16, #tpu.memory_space<vmem>>, vector<32xbf16>,
        %get3A_913 = arith.constant 1 : i32
        %get3A_914 = arith.constant 42 : i32
        %get3A_915 = arith.index_cast %get3A_913 : i32 to index
        %get3A_916 = arith.index_cast %scan3A_77 : i32 to index
        %get3A_917 = arith.index_cast %get3A_914 : i32 to index
        %get3A_918 = arith.constant 0 : index
        %get3A_919 = tpu.vector_load %arg6[%get3A_915, %get3A_916, %get3A_917, %get3A_918] {strides = array<i32>} : memref<2x32x50x16xi32, #tpu.memory_space<vmem>>, vector<16xi32>,
        %and3A_920 = arith.constant 65535 : i32
        %and3A_921 = vector.broadcast %and3A_920 : i32 to vector<16xi32>
        %and3A_922 = arith.andi %get3A_919, %and3A_921 : vector<16xi32>
        %shift_right_logical3A_923 = arith.constant 16 : i32
        %shift_right_logical3A_924 = vector.broadcast %shift_right_logical3A_923 : i32 to vector<16xi32>
        %shift_right_logical3A_925 = arith.shrui %get3A_919, %shift_right_logical3A_924 : vector<16xi32>
        %pack3A_926 = tpu.pack_subelements %and3A_922, %shift_right_logical3A_925 {pack_format = #tpu.pack_format<interleaved>, positions = array<i32: 0, 1>} : vector<16xi32>, vector<16xi32> -> vector<32xi16>
        %bitcast3A_927 = vector.bitcast %pack3A_926 : vector<32xi16> to vector<32xbf16>
        %swap3A_928 = arith.constant 42 : i32
        %swap3A_929 = arith.index_cast %scan3A_77 : i32 to index
        %swap3A_930 = arith.index_cast %swap3A_928 : i32 to index
        %swap3A_931 = arith.constant 0 : index
        %swap3A_932 = tpu.vector_load %arg7[%swap3A_929, %swap3A_930, %swap3A_931] {strides = array<i32>} : memref<32x50x32xbf16, #tpu.memory_space<vmem>>, vector<32xbf16>,
        tpu.vector_store %arg7[%swap3A_929, %swap3A_930, %swap3A_931], %bitcast3A_927 {strides = array<i32>} : memref<32x50x32xbf16, #tpu.memory_space<vmem>>, vector<32xbf16>,
        %get3A_933 = arith.constant 1 : i32
        %get3A_934 = arith.constant 43 : i32
        %get3A_935 = arith.index_cast %get3A_933 : i32 to index
        %get3A_936 = arith.index_cast %scan3A_77 : i32 to index
        %get3A_937 = arith.index_cast %get3A_934 : i32 to index
        %get3A_938 = arith.constant 0 : index
        %get3A_939 = tpu.vector_load %arg6[%get3A_935, %get3A_936, %get3A_937, %get3A_938] {strides = array<i32>} : memref<2x32x50x16xi32, #tpu.memory_space<vmem>>, vector<16xi32>,
        %and3A_940 = arith.constant 65535 : i32
        %and3A_941 = vector.broadcast %and3A_940 : i32 to vector<16xi32>
        %and3A_942 = arith.andi %get3A_939, %and3A_941 : vector<16xi32>
        %shift_right_logical3A_943 = arith.constant 16 : i32
        %shift_right_logical3A_944 = vector.broadcast %shift_right_logical3A_943 : i32 to vector<16xi32>
        %shift_right_logical3A_945 = arith.shrui %get3A_939, %shift_right_logical3A_944 : vector<16xi32>
        %pack3A_946 = tpu.pack_subelements %and3A_942, %shift_right_logical3A_945 {pack_format = #tpu.pack_format<interleaved>, positions = array<i32: 0, 1>} : vector<16xi32>, vector<16xi32> -> vector<32xi16>
        %bitcast3A_947 = vector.bitcast %pack3A_946 : vector<32xi16> to vector<32xbf16>
        %swap3A_948 = arith.constant 43 : i32
        %swap3A_949 = arith.index_cast %scan3A_77 : i32 to index
        %swap3A_950 = arith.index_cast %swap3A_948 : i32 to index
        %swap3A_951 = arith.constant 0 : index
        %swap3A_952 = tpu.vector_load %arg7[%swap3A_949, %swap3A_950, %swap3A_951] {strides = array<i32>} : memref<32x50x32xbf16, #tpu.memory_space<vmem>>, vector<32xbf16>,
        tpu.vector_store %arg7[%swap3A_949, %swap3A_950, %swap3A_951], %bitcast3A_947 {strides = array<i32>} : memref<32x50x32xbf16, #tpu.memory_space<vmem>>, vector<32xbf16>,
        %get3A_953 = arith.constant 1 : i32
        %get3A_954 = arith.constant 44 : i32
        %get3A_955 = arith.index_cast %get3A_953 : i32 to index
        %get3A_956 = arith.index_cast %scan3A_77 : i32 to index
        %get3A_957 = arith.index_cast %get3A_954 : i32 to index
        %get3A_958 = arith.constant 0 : index
        %get3A_959 = tpu.vector_load %arg6[%get3A_955, %get3A_956, %get3A_957, %get3A_958] {strides = array<i32>} : memref<2x32x50x16xi32, #tpu.memory_space<vmem>>, vector<16xi32>,
        %and3A_960 = arith.constant 65535 : i32
        %and3A_961 = vector.broadcast %and3A_960 : i32 to vector<16xi32>
        %and3A_962 = arith.andi %get3A_959, %and3A_961 : vector<16xi32>
        %shift_right_logical3A_963 = arith.constant 16 : i32
        %shift_right_logical3A_964 = vector.broadcast %shift_right_logical3A_963 : i32 to vector<16xi32>
        %shift_right_logical3A_965 = arith.shrui %get3A_959, %shift_right_logical3A_964 : vector<16xi32>
        %pack3A_966 = tpu.pack_subelements %and3A_962, %shift_right_logical3A_965 {pack_format = #tpu.pack_format<interleaved>, positions = array<i32: 0, 1>} : vector<16xi32>, vector<16xi32> -> vector<32xi16>
        %bitcast3A_967 = vector.bitcast %pack3A_966 : vector<32xi16> to vector<32xbf16>
        %swap3A_968 = arith.constant 44 : i32
        %swap3A_969 = arith.index_cast %scan3A_77 : i32 to index
        %swap3A_970 = arith.index_cast %swap3A_968 : i32 to index
        %swap3A_971 = arith.constant 0 : index
        %swap3A_972 = tpu.vector_load %arg7[%swap3A_969, %swap3A_970, %swap3A_971] {strides = array<i32>} : memref<32x50x32xbf16, #tpu.memory_space<vmem>>, vector<32xbf16>,
        tpu.vector_store %arg7[%swap3A_969, %swap3A_970, %swap3A_971], %bitcast3A_967 {strides = array<i32>} : memref<32x50x32xbf16, #tpu.memory_space<vmem>>, vector<32xbf16>,
        %get3A_973 = arith.constant 1 : i32
        %get3A_974 = arith.constant 45 : i32
        %get3A_975 = arith.index_cast %get3A_973 : i32 to index
        %get3A_976 = arith.index_cast %scan3A_77 : i32 to index
        %get3A_977 = arith.index_cast %get3A_974 : i32 to index
        %get3A_978 = arith.constant 0 : index
        %get3A_979 = tpu.vector_load %arg6[%get3A_975, %get3A_976, %get3A_977, %get3A_978] {strides = array<i32>} : memref<2x32x50x16xi32, #tpu.memory_space<vmem>>, vector<16xi32>,
        %and3A_980 = arith.constant 65535 : i32
        %and3A_981 = vector.broadcast %and3A_980 : i32 to vector<16xi32>
        %and3A_982 = arith.andi %get3A_979, %and3A_981 : vector<16xi32>
        %shift_right_logical3A_983 = arith.constant 16 : i32
        %shift_right_logical3A_984 = vector.broadcast %shift_right_logical3A_983 : i32 to vector<16xi32>
        %shift_right_logical3A_985 = arith.shrui %get3A_979, %shift_right_logical3A_984 : vector<16xi32>
        %pack3A_986 = tpu.pack_subelements %and3A_982, %shift_right_logical3A_985 {pack_format = #tpu.pack_format<interleaved>, positions = array<i32: 0, 1>} : vector<16xi32>, vector<16xi32> -> vector<32xi16>
        %bitcast3A_987 = vector.bitcast %pack3A_986 : vector<32xi16> to vector<32xbf16>
        %swap3A_988 = arith.constant 45 : i32
        %swap3A_989 = arith.index_cast %scan3A_77 : i32 to index
        %swap3A_990 = arith.index_cast %swap3A_988 : i32 to index
        %swap3A_991 = arith.constant 0 : index
        %swap3A_992 = tpu.vector_load %arg7[%swap3A_989, %swap3A_990, %swap3A_991] {strides = array<i32>} : memref<32x50x32xbf16, #tpu.memory_space<vmem>>, vector<32xbf16>,
        tpu.vector_store %arg7[%swap3A_989, %swap3A_990, %swap3A_991], %bitcast3A_987 {strides = array<i32>} : memref<32x50x32xbf16, #tpu.memory_space<vmem>>, vector<32xbf16>,
        %get3A_993 = arith.constant 1 : i32
        %get3A_994 = arith.constant 46 : i32
        %get3A_995 = arith.index_cast %get3A_993 : i32 to index
        %get3A_996 = arith.index_cast %scan3A_77 : i32 to index
        %get3A_997 = arith.index_cast %get3A_994 : i32 to index
        %get3A_998 = arith.constant 0 : index
        %get3A_999 = tpu.vector_load %arg6[%get3A_995, %get3A_996, %get3A_997, %get3A_998] {strides = array<i32>} : memref<2x32x50x16xi32, #tpu.memory_space<vmem>>, vector<16xi32>,
        %and3A_1000 = arith.constant 65535 : i32
        %and3A_1001 = vector.broadcast %and3A_1000 : i32 to vector<16xi32>
        %and3A_1002 = arith.andi %get3A_999, %and3A_1001 : vector<16xi32>
        %shift_right_logical3A_1003 = arith.constant 16 : i32
        %shift_right_logical3A_1004 = vector.broadcast %shift_right_logical3A_1003 : i32 to vector<16xi32>
        %shift_right_logical3A_1005 = arith.shrui %get3A_999, %shift_right_logical3A_1004 : vector<16xi32>
        %pack3A_1006 = tpu.pack_subelements %and3A_1002, %shift_right_logical3A_1005 {pack_format = #tpu.pack_format<interleaved>, positions = array<i32: 0, 1>} : vector<16xi32>, vector<16xi32> -> vector<32xi16>
        %bitcast3A_1007 = vector.bitcast %pack3A_1006 : vector<32xi16> to vector<32xbf16>
        %swap3A_1008 = arith.constant 46 : i32
        %swap3A_1009 = arith.index_cast %scan3A_77 : i32 to index
        %swap3A_1010 = arith.index_cast %swap3A_1008 : i32 to index
        %swap3A_1011 = arith.constant 0 : index
        %swap3A_1012 = tpu.vector_load %arg7[%swap3A_1009, %swap3A_1010, %swap3A_1011] {strides = array<i32>} : memref<32x50x32xbf16, #tpu.memory_space<vmem>>, vector<32xbf16>,
        tpu.vector_store %arg7[%swap3A_1009, %swap3A_1010, %swap3A_1011], %bitcast3A_1007 {strides = array<i32>} : memref<32x50x32xbf16, #tpu.memory_space<vmem>>, vector<32xbf16>,
        %get3A_1013 = arith.constant 1 : i32
        %get3A_1014 = arith.constant 47 : i32
        %get3A_1015 = arith.index_cast %get3A_1013 : i32 to index
        %get3A_1016 = arith.index_cast %scan3A_77 : i32 to index
        %get3A_1017 = arith.index_cast %get3A_1014 : i32 to index
        %get3A_1018 = arith.constant 0 : index
        %get3A_1019 = tpu.vector_load %arg6[%get3A_1015, %get3A_1016, %get3A_1017, %get3A_1018] {strides = array<i32>} : memref<2x32x50x16xi32, #tpu.memory_space<vmem>>, vector<16xi32>,
        %and3A_1020 = arith.constant 65535 : i32
        %and3A_1021 = vector.broadcast %and3A_1020 : i32 to vector<16xi32>
        %and3A_1022 = arith.andi %get3A_1019, %and3A_1021 : vector<16xi32>
        %shift_right_logical3A_1023 = arith.constant 16 : i32
        %shift_right_logical3A_1024 = vector.broadcast %shift_right_logical3A_1023 : i32 to vector<16xi32>
        %shift_right_logical3A_1025 = arith.shrui %get3A_1019, %shift_right_logical3A_1024 : vector<16xi32>
        %pack3A_1026 = tpu.pack_subelements %and3A_1022, %shift_right_logical3A_1025 {pack_format = #tpu.pack_format<interleaved>, positions = array<i32: 0, 1>} : vector<16xi32>, vector<16xi32> -> vector<32xi16>
        %bitcast3A_1027 = vector.bitcast %pack3A_1026 : vector<32xi16> to vector<32xbf16>
        %swap3A_1028 = arith.constant 47 : i32
        %swap3A_1029 = arith.index_cast %scan3A_77 : i32 to index
        %swap3A_1030 = arith.index_cast %swap3A_1028 : i32 to index
        %swap3A_1031 = arith.constant 0 : index
        %swap3A_1032 = tpu.vector_load %arg7[%swap3A_1029, %swap3A_1030, %swap3A_1031] {strides = array<i32>} : memref<32x50x32xbf16, #tpu.memory_space<vmem>>, vector<32xbf16>,
        tpu.vector_store %arg7[%swap3A_1029, %swap3A_1030, %swap3A_1031], %bitcast3A_1027 {strides = array<i32>} : memref<32x50x32xbf16, #tpu.memory_space<vmem>>, vector<32xbf16>,
        %get3A_1033 = arith.constant 1 : i32
        %get3A_1034 = arith.constant 48 : i32
        %get3A_1035 = arith.index_cast %get3A_1033 : i32 to index
        %get3A_1036 = arith.index_cast %scan3A_77 : i32 to index
        %get3A_1037 = arith.index_cast %get3A_1034 : i32 to index
        %get3A_1038 = arith.constant 0 : index
        %get3A_1039 = tpu.vector_load %arg6[%get3A_1035, %get3A_1036, %get3A_1037, %get3A_1038] {strides = array<i32>} : memref<2x32x50x16xi32, #tpu.memory_space<vmem>>, vector<16xi32>,
        %and3A_1040 = arith.constant 65535 : i32
        %and3A_1041 = vector.broadcast %and3A_1040 : i32 to vector<16xi32>
        %and3A_1042 = arith.andi %get3A_1039, %and3A_1041 : vector<16xi32>
        %shift_right_logical3A_1043 = arith.constant 16 : i32
        %shift_right_logical3A_1044 = vector.broadcast %shift_right_logical3A_1043 : i32 to vector<16xi32>
        %shift_right_logical3A_1045 = arith.shrui %get3A_1039, %shift_right_logical3A_1044 : vector<16xi32>
        %pack3A_1046 = tpu.pack_subelements %and3A_1042, %shift_right_logical3A_1045 {pack_format = #tpu.pack_format<interleaved>, positions = array<i32: 0, 1>} : vector<16xi32>, vector<16xi32> -> vector<32xi16>
        %bitcast3A_1047 = vector.bitcast %pack3A_1046 : vector<32xi16> to vector<32xbf16>
        %swap3A_1048 = arith.constant 48 : i32
        %swap3A_1049 = arith.index_cast %scan3A_77 : i32 to index
        %swap3A_1050 = arith.index_cast %swap3A_1048 : i32 to index
        %swap3A_1051 = arith.constant 0 : index
        %swap3A_1052 = tpu.vector_load %arg7[%swap3A_1049, %swap3A_1050, %swap3A_1051] {strides = array<i32>} : memref<32x50x32xbf16, #tpu.memory_space<vmem>>, vector<32xbf16>,
        tpu.vector_store %arg7[%swap3A_1049, %swap3A_1050, %swap3A_1051], %bitcast3A_1047 {strides = array<i32>} : memref<32x50x32xbf16, #tpu.memory_space<vmem>>, vector<32xbf16>,
        %get3A_1053 = arith.constant 1 : i32
        %get3A_1054 = arith.constant 49 : i32
        %get3A_1055 = arith.index_cast %get3A_1053 : i32 to index
        %get3A_1056 = arith.index_cast %scan3A_77 : i32 to index
        %get3A_1057 = arith.index_cast %get3A_1054 : i32 to index
        %get3A_1058 = arith.constant 0 : index
        %get3A_1059 = tpu.vector_load %arg6[%get3A_1055, %get3A_1056, %get3A_1057, %get3A_1058] {strides = array<i32>} : memref<2x32x50x16xi32, #tpu.memory_space<vmem>>, vector<16xi32>,
        %and3A_1060 = arith.constant 65535 : i32
        %and3A_1061 = vector.broadcast %and3A_1060 : i32 to vector<16xi32>
        %and3A_1062 = arith.andi %get3A_1059, %and3A_1061 : vector<16xi32>
        %shift_right_logical3A_1063 = arith.constant 16 : i32
        %shift_right_logical3A_1064 = vector.broadcast %shift_right_logical3A_1063 : i32 to vector<16xi32>
        %shift_right_logical3A_1065 = arith.shrui %get3A_1059, %shift_right_logical3A_1064 : vector<16xi32>
        %pack3A_1066 = tpu.pack_subelements %and3A_1062, %shift_right_logical3A_1065 {pack_format = #tpu.pack_format<interleaved>, positions = array<i32: 0, 1>} : vector<16xi32>, vector<16xi32> -> vector<32xi16>
        %bitcast3A_1067 = vector.bitcast %pack3A_1066 : vector<32xi16> to vector<32xbf16>
        %swap3A_1068 = arith.constant 49 : i32
        %swap3A_1069 = arith.index_cast %scan3A_77 : i32 to index
        %swap3A_1070 = arith.index_cast %swap3A_1068 : i32 to index
        %swap3A_1071 = arith.constant 0 : index
        %swap3A_1072 = tpu.vector_load %arg7[%swap3A_1069, %swap3A_1070, %swap3A_1071] {strides = array<i32>} : memref<32x50x32xbf16, #tpu.memory_space<vmem>>, vector<32xbf16>,
        tpu.vector_store %arg7[%swap3A_1069, %swap3A_1070, %swap3A_1071], %bitcast3A_1067 {strides = array<i32>} : memref<32x50x32xbf16, #tpu.memory_space<vmem>>, vector<32xbf16>,
        %scan3A_1073 = arith.constant 0 : i32
        scf.yield %scan3A_1073 : i32
      }
      %scan3A_65 = arith.constant 32 : i32
      %add3A_66 = arith.constant 2 : i32
      %add3A_67 = arith.addi %add3A_51, %add3A_66 : i32
      %lt3A_68 = arith.constant 16 : i32
      %lt3A_69 = arith.cmpi slt, %add3A_67, %lt3A_68 : i32
      %convert_element_type3A_70 = arith.extui %lt3A_69 : i1 to i32
      %cond3A_71 = arith.constant 0 : i32
      %cond3A_72 = arith.cmpi ne, %convert_element_type3A_70, %cond3A_71 : i32
      scf.if %cond3A_72 {
        %add3A_77 = arith.constant 2 : i32
        %add3A_78 = arith.addi %add3A_51, %add3A_77 : i32
        %scan3A_79 = arith.constant 0 : i32
        %scan3A_80 = arith.constant 0 : i32
        %scan3A_81 = arith.constant 32 : i32
        %scan3A_82 = arith.addi %scan3A_80, %scan3A_81 : i32
        %scan3A_83 = arith.constant 1 : i32
        %scan3A_84 = scf.for %scan3A_86 = %scan3A_80 to %scan3A_82 step %scan3A_83 iter_args(%scan3A_87 = %scan3A_79) -> (i32)  : i32 {
          %mul3A_88 = arith.constant 32 : i32
          %mul3A_89 = arith.muli %add3A_78, %mul3A_88 : i32
          %add3A_90 = arith.addi %mul3A_89, %scan3A_86 : i32
          %dma_start3A = arith.constant 1 : i32
          %dma_start3A_91 = arith.constant 0 : i32
          %dma_start3A_92 = arith.constant 0 : i32
          %dma_start3A_93 = arith.constant 0 : i32
          %dma_start3A_94 = tpu.memref_slice %arg6[%dma_start3A, %dma_start3A_91, %dma_start3A_92, %dma_start3A_93] : memref<2x32x50x16xi32, #tpu.memory_space<vmem>> -> memref<1x32x50x16xi32, #tpu.memory_space<vmem>>
          %dma_start3A_95 = tpu.memref_squeeze %dma_start3A_94 : memref<1x32x50x16xi32, #tpu.memory_space<vmem>> -> memref<32x50x16xi32, #tpu.memory_space<vmem>>
          %dma_start3A_96 = arith.constant 0 : i32
          %dma_start3A_97 = arith.constant 0 : i32
          %dma_start3A_98 = tpu.memref_slice %dma_start3A_95[%scan3A_86, %dma_start3A_96, %dma_start3A_97] : memref<32x50x16xi32, #tpu.memory_space<vmem>> -> memref<1x50x16xi32, #tpu.memory_space<vmem>>
          %dma_start3A_99 = tpu.memref_squeeze %dma_start3A_98 : memref<1x50x16xi32, #tpu.memory_space<vmem>> -> memref<50x16xi32, #tpu.memory_space<vmem>>
          %dma_start3A_100 = arith.constant 0 : i32
          %dma_start3A_101 = tpu.memref_slice %arg5[%add3A_90, %dma_start3A_100] : memref<512x50xi32, #tpu.memory_space<vmem>> -> memref<1x50xi32, #tpu.memory_space<vmem>>
          %dma_start3A_102 = tpu.memref_squeeze %dma_start3A_101 : memref<1x50xi32, #tpu.memory_space<vmem>> -> memref<50xi32, #tpu.memory_space<vmem>>
          %dma_start3A_103 = arith.constant 0 : i32
          %dma_start3A_104 = arith.constant 0 : i32
          %dma_start3A_105 = tpu.memref_slice %arg3[%dma_start3A_103, %dma_start3A_104] : memref<1000000x16xi32, #tpu.memory_space<hbm>> -> memref<1000000x16xi32, #tpu.memory_space<hbm>>
          tpu.enqueue_indirect_dma source(%dma_start3A_105 : memref<1000000x16xi32, #tpu.memory_space<hbm>>) target(%dma_start3A_99 : memref<50x16xi32, #tpu.memory_space<vmem>>) offsets(%dma_start3A_102 : memref<50xi32, #tpu.memory_space<vmem>>) semaphore(%arg9 : memref<!tpu.dma_semaphore, #tpu.memory_space<semaphore_mem>>)
          %scan3A_106 = arith.constant 0 : i32
          scf.yield %scan3A_106 : i32
        }
        %scan3A_85 = arith.constant 32 : i32
      } else {
      }
      %mul3A_73 = arith.constant 32 : i32
      %mul3A_74 = arith.muli %add3A_51, %mul3A_73 : i32
      %add3A_75 = arith.addi %mul3A_2, %mul3A_74 : i32
      "tpu.region"() ({
        %run_scoped3A = tpu.sem_alloc : memref<!tpu.dma_semaphore, #tpu.memory_space<semaphore_mem>>
        %dma_start3A = arith.constant 0 : i32
        %dma_start3A_77 = arith.constant 0 : i32
        %dma_start3A_78 = tpu.memref_slice %arg4[%add3A_75, %dma_start3A, %dma_start3A_77] : memref<16384x50x32xbf16, #tpu.memory_space<hbm>> -> memref<32x50x32xbf16, #tpu.memory_space<hbm>>
        %dma_start3A_79 = arith.constant 0 : i32
        %dma_start3A_80 = arith.constant 0 : i32
        %dma_start3A_81 = tpu.memref_slice %arg4[%add3A_75, %dma_start3A_79, %dma_start3A_80] : memref<16384x50x32xbf16, #tpu.memory_space<hbm>> -> memref<32x50x32xbf16, #tpu.memory_space<hbm>>
        tpu.enqueue_dma source(%arg7 : memref<32x50x32xbf16, #tpu.memory_space<vmem>>) target(%dma_start3A_81 : memref<32x50x32xbf16, #tpu.memory_space<hbm>>) target_semaphore(%run_scoped3A : memref<!tpu.dma_semaphore, #tpu.memory_space<semaphore_mem>>)
        %dma_wait3A = arith.constant 0 : i32
        %dma_wait3A_82 = arith.constant 0 : i32
        %dma_wait3A_83 = tpu.memref_slice %arg4[%add3A_75, %dma_wait3A, %dma_wait3A_82] : memref<16384x50x32xbf16, #tpu.memory_space<hbm>> -> memref<32x50x32xbf16, #tpu.memory_space<hbm>>
        %dma_wait3A_84 = arith.constant 0 : i32
        %dma_wait3A_85 = arith.constant 0 : i32
        %dma_wait3A_86 = tpu.memref_slice %arg4[%add3A_75, %dma_wait3A_84, %dma_wait3A_85] : memref<16384x50x32xbf16, #tpu.memory_space<hbm>> -> memref<32x50x32xbf16, #tpu.memory_space<hbm>>
        tpu.wait_dma2 semaphore(%run_scoped3A : memref<!tpu.dma_semaphore, #tpu.memory_space<semaphore_mem>>) src(%arg7 : memref<32x50x32xbf16, #tpu.memory_space<vmem>>) dst(%dma_wait3A_86 : memref<32x50x32xbf16, #tpu.memory_space<hbm>>)
        tpu.yield
      }) : () -> ()
      %scan3A_76 = arith.constant 0 : i32
      scf.yield %scan3A_76 : i32
    }
    %scan3A_22 = arith.constant 8 : i32
    return
  }
}

</mosaic_0001>

<sc_bundles>
// kernel: kernel.4.cloned.1.call-start
scs
__scs_entry_jumppad:
0x0: {  	(pc) =	sbr.rel $0x88, $3  }
0x1: {  	(tag) =	ssettag $0x0;
	lr =	simm.s32 $0x1  }
0x2: {  	[smem:$0x3F9F] =	sst lr;
	_ =	strace $0xD0000000  }
0x3: {  	_ = 	snop  }
0x4: {  	_ = 	snop  }
0x5: {  	_ = 	snop  }
0x6: {  	_ = 	snop  }
0x7: {  	_ = 	snop  }
__scs_overlays_trampoline_lowered:
0x8: {  	[smem:$0x3FAE] =	sst s0  }
0x9: {  	[smem:$0x3FAF] =	sst s1  }
0xa: {  	[smem:$0x3FB0] =	sst s2  }
0xb: {  	[smem:$0x3FB1] =	sst s3  }
0xc: {  	[smem:$0x3FB2] =	sst s4  }
0xd: {  	[smem:$0x3FB3] =	sst s5  }
0xe: {  	[smem:$0x3FB4] =	sst s6  }
0xf: {  	[smem:$0x3FB5] =	sst s7  }
0x10: {  	[smem:$0x3FB6] =	sst s8  }
0x11: {  	[smem:$0x3FB7] =	sst s9;
	s0 =	simm.s32 @!p0 $0x0  }
0x12: {  	s1 =	sld [smem:$0x3F9D];
	s0 =	simm.s32 @p0 $0x1  }
0x13: {  	[smem:$0x3FB8] =	sst s0;
	s0 =	simm.s32 @!p1 $0x0  }
0x14: {  	s2 =	sld [smem:$0x3F9C];
	s0 =	simm.s32 @p1 $0x1  }
0x15: {  	[smem:$0x3FB9] =	sst s0;
	s0 =	simm.s32 @!p2 $0x0  }
0x16: {  	s3 =	sld [smem:$0x3FDB];
	s0 =	simm.s32 @p2 $0x1  }
0x17: {  	s4 =	simm.s32 $0x1BF5;
	[smem:$0x3FBB] =	sst s0  }
0x18: {  	s0 =	sld [smem:$0x3F9E];
	_ =	swait.ge [sflag:s4], $0x0  }
0x19: {  	s7 =	sld [smem:$0x3F9F]  }
0x1a: {  	s8 =	sadd.s32 $0xFFFFE003, lr  }
0x1b: {  	s9 =	sadd.s32 $0xFFFFFEF7, lr;
	s5 =	simm.s32 $0xFFFFFFFF;
	p2 =	slt.u32 s8, $0xFFFFF086  }
0x1c: {  	p1 =	slt.u32 s9, $0xF7A;
	s5 =	simm.s32 @!p2 $0x0  }
0x1d: {  	s5 =	simm.s32 @p1 $0x1;
	p0 =	seq.s32 s7, s2  }
0x1e: {  	s7 =	smul.u32 @!p0 $0xF7A, s2;
	p2 =	seq.s32 @!p0 s5, $0x0  }
0x1f: {  	s9 =	smul.u32 $0xF7A, s1;
	s8 =	simm.s32 @!p0 $0x1BF5;
	p2 =	por !p2, p0  }
0x20: {  	[sflag:s8] =	ssyncset.s32 @!p0 $0xFFFFF086;
	s6 =	sadd.s32 @!p0 s3, s7;
	s7 =	simm.s32 @!p0 $0x108  }
0x21: {  	s3 =	sadd.s32 s3, s9;
	s6 =	sadd.s32 @!p0 $0x88, s6;
	s7 =	simm.s32 @p2 $0x1082  }
0x22: {  	[simem:s7], [sflag:s8] =	dma.local @!p0 [hbm:s6], $0xF7A  }
0x23: {  	s9 =	sor.u32 $0xD0000000, s2;
	s6 =	simm.s32 $0x108;
	_ =	swait.ge @!p0 [sflag:s8], $0x0  }
0x24: {  	s3 =	sadd.s32 $0x88, s3;
	s6 =	simm.s32 @!p1 $0x1082;
	[sflag:s4] =	ssyncset.s32 $0xFFFFF086  }
0x25: {  	[simem:s6], [sflag:s4] =	dma.local [hbm:s3], $0xF7A  }
0x26: {  	[smem:$0x3F9F] =	sst s1;
	(tag) =	ssettag s2;
	_ =	strace s9  }
0x27: {  	s1 =	sld [smem:$0x3FAF]  }
0x28: {  	s2 =	sld [smem:$0x3FB0]  }
0x29: {  	s4 =	sld [smem:$0x3FB2]  }
0x2a: {  	p0 =	seq.s32 s5, $0x0;
	s5 =	sld [smem:$0x3FB3]  }
0x2b: {  	s6 =	sld [smem:$0x3FB4]  }
0x2c: {  	s7 =	sld [smem:$0x3FB5]  }
0x2d: {  	s3 =	simm.s32 $0x108;
	s8 =	sld [smem:$0x3FB6]  }
0x2e: {  	s3 =	simm.s32 @!p0 $0x1082;
	s9 =	sld [smem:$0x3FB7]  }
0x2f: {  	lr =	sadd.s32 s0, s3;
	s0 =	sld [smem:$0x3FAE]  }
0x30: {  	s3 =	sld [smem:$0x3FB1]  }
0x31: {  	[smem:$0x3FBA] =	sst s10  }
0x32: {  	s10 =	sld [smem:$0x3FB8];
	_ =	sdelay $0x3  }
0x33: {  	p0 =	seq.s32 s10, $0x1;
	s10 =	sld [smem:$0x3FBA];
	_ =	sdelay $0x3  }
0x34: {  	[smem:$0x3FBA] =	sst s10  }
0x35: {  	s10 =	sld [smem:$0x3FB9];
	_ =	sdelay $0x3  }
0x36: {  	p1 =	seq.s32 s10, $0x1;
	s10 =	sld [smem:$0x3FBA];
	_ =	sdelay $0x3  }
0x37: {  	[smem:$0x3FBA] =	sst s10  }
0x38: {  	s10 =	sld [smem:$0x3FBB]  }
0x39: {  	_ = 	snop;
	(pc) =	sbr.ind lr, $3  }
0x3a: {  	_ = 	snop  }
0x3b: {  	_ = 	snop  }
0x3c: {  	p2 =	seq.s32 s10, $0x1;
	s10 =	sld [smem:$0x3FBA]  }
0x3d: {  	_ =	shalt  }
0x3e: {  	_ =	shalt  }
0x3f: {  	_ =	shalt  }
0x40: {  	_ =	shalt  }
0x41: {  	_ =	shalt  }
0x42: {  	_ =	shalt  }
0x43: {  	_ =	shalt  }
0x44: {  	_ =	shalt  }
0x45: {  	_ =	shalt  }
0x46: {  	_ =	shalt  }
0x47: {  	_ =	shalt  }
0x48: {  	_ =	shalt  }
0x49: {  	_ =	shalt  }
0x4a: {  	_ =	shalt  }
0x4b: {  	_ =	shalt  }
0x4c: {  	_ =	shalt  }
0x4d: {  	_ =	shalt  }
0x4e: {  	_ =	shalt  }
0x4f: {  	_ =	shalt  }
0x50: {  	_ =	shalt  }
0x51: {  	_ =	shalt  }
0x52: {  	_ =	shalt  }
0x53: {  	_ =	shalt  }
0x54: {  	_ =	shalt  }
0x55: {  	_ =	shalt  }
0x56: {  	_ =	shalt  }
0x57: {  	_ =	shalt  }
0x58: {  	_ =	shalt  }
0x59: {  	_ =	shalt  }
0x5a: {  	_ =	shalt  }
0x5b: {  	_ =	shalt  }
0x5c: {  	_ =	shalt  }
0x5d: {  	_ =	shalt  }
0x5e: {  	_ =	shalt  }
0x5f: {  	_ =	shalt  }
0x60: {  	_ =	shalt  }
0x61: {  	_ =	shalt  }
0x62: {  	_ =	shalt  }
0x63: {  	_ =	shalt  }
0x64: {  	_ =	shalt  }
0x65: {  	_ =	shalt  }
0x66: {  	_ =	shalt  }
0x67: {  	_ =	shalt  }
0x68: {  	_ =	shalt  }
0x69: {  	_ =	shalt  }
0x6a: {  	_ =	shalt  }
0x6b: {  	_ =	shalt  }
0x6c: {  	_ =	shalt  }
0x6d: {  	_ =	shalt  }
0x6e: {  	_ =	shalt  }
0x6f: {  	_ =	shalt  }
0x70: {  	_ =	shalt  }
0x71: {  	_ =	shalt  }
0x72: {  	_ =	shalt  }
0x73: {  	_ =	shalt  }
0x74: {  	_ =	shalt  }
0x75: {  	_ =	shalt  }
0x76: {  	_ =	shalt  }
0x77: {  	_ =	shalt  }
0x78: {  	_ =	shalt  }
0x79: {  	_ =	shalt  }
0x7a: {  	_ =	shalt  }
0x7b: {  	_ =	shalt  }
0x7c: {  	_ =	shalt  }
0x7d: {  	_ =	shalt  }
0x7e: {  	_ =	shalt  }
0x7f: {  	_ =	shalt  }
0x80: {  	_ =	shalt  }
0x81: {  	_ =	shalt  }
0x82: {  	_ =	shalt  }
0x83: {  	_ =	shalt  }
0x84: {  	_ =	shalt  }
0x85: {  	_ =	shalt  }
0x86: {  	_ =	shalt  }
0x87: {  	_ =	shalt  }
.Lfunc_end0:
.L_simem_size_0:
called_computation.2_lowered:
.L_overlay_start_0:
0x88: {  	s2 =	sld [smem:$0x3FD9]  }
0x89: {  	s3 =	sld [smem:$0x3FFE];
	_ =	sdelay $0x1  }
0x8a: {  	s1 =	srdreg.scid  }
0x8b: {  	s0 =	sand.u32 $0x1, s1  }
0x8c: {  	s16 =	sshll.u32 s0, $0xA;
	s2 =	sadd.s32 s3, s2  }
0x8d: {  	s2 =	sadd.s32 s2, s16  }
0x8e: {  	[smem:$0x3FC6] =	sst s2  }
0x8f: {  	_ = 	snop  }
0x90: {  	(tm) =	ssettm $0x1  }
0x91: {  	s17 =	sld [smem:$0x3FFB];
	_ =	sdelay $0x3  }
0x92: {  	_ =	strace s17  }
0x93: {  	s2 =	sld [smem:$0x3FFC];
	_ =	sdelay $0x3  }
0x94: {  	_ =	strace s2  }
0x95: {  	s2 =	sld [smem:$0x3FFD];
	_ =	sdelay $0x3  }
0x96: {  	_ =	strace s2  }
0x97: {  	_ =	strace $0x8FFFFFFF  }
0x98: {  	s18 =	sld [smem:$0x3FDB];
	_ =	sdelay $0x1  }
0x99: {  	s19 =	simm.s32 $_scs_section_size  }
0x9a: {  	s4 =	simm.s32 $_size__tile_overlayer_lowered;
	s5 =	simm.s32 $_tile_overlayer_lowered  }
0x9b: {  	s22 =	simm.s32 $0x1BFF;
	s21 =	sshll.u32 s5, $0x1;
	s2 =	sadd.s32 s19, s18  }
0x9c: {  	s6 =	simm.s32 $0x0;
	s20 =	sshll.u32 s4, $0x1;
	s4 =	sadd.s32 s21, s2  }
0x9d: {  	[timem:s6], [sflag:s22] =	dma.local [hbm:s4], s20  }
0x9e: {  	_ =	swait.ge [sflag:s22], s20  }
0x9f: {  	s3 =	ssub.s32 $0x0, s20;
	[sflag:s22] =	ssyncset.done $0x0  }
0xa0: {  	[sflag:s22] =	ssyncadd.s32 s3;
	_ =	sdelay $0x1  }
0xa1: {  	s23 =	simm.s32 $0x1B8B  }
0xa2: {  	_ =	swait.ge [sflag:s23], $0x1  }
0xa3: {  	[sflag:s23] =	ssyncset.done $0x0  }
0xa4: {  	s25 =	simm.s32 $0x1B8E;
	s24 =	sld [smem:$0x3FFE];
	[sflag:s23] =	ssyncadd.s32 $0xFFFFFFFF  }
0xa5: {  	s26 =	simm.s32 $execute0_lowered;
	[smem:$0x3FD2] =	sst s25  }
0xa6: {  	s4 =	sshll.u32 s26, $0x1;
	_ =	strace $0x80000049;
	[dreg:$0x1] =	wrdreg $0xFFFFFFFF  }
0xa7: {  	s28 =	simm.s32 $_size_execute0_lowered;
	s2 =	sadd.s32 s2, s4;
	[dreg:$0x0] =	wrdreg $0x0  }
0xa8: {  	s4 =	sshll.u32 s28, $0x1;
	[dreg:$0x2] =	wrdreg s2  }
0xa9: {  	[dreg:$0x3] =	wrdreg s4  }
0xaa: {  	[dreg:$0x4] =	wrdreg $0xC0  }
0xab: {  	_ =	task [dreg:s6], $0x5FFFF  }
0xac: {  	[dreg:$0x1] =	wrdreg $0xFFFFFFFF  }
0xad: {  	[dreg:$0x0] =	wrdreg $0x60  }
0xae: {  	[dreg:$0x2] =	wrdreg s24  }
0xaf: {  	[dreg:$0x3] =	wrdreg $0x9  }
0xb0: {  	_ =	task.clear_ibuf [dreg:s6], $0x4FFFF;
	_ =	strace $0x90000049  }
0xb1: {  	s29 =	simm.s32 $0x9;
	_ =	strace $0x8000004B  }
0xb2: {  	_ =	swait.ge [sflag:s29], $0x1  }
0xb3: {  	[sflag:s29] =	ssyncadd.s32 $0xFFFFFFFF  }
0xb4: {  	_ =	strace $0x9000004B  }
0xb5: {  	_ =	sfence  }
0xb6: {  	s30 =	sld [smem:$0x0];
	_ =	sdelay $0x2  }
0xb7: {  	s31 =	sshll.u32 s1, $0xD;
	s1 =	sshrl.u32 s1, $0x2  }
0xb8: {  	s3 =	sand.u32 $0x4000, s31;
	s1 =	sadd.s32 s1, s30  }
0xb9: {  	s0 =	sor.u32 s3, s0;
	s1 =	sshll.u32 s1, $0x11  }
0xba: {  	s0 =	sor.u32 s1, s0  }
0xbb: {  	s0 =	sadd.s32 $0x8F2B, s0  }
0xbc: {  	[sflag:s0] =	ssyncadd.remote.s32 $0x1  }
0xbd: {  	_ =	sfence.sel $0xFFFF  }
0xbe: {  	[dreg:$0x0] =	wrdreg $0xFFFFFFFF;
	(pc) =	sbr.abs _section_cstart, $3  }
0xbf: {  	[dreg:$0x1] =	wrdreg $0xFFFFFFFF  }
0xc0: {  	_ =	task.clear_ibuf [dreg:s6], $0x2FFFF;
	_ =	strace $0x9FFFFFFF  }
0xc1: {  	(tm) =	ssettm $0x7FFFFFFF  }
tec
execute0_lowered:
.L_overlay_start_1:
0x0: {  	(tag) =	ssettag $0x1  }
0x1: {  	s4 =	rddreg [dreg:$0x0]  }
0x2: {  	s0 =	rddreg [dreg:$0x1]  }
0x3: {  	s3 =	srdreg.scid;
	s1 =	stileid.u32  }
0x4: {  	s2 =	simm.s32 $0x0;
	s12 =	simm.s32 $0x2710;
	s13 =	simm.s32 $0x1  }
0x5: {  	s14 =	simm.s32 $0x4E20;
	s15 =	simm.s32 $0x2;
	s16 =	simm.s32 $0x7530  }
0x6: {  	s17 =	simm.s32 $0x3;
	s5 =	sand.u32 $0x1, s3;
	s31 =	sshll.u32 s1, $0x1  }
0x7: {  	s18 =	simm.s32 $0x4;
	s19 =	simm.s32 $0x0;
	s6 =	sor.u32 s5, s31  }
0x8: {  	[smem:$0x7FF] =	sst s2;
	s3 =	sadd.s32 $0x1E9800, s4;
	s7 =	smul.u32 $0xF4240, s6  }
0x9: {  	s4 =	sadd.s32 $0x1200, s4;
	s8 =	ssub.s32 $0x2, s5;
	s9 =	smul.u32 $0xF424, s6  }
0xa: {  	_ =	strace $0x8000004A;
	s10 =	sshrl.u32 s8, $0x1;
	s5 =	smul.u32 $0x7A12, s6  }
0xb: {  	s11 =	ssub.s32 s8, s10;
	s7 =	sshrl.u32 s7, $0x4;
	s6 =	sadd.s32 s3, s9  }
0xc: {  	s8 =	sadd.s32 $0x4E2, s5;
	s9 =	sadd.s32 $0x271, s5;
	s7 =	sadd.s32 s3, s7  }
0xd: {  	s10 =	sadd.s32 $0x753, s5;
	s11 =	smax.u32 s11, $0x1;
	s7 =	sadd.s32 $0x4E2, s7  }
.LBB2_1:
0xe: {  	[tilespmem:s2], [sflag:$0x1] =	stream.linear.gather [hbm4b:s6+s2], $0x2710, $0x38;
	[tilespmem:$0x9C40] =	vst v63  }
0xf: {  	s20 =	simm.s32 $0x0  }
0x10: {  	[tilespmem:s12], [sflag:$0x2] =	stream.linear.gather [hbm4b:s7+s2], $0x2710, $0x38;
	[tilespmem:$0x9C40] =	vst v63  }
.LBB2_2:
0x11: {  	_ =	swait.ge [sflag:s13], $0x2710  }
0x12: {  	p1 =	seq.s32 s20, $0x0;
	[sflag:s13] =	ssyncset.done $0x0  }
0x13: {  	s21 =	simm.s32 @!p1 $0x3;
	[sflag:s13] =	ssyncadd.s32 $0xFFFFD8F0  }
0x14: {  	_ =	swait.ge @!p1 [sflag:s21], $0x2710  }
0x15: {  	[sflag:s21] =	ssyncset.done @!p1 $0x0  }
0x16: {  	s22 =	simm.s32 $0x0;
	[sflag:s21] =	ssyncadd.s32 @!p1 $0xFFFFD8F0  }
0x17: {  	v3 =	vld [tilespmem:s22+$0x40]  }
0x18: {  	v1 =	vld [tilespmem:s22+$0x0]  }
0x19: {  	s21 =	smul.u32 $0x4E2, s20;
	v2 =	vld [tilespmem:s22+$0x10]  }
0x1a: {  	v0 =	vld [tilespmem:s22+$0x20]  }
0x1b: {  	s24 =	simm.s32 $0x140;
	v4 =	vld [tilespmem:s22+$0x30];
	s23 =	sadd.s32 s5, s21  }
.LBB2_3:
0x1c: {  	s25 =	sshra.s32 s24, $0x2;
	p0 =	sne.s32 s24, $0x9B00;
	s24 =	sadd.s32 $0x140, s24;
	[tilespmem:s22+$0x4E60] =	vst v3  }
.Ltmp0:
0x1d: {  	v3 =	vld [tilespmem:s25+$0x40];
	[tilespmem:s22+$0x4E20] =	vst v1;
	(pc) =	sbr.rel @p0 .LBB2_3-.Ltmp0, $4  }
0x1e: {  	v1 =	vld [tilespmem:s25+$0x0];
	[tilespmem:s22+$0x4E30] =	vst v2  }
0x1f: {  	v2 =	vld [tilespmem:s25+$0x10];
	[tilespmem:s22+$0x4E40] =	vst v0  }
0x20: {  	v0 =	vld [tilespmem:s25+$0x20];
	[tilespmem:s22+$0x4E50] =	vst v4;
	s22 =	smov.u32 s25  }
0x21: {  	v4 =	vld [tilespmem:s22+$0x30]  }
0x22: {  	[tilespmem:s22+$0x4E60] =	vst v3;
	p0 =	seq.s32 s20, $0x18  }
0x23: {  	[tilespmem:s22+$0x4E20] =	vst v1;
	s24 =	sadd.s32 @!p0 s21, s8  }
0x24: {  	[tilespmem:s22+$0x4E30] =	vst v2;
	s24 =	sshll.u32 @!p0 s24, $0x1  }
0x25: {  	[tilespmem:s22+$0x4E40] =	vst v0;
	s24 =	sand.u32 @!p0 $0xFFFFFFC, s24  }
0x26: {  	s31 =	sshll.u32 s23, $0x1;
	[tilespmem:s22+$0x4E50] =	vst v4;
	s22 =	sadd.s32 @!p0 s3, s24;
	s24 =	simm.s32 @!p0 $0x0  }
0x27: {  	[tilespmem:s24], [sflag:$0x1] =	stream.linear.gather @!p0 [hbm4b:s22+s24], $0x2710, $0x38;
	[tilespmem:$0x9C40] =	vst v63  }
0x28: {  	s22 =	sadd.s32 s4, s31  }
0x29: {  	[hbm4b:s22+s2] =	stream.linear.scatter [tilespmem:s14], [sflag:$0x3], $0x2710, $0x38;
	[tilespmem:$0x9C40] =	vst v63  }
0x2a: {  	_ =	swait.ge [sflag:s15], $0x2710  }
0x2b: {  	[sflag:s15] =	ssyncset.done $0x0  }
0x2c: {  	s22 =	simm.s32 @!p1 $0x4;
	[sflag:s15] =	ssyncadd.s32 $0xFFFFD8F0  }
0x2d: {  	_ =	swait.ge @!p1 [sflag:s22], $0x2710  }
0x2e: {  	[sflag:s22] =	ssyncset.done @!p1 $0x0  }
0x2f: {  	s23 =	simm.s32 $0x0;
	[sflag:s22] =	ssyncadd.s32 @!p1 $0xFFFFD8F0  }
0x30: {  	v2 =	vld [tilespmem:s23+$0x2750]  }
0x31: {  	v3 =	vld [tilespmem:s23+$0x2710]  }
0x32: {  	v1 =	vld [tilespmem:s23+$0x2720]  }
0x33: {  	v0 =	vld [tilespmem:s23+$0x2730]  }
0x34: {  	s24 =	simm.s32 $0x140;
	s22 =	sadd.s32 s21, s9;
	v4 =	vld [tilespmem:s23+$0x2740]  }
.LBB2_5:
0x35: {  	s25 =	sshra.s32 s24, $0x2;
	p1 =	sne.s32 s24, $0x9B00;
	s24 =	sadd.s32 $0x140, s24;
	[tilespmem:s23+$0x7570] =	vst v2  }
.Ltmp1:
0x36: {  	v2 =	vld [tilespmem:s25+$0x2750];
	[tilespmem:s23+$0x7530] =	vst v3;
	(pc) =	sbr.rel @p1 .LBB2_5-.Ltmp1, $4  }
0x37: {  	v3 =	vld [tilespmem:s25+$0x2710];
	[tilespmem:s23+$0x7540] =	vst v1  }
0x38: {  	v1 =	vld [tilespmem:s25+$0x2720];
	[tilespmem:s23+$0x7550] =	vst v0  }
0x39: {  	v0 =	vld [tilespmem:s25+$0x2730];
	[tilespmem:s23+$0x7560] =	vst v4;
	s23 =	smov.u32 s25  }
0x3a: {  	v4 =	vld [tilespmem:s23+$0x2740]  }
0x3b: {  	[tilespmem:s23+$0x7570] =	vst v2  }
0x3c: {  	s21 =	sadd.s32 @!p0 s21, s10;
	[tilespmem:s23+$0x7530] =	vst v3  }
0x3d: {  	s21 =	sshll.u32 @!p0 s21, $0x1;
	[tilespmem:s23+$0x7540] =	vst v1  }
0x3e: {  	s24 =	simm.s32 @!p0 $0x2710;
	s21 =	sand.u32 @!p0 $0xFFFFFFE, s21;
	[tilespmem:s23+$0x7550] =	vst v0  }
0x3f: {  	s20 =	sadd.s32 $0x1, s20;
	s21 =	sadd.s32 @!p0 s3, s21;
	[tilespmem:s23+$0x7560] =	vst v4;
	s23 =	simm.s32 @!p0 $0x0  }
0x40: {  	[tilespmem:s24], [sflag:$0x2] =	stream.linear.gather @!p0 [hbm4b:s21+s23], $0x2710, $0x38;
	[tilespmem:$0x9C40] =	vst v63  }
0x41: {  	p0 =	sne.s32 s20, $0x19  }
.Ltmp2:
0x42: {  	_ = 	snop;
	(pc) =	sbr.rel @p0 .LBB2_2-.Ltmp2, $4  }
0x43: {  	s31 =	sshll.u32 s22, $0x1  }
0x44: {  	s21 =	sand.u32 $0x1FFFFFFE, s31  }
0x45: {  	s21 =	sadd.s32 s4, s21  }
0x46: {  	[hbm4b:s21+s2] =	stream.linear.scatter [tilespmem:s16], [sflag:$0x4], $0x2710, $0x38;
	[tilespmem:$0x9C40] =	vst v63  }
0x47: {  	s19 =	sadd.s32 $0x1, s19  }
0x48: {  	_ =	swait.ge [sflag:s17], $0x2710;
	p0 =	sne.s32 s19, s11  }
.Ltmp3:
0x49: {  	[sflag:s17] =	ssyncset.done $0x0;
	(pc) =	sbr.rel @p0 .LBB2_1-.Ltmp3, $4  }
0x4a: {  	[sflag:s17] =	ssyncadd.s32 $0xFFFFD8F0  }
0x4b: {  	_ =	swait.ge [sflag:s18], $0x2710  }
0x4c: {  	[sflag:s18] =	ssyncset.done $0x0  }
0x4d: {  	[sflag:s18] =	ssyncadd.s32 $0xFFFFD8F0  }
0x4e: {  	_ =	sfence.sel $0x180000  }
0x4f: {  	[bflag:$0x0] =	sbarrier.arrive $0xFFFF  }
0x50: {  	p0 =	sne.s32 s1, $0x0;
	_ =	strace $0x9000004A  }
0x51: {  	s0 =	sadd.s32 @!p0 $0x100000, s0;
	[bflag:$0x2] =	sbarrier.arrive $0xFFFF  }
0x52: {  	[sflag:s0] =	ssyncadd.tile.s32 @!p0 $0x1;
	_ =	shalt  }
.Lfunc_end2:
_tile_overlayer_lowered:
.L_overlay_start_2:
0x53: {  	(tag) =	ssettag $0x2  }
0x54: {  	s0 =	rddreg [dreg:$0x0];
	s2 =	stileid.u32  }
0x55: {  	s1 =	rddreg [dreg:$0x1];
	p0 =	sne.s32 s2, $0x0  }
0x56: {  	s3 =	rddreg [dreg:$0x2];
	[bflag:$0x3] =	sbarrier.arrive $0xFFFF;
	s2 =	simm.s32 @!p0 $0x1C05  }
0x57: {  	[timem:s3], [sflag:s2] =	dma.local @!p0 [hbm:s0], s1  }
0x58: {  	s0 =	simm.s32 @!p0 $0x5  }
0x59: {  	_ =	swait.ge @!p0 [sflag:s0], s1  }
0x5a: {  	s1 =	ssub.s32 @!p0 $0x0, s1;
	[sflag:s0] =	ssyncset.done @!p0 $0x0  }
0x5b: {  	[sflag:s0] =	ssyncadd.s32 @!p0 s1  }
0x5c: {  	[bflag:$0x3] =	sbarrier.arrive $0xFFFF  }
0x5d: {  	_ =	shalt  }

// kernel: kernel.7.cloned.1.call-start
scs
__scs_entry_jumppad:
0x0: {  	(pc) =	sbr.rel $0x88, $3  }
0x1: {  	(tag) =	ssettag $0x0;
	lr =	simm.s32 $0x1  }
0x2: {  	[smem:$0x3F9F] =	sst lr;
	_ =	strace $0xD0000000  }
0x3: {  	_ = 	snop  }
0x4: {  	_ = 	snop  }
0x5: {  	_ = 	snop  }
0x6: {  	_ = 	snop  }
0x7: {  	_ = 	snop  }
__scs_overlays_trampoline_lowered:
0x8: {  	[smem:$0x3FAE] =	sst s0  }
0x9: {  	[smem:$0x3FAF] =	sst s1  }
0xa: {  	[smem:$0x3FB0] =	sst s2  }
0xb: {  	[smem:$0x3FB1] =	sst s3  }
0xc: {  	[smem:$0x3FB2] =	sst s4  }
0xd: {  	[smem:$0x3FB3] =	sst s5  }
0xe: {  	[smem:$0x3FB4] =	sst s6  }
0xf: {  	[smem:$0x3FB5] =	sst s7  }
0x10: {  	[smem:$0x3FB6] =	sst s8  }
0x11: {  	[smem:$0x3FB7] =	sst s9;
	s0 =	simm.s32 @!p0 $0x0  }
0x12: {  	s1 =	sld [smem:$0x3F9D];
	s0 =	simm.s32 @p0 $0x1  }
0x13: {  	[smem:$0x3FB8] =	sst s0;
	s0 =	simm.s32 @!p1 $0x0  }
0x14: {  	s2 =	sld [smem:$0x3F9C];
	s0 =	simm.s32 @p1 $0x1  }
0x15: {  	[smem:$0x3FB9] =	sst s0;
	s0 =	simm.s32 @!p2 $0x0  }
0x16: {  	s3 =	sld [smem:$0x3FDB];
	s0 =	simm.s32 @p2 $0x1  }
0x17: {  	s4 =	simm.s32 $0x1BF5;
	[smem:$0x3FBB] =	sst s0  }
0x18: {  	s0 =	sld [smem:$0x3F9E];
	_ =	swait.ge [sflag:s4], $0x0  }
0x19: {  	s7 =	sld [smem:$0x3F9F]  }
0x1a: {  	s8 =	sadd.s32 $0xFFFFE003, lr  }
0x1b: {  	s9 =	sadd.s32 $0xFFFFFEF7, lr;
	s5 =	simm.s32 $0xFFFFFFFF;
	p2 =	slt.u32 s8, $0xFFFFF086  }
0x1c: {  	p1 =	slt.u32 s9, $0xF7A;
	s5 =	simm.s32 @!p2 $0x0  }
0x1d: {  	s5 =	simm.s32 @p1 $0x1;
	p0 =	seq.s32 s7, s2  }
0x1e: {  	s7 =	smul.u32 @!p0 $0xF7A, s2;
	p2 =	seq.s32 @!p0 s5, $0x0  }
0x1f: {  	s9 =	smul.u32 $0xF7A, s1;
	s8 =	simm.s32 @!p0 $0x1BF5;
	p2 =	por !p2, p0  }
0x20: {  	[sflag:s8] =	ssyncset.s32 @!p0 $0xFFFFF086;
	s6 =	sadd.s32 @!p0 s3, s7;
	s7 =	simm.s32 @!p0 $0x108  }
0x21: {  	s3 =	sadd.s32 s3, s9;
	s6 =	sadd.s32 @!p0 $0x88, s6;
	s7 =	simm.s32 @p2 $0x1082  }
0x22: {  	[simem:s7], [sflag:s8] =	dma.local @!p0 [hbm:s6], $0xF7A  }
0x23: {  	s9 =	sor.u32 $0xD0000000, s2;
	s6 =	simm.s32 $0x108;
	_ =	swait.ge @!p0 [sflag:s8], $0x0  }
0x24: {  	s3 =	sadd.s32 $0x88, s3;
	s6 =	simm.s32 @!p1 $0x1082;
	[sflag:s4] =	ssyncset.s32 $0xFFFFF086  }
0x25: {  	[simem:s6], [sflag:s4] =	dma.local [hbm:s3], $0xF7A  }
0x26: {  	[smem:$0x3F9F] =	sst s1;
	(tag) =	ssettag s2;
	_ =	strace s9  }
0x27: {  	s1 =	sld [smem:$0x3FAF]  }
0x28: {  	s2 =	sld [smem:$0x3FB0]  }
0x29: {  	s4 =	sld [smem:$0x3FB2]  }
0x2a: {  	p0 =	seq.s32 s5, $0x0;
	s5 =	sld [smem:$0x3FB3]  }
0x2b: {  	s6 =	sld [smem:$0x3FB4]  }
0x2c: {  	s7 =	sld [smem:$0x3FB5]  }
0x2d: {  	s3 =	simm.s32 $0x108;
	s8 =	sld [smem:$0x3FB6]  }
0x2e: {  	s3 =	simm.s32 @!p0 $0x1082;
	s9 =	sld [smem:$0x3FB7]  }
0x2f: {  	lr =	sadd.s32 s0, s3;
	s0 =	sld [smem:$0x3FAE]  }
0x30: {  	s3 =	sld [smem:$0x3FB1]  }
0x31: {  	[smem:$0x3FBA] =	sst s10  }
0x32: {  	s10 =	sld [smem:$0x3FB8];
	_ =	sdelay $0x3  }
0x33: {  	p0 =	seq.s32 s10, $0x1;
	s10 =	sld [smem:$0x3FBA];
	_ =	sdelay $0x3  }
0x34: {  	[smem:$0x3FBA] =	sst s10  }
0x35: {  	s10 =	sld [smem:$0x3FB9];
	_ =	sdelay $0x3  }
0x36: {  	p1 =	seq.s32 s10, $0x1;
	s10 =	sld [smem:$0x3FBA];
	_ =	sdelay $0x3  }
0x37: {  	[smem:$0x3FBA] =	sst s10  }
0x38: {  	s10 =	sld [smem:$0x3FBB]  }
0x39: {  	_ = 	snop;
	(pc) =	sbr.ind lr, $3  }
0x3a: {  	_ = 	snop  }
0x3b: {  	_ = 	snop  }
0x3c: {  	p2 =	seq.s32 s10, $0x1;
	s10 =	sld [smem:$0x3FBA]  }
0x3d: {  	_ =	shalt  }
0x3e: {  	_ =	shalt  }
0x3f: {  	_ =	shalt  }
0x40: {  	_ =	shalt  }
0x41: {  	_ =	shalt  }
0x42: {  	_ =	shalt  }
0x43: {  	_ =	shalt  }
0x44: {  	_ =	shalt  }
0x45: {  	_ =	shalt  }
0x46: {  	_ =	shalt  }
0x47: {  	_ =	shalt  }
0x48: {  	_ =	shalt  }
0x49: {  	_ =	shalt  }
0x4a: {  	_ =	shalt  }
0x4b: {  	_ =	shalt  }
0x4c: {  	_ =	shalt  }
0x4d: {  	_ =	shalt  }
0x4e: {  	_ =	shalt  }
0x4f: {  	_ =	shalt  }
0x50: {  	_ =	shalt  }
0x51: {  	_ =	shalt  }
0x52: {  	_ =	shalt  }
0x53: {  	_ =	shalt  }
0x54: {  	_ =	shalt  }
0x55: {  	_ =	shalt  }
0x56: {  	_ =	shalt  }
0x57: {  	_ =	shalt  }
0x58: {  	_ =	shalt  }
0x59: {  	_ =	shalt  }
0x5a: {  	_ =	shalt  }
0x5b: {  	_ =	shalt  }
0x5c: {  	_ =	shalt  }
0x5d: {  	_ =	shalt  }
0x5e: {  	_ =	shalt  }
0x5f: {  	_ =	shalt  }
0x60: {  	_ =	shalt  }
0x61: {  	_ =	shalt  }
0x62: {  	_ =	shalt  }
0x63: {  	_ =	shalt  }
0x64: {  	_ =	shalt  }
0x65: {  	_ =	shalt  }
0x66: {  	_ =	shalt  }
0x67: {  	_ =	shalt  }
0x68: {  	_ =	shalt  }
0x69: {  	_ =	shalt  }
0x6a: {  	_ =	shalt  }
0x6b: {  	_ =	shalt  }
0x6c: {  	_ =	shalt  }
0x6d: {  	_ =	shalt  }
0x6e: {  	_ =	shalt  }
0x6f: {  	_ =	shalt  }
0x70: {  	_ =	shalt  }
0x71: {  	_ =	shalt  }
0x72: {  	_ =	shalt  }
0x73: {  	_ =	shalt  }
0x74: {  	_ =	shalt  }
0x75: {  	_ =	shalt  }
0x76: {  	_ =	shalt  }
0x77: {  	_ =	shalt  }
0x78: {  	_ =	shalt  }
0x79: {  	_ =	shalt  }
0x7a: {  	_ =	shalt  }
0x7b: {  	_ =	shalt  }
0x7c: {  	_ =	shalt  }
0x7d: {  	_ =	shalt  }
0x7e: {  	_ =	shalt  }
0x7f: {  	_ =	shalt  }
0x80: {  	_ =	shalt  }
0x81: {  	_ =	shalt  }
0x82: {  	_ =	shalt  }
0x83: {  	_ =	shalt  }
0x84: {  	_ =	shalt  }
0x85: {  	_ =	shalt  }
0x86: {  	_ =	shalt  }
0x87: {  	_ =	shalt  }
.Lfunc_end0:
.L_simem_size_0:
called_computation.3_lowered:
.L_overlay_start_0:
0x88: {  	s2 =	sld [smem:$0x3FD9]  }
0x89: {  	s3 =	sld [smem:$0x3FFE];
	_ =	sdelay $0x1  }
0x8a: {  	s1 =	srdreg.scid  }
0x8b: {  	s0 =	sand.u32 $0x1, s1  }
0x8c: {  	s17 =	sshll.u32 s0, $0xA;
	s2 =	sadd.s32 s3, s2  }
0x8d: {  	s2 =	sadd.s32 s2, s17  }
0x8e: {  	[smem:$0x3FC6] =	sst s2  }
0x8f: {  	_ = 	snop  }
0x90: {  	s2 =	sld [smem:$0x3FD0];
	(tm) =	ssettm $0x1  }
0x91: {  	s18 =	sld [smem:$0x3FFB];
	_ =	sdelay $0x3  }
0x92: {  	_ =	strace s18  }
0x93: {  	s3 =	sld [smem:$0x3FFC];
	_ =	sdelay $0x3  }
0x94: {  	_ =	strace s3  }
0x95: {  	s3 =	sld [smem:$0x3FFD];
	_ =	sdelay $0x3  }
0x96: {  	_ =	strace s3  }
0x97: {  	_ =	strace $0x8FFFFFFF  }
0x98: {  	s19 =	sld [smem:$0x3FDB];
	_ =	sdelay $0x1  }
0x99: {  	s4 =	simm.s32 $_scs_section_size  }
0x9a: {  	s5 =	simm.s32 $_size__tile_overlayer_lowered;
	s6 =	simm.s32 $_tile_overlayer_lowered  }
0x9b: {  	s22 =	simm.s32 $0x1BFF;
	s21 =	sshll.u32 s6, $0x1;
	s3 =	sadd.s32 s4, s19  }
0x9c: {  	s7 =	simm.s32 $0x0;
	s20 =	sshll.u32 s5, $0x1;
	s5 =	sadd.s32 s21, s3  }
0x9d: {  	[timem:s7], [sflag:s22] =	dma.local [hbm:s5], s20  }
0x9e: {  	_ =	swait.ge [sflag:s22], s20  }
0x9f: {  	s4 =	ssub.s32 $0x0, s20;
	[sflag:s22] =	ssyncset.done $0x0  }
0xa0: {  	[sflag:s22] =	ssyncadd.s32 s4;
	_ =	sdelay $0x1  }
0xa1: {  	s23 =	simm.s32 $0x1B8B  }
0xa2: {  	_ =	swait.ge [sflag:s23], $0x1  }
0xa3: {  	[sflag:s23] =	ssyncset.done $0x0  }
0xa4: {  	s25 =	simm.s32 $0x1B8E;
	s24 =	sld [smem:$0x3FFE];
	[sflag:s23] =	ssyncadd.s32 $0xFFFFFFFF  }
0xa5: {  	s26 =	simm.s32 $execute0_lowered;
	[smem:$0x3FD2] =	sst s25  }
0xa6: {  	s5 =	sshll.u32 s26, $0x1;
	_ =	strace $0x8000004C;
	[dreg:$0x1] =	wrdreg $0xFFFFFFFF  }
0xa7: {  	s28 =	simm.s32 $_size_execute0_lowered;
	s3 =	sadd.s32 s3, s5;
	[dreg:$0x0] =	wrdreg $0x0  }
0xa8: {  	s5 =	sshll.u32 s28, $0x1;
	[dreg:$0x2] =	wrdreg s3  }
0xa9: {  	[dreg:$0x3] =	wrdreg s5  }
0xaa: {  	[dreg:$0x4] =	wrdreg $0xC0  }
0xab: {  	_ =	task [dreg:s7], $0x5FFFF  }
0xac: {  	[dreg:$0x1] =	wrdreg $0xFFFFFFFF  }
0xad: {  	[dreg:$0x0] =	wrdreg $0x60  }
0xae: {  	[dreg:$0x2] =	wrdreg s2  }
0xaf: {  	[dreg:$0x3] =	wrdreg s24  }
0xb0: {  	[dreg:$0x4] =	wrdreg $0x9  }
0xb1: {  	_ =	task.clear_ibuf [dreg:s7], $0x5FFFF;
	_ =	strace $0x9000004C  }
0xb2: {  	s29 =	simm.s32 $0x9;
	_ =	strace $0x8000004E  }
0xb3: {  	_ =	swait.ge [sflag:s29], $0x1  }
0xb4: {  	[sflag:s29] =	ssyncadd.s32 $0xFFFFFFFF  }
0xb5: {  	_ =	strace $0x9000004E  }
0xb6: {  	_ =	sfence  }
0xb7: {  	s30 =	sld [smem:$0x0];
	_ =	sdelay $0x2  }
0xb8: {  	s31 =	sshll.u32 s1, $0xD;
	s1 =	sshrl.u32 s1, $0x2  }
0xb9: {  	s3 =	sand.u32 $0x4000, s31;
	s1 =	sadd.s32 s1, s30  }
0xba: {  	s0 =	sor.u32 s3, s0;
	s1 =	sshll.u32 s1, $0x11  }
0xbb: {  	s0 =	sor.u32 s1, s0  }
0xbc: {  	s0 =	sadd.s32 $0x8F2B, s0  }
0xbd: {  	[sflag:s0] =	ssyncadd.remote.s32 $0x1  }
0xbe: {  	_ =	sfence.sel $0xFFFF  }
0xbf: {  	[dreg:$0x0] =	wrdreg $0xFFFFFFFF;
	(pc) =	sbr.abs _section_cstart, $3  }
0xc0: {  	[dreg:$0x1] =	wrdreg $0xFFFFFFFF  }
0xc1: {  	_ =	task.clear_ibuf [dreg:s7], $0x2FFFF;
	_ =	strace $0x9FFFFFFF  }
0xc2: {  	(tm) =	ssettm $0x7FFFFFFF  }
0xc3: {  	_ =	shalt  }
tec
execute0_lowered:
.L_overlay_start_1:
0x0: {  	(tag) =	ssettag $0x1  }
0x1: {  	s0 =	rddreg [dreg:$0x0]  }
0x2: {  	s1 =	rddreg [dreg:$0x1]  }
0x3: {  	s2 =	srdreg.scid;
	s4 =	stileid.u32;
	s9 =	simm.s32 $0x32  }
0x4: {  	s10 =	simm.s32 $0xCB0;
	s11 =	simm.s32 $0x12540;
	s12 =	simm.s32 $0xCE8  }
0x5: {  	s13 =	simm.s32 $0x12860;
	s14 =	simm.s32 $0xD20;
	s15 =	simm.s32 $0x12B80  }
0x6: {  	s16 =	simm.s32 $0xD58;
	s17 =	simm.s32 $0x12EA0;
	s18 =	simm.s32 $0xD90  }
0x7: {  	s19 =	simm.s32 $0x131C0;
	s20 =	simm.s32 $0xDC8;
	s21 =	simm.s32 $0x134E0  }
0x8: {  	s22 =	simm.s32 $0x1;
	s23 =	simm.s32 $0x13800;
	s24 =	simm.s32 $0x2  }
0x9: {  	s25 =	simm.s32 $0x0;
	s3 =	sand.u32 $0x1, s2;
	s2 =	simm.s32 $0x0  }
.Ltmp0:
0xa: {  	s4 =	sshll.u32 s4, $0xA;
	s5 =	sshll.u32 s3, $0x9;
	(pc) =	sbr.rel .LBB2_1-.Ltmp0, $4  }
0xb: {  	[smem:$0x7FF] =	sst s2;
	s6 =	ssub.s32 $0x2, s3;
	s3 =	sor.u32 s5, s4  }
0xc: {  	_ =	strace $0x8000004D;
	s7 =	sshrl.u32 s6, $0x1;
	s8 =	smul.u32 $0x7, s3  }
0xd: {  	s4 =	sadd.s32 $0x1200, s1;
	s5 =	sadd.s32 $0x1E9800, s1;
	s31 =	ssub.s32 s6, s7  }
0xe: {  	s7 =	smax.u32 s31, $0x1;
	s6 =	sadd.s32 s0, s8;
	s8 =	simm.s32 $0x3  }
.LBB2_13:
0xf: {  	s25 =	sadd.s32 $0x1, s25  }
0x10: {  	p0 =	sne.s32 s25, s7  }
.Ltmp1:
0x11: {  	_ = 	snop;
	(pc) =	sbr.rel @!p0 .LBB2_14-.Ltmp1, $1  }
0x12: {  	_ =	sdelay $0x3  }
.LBB2_1:
0x13: {  	[tilespmem:s2], [sflag:$0x3] =	stream.linear.gather [hbm4b:s6+s2], $0x7000, $0x38;
	[tilespmem:$0x19C00] =	vst v63  }
0x14: {  	_ =	swait.ge [sflag:s8], $0x7000  }
0x15: {  	[sflag:s8] =	ssyncset.done $0x0  }
0x16: {  	s0 =	simm.s32 $0x7000;
	[sflag:s8] =	ssyncadd.s32 $0xFFFF9000  }
0x17: {  	[tilespmem:s0], [sflag:$0x1] =	stream.indirect.gather [hbm4b:s4+s9], $0x10, s2, s9, $0xb8;
	[tilespmem:$0x19C00] =	vst v63  }
0x18: {  	s31 =	simm.s32 $0x38;
	s1 =	simm.s32 $0x7320  }
0x19: {  	[tilespmem:s1], [sflag:$0x1] =	stream.indirect.gather [hbm4b:s4+s9], $0x10, s31, s9, $0xb8;
	[tilespmem:$0x19C00] =	vst v63  }
0x1a: {  	s26 =	simm.s32 $0x7640;
	s1 =	simm.s32 $0x70  }
0x1b: {  	[tilespmem:s26], [sflag:$0x1] =	stream.indirect.gather [hbm4b:s4+s9], $0x10, s1, s9, $0xb8;
	[tilespmem:$0x19C00] =	vst v63  }
0x1c: {  	s30 =	simm.s32 $0xA8;
	s31 =	simm.s32 $0x7960  }
0x1d: {  	[tilespmem:s31], [sflag:$0x1] =	stream.indirect.gather [hbm4b:s4+s9], $0x10, s30, s9, $0xb8;
	[tilespmem:$0x19C00] =	vst v63  }
0x1e: {  	s1 =	simm.s32 $0xE0;
	s26 =	simm.s32 $0x7C80  }
0x1f: {  	[tilespmem:s26], [sflag:$0x1] =	stream.indirect.gather [hbm4b:s4+s9], $0x10, s1, s9, $0xb8;
	[tilespmem:$0x19C00] =	vst v63  }
0x20: {  	s30 =	simm.s32 $0x118;
	s31 =	simm.s32 $0x7FA0  }
0x21: {  	[tilespmem:s31], [sflag:$0x1] =	stream.indirect.gather [hbm4b:s4+s9], $0x10, s30, s9, $0xb8;
	[tilespmem:$0x19C00] =	vst v63  }
0x22: {  	s1 =	simm.s32 $0x150;
	s26 =	simm.s32 $0x82C0  }
0x23: {  	[tilespmem:s26], [sflag:$0x1] =	stream.indirect.gather [hbm4b:s4+s9], $0x10, s1, s9, $0xb8;
	[tilespmem:$0x19C00] =	vst v63  }
0x24: {  	s30 =	simm.s32 $0x188;
	s31 =	simm.s32 $0x85E0  }
0x25: {  	[tilespmem:s31], [sflag:$0x1] =	stream.indirect.gather [hbm4b:s4+s9], $0x10, s30, s9, $0xb8;
	[tilespmem:$0x19C00] =	vst v63  }
0x26: {  	s1 =	simm.s32 $0x1C0;
	s26 =	simm.s32 $0x8900  }
0x27: {  	[tilespmem:s26], [sflag:$0x1] =	stream.indirect.gather [hbm4b:s4+s9], $0x10, s1, s9, $0xb8;
	[tilespmem:$0x19C00] =	vst v63  }
0x28: {  	s30 =	simm.s32 $0x1F8;
	s31 =	simm.s32 $0x8C20  }
0x29: {  	[tilespmem:s31], [sflag:$0x1] =	stream.indirect.gather [hbm4b:s4+s9], $0x10, s30, s9, $0xb8;
	[tilespmem:$0x19C00] =	vst v63  }
0x2a: {  	s1 =	simm.s32 $0x230;
	s26 =	simm.s32 $0x8F40  }
0x2b: {  	[tilespmem:s26], [sflag:$0x1] =	stream.indirect.gather [hbm4b:s4+s9], $0x10, s1, s9, $0xb8;
	[tilespmem:$0x19C00] =	vst v63  }
0x2c: {  	s30 =	simm.s32 $0x268;
	s31 =	simm.s32 $0x9260  }
0x2d: {  	[tilespmem:s31], [sflag:$0x1] =	stream.indirect.gather [hbm4b:s4+s9], $0x10, s30, s9, $0xb8;
	[tilespmem:$0x19C00] =	vst v63  }
0x2e: {  	s1 =	simm.s32 $0x2A0;
	s26 =	simm.s32 $0x9580  }
0x2f: {  	[tilespmem:s26], [sflag:$0x1] =	stream.indirect.gather [hbm4b:s4+s9], $0x10, s1, s9, $0xb8;
	[tilespmem:$0x19C00] =	vst v63  }
0x30: {  	s30 =	simm.s32 $0x2D8;
	s31 =	simm.s32 $0x98A0  }
0x31: {  	[tilespmem:s31], [sflag:$0x1] =	stream.indirect.gather [hbm4b:s4+s9], $0x10, s30, s9, $0xb8;
	[tilespmem:$0x19C00] =	vst v63  }
0x32: {  	s1 =	simm.s32 $0x310;
	s26 =	simm.s32 $0x9BC0  }
0x33: {  	[tilespmem:s26], [sflag:$0x1] =	stream.indirect.gather [hbm4b:s4+s9], $0x10, s1, s9, $0xb8;
	[tilespmem:$0x19C00] =	vst v63  }
0x34: {  	s30 =	simm.s32 $0x348;
	s31 =	simm.s32 $0x9EE0  }
0x35: {  	[tilespmem:s31], [sflag:$0x1] =	stream.indirect.gather [hbm4b:s4+s9], $0x10, s30, s9, $0xb8;
	[tilespmem:$0x19C00] =	vst v63  }
0x36: {  	s1 =	simm.s32 $0x380;
	s26 =	simm.s32 $0xA200  }
0x37: {  	[tilespmem:s26], [sflag:$0x1] =	stream.indirect.gather [hbm4b:s4+s9], $0x10, s1, s9, $0xb8;
	[tilespmem:$0x19C00] =	vst v63  }
0x38: {  	s30 =	simm.s32 $0x3B8;
	s31 =	simm.s32 $0xA520  }
0x39: {  	[tilespmem:s31], [sflag:$0x1] =	stream.indirect.gather [hbm4b:s4+s9], $0x10, s30, s9, $0xb8;
	[tilespmem:$0x19C00] =	vst v63  }
0x3a: {  	s1 =	simm.s32 $0x3F0;
	s26 =	simm.s32 $0xA840  }
0x3b: {  	[tilespmem:s26], [sflag:$0x1] =	stream.indirect.gather [hbm4b:s4+s9], $0x10, s1, s9, $0xb8;
	[tilespmem:$0x19C00] =	vst v63  }
0x3c: {  	s30 =	simm.s32 $0x428;
	s31 =	simm.s32 $0xAB60  }
0x3d: {  	[tilespmem:s31], [sflag:$0x1] =	stream.indirect.gather [hbm4b:s4+s9], $0x10, s30, s9, $0xb8;
	[tilespmem:$0x19C00] =	vst v63  }
0x3e: {  	s1 =	simm.s32 $0x460;
	s26 =	simm.s32 $0xAE80  }
0x3f: {  	[tilespmem:s26], [sflag:$0x1] =	stream.indirect.gather [hbm4b:s4+s9], $0x10, s1, s9, $0xb8;
	[tilespmem:$0x19C00] =	vst v63  }
0x40: {  	s30 =	simm.s32 $0x498;
	s31 =	simm.s32 $0xB1A0  }
0x41: {  	[tilespmem:s31], [sflag:$0x1] =	stream.indirect.gather [hbm4b:s4+s9], $0x10, s30, s9, $0xb8;
	[tilespmem:$0x19C00] =	vst v63  }
0x42: {  	s1 =	simm.s32 $0x4D0;
	s26 =	simm.s32 $0xB4C0  }
0x43: {  	[tilespmem:s26], [sflag:$0x1] =	stream.indirect.gather [hbm4b:s4+s9], $0x10, s1, s9, $0xb8;
	[tilespmem:$0x19C00] =	vst v63  }
0x44: {  	s30 =	simm.s32 $0x508;
	s31 =	simm.s32 $0xB7E0  }
0x45: {  	[tilespmem:s31], [sflag:$0x1] =	stream.indirect.gather [hbm4b:s4+s9], $0x10, s30, s9, $0xb8;
	[tilespmem:$0x19C00] =	vst v63  }
0x46: {  	s1 =	simm.s32 $0x540;
	s26 =	simm.s32 $0xBB00  }
0x47: {  	[tilespmem:s26], [sflag:$0x1] =	stream.indirect.gather [hbm4b:s4+s9], $0x10, s1, s9, $0xb8;
	[tilespmem:$0x19C00] =	vst v63  }
0x48: {  	s30 =	simm.s32 $0x578;
	s31 =	simm.s32 $0xBE20  }
0x49: {  	[tilespmem:s31], [sflag:$0x1] =	stream.indirect.gather [hbm4b:s4+s9], $0x10, s30, s9, $0xb8;
	[tilespmem:$0x19C00] =	vst v63  }
0x4a: {  	s1 =	simm.s32 $0x5B0;
	s26 =	simm.s32 $0xC140  }
0x4b: {  	[tilespmem:s26], [sflag:$0x1] =	stream.indirect.gather [hbm4b:s4+s9], $0x10, s1, s9, $0xb8;
	[tilespmem:$0x19C00] =	vst v63  }
0x4c: {  	s30 =	simm.s32 $0x5E8;
	s31 =	simm.s32 $0xC460  }
0x4d: {  	[tilespmem:s31], [sflag:$0x1] =	stream.indirect.gather [hbm4b:s4+s9], $0x10, s30, s9, $0xb8;
	[tilespmem:$0x19C00] =	vst v63  }
0x4e: {  	s1 =	simm.s32 $0x620;
	s26 =	simm.s32 $0xC780  }
0x4f: {  	[tilespmem:s26], [sflag:$0x1] =	stream.indirect.gather [hbm4b:s4+s9], $0x10, s1, s9, $0xb8;
	[tilespmem:$0x19C00] =	vst v63  }
0x50: {  	s30 =	simm.s32 $0x658;
	s31 =	simm.s32 $0xCAA0  }
0x51: {  	[tilespmem:s31], [sflag:$0x1] =	stream.indirect.gather [hbm4b:s4+s9], $0x10, s30, s9, $0xb8;
	[tilespmem:$0x19C00] =	vst v63  }
0x52: {  	s1 =	simm.s32 $0x690;
	s26 =	simm.s32 $0xCDC0  }
0x53: {  	[tilespmem:s26], [sflag:$0x1] =	stream.indirect.gather [hbm4b:s4+s9], $0x10, s1, s9, $0xb8;
	[tilespmem:$0x19C00] =	vst v63  }
0x54: {  	s30 =	simm.s32 $0x6C8;
	s31 =	simm.s32 $0xD0E0  }
0x55: {  	[tilespmem:s31], [sflag:$0x1] =	stream.indirect.gather [hbm4b:s4+s9], $0x10, s30, s9, $0xb8;
	[tilespmem:$0x19C00] =	vst v63  }
0x56: {  	s1 =	simm.s32 $0x700;
	s26 =	simm.s32 $0xD400  }
0x57: {  	[tilespmem:s26], [sflag:$0x2] =	stream.indirect.gather [hbm4b:s4+s9], $0x10, s1, s9, $0xb8;
	[tilespmem:$0x19C00] =	vst v63  }
0x58: {  	s30 =	simm.s32 $0x738;
	s31 =	simm.s32 $0xD720  }
0x59: {  	[tilespmem:s31], [sflag:$0x2] =	stream.indirect.gather [hbm4b:s4+s9], $0x10, s30, s9, $0xb8;
	[tilespmem:$0x19C00] =	vst v63  }
0x5a: {  	s1 =	simm.s32 $0x770;
	s26 =	simm.s32 $0xDA40  }
0x5b: {  	[tilespmem:s26], [sflag:$0x2] =	stream.indirect.gather [hbm4b:s4+s9], $0x10, s1, s9, $0xb8;
	[tilespmem:$0x19C00] =	vst v63  }
0x5c: {  	s30 =	simm.s32 $0x7A8;
	s31 =	simm.s32 $0xDD60  }
0x5d: {  	[tilespmem:s31], [sflag:$0x2] =	stream.indirect.gather [hbm4b:s4+s9], $0x10, s30, s9, $0xb8;
	[tilespmem:$0x19C00] =	vst v63  }
0x5e: {  	s1 =	simm.s32 $0x7E0;
	s26 =	simm.s32 $0xE080  }
0x5f: {  	[tilespmem:s26], [sflag:$0x2] =	stream.indirect.gather [hbm4b:s4+s9], $0x10, s1, s9, $0xb8;
	[tilespmem:$0x19C00] =	vst v63  }
0x60: {  	s30 =	simm.s32 $0x818;
	s31 =	simm.s32 $0xE3A0  }
0x61: {  	[tilespmem:s31], [sflag:$0x2] =	stream.indirect.gather [hbm4b:s4+s9], $0x10, s30, s9, $0xb8;
	[tilespmem:$0x19C00] =	vst v63  }
0x62: {  	s1 =	simm.s32 $0x850;
	s26 =	simm.s32 $0xE6C0  }
0x63: {  	[tilespmem:s26], [sflag:$0x2] =	stream.indirect.gather [hbm4b:s4+s9], $0x10, s1, s9, $0xb8;
	[tilespmem:$0x19C00] =	vst v63  }
0x64: {  	s30 =	simm.s32 $0x888;
	s31 =	simm.s32 $0xE9E0  }
0x65: {  	[tilespmem:s31], [sflag:$0x2] =	stream.indirect.gather [hbm4b:s4+s9], $0x10, s30, s9, $0xb8;
	[tilespmem:$0x19C00] =	vst v63  }
0x66: {  	s1 =	simm.s32 $0x8C0;
	s26 =	simm.s32 $0xED00  }
0x67: {  	[tilespmem:s26], [sflag:$0x2] =	stream.indirect.gather [hbm4b:s4+s9], $0x10, s1, s9, $0xb8;
	[tilespmem:$0x19C00] =	vst v63  }
0x68: {  	s30 =	simm.s32 $0x8F8;
	s31 =	simm.s32 $0xF020  }
0x69: {  	[tilespmem:s31], [sflag:$0x2] =	stream.indirect.gather [hbm4b:s4+s9], $0x10, s30, s9, $0xb8;
	[tilespmem:$0x19C00] =	vst v63  }
0x6a: {  	s1 =	simm.s32 $0x930;
	s26 =	simm.s32 $0xF340  }
0x6b: {  	[tilespmem:s26], [sflag:$0x2] =	stream.indirect.gather [hbm4b:s4+s9], $0x10, s1, s9, $0xb8;
	[tilespmem:$0x19C00] =	vst v63  }
0x6c: {  	s30 =	simm.s32 $0x968;
	s31 =	simm.s32 $0xF660  }
0x6d: {  	[tilespmem:s31], [sflag:$0x2] =	stream.indirect.gather [hbm4b:s4+s9], $0x10, s30, s9, $0xb8;
	[tilespmem:$0x19C00] =	vst v63  }
0x6e: {  	s1 =	simm.s32 $0x9A0;
	s26 =	simm.s32 $0xF980  }
0x6f: {  	[tilespmem:s26], [sflag:$0x2] =	stream.indirect.gather [hbm4b:s4+s9], $0x10, s1, s9, $0xb8;
	[tilespmem:$0x19C00] =	vst v63  }
0x70: {  	s30 =	simm.s32 $0x9D8;
	s31 =	simm.s32 $0xFCA0  }
0x71: {  	[tilespmem:s31], [sflag:$0x2] =	stream.indirect.gather [hbm4b:s4+s9], $0x10, s30, s9, $0xb8;
	[tilespmem:$0x19C00] =	vst v63  }
0x72: {  	s1 =	simm.s32 $0xA10;
	s26 =	simm.s32 $0xFFC0  }
0x73: {  	[tilespmem:s26], [sflag:$0x2] =	stream.indirect.gather [hbm4b:s4+s9], $0x10, s1, s9, $0xb8;
	[tilespmem:$0x19C00] =	vst v63  }
0x74: {  	s30 =	simm.s32 $0xA48;
	s31 =	simm.s32 $0x102E0  }
0x75: {  	[tilespmem:s31], [sflag:$0x2] =	stream.indirect.gather [hbm4b:s4+s9], $0x10, s30, s9, $0xb8;
	[tilespmem:$0x19C00] =	vst v63  }
0x76: {  	s1 =	simm.s32 $0xA80;
	s26 =	simm.s32 $0x10600  }
0x77: {  	[tilespmem:s26], [sflag:$0x2] =	stream.indirect.gather [hbm4b:s4+s9], $0x10, s1, s9, $0xb8;
	[tilespmem:$0x19C00] =	vst v63  }
0x78: {  	s30 =	simm.s32 $0xAB8;
	s31 =	simm.s32 $0x10920  }
0x79: {  	[tilespmem:s31], [sflag:$0x2] =	stream.indirect.gather [hbm4b:s4+s9], $0x10, s30, s9, $0xb8;
	[tilespmem:$0x19C00] =	vst v63  }
0x7a: {  	s1 =	simm.s32 $0xAF0;
	s26 =	simm.s32 $0x10C40  }
0x7b: {  	[tilespmem:s26], [sflag:$0x2] =	stream.indirect.gather [hbm4b:s4+s9], $0x10, s1, s9, $0xb8;
	[tilespmem:$0x19C00] =	vst v63  }
0x7c: {  	s30 =	simm.s32 $0xB28;
	s31 =	simm.s32 $0x10F60  }
0x7d: {  	[tilespmem:s31], [sflag:$0x2] =	stream.indirect.gather [hbm4b:s4+s9], $0x10, s30, s9, $0xb8;
	[tilespmem:$0x19C00] =	vst v63  }
0x7e: {  	s1 =	simm.s32 $0xB60;
	s26 =	simm.s32 $0x11280  }
0x7f: {  	[tilespmem:s26], [sflag:$0x2] =	stream.indirect.gather [hbm4b:s4+s9], $0x10, s1, s9, $0xb8;
	[tilespmem:$0x19C00] =	vst v63  }
0x80: {  	s30 =	simm.s32 $0xB98;
	s31 =	simm.s32 $0x115A0  }
0x81: {  	[tilespmem:s31], [sflag:$0x2] =	stream.indirect.gather [hbm4b:s4+s9], $0x10, s30, s9, $0xb8;
	[tilespmem:$0x19C00] =	vst v63  }
0x82: {  	s1 =	simm.s32 $0xBD0;
	s26 =	simm.s32 $0x118C0  }
0x83: {  	[tilespmem:s26], [sflag:$0x2] =	stream.indirect.gather [hbm4b:s4+s9], $0x10, s1, s9, $0xb8;
	[tilespmem:$0x19C00] =	vst v63  }
0x84: {  	s30 =	simm.s32 $0xC08;
	s31 =	simm.s32 $0x11BE0  }
0x85: {  	[tilespmem:s31], [sflag:$0x2] =	stream.indirect.gather [hbm4b:s4+s9], $0x10, s30, s9, $0xb8;
	[tilespmem:$0x19C00] =	vst v63  }
0x86: {  	s1 =	simm.s32 $0xC40;
	s26 =	simm.s32 $0x11F00  }
0x87: {  	[tilespmem:s26], [sflag:$0x2] =	stream.indirect.gather [hbm4b:s4+s9], $0x10, s1, s9, $0xb8;
	[tilespmem:$0x19C00] =	vst v63  }
0x88: {  	s30 =	simm.s32 $0xC78;
	s31 =	simm.s32 $0x12220  }
0x89: {  	[tilespmem:s31], [sflag:$0x2] =	stream.indirect.gather [hbm4b:s4+s9], $0x10, s30, s9, $0xb8;
	[tilespmem:$0x19C00] =	vst v63  }
0x8a: {  	_ = 	snop  }
0x8b: {  	[tilespmem:s11], [sflag:$0x2] =	stream.indirect.gather [hbm4b:s4+s9], $0x10, s10, s9, $0xb8;
	[tilespmem:$0x19C00] =	vst v63  }
0x8c: {  	_ = 	snop  }
0x8d: {  	[tilespmem:s13], [sflag:$0x2] =	stream.indirect.gather [hbm4b:s4+s9], $0x10, s12, s9, $0xb8;
	[tilespmem:$0x19C00] =	vst v63  }
0x8e: {  	_ = 	snop  }
0x8f: {  	[tilespmem:s15], [sflag:$0x2] =	stream.indirect.gather [hbm4b:s4+s9], $0x10, s14, s9, $0xb8;
	[tilespmem:$0x19C00] =	vst v63  }
0x90: {  	_ = 	snop  }
0x91: {  	[tilespmem:s17], [sflag:$0x2] =	stream.indirect.gather [hbm4b:s4+s9], $0x10, s16, s9, $0xb8;
	[tilespmem:$0x19C00] =	vst v63  }
.Ltmp2:
0x92: {  	_ = 	snop;
	(pc) =	sbr.rel .LBB2_2-.Ltmp2, $4  }
0x93: {  	_ = 	snop  }
0x94: {  	[tilespmem:s19], [sflag:$0x2] =	stream.indirect.gather [hbm4b:s4+s9], $0x10, s18, s9, $0xb8;
	[tilespmem:$0x19C00] =	vst v63  }
0x95: {  	s28 =	simm.s32 $0x1500;
	s29 =	simm.s32 $0x0;
	s26 =	simm.s32 $0xE00  }
0x96: {  	[tilespmem:s21], [sflag:$0x2] =	stream.indirect.gather [hbm4b:s4+s9], $0x10, s20, s9, $0xb8;
	[tilespmem:$0x19C00] =	vst v63  }
.LBB2_12:
0x97: {  	s0 =	sadd.s32 s30, s3  }
0x98: {  	s0 =	smul.u32 $0x64, s0  }
0x99: {  	s29 =	sadd.s32 $0x1, s29  }
0x9a: {  	p0 =	sne.s32 s29, $0x8;
	s0 =	sadd.s32 s5, s0  }
.Ltmp3:
0x9b: {  	s0 =	sadd.s32 $0xC80, s0;
	(pc) =	sbr.rel @!p0 .LBB2_13-.Ltmp3, $4  }
0x9c: {  	[hbm4b:s0+s2] =	stream.linear.scatter [tilespmem:s23], [sflag:$0x3], $0x6400, $0x38;
	[tilespmem:$0x19C00] =	vst v63  }
0x9d: {  	_ =	swait.ge [sflag:s8], $0x6400  }
0x9e: {  	[sflag:s8] =	ssyncset.done $0x0  }
0x9f: {  	s26 =	sadd.s32 $0xE00, s26;
	s28 =	sadd.s32 $0xE00, s28;
	[sflag:s8] =	ssyncadd.s32 $0xFFFF9C00  }
.LBB2_2:
0xa0: {  	_ =	swait.ge [sflag:s22], $0x320  }
0xa1: {  	[sflag:s22] =	ssyncset.done $0x0  }
0xa2: {  	[sflag:s22] =	ssyncadd.s32 $0xFFFFFCE0  }
0xa3: {  	_ =	swait.ge [sflag:s22], $0x320  }
0xa4: {  	[sflag:s22] =	ssyncset.done $0x0  }
0xa5: {  	[sflag:s22] =	ssyncadd.s32 $0xFFFFFCE0  }
0xa6: {  	_ =	swait.ge [sflag:s22], $0x320  }
0xa7: {  	[sflag:s22] =	ssyncset.done $0x0  }
0xa8: {  	[sflag:s22] =	ssyncadd.s32 $0xFFFFFCE0  }
0xa9: {  	_ =	swait.ge [sflag:s22], $0x320  }
0xaa: {  	[sflag:s22] =	ssyncset.done $0x0  }
0xab: {  	[sflag:s22] =	ssyncadd.s32 $0xFFFFFCE0  }
0xac: {  	_ =	swait.ge [sflag:s22], $0x320  }
0xad: {  	[sflag:s22] =	ssyncset.done $0x0  }
0xae: {  	[sflag:s22] =	ssyncadd.s32 $0xFFFFFCE0  }
0xaf: {  	_ =	swait.ge [sflag:s22], $0x320  }
0xb0: {  	[sflag:s22] =	ssyncset.done $0x0  }
0xb1: {  	[sflag:s22] =	ssyncadd.s32 $0xFFFFFCE0  }
0xb2: {  	_ =	swait.ge [sflag:s22], $0x320  }
0xb3: {  	[sflag:s22] =	ssyncset.done $0x0  }
0xb4: {  	[sflag:s22] =	ssyncadd.s32 $0xFFFFFCE0  }
0xb5: {  	_ =	swait.ge [sflag:s22], $0x320  }
0xb6: {  	[sflag:s22] =	ssyncset.done $0x0  }
0xb7: {  	[sflag:s22] =	ssyncadd.s32 $0xFFFFFCE0  }
0xb8: {  	_ =	swait.ge [sflag:s22], $0x320  }
0xb9: {  	[sflag:s22] =	ssyncset.done $0x0  }
0xba: {  	[sflag:s22] =	ssyncadd.s32 $0xFFFFFCE0  }
0xbb: {  	_ =	swait.ge [sflag:s22], $0x320  }
0xbc: {  	[sflag:s22] =	ssyncset.done $0x0  }
0xbd: {  	[sflag:s22] =	ssyncadd.s32 $0xFFFFFCE0  }
0xbe: {  	_ =	swait.ge [sflag:s22], $0x320  }
0xbf: {  	[sflag:s22] =	ssyncset.done $0x0  }
0xc0: {  	[sflag:s22] =	ssyncadd.s32 $0xFFFFFCE0  }
0xc1: {  	_ =	swait.ge [sflag:s22], $0x320  }
0xc2: {  	[sflag:s22] =	ssyncset.done $0x0  }
0xc3: {  	[sflag:s22] =	ssyncadd.s32 $0xFFFFFCE0  }
0xc4: {  	_ =	swait.ge [sflag:s22], $0x320  }
0xc5: {  	[sflag:s22] =	ssyncset.done $0x0  }
0xc6: {  	[sflag:s22] =	ssyncadd.s32 $0xFFFFFCE0  }
0xc7: {  	_ =	swait.ge [sflag:s22], $0x320  }
0xc8: {  	[sflag:s22] =	ssyncset.done $0x0  }
0xc9: {  	[sflag:s22] =	ssyncadd.s32 $0xFFFFFCE0  }
0xca: {  	_ =	swait.ge [sflag:s22], $0x320  }
0xcb: {  	[sflag:s22] =	ssyncset.done $0x0  }
0xcc: {  	[sflag:s22] =	ssyncadd.s32 $0xFFFFFCE0  }
0xcd: {  	_ =	swait.ge [sflag:s22], $0x320  }
0xce: {  	[sflag:s22] =	ssyncset.done $0x0  }
0xcf: {  	[sflag:s22] =	ssyncadd.s32 $0xFFFFFCE0  }
0xd0: {  	_ =	swait.ge [sflag:s22], $0x320  }
0xd1: {  	[sflag:s22] =	ssyncset.done $0x0  }
0xd2: {  	[sflag:s22] =	ssyncadd.s32 $0xFFFFFCE0  }
0xd3: {  	_ =	swait.ge [sflag:s22], $0x320  }
0xd4: {  	[sflag:s22] =	ssyncset.done $0x0  }
0xd5: {  	[sflag:s22] =	ssyncadd.s32 $0xFFFFFCE0  }
0xd6: {  	_ =	swait.ge [sflag:s22], $0x320  }
0xd7: {  	[sflag:s22] =	ssyncset.done $0x0  }
0xd8: {  	[sflag:s22] =	ssyncadd.s32 $0xFFFFFCE0  }
0xd9: {  	_ =	swait.ge [sflag:s22], $0x320  }
0xda: {  	[sflag:s22] =	ssyncset.done $0x0  }
0xdb: {  	[sflag:s22] =	ssyncadd.s32 $0xFFFFFCE0  }
0xdc: {  	_ =	swait.ge [sflag:s22], $0x320  }
0xdd: {  	[sflag:s22] =	ssyncset.done $0x0  }
0xde: {  	[sflag:s22] =	ssyncadd.s32 $0xFFFFFCE0  }
0xdf: {  	_ =	swait.ge [sflag:s22], $0x320  }
0xe0: {  	[sflag:s22] =	ssyncset.done $0x0  }
0xe1: {  	[sflag:s22] =	ssyncadd.s32 $0xFFFFFCE0  }
0xe2: {  	_ =	swait.ge [sflag:s22], $0x320  }
0xe3: {  	[sflag:s22] =	ssyncset.done $0x0  }
0xe4: {  	[sflag:s22] =	ssyncadd.s32 $0xFFFFFCE0  }
0xe5: {  	_ =	swait.ge [sflag:s22], $0x320  }
0xe6: {  	[sflag:s22] =	ssyncset.done $0x0  }
0xe7: {  	[sflag:s22] =	ssyncadd.s32 $0xFFFFFCE0  }
0xe8: {  	_ =	swait.ge [sflag:s22], $0x320  }
0xe9: {  	[sflag:s22] =	ssyncset.done $0x0  }
0xea: {  	[sflag:s22] =	ssyncadd.s32 $0xFFFFFCE0  }
0xeb: {  	_ =	swait.ge [sflag:s22], $0x320  }
0xec: {  	[sflag:s22] =	ssyncset.done $0x0  }
0xed: {  	[sflag:s22] =	ssyncadd.s32 $0xFFFFFCE0  }
0xee: {  	_ =	swait.ge [sflag:s22], $0x320  }
0xef: {  	[sflag:s22] =	ssyncset.done $0x0  }
0xf0: {  	[sflag:s22] =	ssyncadd.s32 $0xFFFFFCE0  }
0xf1: {  	_ =	swait.ge [sflag:s22], $0x320  }
0xf2: {  	[sflag:s22] =	ssyncset.done $0x0  }
0xf3: {  	[sflag:s22] =	ssyncadd.s32 $0xFFFFFCE0  }
0xf4: {  	_ =	swait.ge [sflag:s22], $0x320  }
0xf5: {  	[sflag:s22] =	ssyncset.done $0x0  }
0xf6: {  	[sflag:s22] =	ssyncadd.s32 $0xFFFFFCE0  }
0xf7: {  	_ =	swait.ge [sflag:s22], $0x320  }
0xf8: {  	[sflag:s22] =	ssyncset.done $0x0  }
0xf9: {  	[sflag:s22] =	ssyncadd.s32 $0xFFFFFCE0  }
0xfa: {  	_ =	swait.ge [sflag:s22], $0x320  }
0xfb: {  	[sflag:s22] =	ssyncset.done $0x0  }
0xfc: {  	[sflag:s22] =	ssyncadd.s32 $0xFFFFFCE0  }
0xfd: {  	_ =	swait.ge [sflag:s22], $0x320  }
0xfe: {  	[sflag:s22] =	ssyncset.done $0x0  }
0xff: {  	s30 =	simm.s32 $0x0;
	[sflag:s22] =	ssyncadd.s32 $0xFFFFFCE0  }
0x100: {  	v0 =	vld [tilespmem:s30+$0x7310]  }
0x101: {  	v1 =	vld [tilespmem:s30+$0x7000]  }
0x102: {  	v2 =	vld [tilespmem:s30+$0x7010]  }
0x103: {  	v3 =	vld [tilespmem:s30+$0x7020]  }
0x104: {  	v4 =	vld [tilespmem:s30+$0x7030]  }
0x105: {  	v5 =	vld [tilespmem:s30+$0x7040];
	v6 =	vand.u32 $0xFFFF, v0;
	v0 =	vshrl.u32 v0, $0x10  }
0x106: {  	v7 =	vld [tilespmem:s30+$0x7050];
	v8 =	vand.u32 $0xFFFF, v1;
	v1 =	vshrl.u32 v1, $0x10;
	v0 =	vpack.i.b32.b16 v0, v6  }
0x107: {  	v6 =	vld [tilespmem:s30+$0x7060];
	v1 =	vpack.i.b32.b16 v1, v8;
	[tilespmem:s30+$0x13B10] =	vst v0;
	v0 =	vand.u32 $0xFFFF, v2;
	v2 =	vshrl.u32 v2, $0x10  }
0x108: {  	[tilespmem:s30+$0x13800] =	vst v1;
	v1 =	vld [tilespmem:s30+$0x7070];
	v0 =	vpack.i.b32.b16 v2, v0;
	v2 =	vand.u32 $0xFFFF, v3;
	v3 =	vshrl.u32 v3, $0x10  }
0x109: {  	[tilespmem:s30+$0x13810] =	vst v0;
	v0 =	vpack.i.b32.b16 v3, v2;
	v2 =	vld [tilespmem:s30+$0x7080];
	v3 =	vand.u32 $0xFFFF, v4;
	v4 =	vshrl.u32 v4, $0x10  }
0x10a: {  	[tilespmem:s30+$0x13820] =	vst v0;
	v0 =	vpack.i.b32.b16 v4, v3;
	v3 =	vld [tilespmem:s30+$0x7090];
	v4 =	vand.u32 $0xFFFF, v5;
	v5 =	vshrl.u32 v5, $0x10  }
0x10b: {  	[tilespmem:s30+$0x13830] =	vst v0;
	v0 =	vpack.i.b32.b16 v5, v4;
	v4 =	vld [tilespmem:s30+$0x70A0];
	v5 =	vand.u32 $0xFFFF, v7;
	v7 =	vshrl.u32 v7, $0x10  }
0x10c: {  	[tilespmem:s30+$0x13840] =	vst v0;
	v0 =	vpack.i.b32.b16 v7, v5;
	v5 =	vld [tilespmem:s30+$0x70B0];
	v7 =	vand.u32 $0xFFFF, v6;
	v6 =	vshrl.u32 v6, $0x10  }
0x10d: {  	[tilespmem:s30+$0x13850] =	vst v0;
	v0 =	vpack.i.b32.b16 v6, v7;
	v6 =	vld [tilespmem:s30+$0x70C0];
	v7 =	vand.u32 $0xFFFF, v1;
	v1 =	vshrl.u32 v1, $0x10  }
0x10e: {  	[tilespmem:s30+$0x13860] =	vst v0;
	v0 =	vpack.i.b32.b16 v1, v7;
	v1 =	vld [tilespmem:s30+$0x70D0];
	v7 =	vand.u32 $0xFFFF, v2;
	v2 =	vshrl.u32 v2, $0x10  }
0x10f: {  	[tilespmem:s30+$0x13870] =	vst v0;
	v0 =	vpack.i.b32.b16 v2, v7;
	v2 =	vld [tilespmem:s30+$0x70E0];
	v7 =	vand.u32 $0xFFFF, v3;
	v3 =	vshrl.u32 v3, $0x10  }
0x110: {  	[tilespmem:s30+$0x13880] =	vst v0;
	v0 =	vpack.i.b32.b16 v3, v7;
	v3 =	vld [tilespmem:s30+$0x70F0];
	v7 =	vand.u32 $0xFFFF, v4;
	v4 =	vshrl.u32 v4, $0x10  }
0x111: {  	[tilespmem:s30+$0x13890] =	vst v0;
	v0 =	vpack.i.b32.b16 v4, v7;
	v4 =	vld [tilespmem:s30+$0x7100];
	v7 =	vand.u32 $0xFFFF, v5;
	v5 =	vshrl.u32 v5, $0x10  }
0x112: {  	[tilespmem:s30+$0x138A0] =	vst v0;
	v0 =	vpack.i.b32.b16 v5, v7;
	v5 =	vld [tilespmem:s30+$0x7110];
	v7 =	vand.u32 $0xFFFF, v6;
	v6 =	vshrl.u32 v6, $0x10  }
0x113: {  	[tilespmem:s30+$0x138B0] =	vst v0;
	v0 =	vpack.i.b32.b16 v6, v7;
	v6 =	vld [tilespmem:s30+$0x7120];
	v7 =	vand.u32 $0xFFFF, v1;
	v1 =	vshrl.u32 v1, $0x10  }
0x114: {  	[tilespmem:s30+$0x138C0] =	vst v0;
	v0 =	vpack.i.b32.b16 v1, v7;
	v1 =	vld [tilespmem:s30+$0x7130];
	v7 =	vand.u32 $0xFFFF, v2;
	v2 =	vshrl.u32 v2, $0x10  }
0x115: {  	[tilespmem:s30+$0x138D0] =	vst v0;
	v0 =	vpack.i.b32.b16 v2, v7;
	v2 =	vld [tilespmem:s30+$0x7140];
	v7 =	vand.u32 $0xFFFF, v3;
	v3 =	vshrl.u32 v3, $0x10  }
0x116: {  	[tilespmem:s30+$0x138E0] =	vst v0;
	v0 =	vpack.i.b32.b16 v3, v7;
	v3 =	vld [tilespmem:s30+$0x7150];
	v7 =	vand.u32 $0xFFFF, v4;
	v4 =	vshrl.u32 v4, $0x10  }
0x117: {  	[tilespmem:s30+$0x138F0] =	vst v0;
	v0 =	vpack.i.b32.b16 v4, v7;
	v4 =	vld [tilespmem:s30+$0x7160];
	v7 =	vand.u32 $0xFFFF, v5;
	v5 =	vshrl.u32 v5, $0x10  }
0x118: {  	[tilespmem:s30+$0x13900] =	vst v0;
	v0 =	vpack.i.b32.b16 v5, v7;
	v5 =	vld [tilespmem:s30+$0x7170];
	v7 =	vand.u32 $0xFFFF, v6;
	v6 =	vshrl.u32 v6, $0x10  }
0x119: {  	[tilespmem:s30+$0x13910] =	vst v0;
	v0 =	vpack.i.b32.b16 v6, v7;
	v6 =	vld [tilespmem:s30+$0x7180];
	v7 =	vand.u32 $0xFFFF, v1;
	v1 =	vshrl.u32 v1, $0x10  }
0x11a: {  	[tilespmem:s30+$0x13920] =	vst v0;
	v0 =	vpack.i.b32.b16 v1, v7;
	v1 =	vld [tilespmem:s30+$0x7190];
	v7 =	vand.u32 $0xFFFF, v2;
	v2 =	vshrl.u32 v2, $0x10  }
0x11b: {  	[tilespmem:s30+$0x13930] =	vst v0;
	v0 =	vpack.i.b32.b16 v2, v7;
	v2 =	vld [tilespmem:s30+$0x71A0];
	v7 =	vand.u32 $0xFFFF, v3;
	v3 =	vshrl.u32 v3, $0x10  }
0x11c: {  	[tilespmem:s30+$0x13940] =	vst v0;
	v0 =	vpack.i.b32.b16 v3, v7;
	v3 =	vld [tilespmem:s30+$0x71B0];
	v7 =	vand.u32 $0xFFFF, v4;
	v4 =	vshrl.u32 v4, $0x10  }
0x11d: {  	[tilespmem:s30+$0x13950] =	vst v0;
	v0 =	vpack.i.b32.b16 v4, v7;
	v4 =	vld [tilespmem:s30+$0x71C0];
	v7 =	vand.u32 $0xFFFF, v5;
	v5 =	vshrl.u32 v5, $0x10  }
0x11e: {  	[tilespmem:s30+$0x13960] =	vst v0;
	v0 =	vpack.i.b32.b16 v5, v7;
	v5 =	vld [tilespmem:s30+$0x71D0];
	v7 =	vand.u32 $0xFFFF, v6;
	v6 =	vshrl.u32 v6, $0x10  }
0x11f: {  	[tilespmem:s30+$0x13970] =	vst v0;
	v0 =	vpack.i.b32.b16 v6, v7;
	v6 =	vld [tilespmem:s30+$0x71E0];
	v7 =	vand.u32 $0xFFFF, v1;
	v1 =	vshrl.u32 v1, $0x10  }
0x120: {  	[tilespmem:s30+$0x13980] =	vst v0;
	v0 =	vpack.i.b32.b16 v1, v7;
	v1 =	vld [tilespmem:s30+$0x71F0];
	v7 =	vand.u32 $0xFFFF, v2;
	v2 =	vshrl.u32 v2, $0x10  }
0x121: {  	[tilespmem:s30+$0x13990] =	vst v0;
	v0 =	vpack.i.b32.b16 v2, v7;
	v2 =	vld [tilespmem:s30+$0x7200];
	v7 =	vand.u32 $0xFFFF, v3;
	v3 =	vshrl.u32 v3, $0x10  }
0x122: {  	[tilespmem:s30+$0x139A0] =	vst v0;
	v0 =	vpack.i.b32.b16 v3, v7;
	v3 =	vld [tilespmem:s30+$0x7210];
	v7 =	vand.u32 $0xFFFF, v4;
	v4 =	vshrl.u32 v4, $0x10  }
0x123: {  	[tilespmem:s30+$0x139B0] =	vst v0;
	v0 =	vpack.i.b32.b16 v4, v7;
	v4 =	vld [tilespmem:s30+$0x7220];
	v7 =	vand.u32 $0xFFFF, v5;
	v5 =	vshrl.u32 v5, $0x10  }
0x124: {  	[tilespmem:s30+$0x139C0] =	vst v0;
	v0 =	vpack.i.b32.b16 v5, v7;
	v5 =	vld [tilespmem:s30+$0x7230];
	v7 =	vand.u32 $0xFFFF, v6;
	v6 =	vshrl.u32 v6, $0x10  }
0x125: {  	[tilespmem:s30+$0x139D0] =	vst v0;
	v0 =	vpack.i.b32.b16 v6, v7;
	v6 =	vld [tilespmem:s30+$0x7240];
	v7 =	vand.u32 $0xFFFF, v1;
	v1 =	vshrl.u32 v1, $0x10  }
0x126: {  	[tilespmem:s30+$0x139E0] =	vst v0;
	v0 =	vpack.i.b32.b16 v1, v7;
	v1 =	vld [tilespmem:s30+$0x7250];
	v7 =	vand.u32 $0xFFFF, v2;
	v2 =	vshrl.u32 v2, $0x10  }
0x127: {  	[tilespmem:s30+$0x139F0] =	vst v0;
	v0 =	vpack.i.b32.b16 v2, v7;
	v2 =	vld [tilespmem:s30+$0x7260];
	v7 =	vand.u32 $0xFFFF, v3;
	v3 =	vshrl.u32 v3, $0x10  }
0x128: {  	[tilespmem:s30+$0x13A00] =	vst v0;
	v0 =	vpack.i.b32.b16 v3, v7;
	v3 =	vld [tilespmem:s30+$0x7270];
	v7 =	vand.u32 $0xFFFF, v4;
	v4 =	vshrl.u32 v4, $0x10  }
0x129: {  	[tilespmem:s30+$0x13A10] =	vst v0;
	v0 =	vpack.i.b32.b16 v4, v7;
	v4 =	vld [tilespmem:s30+$0x7280];
	v7 =	vand.u32 $0xFFFF, v5;
	v5 =	vshrl.u32 v5, $0x10  }
0x12a: {  	[tilespmem:s30+$0x13A20] =	vst v0;
	v0 =	vpack.i.b32.b16 v5, v7;
	v5 =	vld [tilespmem:s30+$0x7290];
	v7 =	vand.u32 $0xFFFF, v6;
	v6 =	vshrl.u32 v6, $0x10  }
0x12b: {  	[tilespmem:s30+$0x13A30] =	vst v0;
	v0 =	vpack.i.b32.b16 v6, v7;
	v6 =	vld [tilespmem:s30+$0x72A0];
	v7 =	vand.u32 $0xFFFF, v1;
	v1 =	vshrl.u32 v1, $0x10  }
0x12c: {  	[tilespmem:s30+$0x13A40] =	vst v0;
	v0 =	vpack.i.b32.b16 v1, v7;
	v7 =	vld [tilespmem:s30+$0x72B0];
	v1 =	vand.u32 $0xFFFF, v2;
	v2 =	vshrl.u32 v2, $0x10  }
0x12d: {  	[tilespmem:s30+$0x13A50] =	vst v0;
	v1 =	vpack.i.b32.b16 v2, v1;
	v0 =	vld [tilespmem:s30+$0x72C0];
	v2 =	vand.u32 $0xFFFF, v3;
	v3 =	vshrl.u32 v3, $0x10  }
0x12e: {  	[tilespmem:s30+$0x13A60] =	vst v1;
	v2 =	vpack.i.b32.b16 v3, v2;
	v1 =	vld [tilespmem:s30+$0x72D0];
	v3 =	vand.u32 $0xFFFF, v4;
	v4 =	vshrl.u32 v4, $0x10  }
0x12f: {  	[tilespmem:s30+$0x13A70] =	vst v2;
	v3 =	vpack.i.b32.b16 v4, v3;
	v2 =	vld [tilespmem:s30+$0x72E0];
	v4 =	vand.u32 $0xFFFF, v5;
	v5 =	vshrl.u32 v5, $0x10  }
0x130: {  	[tilespmem:s30+$0x13A80] =	vst v3;
	v4 =	vpack.i.b32.b16 v5, v4;
	v3 =	vld [tilespmem:s30+$0x72F0];
	v5 =	vand.u32 $0xFFFF, v6;
	v6 =	vshrl.u32 v6, $0x10  }
0x131: {  	s31 =	simm.s32 $0x320;
	s0 =	simm.s32 $0x1900;
	[tilespmem:s30+$0x13A90] =	vst v4;
	v5 =	vpack.i.b32.b16 v6, v5;
	v6 =	vand.u32 $0xFFFF, v7;
	v7 =	vshrl.u32 v7, $0x10;
	v4 =	vld [tilespmem:s30+$0x7300]  }
.LBB2_3:
0x132: {  	p0 =	sne.s32 s0, $0x18380;
	v8 =	vld [tilespmem:s31+$0x7310];
	[tilespmem:s30+$0x13AA0] =	vst v5;
	v5 =	vpack.i.b32.b16 v7, v6;
	v6 =	vand.u32 $0xFFFF, v0;
	v0 =	vshrl.u32 v0, $0x10  }
0x133: {  	v7 =	vld [tilespmem:s31+$0x7000];
	[tilespmem:s30+$0x13AB0] =	vst v5;
	v0 =	vpack.i.b32.b16 v0, v6;
	v5 =	vand.u32 $0xFFFF, v1;
	v1 =	vshrl.u32 v1, $0x10  }
0x134: {  	v6 =	vld [tilespmem:s31+$0x7010];
	[tilespmem:s30+$0x13AC0] =	vst v0;
	v0 =	vpack.i.b32.b16 v1, v5;
	v1 =	vand.u32 $0xFFFF, v2;
	v2 =	vshrl.u32 v2, $0x10  }
0x135: {  	v5 =	vld [tilespmem:s31+$0x7020];
	[tilespmem:s30+$0x13AD0] =	vst v0;
	v0 =	vpack.i.b32.b16 v2, v1;
	v1 =	vand.u32 $0xFFFF, v3;
	v2 =	vshrl.u32 v3, $0x10  }
0x136: {  	v3 =	vld [tilespmem:s31+$0x7030];
	[tilespmem:s30+$0x13AE0] =	vst v0;
	v0 =	vpack.i.b32.b16 v2, v1;
	v1 =	vand.u32 $0xFFFF, v4;
	v2 =	vshrl.u32 v4, $0x10  }
0x137: {  	v4 =	vld [tilespmem:s31+$0x7040];
	v9 =	vand.u32 $0xFFFF, v8;
	v8 =	vshrl.u32 v8, $0x10;
	[tilespmem:s30+$0x13AF0] =	vst v0;
	v0 =	vpack.i.b32.b16 v2, v1  }
0x138: {  	v1 =	vand.u32 $0xFFFF, v7;
	v2 =	vshrl.u32 v7, $0x10;
	v7 =	vld [tilespmem:s31+$0x7050];
	v8 =	vpack.i.b32.b16 v8, v9;
	[tilespmem:s30+$0x13B00] =	vst v0;
	s30 =	smov.u32 s31  }
0x139: {  	v0 =	vpack.i.b32.b16 v2, v1;
	v1 =	vand.u32 $0xFFFF, v6;
	v2 =	vshrl.u32 v6, $0x10;
	v6 =	vld [tilespmem:s30+$0x7060];
	[tilespmem:s30+$0x13B10] =	vst v8  }
0x13a: {  	[tilespmem:s30+$0x13800] =	vst v0;
	v0 =	vpack.i.b32.b16 v2, v1;
	v1 =	vand.u32 $0xFFFF, v5;
	v2 =	vshrl.u32 v5, $0x10;
	v5 =	vld [tilespmem:s30+$0x7070]  }
0x13b: {  	[tilespmem:s30+$0x13810] =	vst v0;
	v0 =	vpack.i.b32.b16 v2, v1;
	v1 =	vand.u32 $0xFFFF, v3;
	v2 =	vshrl.u32 v3, $0x10;
	v3 =	vld [tilespmem:s30+$0x7080]  }
0x13c: {  	[tilespmem:s30+$0x13820] =	vst v0;
	v0 =	vpack.i.b32.b16 v2, v1;
	v1 =	vand.u32 $0xFFFF, v4;
	v2 =	vshrl.u32 v4, $0x10;
	v4 =	vld [tilespmem:s30+$0x7090]  }
0x13d: {  	[tilespmem:s30+$0x13830] =	vst v0;
	v0 =	vpack.i.b32.b16 v2, v1;
	v1 =	vand.u32 $0xFFFF, v7;
	v2 =	vshrl.u32 v7, $0x10;
	v7 =	vld [tilespmem:s30+$0x70A0]  }
0x13e: {  	[tilespmem:s30+$0x13840] =	vst v0;
	v0 =	vpack.i.b32.b16 v2, v1;
	v1 =	vand.u32 $0xFFFF, v6;
	v2 =	vshrl.u32 v6, $0x10;
	v6 =	vld [tilespmem:s30+$0x70B0]  }
0x13f: {  	[tilespmem:s30+$0x13850] =	vst v0;
	v0 =	vpack.i.b32.b16 v2, v1;
	v1 =	vand.u32 $0xFFFF, v5;
	v2 =	vshrl.u32 v5, $0x10;
	v5 =	vld [tilespmem:s30+$0x70C0]  }
0x140: {  	[tilespmem:s30+$0x13860] =	vst v0;
	v0 =	vpack.i.b32.b16 v2, v1;
	v1 =	vand.u32 $0xFFFF, v3;
	v2 =	vshrl.u32 v3, $0x10;
	v3 =	vld [tilespmem:s30+$0x70D0]  }
0x141: {  	[tilespmem:s30+$0x13870] =	vst v0;
	v0 =	vpack.i.b32.b16 v2, v1;
	v1 =	vand.u32 $0xFFFF, v4;
	v2 =	vshrl.u32 v4, $0x10;
	v4 =	vld [tilespmem:s30+$0x70E0]  }
0x142: {  	[tilespmem:s30+$0x13880] =	vst v0;
	v0 =	vpack.i.b32.b16 v2, v1;
	v1 =	vand.u32 $0xFFFF, v7;
	v2 =	vshrl.u32 v7, $0x10;
	v7 =	vld [tilespmem:s30+$0x70F0]  }
0x143: {  	[tilespmem:s30+$0x13890] =	vst v0;
	v0 =	vpack.i.b32.b16 v2, v1;
	v1 =	vand.u32 $0xFFFF, v6;
	v2 =	vshrl.u32 v6, $0x10;
	v6 =	vld [tilespmem:s30+$0x7100]  }
0x144: {  	[tilespmem:s30+$0x138A0] =	vst v0;
	v0 =	vpack.i.b32.b16 v2, v1;
	v1 =	vand.u32 $0xFFFF, v5;
	v2 =	vshrl.u32 v5, $0x10;
	v5 =	vld [tilespmem:s30+$0x7110]  }
0x145: {  	[tilespmem:s30+$0x138B0] =	vst v0;
	v0 =	vpack.i.b32.b16 v2, v1;
	v1 =	vand.u32 $0xFFFF, v3;
	v2 =	vshrl.u32 v3, $0x10;
	v3 =	vld [tilespmem:s30+$0x7120]  }
0x146: {  	[tilespmem:s30+$0x138C0] =	vst v0;
	v0 =	vpack.i.b32.b16 v2, v1;
	v1 =	vand.u32 $0xFFFF, v4;
	v2 =	vshrl.u32 v4, $0x10;
	v4 =	vld [tilespmem:s30+$0x7130]  }
0x147: {  	[tilespmem:s30+$0x138D0] =	vst v0;
	v0 =	vpack.i.b32.b16 v2, v1;
	v1 =	vand.u32 $0xFFFF, v7;
	v2 =	vshrl.u32 v7, $0x10;
	v7 =	vld [tilespmem:s30+$0x7140]  }
0x148: {  	[tilespmem:s30+$0x138E0] =	vst v0;
	v0 =	vpack.i.b32.b16 v2, v1;
	v1 =	vand.u32 $0xFFFF, v6;
	v2 =	vshrl.u32 v6, $0x10;
	v6 =	vld [tilespmem:s30+$0x7150]  }
0x149: {  	[tilespmem:s30+$0x138F0] =	vst v0;
	v0 =	vpack.i.b32.b16 v2, v1;
	v1 =	vand.u32 $0xFFFF, v5;
	v2 =	vshrl.u32 v5, $0x10;
	v5 =	vld [tilespmem:s30+$0x7160]  }
0x14a: {  	[tilespmem:s30+$0x13900] =	vst v0;
	v0 =	vpack.i.b32.b16 v2, v1;
	v1 =	vand.u32 $0xFFFF, v3;
	v2 =	vshrl.u32 v3, $0x10;
	v3 =	vld [tilespmem:s30+$0x7170]  }
0x14b: {  	[tilespmem:s30+$0x13910] =	vst v0;
	v0 =	vpack.i.b32.b16 v2, v1;
	v1 =	vand.u32 $0xFFFF, v4;
	v2 =	vshrl.u32 v4, $0x10;
	v4 =	vld [tilespmem:s30+$0x7180]  }
0x14c: {  	[tilespmem:s30+$0x13920] =	vst v0;
	v0 =	vpack.i.b32.b16 v2, v1;
	v1 =	vand.u32 $0xFFFF, v7;
	v2 =	vshrl.u32 v7, $0x10;
	v7 =	vld [tilespmem:s30+$0x7190]  }
0x14d: {  	[tilespmem:s30+$0x13930] =	vst v0;
	v0 =	vpack.i.b32.b16 v2, v1;
	v1 =	vand.u32 $0xFFFF, v6;
	v2 =	vshrl.u32 v6, $0x10;
	v6 =	vld [tilespmem:s30+$0x71A0]  }
0x14e: {  	[tilespmem:s30+$0x13940] =	vst v0;
	v0 =	vpack.i.b32.b16 v2, v1;
	v1 =	vand.u32 $0xFFFF, v5;
	v2 =	vshrl.u32 v5, $0x10;
	v5 =	vld [tilespmem:s30+$0x71B0]  }
0x14f: {  	[tilespmem:s30+$0x13950] =	vst v0;
	v0 =	vpack.i.b32.b16 v2, v1;
	v1 =	vand.u32 $0xFFFF, v3;
	v2 =	vshrl.u32 v3, $0x10;
	v3 =	vld [tilespmem:s30+$0x71C0]  }
0x150: {  	[tilespmem:s30+$0x13960] =	vst v0;
	v0 =	vpack.i.b32.b16 v2, v1;
	v1 =	vand.u32 $0xFFFF, v4;
	v2 =	vshrl.u32 v4, $0x10;
	v4 =	vld [tilespmem:s30+$0x71D0]  }
0x151: {  	[tilespmem:s30+$0x13970] =	vst v0;
	v0 =	vpack.i.b32.b16 v2, v1;
	v1 =	vand.u32 $0xFFFF, v7;
	v2 =	vshrl.u32 v7, $0x10;
	v7 =	vld [tilespmem:s30+$0x71E0]  }
0x152: {  	[tilespmem:s30+$0x13980] =	vst v0;
	v0 =	vpack.i.b32.b16 v2, v1;
	v1 =	vand.u32 $0xFFFF, v6;
	v2 =	vshrl.u32 v6, $0x10;
	v6 =	vld [tilespmem:s30+$0x71F0]  }
0x153: {  	[tilespmem:s30+$0x13990] =	vst v0;
	v0 =	vpack.i.b32.b16 v2, v1;
	v1 =	vand.u32 $0xFFFF, v5;
	v2 =	vshrl.u32 v5, $0x10;
	v5 =	vld [tilespmem:s30+$0x7200]  }
0x154: {  	[tilespmem:s30+$0x139A0] =	vst v0;
	v0 =	vpack.i.b32.b16 v2, v1;
	v1 =	vand.u32 $0xFFFF, v3;
	v2 =	vshrl.u32 v3, $0x10;
	v3 =	vld [tilespmem:s30+$0x7210]  }
0x155: {  	[tilespmem:s30+$0x139B0] =	vst v0;
	v0 =	vpack.i.b32.b16 v2, v1;
	v1 =	vand.u32 $0xFFFF, v4;
	v2 =	vshrl.u32 v4, $0x10;
	v4 =	vld [tilespmem:s30+$0x7220]  }
0x156: {  	[tilespmem:s30+$0x139C0] =	vst v0;
	v0 =	vpack.i.b32.b16 v2, v1;
	v1 =	vand.u32 $0xFFFF, v7;
	v2 =	vshrl.u32 v7, $0x10;
	v7 =	vld [tilespmem:s30+$0x7230]  }
0x157: {  	[tilespmem:s30+$0x139D0] =	vst v0;
	v0 =	vpack.i.b32.b16 v2, v1;
	v1 =	vand.u32 $0xFFFF, v6;
	v2 =	vshrl.u32 v6, $0x10;
	v6 =	vld [tilespmem:s30+$0x7240]  }
0x158: {  	[tilespmem:s30+$0x139E0] =	vst v0;
	v0 =	vpack.i.b32.b16 v2, v1;
	v1 =	vand.u32 $0xFFFF, v5;
	v2 =	vshrl.u32 v5, $0x10;
	v5 =	vld [tilespmem:s30+$0x7250]  }
0x159: {  	[tilespmem:s30+$0x139F0] =	vst v0;
	v0 =	vpack.i.b32.b16 v2, v1;
	v1 =	vand.u32 $0xFFFF, v3;
	v2 =	vshrl.u32 v3, $0x10;
	v3 =	vld [tilespmem:s30+$0x7260]  }
0x15a: {  	[tilespmem:s30+$0x13A00] =	vst v0;
	v0 =	vpack.i.b32.b16 v2, v1;
	v1 =	vand.u32 $0xFFFF, v4;
	v2 =	vshrl.u32 v4, $0x10;
	v4 =	vld [tilespmem:s30+$0x7270]  }
0x15b: {  	[tilespmem:s30+$0x13A10] =	vst v0;
	v0 =	vpack.i.b32.b16 v2, v1;
	v1 =	vand.u32 $0xFFFF, v7;
	v2 =	vshrl.u32 v7, $0x10;
	v7 =	vld [tilespmem:s30+$0x7280]  }
0x15c: {  	[tilespmem:s30+$0x13A20] =	vst v0;
	v0 =	vpack.i.b32.b16 v2, v1;
	v1 =	vand.u32 $0xFFFF, v6;
	v2 =	vshrl.u32 v6, $0x10;
	v6 =	vld [tilespmem:s30+$0x7290]  }
0x15d: {  	[tilespmem:s30+$0x13A30] =	vst v0;
	v0 =	vpack.i.b32.b16 v2, v1;
	v1 =	vand.u32 $0xFFFF, v5;
	v2 =	vshrl.u32 v5, $0x10;
	v5 =	vld [tilespmem:s30+$0x72A0]  }
0x15e: {  	[tilespmem:s30+$0x13A40] =	vst v0;
	v0 =	vpack.i.b32.b16 v2, v1;
	v1 =	vand.u32 $0xFFFF, v3;
	v2 =	vshrl.u32 v3, $0x10;
	v8 =	vld [tilespmem:s30+$0x72B0]  }
.Ltmp4:
0x15f: {  	[tilespmem:s30+$0x13A50] =	vst v0;
	v1 =	vpack.i.b32.b16 v2, v1;
	v2 =	vand.u32 $0xFFFF, v4;
	v3 =	vshrl.u32 v4, $0x10;
	v0 =	vld [tilespmem:s30+$0x72C0];
	(pc) =	sbr.rel @p0 .LBB2_3-.Ltmp4, $4  }
0x160: {  	[tilespmem:s30+$0x13A60] =	vst v1;
	v2 =	vpack.i.b32.b16 v3, v2;
	v3 =	vand.u32 $0xFFFF, v7;
	v4 =	vshrl.u32 v7, $0x10;
	v1 =	vld [tilespmem:s30+$0x72D0]  }
0x161: {  	[tilespmem:s30+$0x13A70] =	vst v2;
	v3 =	vpack.i.b32.b16 v4, v3;
	v4 =	vand.u32 $0xFFFF, v6;
	v6 =	vshrl.u32 v6, $0x10;
	v2 =	vld [tilespmem:s30+$0x72E0]  }
0x162: {  	[tilespmem:s30+$0x13A80] =	vst v3;
	v4 =	vpack.i.b32.b16 v6, v4;
	v6 =	vand.u32 $0xFFFF, v5;
	v5 =	vshrl.u32 v5, $0x10;
	v3 =	vld [tilespmem:s30+$0x72F0]  }
0x163: {  	s31 =	sshra.s32 s0, $0x2;
	s0 =	sadd.s32 $0xC80, s0;
	[tilespmem:s30+$0x13A90] =	vst v4;
	v5 =	vpack.i.b32.b16 v5, v6;
	v6 =	vand.u32 $0xFFFF, v8;
	v7 =	vshrl.u32 v8, $0x10;
	v4 =	vld [tilespmem:s30+$0x7300]  }
0x164: {  	v8 =	vld [tilespmem:s31+$0x7310];
	[tilespmem:s30+$0x13AA0] =	vst v5;
	v62 =	vpack.i.b32.b16 v7, v6;
	v11 =	vand.u32 $0xFFFF, v0;
	v12 =	vshrl.u32 v0, $0x10  }
0x165: {  	v63 =	vld [tilespmem:s31+$0x7000];
	[tilespmem:s30+$0x13AB0] =	vst v62;
	v0 =	vpack.i.b32.b16 v12, v11;
	v13 =	vand.u32 $0xFFFF, v1;
	v14 =	vshrl.u32 v1, $0x10  }
0x166: {  	v5 =	vld [tilespmem:s31+$0x7010];
	[tilespmem:s30+$0x13AC0] =	vst v0;
	v15 =	vpack.i.b32.b16 v14, v13;
	v17 =	vand.u32 $0xFFFF, v2;
	v18 =	vshrl.u32 v2, $0x10  }
0x167: {  	v16 =	vld [tilespmem:s31+$0x7020];
	[tilespmem:s30+$0x13AD0] =	vst v15;
	v19 =	vpack.i.b32.b16 v18, v17;
	v21 =	vand.u32 $0xFFFF, v3;
	v22 =	vshrl.u32 v3, $0x10  }
0x168: {  	v20 =	vld [tilespmem:s31+$0x7030];
	[tilespmem:s30+$0x13AE0] =	vst v19;
	v23 =	vpack.i.b32.b16 v22, v21;
	v25 =	vand.u32 $0xFFFF, v4;
	v26 =	vshrl.u32 v4, $0x10  }
0x169: {  	v24 =	vld [tilespmem:s31+$0x7040];
	[tilespmem:s30+$0x13AF0] =	vst v23;
	v27 =	vpack.i.b32.b16 v26, v25;
	v29 =	vand.u32 $0xFFFF, v8;
	v8 =	vshrl.u32 v8, $0x10  }
0x16a: {  	v28 =	vld [tilespmem:s31+$0x7050];
	[tilespmem:s30+$0x13B00] =	vst v27;
	v30 =	vand.u32 $0xFFFF, v63;
	v6 =	vshrl.u32 v63, $0x10;
	v7 =	vpack.i.b32.b16 v8, v29  }
0x16b: {  	v31 =	vld [tilespmem:s31+$0x7060];
	v0 =	vpack.i.b32.b16 v6, v30;
	[tilespmem:s31+$0x13B10] =	vst v7;
	v32 =	vand.u32 $0xFFFF, v5;
	v5 =	vshrl.u32 v5, $0x10  }
0x16c: {  	v34 =	vld [tilespmem:s31+$0x7070];
	[tilespmem:s31+$0x13800] =	vst v0;
	v33 =	vpack.i.b32.b16 v5, v32;
	v35 =	vand.u32 $0xFFFF, v16;
	v1 =	vshrl.u32 v16, $0x10  }
0x16d: {  	v37 =	vld [tilespmem:s31+$0x7080];
	[tilespmem:s31+$0x13810] =	vst v33;
	v36 =	vpack.i.b32.b16 v1, v35;
	v38 =	vand.u32 $0xFFFF, v20;
	v2 =	vshrl.u32 v20, $0x10  }
0x16e: {  	v40 =	vld [tilespmem:s31+$0x7090];
	[tilespmem:s31+$0x13820] =	vst v36;
	v39 =	vpack.i.b32.b16 v2, v38;
	v41 =	vand.u32 $0xFFFF, v24;
	v3 =	vshrl.u32 v24, $0x10  }
0x16f: {  	v43 =	vld [tilespmem:s31+$0x70A0];
	[tilespmem:s31+$0x13830] =	vst v39;
	v42 =	vpack.i.b32.b16 v3, v41;
	v44 =	vand.u32 $0xFFFF, v28;
	v4 =	vshrl.u32 v28, $0x10  }
0x170: {  	v46 =	vld [tilespmem:s31+$0x70B0];
	[tilespmem:s31+$0x13840] =	vst v42;
	v45 =	vpack.i.b32.b16 v4, v44;
	v47 =	vand.u32 $0xFFFF, v31;
	v48 =	vshrl.u32 v31, $0x10  }
0x171: {  	v50 =	vld [tilespmem:s31+$0x70C0];
	v51 =	vand.u32 $0xFFFF, v34;
	v5 =	vshrl.u32 v34, $0x10;
	[tilespmem:s31+$0x13850] =	vst v45;
	v49 =	vpack.i.b32.b16 v48, v47  }
0x172: {  	v53 =	vld [tilespmem:s31+$0x70D0];
	v54 =	vand.u32 $0xFFFF, v37;
	v1 =	vshrl.u32 v37, $0x10;
	v52 =	vpack.i.b32.b16 v5, v51;
	[tilespmem:s31+$0x13860] =	vst v49  }
0x173: {  	v56 =	vld [tilespmem:s31+$0x70E0];
	v57 =	vand.u32 $0xFFFF, v40;
	v2 =	vshrl.u32 v40, $0x10;
	v55 =	vpack.i.b32.b16 v1, v54;
	[tilespmem:s31+$0x13870] =	vst v52  }
0x174: {  	v59 =	vld [tilespmem:s31+$0x70F0];
	v60 =	vand.u32 $0xFFFF, v43;
	v3 =	vshrl.u32 v43, $0x10;
	v58 =	vpack.i.b32.b16 v2, v57;
	[tilespmem:s31+$0x13880] =	vst v55  }
0x175: {  	v62 =	vld [tilespmem:s31+$0x7100];
	v63 =	vand.u32 $0xFFFF, v46;
	v4 =	vshrl.u32 v46, $0x10;
	v61 =	vpack.i.b32.b16 v3, v60;
	[tilespmem:s31+$0x13890] =	vst v58  }
0x176: {  	v10 =	vld [tilespmem:s31+$0x7110];
	v11 =	vand.u32 $0xFFFF, v50;
	v6 =	vshrl.u32 v50, $0x10;
	v9 =	vpack.i.b32.b16 v4, v63;
	[tilespmem:s31+$0x138A0] =	vst v61  }
0x177: {  	v13 =	vld [tilespmem:s31+$0x7120];
	v14 =	vand.u32 $0xFFFF, v53;
	v12 =	vpack.i.b32.b16 v6, v11;
	v5 =	vshrl.u32 v53, $0x10;
	[tilespmem:s31+$0x138B0] =	vst v9  }
0x178: {  	v16 =	vld [tilespmem:s31+$0x7130];
	v17 =	vand.u32 $0xFFFF, v56;
	v1 =	vshrl.u32 v56, $0x10;
	[tilespmem:s31+$0x138C0] =	vst v12;
	v15 =	vpack.i.b32.b16 v5, v14  }
0x179: {  	v19 =	vld [tilespmem:s31+$0x7140];
	v20 =	vand.u32 $0xFFFF, v59;
	v2 =	vshrl.u32 v59, $0x10;
	v18 =	vpack.i.b32.b16 v1, v17;
	[tilespmem:s31+$0x138D0] =	vst v15  }
0x17a: {  	v22 =	vld [tilespmem:s31+$0x7150];
	v23 =	vand.u32 $0xFFFF, v62;
	v3 =	vshrl.u32 v62, $0x10;
	v21 =	vpack.i.b32.b16 v2, v20;
	[tilespmem:s31+$0x138E0] =	vst v18  }
0x17b: {  	v25 =	vld [tilespmem:s31+$0x7160];
	v26 =	vand.u32 $0xFFFF, v10;
	v4 =	vshrl.u32 v10, $0x10;
	v24 =	vpack.i.b32.b16 v3, v23;
	[tilespmem:s31+$0x138F0] =	vst v21  }
0x17c: {  	v28 =	vld [tilespmem:s31+$0x7170];
	v29 =	vand.u32 $0xFFFF, v13;
	v6 =	vshrl.u32 v13, $0x10;
	v27 =	vpack.i.b32.b16 v4, v26;
	[tilespmem:s31+$0x13900] =	vst v24  }
0x17d: {  	v31 =	vld [tilespmem:s31+$0x7180];
	v32 =	vand.u32 $0xFFFF, v16;
	v30 =	vpack.i.b32.b16 v6, v29;
	v5 =	vshrl.u32 v16, $0x10;
	[tilespmem:s31+$0x13910] =	vst v27  }
0x17e: {  	v34 =	vld [tilespmem:s31+$0x7190];
	v35 =	vand.u32 $0xFFFF, v19;
	v1 =	vshrl.u32 v19, $0x10;
	[tilespmem:s31+$0x13920] =	vst v30;
	v33 =	vpack.i.b32.b16 v5, v32  }
0x17f: {  	v37 =	vld [tilespmem:s31+$0x71A0];
	v38 =	vand.u32 $0xFFFF, v22;
	v2 =	vshrl.u32 v22, $0x10;
	v36 =	vpack.i.b32.b16 v1, v35;
	[tilespmem:s31+$0x13930] =	vst v33  }
0x180: {  	v40 =	vld [tilespmem:s31+$0x71B0];
	v41 =	vand.u32 $0xFFFF, v25;
	v3 =	vshrl.u32 v25, $0x10;
	v39 =	vpack.i.b32.b16 v2, v38;
	[tilespmem:s31+$0x13940] =	vst v36  }
0x181: {  	v43 =	vld [tilespmem:s31+$0x71C0];
	v42 =	vpack.i.b32.b16 v3, v41;
	[tilespmem:s31+$0x13950] =	vst v39;
	v44 =	vand.u32 $0xFFFF, v28;
	v4 =	vshrl.u32 v28, $0x10  }
0x182: {  	v46 =	vld [tilespmem:s31+$0x71D0];
	[tilespmem:s31+$0x13960] =	vst v42;
	v45 =	vpack.i.b32.b16 v4, v44;
	v47 =	vand.u32 $0xFFFF, v31;
	v6 =	vshrl.u32 v31, $0x10  }
0x183: {  	v49 =	vld [tilespmem:s31+$0x71E0];
	v50 =	vand.u32 $0xFFFF, v34;
	v5 =	vshrl.u32 v34, $0x10;
	[tilespmem:s31+$0x13970] =	vst v45;
	v48 =	vpack.i.b32.b16 v6, v47  }
0x184: {  	v52 =	vld [tilespmem:s31+$0x71F0];
	v53 =	vand.u32 $0xFFFF, v37;
	v1 =	vshrl.u32 v37, $0x10;
	v51 =	vpack.i.b32.b16 v5, v50;
	[tilespmem:s31+$0x13980] =	vst v48  }
0x185: {  	v55 =	vld [tilespmem:s31+$0x7200];
	v56 =	vand.u32 $0xFFFF, v40;
	v2 =	vshrl.u32 v40, $0x10;
	v54 =	vpack.i.b32.b16 v1, v53;
	[tilespmem:s31+$0x13990] =	vst v51  }
0x186: {  	v58 =	vld [tilespmem:s31+$0x7210];
	v59 =	vand.u32 $0xFFFF, v43;
	v3 =	vshrl.u32 v43, $0x10;
	v57 =	vpack.i.b32.b16 v2, v56;
	[tilespmem:s31+$0x139A0] =	vst v54  }
0x187: {  	v61 =	vld [tilespmem:s31+$0x7220];
	v62 =	vand.u32 $0xFFFF, v46;
	v4 =	vshrl.u32 v46, $0x10;
	v60 =	vpack.i.b32.b16 v3, v59;
	[tilespmem:s31+$0x139B0] =	vst v57  }
0x188: {  	v9 =	vld [tilespmem:s31+$0x7230];
	v63 =	vpack.i.b32.b16 v4, v62;
	[tilespmem:s31+$0x139C0] =	vst v60;
	v10 =	vand.u32 $0xFFFF, v49;
	v6 =	vshrl.u32 v49, $0x10  }
0x189: {  	v12 =	vld [tilespmem:s31+$0x7240];
	[tilespmem:s31+$0x139D0] =	vst v63;
	v13 =	vand.u32 $0xFFFF, v52;
	v5 =	vshrl.u32 v52, $0x10;
	v11 =	vpack.i.b32.b16 v6, v10  }
0x18a: {  	v15 =	vld [tilespmem:s31+$0x7250];
	v16 =	vand.u32 $0xFFFF, v55;
	v1 =	vshrl.u32 v55, $0x10;
	v14 =	vpack.i.b32.b16 v5, v13;
	[tilespmem:s31+$0x139E0] =	vst v11  }
0x18b: {  	v18 =	vld [tilespmem:s31+$0x7260];
	v19 =	vand.u32 $0xFFFF, v58;
	v2 =	vshrl.u32 v58, $0x10;
	v17 =	vpack.i.b32.b16 v1, v16;
	[tilespmem:s31+$0x139F0] =	vst v14  }
0x18c: {  	v21 =	vld [tilespmem:s31+$0x7270];
	v22 =	vand.u32 $0xFFFF, v61;
	v3 =	vshrl.u32 v61, $0x10;
	v20 =	vpack.i.b32.b16 v2, v19;
	[tilespmem:s31+$0x13A00] =	vst v17  }
0x18d: {  	v24 =	vld [tilespmem:s31+$0x7280];
	v25 =	vand.u32 $0xFFFF, v9;
	v4 =	vshrl.u32 v9, $0x10;
	v23 =	vpack.i.b32.b16 v3, v22;
	[tilespmem:s31+$0x13A10] =	vst v20  }
0x18e: {  	v27 =	vld [tilespmem:s31+$0x7290];
	v28 =	vand.u32 $0xFFFF, v12;
	v26 =	vpack.i.b32.b16 v4, v25;
	v6 =	vshrl.u32 v12, $0x10;
	[tilespmem:s31+$0x13A20] =	vst v23  }
0x18f: {  	v30 =	vld [tilespmem:s31+$0x72A0];
	v31 =	vand.u32 $0xFFFF, v15;
	v5 =	vshrl.u32 v15, $0x10;
	[tilespmem:s31+$0x13A30] =	vst v26;
	v29 =	vpack.i.b32.b16 v6, v28  }
0x190: {  	v33 =	vld [tilespmem:s31+$0x72B0];
	v34 =	vand.u32 $0xFFFF, v18;
	v1 =	vshrl.u32 v18, $0x10;
	v32 =	vpack.i.b32.b16 v5, v31;
	[tilespmem:s31+$0x13A40] =	vst v29  }
0x191: {  	v36 =	vld [tilespmem:s31+$0x72C0];
	v37 =	vand.u32 $0xFFFF, v21;
	v2 =	vshrl.u32 v21, $0x10;
	v35 =	vpack.i.b32.b16 v1, v34;
	[tilespmem:s31+$0x13A50] =	vst v32  }
0x192: {  	v39 =	vld [tilespmem:s31+$0x72D0];
	v40 =	vand.u32 $0xFFFF, v24;
	v3 =	vshrl.u32 v24, $0x10;
	v38 =	vpack.i.b32.b16 v2, v37;
	[tilespmem:s31+$0x13A60] =	vst v35  }
0x193: {  	v42 =	vld [tilespmem:s31+$0x72E0];
	v43 =	vand.u32 $0xFFFF, v27;
	v4 =	vshrl.u32 v27, $0x10;
	v41 =	vpack.i.b32.b16 v3, v40;
	[tilespmem:s31+$0x13A70] =	vst v38  }
0x194: {  	v45 =	vld [tilespmem:s31+$0x72F0];
	v46 =	vand.u32 $0xFFFF, v30;
	v44 =	vpack.i.b32.b16 v4, v43;
	v6 =	vshrl.u32 v30, $0x10;
	[tilespmem:s31+$0x13A80] =	vst v41  }
0x195: {  	v49 =	vld [tilespmem:s31+$0x7300];
	v48 =	vand.u32 $0xFFFF, v33;
	v5 =	vshrl.u32 v33, $0x10;
	[tilespmem:s31+$0x13A90] =	vst v44;
	v47 =	vpack.i.b32.b16 v6, v46  }
0x196: {  	v51 =	vand.u32 $0xFFFF, v36;
	v1 =	vshrl.u32 v36, $0x10;
	v50 =	vpack.i.b32.b16 v5, v48;
	[tilespmem:s31+$0x13AA0] =	vst v47  }
0x197: {  	p0 =	seq.s32 s29, $0x7;
	v53 =	vand.u32 $0xFFFF, v39;
	v2 =	vshrl.u32 v39, $0x10;
	v52 =	vpack.i.b32.b16 v1, v51;
	[tilespmem:s31+$0x13AB0] =	vst v50  }
.Ltmp5:
0x198: {  	v55 =	vand.u32 $0xFFFF, v42;
	v56 =	vshrl.u32 v42, $0x10;
	v54 =	vpack.i.b32.b16 v2, v53;
	[tilespmem:s31+$0x13AC0] =	vst v52;
	(pc) =	sbr.rel @p0 .LBB2_7-.Ltmp5, $4  }
0x199: {  	v57 =	vpack.i.b32.b16 v56, v55;
	[tilespmem:s31+$0x13AD0] =	vst v54;
	v58 =	vand.u32 $0xFFFF, v45;
	v59 =	vshrl.u32 v45, $0x10  }
0x19a: {  	[tilespmem:s31+$0x13AE0] =	vst v57;
	v60 =	vpack.i.b32.b16 v59, v58;
	v61 =	vand.u32 $0xFFFF, v49;
	v62 =	vshrl.u32 v49, $0x10  }
0x19b: {  	[tilespmem:s31+$0x13AF0] =	vst v60;
	v63 =	vpack.i.b32.b16 v62, v61  }
0x19c: {  	[tilespmem:s31+$0x13B00] =	vst v63  }
0x19d: {  	s0 =	simm.s32 $0x7000;
	s1 =	sadd.s32 $0x0, s26  }
0x19e: {  	[tilespmem:s0], [sflag:$0x1] =	stream.indirect.gather [hbm4b:s4+s9], $0x10, s1, s9, $0xb8;
	[tilespmem:$0x19C00] =	vst v63  }
0x19f: {  	s1 =	simm.s32 $0xE0  }
.LBB2_6:
0x1a0: {  	p1 =	sne.s32 s1, $0x1B20  }
.Ltmp6:
0x1a1: {  	_ = 	snop;
	(pc) =	sbr.rel @p1 .LBB2_6-.Ltmp6, $4  }
0x1a2: {  	_ = 	snop  }
0x1a3: {  	s30 =	sshra.s32 s1, $0x2;
	s1 =	sadd.s32 $0xE0, s1  }
0x1a4: {  	s0 =	sadd.s32 $0x320, s0;
	s30 =	sadd.s32 s30, s26  }
0x1a5: {  	[tilespmem:s0], [sflag:$0x1] =	stream.indirect.gather [hbm4b:s4+s9], $0x10, s30, s9, $0xb8;
	[tilespmem:$0x19C00] =	vst v63  }
.LBB2_7:
0x1a6: {  	s30 =	sshll.u32 s29, $0x6  }
0x1a7: {  	s0 =	sadd.s32 s3, s30  }
0x1a8: {  	s0 =	smul.u32 $0x64, s0;
	_ =	sdelay $0x1  }
0x1a9: {  	s1 =	simm.s32 $0x0;
	s0 =	sadd.s32 s5, s0  }
0x1aa: {  	[hbm4b:s0+s1] =	stream.linear.scatter [tilespmem:s23], [sflag:$0x3], $0x6400, $0x38;
	[tilespmem:$0x19C00] =	vst v63  }
0x1ab: {  	_ =	swait.ge [sflag:s8], $0x6400  }
0x1ac: {  	[sflag:s8] =	ssyncset.done $0x0  }
0x1ad: {  	[sflag:s8] =	ssyncadd.s32 $0xFFFF9C00  }
0x1ae: {  	_ =	swait.ge [sflag:s24], $0x320  }
0x1af: {  	[sflag:s24] =	ssyncset.done $0x0  }
0x1b0: {  	[sflag:s24] =	ssyncadd.s32 $0xFFFFFCE0  }
0x1b1: {  	_ =	swait.ge [sflag:s24], $0x320  }
0x1b2: {  	[sflag:s24] =	ssyncset.done $0x0  }
0x1b3: {  	[sflag:s24] =	ssyncadd.s32 $0xFFFFFCE0  }
0x1b4: {  	_ =	swait.ge [sflag:s24], $0x320  }
0x1b5: {  	[sflag:s24] =	ssyncset.done $0x0  }
0x1b6: {  	[sflag:s24] =	ssyncadd.s32 $0xFFFFFCE0  }
0x1b7: {  	_ =	swait.ge [sflag:s24], $0x320  }
0x1b8: {  	[sflag:s24] =	ssyncset.done $0x0  }
0x1b9: {  	[sflag:s24] =	ssyncadd.s32 $0xFFFFFCE0  }
0x1ba: {  	_ =	swait.ge [sflag:s24], $0x320  }
0x1bb: {  	[sflag:s24] =	ssyncset.done $0x0  }
0x1bc: {  	[sflag:s24] =	ssyncadd.s32 $0xFFFFFCE0  }
0x1bd: {  	_ =	swait.ge [sflag:s24], $0x320  }
0x1be: {  	[sflag:s24] =	ssyncset.done $0x0  }
0x1bf: {  	[sflag:s24] =	ssyncadd.s32 $0xFFFFFCE0  }
0x1c0: {  	_ =	swait.ge [sflag:s24], $0x320  }
0x1c1: {  	[sflag:s24] =	ssyncset.done $0x0  }
0x1c2: {  	[sflag:s24] =	ssyncadd.s32 $0xFFFFFCE0  }
0x1c3: {  	_ =	swait.ge [sflag:s24], $0x320  }
0x1c4: {  	[sflag:s24] =	ssyncset.done $0x0  }
0x1c5: {  	[sflag:s24] =	ssyncadd.s32 $0xFFFFFCE0  }
0x1c6: {  	_ =	swait.ge [sflag:s24], $0x320  }
0x1c7: {  	[sflag:s24] =	ssyncset.done $0x0  }
0x1c8: {  	[sflag:s24] =	ssyncadd.s32 $0xFFFFFCE0  }
0x1c9: {  	_ =	swait.ge [sflag:s24], $0x320  }
0x1ca: {  	[sflag:s24] =	ssyncset.done $0x0  }
0x1cb: {  	[sflag:s24] =	ssyncadd.s32 $0xFFFFFCE0  }
0x1cc: {  	_ =	swait.ge [sflag:s24], $0x320  }
0x1cd: {  	[sflag:s24] =	ssyncset.done $0x0  }
0x1ce: {  	[sflag:s24] =	ssyncadd.s32 $0xFFFFFCE0  }
0x1cf: {  	_ =	swait.ge [sflag:s24], $0x320  }
0x1d0: {  	[sflag:s24] =	ssyncset.done $0x0  }
0x1d1: {  	[sflag:s24] =	ssyncadd.s32 $0xFFFFFCE0  }
0x1d2: {  	_ =	swait.ge [sflag:s24], $0x320  }
0x1d3: {  	[sflag:s24] =	ssyncset.done $0x0  }
0x1d4: {  	[sflag:s24] =	ssyncadd.s32 $0xFFFFFCE0  }
0x1d5: {  	_ =	swait.ge [sflag:s24], $0x320  }
0x1d6: {  	[sflag:s24] =	ssyncset.done $0x0  }
0x1d7: {  	[sflag:s24] =	ssyncadd.s32 $0xFFFFFCE0  }
0x1d8: {  	_ =	swait.ge [sflag:s24], $0x320  }
0x1d9: {  	[sflag:s24] =	ssyncset.done $0x0  }
0x1da: {  	[sflag:s24] =	ssyncadd.s32 $0xFFFFFCE0  }
0x1db: {  	_ =	swait.ge [sflag:s24], $0x320  }
0x1dc: {  	[sflag:s24] =	ssyncset.done $0x0  }
0x1dd: {  	[sflag:s24] =	ssyncadd.s32 $0xFFFFFCE0  }
0x1de: {  	_ =	swait.ge [sflag:s24], $0x320  }
0x1df: {  	[sflag:s24] =	ssyncset.done $0x0  }
0x1e0: {  	[sflag:s24] =	ssyncadd.s32 $0xFFFFFCE0  }
0x1e1: {  	_ =	swait.ge [sflag:s24], $0x320  }
0x1e2: {  	[sflag:s24] =	ssyncset.done $0x0  }
0x1e3: {  	[sflag:s24] =	ssyncadd.s32 $0xFFFFFCE0  }
0x1e4: {  	_ =	swait.ge [sflag:s24], $0x320  }
0x1e5: {  	[sflag:s24] =	ssyncset.done $0x0  }
0x1e6: {  	[sflag:s24] =	ssyncadd.s32 $0xFFFFFCE0  }
0x1e7: {  	_ =	swait.ge [sflag:s24], $0x320  }
0x1e8: {  	[sflag:s24] =	ssyncset.done $0x0  }
0x1e9: {  	[sflag:s24] =	ssyncadd.s32 $0xFFFFFCE0  }
0x1ea: {  	_ =	swait.ge [sflag:s24], $0x320  }
0x1eb: {  	[sflag:s24] =	ssyncset.done $0x0  }
0x1ec: {  	[sflag:s24] =	ssyncadd.s32 $0xFFFFFCE0  }
0x1ed: {  	_ =	swait.ge [sflag:s24], $0x320  }
0x1ee: {  	[sflag:s24] =	ssyncset.done $0x0  }
0x1ef: {  	[sflag:s24] =	ssyncadd.s32 $0xFFFFFCE0  }
0x1f0: {  	_ =	swait.ge [sflag:s24], $0x320  }
0x1f1: {  	[sflag:s24] =	ssyncset.done $0x0  }
0x1f2: {  	[sflag:s24] =	ssyncadd.s32 $0xFFFFFCE0  }
0x1f3: {  	_ =	swait.ge [sflag:s24], $0x320  }
0x1f4: {  	[sflag:s24] =	ssyncset.done $0x0  }
0x1f5: {  	[sflag:s24] =	ssyncadd.s32 $0xFFFFFCE0  }
0x1f6: {  	_ =	swait.ge [sflag:s24], $0x320  }
0x1f7: {  	[sflag:s24] =	ssyncset.done $0x0  }
0x1f8: {  	[sflag:s24] =	ssyncadd.s32 $0xFFFFFCE0  }
0x1f9: {  	_ =	swait.ge [sflag:s24], $0x320  }
0x1fa: {  	[sflag:s24] =	ssyncset.done $0x0  }
0x1fb: {  	[sflag:s24] =	ssyncadd.s32 $0xFFFFFCE0  }
0x1fc: {  	_ =	swait.ge [sflag:s24], $0x320  }
0x1fd: {  	[sflag:s24] =	ssyncset.done $0x0  }
0x1fe: {  	[sflag:s24] =	ssyncadd.s32 $0xFFFFFCE0  }
0x1ff: {  	_ =	swait.ge [sflag:s24], $0x320  }
0x200: {  	[sflag:s24] =	ssyncset.done $0x0  }
0x201: {  	[sflag:s24] =	ssyncadd.s32 $0xFFFFFCE0  }
0x202: {  	_ =	swait.ge [sflag:s24], $0x320  }
0x203: {  	[sflag:s24] =	ssyncset.done $0x0  }
0x204: {  	[sflag:s24] =	ssyncadd.s32 $0xFFFFFCE0  }
0x205: {  	_ =	swait.ge [sflag:s24], $0x320  }
0x206: {  	[sflag:s24] =	ssyncset.done $0x0  }
0x207: {  	[sflag:s24] =	ssyncadd.s32 $0xFFFFFCE0  }
0x208: {  	_ =	swait.ge [sflag:s24], $0x320  }
0x209: {  	[sflag:s24] =	ssyncset.done $0x0  }
0x20a: {  	[sflag:s24] =	ssyncadd.s32 $0xFFFFFCE0  }
0x20b: {  	_ =	swait.ge [sflag:s24], $0x320  }
0x20c: {  	[sflag:s24] =	ssyncset.done $0x0  }
0x20d: {  	s31 =	simm.s32 $0x0;
	[sflag:s24] =	ssyncadd.s32 $0xFFFFFCE0  }
0x20e: {  	v0 =	vld [tilespmem:s31+$0xD710]  }
0x20f: {  	v1 =	vld [tilespmem:s31+$0xD400]  }
0x210: {  	v2 =	vld [tilespmem:s31+$0xD410]  }
0x211: {  	v3 =	vld [tilespmem:s31+$0xD420]  }
0x212: {  	v4 =	vld [tilespmem:s31+$0xD430]  }
0x213: {  	v5 =	vld [tilespmem:s31+$0xD440];
	v6 =	vand.u32 $0xFFFF, v0;
	v0 =	vshrl.u32 v0, $0x10  }
0x214: {  	v7 =	vld [tilespmem:s31+$0xD450];
	v8 =	vand.u32 $0xFFFF, v1;
	v1 =	vshrl.u32 v1, $0x10;
	v0 =	vpack.i.b32.b16 v0, v6  }
0x215: {  	v6 =	vld [tilespmem:s31+$0xD460];
	v1 =	vpack.i.b32.b16 v1, v8;
	[tilespmem:s31+$0x13B10] =	vst v0;
	v0 =	vand.u32 $0xFFFF, v2;
	v2 =	vshrl.u32 v2, $0x10  }
0x216: {  	[tilespmem:s31+$0x13800] =	vst v1;
	v1 =	vld [tilespmem:s31+$0xD470];
	v0 =	vpack.i.b32.b16 v2, v0;
	v2 =	vand.u32 $0xFFFF, v3;
	v3 =	vshrl.u32 v3, $0x10  }
0x217: {  	[tilespmem:s31+$0x13810] =	vst v0;
	v0 =	vpack.i.b32.b16 v3, v2;
	v2 =	vld [tilespmem:s31+$0xD480];
	v3 =	vand.u32 $0xFFFF, v4;
	v4 =	vshrl.u32 v4, $0x10  }
0x218: {  	[tilespmem:s31+$0x13820] =	vst v0;
	v0 =	vpack.i.b32.b16 v4, v3;
	v3 =	vld [tilespmem:s31+$0xD490];
	v4 =	vand.u32 $0xFFFF, v5;
	v5 =	vshrl.u32 v5, $0x10  }
0x219: {  	[tilespmem:s31+$0x13830] =	vst v0;
	v0 =	vpack.i.b32.b16 v5, v4;
	v4 =	vld [tilespmem:s31+$0xD4A0];
	v5 =	vand.u32 $0xFFFF, v7;
	v7 =	vshrl.u32 v7, $0x10  }
0x21a: {  	[tilespmem:s31+$0x13840] =	vst v0;
	v0 =	vpack.i.b32.b16 v7, v5;
	v5 =	vld [tilespmem:s31+$0xD4B0];
	v7 =	vand.u32 $0xFFFF, v6;
	v6 =	vshrl.u32 v6, $0x10  }
0x21b: {  	[tilespmem:s31+$0x13850] =	vst v0;
	v0 =	vpack.i.b32.b16 v6, v7;
	v6 =	vld [tilespmem:s31+$0xD4C0];
	v7 =	vand.u32 $0xFFFF, v1;
	v1 =	vshrl.u32 v1, $0x10  }
0x21c: {  	[tilespmem:s31+$0x13860] =	vst v0;
	v0 =	vpack.i.b32.b16 v1, v7;
	v1 =	vld [tilespmem:s31+$0xD4D0];
	v7 =	vand.u32 $0xFFFF, v2;
	v2 =	vshrl.u32 v2, $0x10  }
0x21d: {  	[tilespmem:s31+$0x13870] =	vst v0;
	v0 =	vpack.i.b32.b16 v2, v7;
	v2 =	vld [tilespmem:s31+$0xD4E0];
	v7 =	vand.u32 $0xFFFF, v3;
	v3 =	vshrl.u32 v3, $0x10  }
0x21e: {  	[tilespmem:s31+$0x13880] =	vst v0;
	v0 =	vpack.i.b32.b16 v3, v7;
	v3 =	vld [tilespmem:s31+$0xD4F0];
	v7 =	vand.u32 $0xFFFF, v4;
	v4 =	vshrl.u32 v4, $0x10  }
0x21f: {  	[tilespmem:s31+$0x13890] =	vst v0;
	v0 =	vpack.i.b32.b16 v4, v7;
	v4 =	vld [tilespmem:s31+$0xD500];
	v7 =	vand.u32 $0xFFFF, v5;
	v5 =	vshrl.u32 v5, $0x10  }
0x220: {  	[tilespmem:s31+$0x138A0] =	vst v0;
	v0 =	vpack.i.b32.b16 v5, v7;
	v5 =	vld [tilespmem:s31+$0xD510];
	v7 =	vand.u32 $0xFFFF, v6;
	v6 =	vshrl.u32 v6, $0x10  }
0x221: {  	[tilespmem:s31+$0x138B0] =	vst v0;
	v0 =	vpack.i.b32.b16 v6, v7;
	v6 =	vld [tilespmem:s31+$0xD520];
	v7 =	vand.u32 $0xFFFF, v1;
	v1 =	vshrl.u32 v1, $0x10  }
0x222: {  	[tilespmem:s31+$0x138C0] =	vst v0;
	v0 =	vpack.i.b32.b16 v1, v7;
	v1 =	vld [tilespmem:s31+$0xD530];
	v7 =	vand.u32 $0xFFFF, v2;
	v2 =	vshrl.u32 v2, $0x10  }
0x223: {  	[tilespmem:s31+$0x138D0] =	vst v0;
	v0 =	vpack.i.b32.b16 v2, v7;
	v2 =	vld [tilespmem:s31+$0xD540];
	v7 =	vand.u32 $0xFFFF, v3;
	v3 =	vshrl.u32 v3, $0x10  }
0x224: {  	[tilespmem:s31+$0x138E0] =	vst v0;
	v0 =	vpack.i.b32.b16 v3, v7;
	v3 =	vld [tilespmem:s31+$0xD550];
	v7 =	vand.u32 $0xFFFF, v4;
	v4 =	vshrl.u32 v4, $0x10  }
0x225: {  	[tilespmem:s31+$0x138F0] =	vst v0;
	v0 =	vpack.i.b32.b16 v4, v7;
	v4 =	vld [tilespmem:s31+$0xD560];
	v7 =	vand.u32 $0xFFFF, v5;
	v5 =	vshrl.u32 v5, $0x10  }
0x226: {  	[tilespmem:s31+$0x13900] =	vst v0;
	v0 =	vpack.i.b32.b16 v5, v7;
	v5 =	vld [tilespmem:s31+$0xD570];
	v7 =	vand.u32 $0xFFFF, v6;
	v6 =	vshrl.u32 v6, $0x10  }
0x227: {  	[tilespmem:s31+$0x13910] =	vst v0;
	v0 =	vpack.i.b32.b16 v6, v7;
	v6 =	vld [tilespmem:s31+$0xD580];
	v7 =	vand.u32 $0xFFFF, v1;
	v1 =	vshrl.u32 v1, $0x10  }
0x228: {  	[tilespmem:s31+$0x13920] =	vst v0;
	v0 =	vpack.i.b32.b16 v1, v7;
	v1 =	vld [tilespmem:s31+$0xD590];
	v7 =	vand.u32 $0xFFFF, v2;
	v2 =	vshrl.u32 v2, $0x10  }
0x229: {  	[tilespmem:s31+$0x13930] =	vst v0;
	v0 =	vpack.i.b32.b16 v2, v7;
	v2 =	vld [tilespmem:s31+$0xD5A0];
	v7 =	vand.u32 $0xFFFF, v3;
	v3 =	vshrl.u32 v3, $0x10  }
0x22a: {  	[tilespmem:s31+$0x13940] =	vst v0;
	v0 =	vpack.i.b32.b16 v3, v7;
	v3 =	vld [tilespmem:s31+$0xD5B0];
	v7 =	vand.u32 $0xFFFF, v4;
	v4 =	vshrl.u32 v4, $0x10  }
0x22b: {  	[tilespmem:s31+$0x13950] =	vst v0;
	v0 =	vpack.i.b32.b16 v4, v7;
	v4 =	vld [tilespmem:s31+$0xD5C0];
	v7 =	vand.u32 $0xFFFF, v5;
	v5 =	vshrl.u32 v5, $0x10  }
0x22c: {  	[tilespmem:s31+$0x13960] =	vst v0;
	v0 =	vpack.i.b32.b16 v5, v7;
	v5 =	vld [tilespmem:s31+$0xD5D0];
	v7 =	vand.u32 $0xFFFF, v6;
	v6 =	vshrl.u32 v6, $0x10  }
0x22d: {  	[tilespmem:s31+$0x13970] =	vst v0;
	v0 =	vpack.i.b32.b16 v6, v7;
	v6 =	vld [tilespmem:s31+$0xD5E0];
	v7 =	vand.u32 $0xFFFF, v1;
	v1 =	vshrl.u32 v1, $0x10  }
0x22e: {  	[tilespmem:s31+$0x13980] =	vst v0;
	v0 =	vpack.i.b32.b16 v1, v7;
	v1 =	vld [tilespmem:s31+$0xD5F0];
	v7 =	vand.u32 $0xFFFF, v2;
	v2 =	vshrl.u32 v2, $0x10  }
0x22f: {  	[tilespmem:s31+$0x13990] =	vst v0;
	v0 =	vpack.i.b32.b16 v2, v7;
	v2 =	vld [tilespmem:s31+$0xD600];
	v7 =	vand.u32 $0xFFFF, v3;
	v3 =	vshrl.u32 v3, $0x10  }
0x230: {  	[tilespmem:s31+$0x139A0] =	vst v0;
	v0 =	vpack.i.b32.b16 v3, v7;
	v3 =	vld [tilespmem:s31+$0xD610];
	v7 =	vand.u32 $0xFFFF, v4;
	v4 =	vshrl.u32 v4, $0x10  }
0x231: {  	[tilespmem:s31+$0x139B0] =	vst v0;
	v0 =	vpack.i.b32.b16 v4, v7;
	v4 =	vld [tilespmem:s31+$0xD620];
	v7 =	vand.u32 $0xFFFF, v5;
	v5 =	vshrl.u32 v5, $0x10  }
0x232: {  	[tilespmem:s31+$0x139C0] =	vst v0;
	v0 =	vpack.i.b32.b16 v5, v7;
	v5 =	vld [tilespmem:s31+$0xD630];
	v7 =	vand.u32 $0xFFFF, v6;
	v6 =	vshrl.u32 v6, $0x10  }
0x233: {  	[tilespmem:s31+$0x139D0] =	vst v0;
	v0 =	vpack.i.b32.b16 v6, v7;
	v6 =	vld [tilespmem:s31+$0xD640];
	v7 =	vand.u32 $0xFFFF, v1;
	v1 =	vshrl.u32 v1, $0x10  }
0x234: {  	[tilespmem:s31+$0x139E0] =	vst v0;
	v0 =	vpack.i.b32.b16 v1, v7;
	v1 =	vld [tilespmem:s31+$0xD650];
	v7 =	vand.u32 $0xFFFF, v2;
	v2 =	vshrl.u32 v2, $0x10  }
0x235: {  	[tilespmem:s31+$0x139F0] =	vst v0;
	v0 =	vpack.i.b32.b16 v2, v7;
	v2 =	vld [tilespmem:s31+$0xD660];
	v7 =	vand.u32 $0xFFFF, v3;
	v3 =	vshrl.u32 v3, $0x10  }
0x236: {  	[tilespmem:s31+$0x13A00] =	vst v0;
	v0 =	vpack.i.b32.b16 v3, v7;
	v3 =	vld [tilespmem:s31+$0xD670];
	v7 =	vand.u32 $0xFFFF, v4;
	v4 =	vshrl.u32 v4, $0x10  }
0x237: {  	[tilespmem:s31+$0x13A10] =	vst v0;
	v0 =	vpack.i.b32.b16 v4, v7;
	v4 =	vld [tilespmem:s31+$0xD680];
	v7 =	vand.u32 $0xFFFF, v5;
	v5 =	vshrl.u32 v5, $0x10  }
0x238: {  	[tilespmem:s31+$0x13A20] =	vst v0;
	v0 =	vpack.i.b32.b16 v5, v7;
	v5 =	vld [tilespmem:s31+$0xD690];
	v7 =	vand.u32 $0xFFFF, v6;
	v6 =	vshrl.u32 v6, $0x10  }
0x239: {  	[tilespmem:s31+$0x13A30] =	vst v0;
	v0 =	vpack.i.b32.b16 v6, v7;
	v6 =	vld [tilespmem:s31+$0xD6A0];
	v7 =	vand.u32 $0xFFFF, v1;
	v1 =	vshrl.u32 v1, $0x10  }
0x23a: {  	[tilespmem:s31+$0x13A40] =	vst v0;
	v0 =	vpack.i.b32.b16 v1, v7;
	v7 =	vld [tilespmem:s31+$0xD6B0];
	v1 =	vand.u32 $0xFFFF, v2;
	v2 =	vshrl.u32 v2, $0x10  }
0x23b: {  	[tilespmem:s31+$0x13A50] =	vst v0;
	v1 =	vpack.i.b32.b16 v2, v1;
	v0 =	vld [tilespmem:s31+$0xD6C0];
	v2 =	vand.u32 $0xFFFF, v3;
	v3 =	vshrl.u32 v3, $0x10  }
0x23c: {  	[tilespmem:s31+$0x13A60] =	vst v1;
	v2 =	vpack.i.b32.b16 v3, v2;
	v1 =	vld [tilespmem:s31+$0xD6D0];
	v3 =	vand.u32 $0xFFFF, v4;
	v4 =	vshrl.u32 v4, $0x10  }
0x23d: {  	[tilespmem:s31+$0x13A70] =	vst v2;
	v3 =	vpack.i.b32.b16 v4, v3;
	v2 =	vld [tilespmem:s31+$0xD6E0];
	v4 =	vand.u32 $0xFFFF, v5;
	v5 =	vshrl.u32 v5, $0x10  }
0x23e: {  	[tilespmem:s31+$0x13A80] =	vst v3;
	v4 =	vpack.i.b32.b16 v5, v4;
	v3 =	vld [tilespmem:s31+$0xD6F0];
	v5 =	vand.u32 $0xFFFF, v6;
	v6 =	vshrl.u32 v6, $0x10  }
0x23f: {  	s0 =	simm.s32 $0x320;
	s1 =	simm.s32 $0x1900;
	[tilespmem:s31+$0x13A90] =	vst v4;
	v5 =	vpack.i.b32.b16 v6, v5;
	v6 =	vand.u32 $0xFFFF, v7;
	v7 =	vshrl.u32 v7, $0x10;
	v4 =	vld [tilespmem:s31+$0xD700]  }
.LBB2_8:
0x240: {  	p1 =	sne.s32 s1, $0x18380;
	v8 =	vld [tilespmem:s0+$0xD710];
	[tilespmem:s31+$0x13AA0] =	vst v5;
	v5 =	vpack.i.b32.b16 v7, v6;
	v6 =	vand.u32 $0xFFFF, v0;
	v0 =	vshrl.u32 v0, $0x10  }
0x241: {  	v7 =	vld [tilespmem:s0+$0xD400];
	[tilespmem:s31+$0x13AB0] =	vst v5;
	v0 =	vpack.i.b32.b16 v0, v6;
	v5 =	vand.u32 $0xFFFF, v1;
	v1 =	vshrl.u32 v1, $0x10  }
0x242: {  	v6 =	vld [tilespmem:s0+$0xD410];
	[tilespmem:s31+$0x13AC0] =	vst v0;
	v0 =	vpack.i.b32.b16 v1, v5;
	v1 =	vand.u32 $0xFFFF, v2;
	v2 =	vshrl.u32 v2, $0x10  }
0x243: {  	v5 =	vld [tilespmem:s0+$0xD420];
	[tilespmem:s31+$0x13AD0] =	vst v0;
	v0 =	vpack.i.b32.b16 v2, v1;
	v1 =	vand.u32 $0xFFFF, v3;
	v2 =	vshrl.u32 v3, $0x10  }
0x244: {  	v3 =	vld [tilespmem:s0+$0xD430];
	[tilespmem:s31+$0x13AE0] =	vst v0;
	v0 =	vpack.i.b32.b16 v2, v1;
	v1 =	vand.u32 $0xFFFF, v4;
	v2 =	vshrl.u32 v4, $0x10  }
0x245: {  	v4 =	vld [tilespmem:s0+$0xD440];
	v9 =	vand.u32 $0xFFFF, v8;
	v8 =	vshrl.u32 v8, $0x10;
	[tilespmem:s31+$0x13AF0] =	vst v0;
	v0 =	vpack.i.b32.b16 v2, v1  }
0x246: {  	v1 =	vand.u32 $0xFFFF, v7;
	v2 =	vshrl.u32 v7, $0x10;
	v7 =	vld [tilespmem:s0+$0xD450];
	v8 =	vpack.i.b32.b16 v8, v9;
	[tilespmem:s31+$0x13B00] =	vst v0;
	s31 =	smov.u32 s0  }
0x247: {  	v0 =	vpack.i.b32.b16 v2, v1;
	v1 =	vand.u32 $0xFFFF, v6;
	v2 =	vshrl.u32 v6, $0x10;
	v6 =	vld [tilespmem:s31+$0xD460];
	[tilespmem:s31+$0x13B10] =	vst v8  }
0x248: {  	[tilespmem:s31+$0x13800] =	vst v0;
	v0 =	vpack.i.b32.b16 v2, v1;
	v1 =	vand.u32 $0xFFFF, v5;
	v2 =	vshrl.u32 v5, $0x10;
	v5 =	vld [tilespmem:s31+$0xD470]  }
0x249: {  	[tilespmem:s31+$0x13810] =	vst v0;
	v0 =	vpack.i.b32.b16 v2, v1;
	v1 =	vand.u32 $0xFFFF, v3;
	v2 =	vshrl.u32 v3, $0x10;
	v3 =	vld [tilespmem:s31+$0xD480]  }
0x24a: {  	[tilespmem:s31+$0x13820] =	vst v0;
	v0 =	vpack.i.b32.b16 v2, v1;
	v1 =	vand.u32 $0xFFFF, v4;
	v2 =	vshrl.u32 v4, $0x10;
	v4 =	vld [tilespmem:s31+$0xD490]  }
0x24b: {  	[tilespmem:s31+$0x13830] =	vst v0;
	v0 =	vpack.i.b32.b16 v2, v1;
	v1 =	vand.u32 $0xFFFF, v7;
	v2 =	vshrl.u32 v7, $0x10;
	v7 =	vld [tilespmem:s31+$0xD4A0]  }
0x24c: {  	[tilespmem:s31+$0x13840] =	vst v0;
	v0 =	vpack.i.b32.b16 v2, v1;
	v1 =	vand.u32 $0xFFFF, v6;
	v2 =	vshrl.u32 v6, $0x10;
	v6 =	vld [tilespmem:s31+$0xD4B0]  }
0x24d: {  	[tilespmem:s31+$0x13850] =	vst v0;
	v0 =	vpack.i.b32.b16 v2, v1;
	v1 =	vand.u32 $0xFFFF, v5;
	v2 =	vshrl.u32 v5, $0x10;
	v5 =	vld [tilespmem:s31+$0xD4C0]  }
0x24e: {  	[tilespmem:s31+$0x13860] =	vst v0;
	v0 =	vpack.i.b32.b16 v2, v1;
	v1 =	vand.u32 $0xFFFF, v3;
	v2 =	vshrl.u32 v3, $0x10;
	v3 =	vld [tilespmem:s31+$0xD4D0]  }
0x24f: {  	[tilespmem:s31+$0x13870] =	vst v0;
	v0 =	vpack.i.b32.b16 v2, v1;
	v1 =	vand.u32 $0xFFFF, v4;
	v2 =	vshrl.u32 v4, $0x10;
	v4 =	vld [tilespmem:s31+$0xD4E0]  }
0x250: {  	[tilespmem:s31+$0x13880] =	vst v0;
	v0 =	vpack.i.b32.b16 v2, v1;
	v1 =	vand.u32 $0xFFFF, v7;
	v2 =	vshrl.u32 v7, $0x10;
	v7 =	vld [tilespmem:s31+$0xD4F0]  }
0x251: {  	[tilespmem:s31+$0x13890] =	vst v0;
	v0 =	vpack.i.b32.b16 v2, v1;
	v1 =	vand.u32 $0xFFFF, v6;
	v2 =	vshrl.u32 v6, $0x10;
	v6 =	vld [tilespmem:s31+$0xD500]  }
0x252: {  	[tilespmem:s31+$0x138A0] =	vst v0;
	v0 =	vpack.i.b32.b16 v2, v1;
	v1 =	vand.u32 $0xFFFF, v5;
	v2 =	vshrl.u32 v5, $0x10;
	v5 =	vld [tilespmem:s31+$0xD510]  }
0x253: {  	[tilespmem:s31+$0x138B0] =	vst v0;
	v0 =	vpack.i.b32.b16 v2, v1;
	v1 =	vand.u32 $0xFFFF, v3;
	v2 =	vshrl.u32 v3, $0x10;
	v3 =	vld [tilespmem:s31+$0xD520]  }
0x254: {  	[tilespmem:s31+$0x138C0] =	vst v0;
	v0 =	vpack.i.b32.b16 v2, v1;
	v1 =	vand.u32 $0xFFFF, v4;
	v2 =	vshrl.u32 v4, $0x10;
	v4 =	vld [tilespmem:s31+$0xD530]  }
0x255: {  	[tilespmem:s31+$0x138D0] =	vst v0;
	v0 =	vpack.i.b32.b16 v2, v1;
	v1 =	vand.u32 $0xFFFF, v7;
	v2 =	vshrl.u32 v7, $0x10;
	v7 =	vld [tilespmem:s31+$0xD540]  }
0x256: {  	[tilespmem:s31+$0x138E0] =	vst v0;
	v0 =	vpack.i.b32.b16 v2, v1;
	v1 =	vand.u32 $0xFFFF, v6;
	v2 =	vshrl.u32 v6, $0x10;
	v6 =	vld [tilespmem:s31+$0xD550]  }
0x257: {  	[tilespmem:s31+$0x138F0] =	vst v0;
	v0 =	vpack.i.b32.b16 v2, v1;
	v1 =	vand.u32 $0xFFFF, v5;
	v2 =	vshrl.u32 v5, $0x10;
	v5 =	vld [tilespmem:s31+$0xD560]  }
0x258: {  	[tilespmem:s31+$0x13900] =	vst v0;
	v0 =	vpack.i.b32.b16 v2, v1;
	v1 =	vand.u32 $0xFFFF, v3;
	v2 =	vshrl.u32 v3, $0x10;
	v3 =	vld [tilespmem:s31+$0xD570]  }
0x259: {  	[tilespmem:s31+$0x13910] =	vst v0;
	v0 =	vpack.i.b32.b16 v2, v1;
	v1 =	vand.u32 $0xFFFF, v4;
	v2 =	vshrl.u32 v4, $0x10;
	v4 =	vld [tilespmem:s31+$0xD580]  }
0x25a: {  	[tilespmem:s31+$0x13920] =	vst v0;
	v0 =	vpack.i.b32.b16 v2, v1;
	v1 =	vand.u32 $0xFFFF, v7;
	v2 =	vshrl.u32 v7, $0x10;
	v7 =	vld [tilespmem:s31+$0xD590]  }
0x25b: {  	[tilespmem:s31+$0x13930] =	vst v0;
	v0 =	vpack.i.b32.b16 v2, v1;
	v1 =	vand.u32 $0xFFFF, v6;
	v2 =	vshrl.u32 v6, $0x10;
	v6 =	vld [tilespmem:s31+$0xD5A0]  }
0x25c: {  	[tilespmem:s31+$0x13940] =	vst v0;
	v0 =	vpack.i.b32.b16 v2, v1;
	v1 =	vand.u32 $0xFFFF, v5;
	v2 =	vshrl.u32 v5, $0x10;
	v5 =	vld [tilespmem:s31+$0xD5B0]  }
0x25d: {  	[tilespmem:s31+$0x13950] =	vst v0;
	v0 =	vpack.i.b32.b16 v2, v1;
	v1 =	vand.u32 $0xFFFF, v3;
	v2 =	vshrl.u32 v3, $0x10;
	v3 =	vld [tilespmem:s31+$0xD5C0]  }
0x25e: {  	[tilespmem:s31+$0x13960] =	vst v0;
	v0 =	vpack.i.b32.b16 v2, v1;
	v1 =	vand.u32 $0xFFFF, v4;
	v2 =	vshrl.u32 v4, $0x10;
	v4 =	vld [tilespmem:s31+$0xD5D0]  }
0x25f: {  	[tilespmem:s31+$0x13970] =	vst v0;
	v0 =	vpack.i.b32.b16 v2, v1;
	v1 =	vand.u32 $0xFFFF, v7;
	v2 =	vshrl.u32 v7, $0x10;
	v7 =	vld [tilespmem:s31+$0xD5E0]  }
0x260: {  	[tilespmem:s31+$0x13980] =	vst v0;
	v0 =	vpack.i.b32.b16 v2, v1;
	v1 =	vand.u32 $0xFFFF, v6;
	v2 =	vshrl.u32 v6, $0x10;
	v6 =	vld [tilespmem:s31+$0xD5F0]  }
0x261: {  	[tilespmem:s31+$0x13990] =	vst v0;
	v0 =	vpack.i.b32.b16 v2, v1;
	v1 =	vand.u32 $0xFFFF, v5;
	v2 =	vshrl.u32 v5, $0x10;
	v5 =	vld [tilespmem:s31+$0xD600]  }
0x262: {  	[tilespmem:s31+$0x139A0] =	vst v0;
	v0 =	vpack.i.b32.b16 v2, v1;
	v1 =	vand.u32 $0xFFFF, v3;
	v2 =	vshrl.u32 v3, $0x10;
	v3 =	vld [tilespmem:s31+$0xD610]  }
0x263: {  	[tilespmem:s31+$0x139B0] =	vst v0;
	v0 =	vpack.i.b32.b16 v2, v1;
	v1 =	vand.u32 $0xFFFF, v4;
	v2 =	vshrl.u32 v4, $0x10;
	v4 =	vld [tilespmem:s31+$0xD620]  }
0x264: {  	[tilespmem:s31+$0x139C0] =	vst v0;
	v0 =	vpack.i.b32.b16 v2, v1;
	v1 =	vand.u32 $0xFFFF, v7;
	v2 =	vshrl.u32 v7, $0x10;
	v7 =	vld [tilespmem:s31+$0xD630]  }
0x265: {  	[tilespmem:s31+$0x139D0] =	vst v0;
	v0 =	vpack.i.b32.b16 v2, v1;
	v1 =	vand.u32 $0xFFFF, v6;
	v2 =	vshrl.u32 v6, $0x10;
	v6 =	vld [tilespmem:s31+$0xD640]  }
0x266: {  	[tilespmem:s31+$0x139E0] =	vst v0;
	v0 =	vpack.i.b32.b16 v2, v1;
	v1 =	vand.u32 $0xFFFF, v5;
	v2 =	vshrl.u32 v5, $0x10;
	v5 =	vld [tilespmem:s31+$0xD650]  }
0x267: {  	[tilespmem:s31+$0x139F0] =	vst v0;
	v0 =	vpack.i.b32.b16 v2, v1;
	v1 =	vand.u32 $0xFFFF, v3;
	v2 =	vshrl.u32 v3, $0x10;
	v3 =	vld [tilespmem:s31+$0xD660]  }
0x268: {  	[tilespmem:s31+$0x13A00] =	vst v0;
	v0 =	vpack.i.b32.b16 v2, v1;
	v1 =	vand.u32 $0xFFFF, v4;
	v2 =	vshrl.u32 v4, $0x10;
	v4 =	vld [tilespmem:s31+$0xD670]  }
0x269: {  	[tilespmem:s31+$0x13A10] =	vst v0;
	v0 =	vpack.i.b32.b16 v2, v1;
	v1 =	vand.u32 $0xFFFF, v7;
	v2 =	vshrl.u32 v7, $0x10;
	v7 =	vld [tilespmem:s31+$0xD680]  }
0x26a: {  	[tilespmem:s31+$0x13A20] =	vst v0;
	v0 =	vpack.i.b32.b16 v2, v1;
	v1 =	vand.u32 $0xFFFF, v6;
	v2 =	vshrl.u32 v6, $0x10;
	v6 =	vld [tilespmem:s31+$0xD690]  }
0x26b: {  	[tilespmem:s31+$0x13A30] =	vst v0;
	v0 =	vpack.i.b32.b16 v2, v1;
	v1 =	vand.u32 $0xFFFF, v5;
	v2 =	vshrl.u32 v5, $0x10;
	v5 =	vld [tilespmem:s31+$0xD6A0]  }
0x26c: {  	[tilespmem:s31+$0x13A40] =	vst v0;
	v0 =	vpack.i.b32.b16 v2, v1;
	v1 =	vand.u32 $0xFFFF, v3;
	v2 =	vshrl.u32 v3, $0x10;
	v8 =	vld [tilespmem:s31+$0xD6B0]  }
.Ltmp7:
0x26d: {  	[tilespmem:s31+$0x13A50] =	vst v0;
	v1 =	vpack.i.b32.b16 v2, v1;
	v2 =	vand.u32 $0xFFFF, v4;
	v3 =	vshrl.u32 v4, $0x10;
	v0 =	vld [tilespmem:s31+$0xD6C0];
	(pc) =	sbr.rel @p1 .LBB2_8-.Ltmp7, $4  }
0x26e: {  	[tilespmem:s31+$0x13A60] =	vst v1;
	v2 =	vpack.i.b32.b16 v3, v2;
	v3 =	vand.u32 $0xFFFF, v7;
	v4 =	vshrl.u32 v7, $0x10;
	v1 =	vld [tilespmem:s31+$0xD6D0]  }
0x26f: {  	[tilespmem:s31+$0x13A70] =	vst v2;
	v3 =	vpack.i.b32.b16 v4, v3;
	v4 =	vand.u32 $0xFFFF, v6;
	v6 =	vshrl.u32 v6, $0x10;
	v2 =	vld [tilespmem:s31+$0xD6E0]  }
0x270: {  	[tilespmem:s31+$0x13A80] =	vst v3;
	v4 =	vpack.i.b32.b16 v6, v4;
	v6 =	vand.u32 $0xFFFF, v5;
	v5 =	vshrl.u32 v5, $0x10;
	v3 =	vld [tilespmem:s31+$0xD6F0]  }
0x271: {  	s0 =	sshra.s32 s1, $0x2;
	s1 =	sadd.s32 $0xC80, s1;
	[tilespmem:s31+$0x13A90] =	vst v4;
	v5 =	vpack.i.b32.b16 v5, v6;
	v6 =	vand.u32 $0xFFFF, v8;
	v7 =	vshrl.u32 v8, $0x10;
	v4 =	vld [tilespmem:s31+$0xD700]  }
0x272: {  	v8 =	vld [tilespmem:s0+$0xD710];
	[tilespmem:s31+$0x13AA0] =	vst v5;
	v62 =	vpack.i.b32.b16 v7, v6;
	v11 =	vand.u32 $0xFFFF, v0;
	v12 =	vshrl.u32 v0, $0x10  }
0x273: {  	v63 =	vld [tilespmem:s0+$0xD400];
	[tilespmem:s31+$0x13AB0] =	vst v62;
	v0 =	vpack.i.b32.b16 v12, v11;
	v13 =	vand.u32 $0xFFFF, v1;
	v14 =	vshrl.u32 v1, $0x10  }
0x274: {  	v5 =	vld [tilespmem:s0+$0xD410];
	[tilespmem:s31+$0x13AC0] =	vst v0;
	v15 =	vpack.i.b32.b16 v14, v13;
	v17 =	vand.u32 $0xFFFF, v2;
	v18 =	vshrl.u32 v2, $0x10  }
0x275: {  	v16 =	vld [tilespmem:s0+$0xD420];
	[tilespmem:s31+$0x13AD0] =	vst v15;
	v19 =	vpack.i.b32.b16 v18, v17;
	v21 =	vand.u32 $0xFFFF, v3;
	v22 =	vshrl.u32 v3, $0x10  }
0x276: {  	v20 =	vld [tilespmem:s0+$0xD430];
	[tilespmem:s31+$0x13AE0] =	vst v19;
	v23 =	vpack.i.b32.b16 v22, v21;
	v25 =	vand.u32 $0xFFFF, v4;
	v26 =	vshrl.u32 v4, $0x10  }
0x277: {  	v24 =	vld [tilespmem:s0+$0xD440];
	[tilespmem:s31+$0x13AF0] =	vst v23;
	v27 =	vpack.i.b32.b16 v26, v25;
	v29 =	vand.u32 $0xFFFF, v8;
	v8 =	vshrl.u32 v8, $0x10  }
0x278: {  	v28 =	vld [tilespmem:s0+$0xD450];
	[tilespmem:s31+$0x13B00] =	vst v27;
	v30 =	vand.u32 $0xFFFF, v63;
	v6 =	vshrl.u32 v63, $0x10;
	v7 =	vpack.i.b32.b16 v8, v29  }
0x279: {  	v31 =	vld [tilespmem:s0+$0xD460];
	v0 =	vpack.i.b32.b16 v6, v30;
	[tilespmem:s0+$0x13B10] =	vst v7;
	v32 =	vand.u32 $0xFFFF, v5;
	v5 =	vshrl.u32 v5, $0x10  }
0x27a: {  	v34 =	vld [tilespmem:s0+$0xD470];
	[tilespmem:s0+$0x13800] =	vst v0;
	v33 =	vpack.i.b32.b16 v5, v32;
	v35 =	vand.u32 $0xFFFF, v16;
	v1 =	vshrl.u32 v16, $0x10  }
0x27b: {  	v37 =	vld [tilespmem:s0+$0xD480];
	[tilespmem:s0+$0x13810] =	vst v33;
	v36 =	vpack.i.b32.b16 v1, v35;
	v38 =	vand.u32 $0xFFFF, v20;
	v2 =	vshrl.u32 v20, $0x10  }
0x27c: {  	v40 =	vld [tilespmem:s0+$0xD490];
	[tilespmem:s0+$0x13820] =	vst v36;
	v39 =	vpack.i.b32.b16 v2, v38;
	v41 =	vand.u32 $0xFFFF, v24;
	v3 =	vshrl.u32 v24, $0x10  }
0x27d: {  	v43 =	vld [tilespmem:s0+$0xD4A0];
	[tilespmem:s0+$0x13830] =	vst v39;
	v42 =	vpack.i.b32.b16 v3, v41;
	v44 =	vand.u32 $0xFFFF, v28;
	v4 =	vshrl.u32 v28, $0x10  }
0x27e: {  	v46 =	vld [tilespmem:s0+$0xD4B0];
	[tilespmem:s0+$0x13840] =	vst v42;
	v45 =	vpack.i.b32.b16 v4, v44;
	v47 =	vand.u32 $0xFFFF, v31;
	v48 =	vshrl.u32 v31, $0x10  }
0x27f: {  	v50 =	vld [tilespmem:s0+$0xD4C0];
	v51 =	vand.u32 $0xFFFF, v34;
	v5 =	vshrl.u32 v34, $0x10;
	[tilespmem:s0+$0x13850] =	vst v45;
	v49 =	vpack.i.b32.b16 v48, v47  }
0x280: {  	v53 =	vld [tilespmem:s0+$0xD4D0];
	v54 =	vand.u32 $0xFFFF, v37;
	v1 =	vshrl.u32 v37, $0x10;
	v52 =	vpack.i.b32.b16 v5, v51;
	[tilespmem:s0+$0x13860] =	vst v49  }
0x281: {  	v56 =	vld [tilespmem:s0+$0xD4E0];
	v57 =	vand.u32 $0xFFFF, v40;
	v2 =	vshrl.u32 v40, $0x10;
	v55 =	vpack.i.b32.b16 v1, v54;
	[tilespmem:s0+$0x13870] =	vst v52  }
0x282: {  	v59 =	vld [tilespmem:s0+$0xD4F0];
	v60 =	vand.u32 $0xFFFF, v43;
	v3 =	vshrl.u32 v43, $0x10;
	v58 =	vpack.i.b32.b16 v2, v57;
	[tilespmem:s0+$0x13880] =	vst v55  }
0x283: {  	v62 =	vld [tilespmem:s0+$0xD500];
	v63 =	vand.u32 $0xFFFF, v46;
	v4 =	vshrl.u32 v46, $0x10;
	v61 =	vpack.i.b32.b16 v3, v60;
	[tilespmem:s0+$0x13890] =	vst v58  }
0x284: {  	v10 =	vld [tilespmem:s0+$0xD510];
	v11 =	vand.u32 $0xFFFF, v50;
	v6 =	vshrl.u32 v50, $0x10;
	v9 =	vpack.i.b32.b16 v4, v63;
	[tilespmem:s0+$0x138A0] =	vst v61  }
0x285: {  	v13 =	vld [tilespmem:s0+$0xD520];
	v14 =	vand.u32 $0xFFFF, v53;
	v12 =	vpack.i.b32.b16 v6, v11;
	v5 =	vshrl.u32 v53, $0x10;
	[tilespmem:s0+$0x138B0] =	vst v9  }
0x286: {  	v16 =	vld [tilespmem:s0+$0xD530];
	v17 =	vand.u32 $0xFFFF, v56;
	v1 =	vshrl.u32 v56, $0x10;
	[tilespmem:s0+$0x138C0] =	vst v12;
	v15 =	vpack.i.b32.b16 v5, v14  }
0x287: {  	v19 =	vld [tilespmem:s0+$0xD540];
	v20 =	vand.u32 $0xFFFF, v59;
	v2 =	vshrl.u32 v59, $0x10;
	v18 =	vpack.i.b32.b16 v1, v17;
	[tilespmem:s0+$0x138D0] =	vst v15  }
0x288: {  	v22 =	vld [tilespmem:s0+$0xD550];
	v23 =	vand.u32 $0xFFFF, v62;
	v3 =	vshrl.u32 v62, $0x10;
	v21 =	vpack.i.b32.b16 v2, v20;
	[tilespmem:s0+$0x138E0] =	vst v18  }
0x289: {  	v25 =	vld [tilespmem:s0+$0xD560];
	v26 =	vand.u32 $0xFFFF, v10;
	v4 =	vshrl.u32 v10, $0x10;
	v24 =	vpack.i.b32.b16 v3, v23;
	[tilespmem:s0+$0x138F0] =	vst v21  }
0x28a: {  	v28 =	vld [tilespmem:s0+$0xD570];
	v29 =	vand.u32 $0xFFFF, v13;
	v6 =	vshrl.u32 v13, $0x10;
	v27 =	vpack.i.b32.b16 v4, v26;
	[tilespmem:s0+$0x13900] =	vst v24  }
0x28b: {  	v31 =	vld [tilespmem:s0+$0xD580];
	v32 =	vand.u32 $0xFFFF, v16;
	v30 =	vpack.i.b32.b16 v6, v29;
	v5 =	vshrl.u32 v16, $0x10;
	[tilespmem:s0+$0x13910] =	vst v27  }
0x28c: {  	v34 =	vld [tilespmem:s0+$0xD590];
	v35 =	vand.u32 $0xFFFF, v19;
	v1 =	vshrl.u32 v19, $0x10;
	[tilespmem:s0+$0x13920] =	vst v30;
	v33 =	vpack.i.b32.b16 v5, v32  }
0x28d: {  	v37 =	vld [tilespmem:s0+$0xD5A0];
	v38 =	vand.u32 $0xFFFF, v22;
	v2 =	vshrl.u32 v22, $0x10;
	v36 =	vpack.i.b32.b16 v1, v35;
	[tilespmem:s0+$0x13930] =	vst v33  }
0x28e: {  	v40 =	vld [tilespmem:s0+$0xD5B0];
	v41 =	vand.u32 $0xFFFF, v25;
	v3 =	vshrl.u32 v25, $0x10;
	v39 =	vpack.i.b32.b16 v2, v38;
	[tilespmem:s0+$0x13940] =	vst v36  }
0x28f: {  	v43 =	vld [tilespmem:s0+$0xD5C0];
	v42 =	vpack.i.b32.b16 v3, v41;
	[tilespmem:s0+$0x13950] =	vst v39;
	v44 =	vand.u32 $0xFFFF, v28;
	v4 =	vshrl.u32 v28, $0x10  }
0x290: {  	v46 =	vld [tilespmem:s0+$0xD5D0];
	[tilespmem:s0+$0x13960] =	vst v42;
	v45 =	vpack.i.b32.b16 v4, v44;
	v47 =	vand.u32 $0xFFFF, v31;
	v6 =	vshrl.u32 v31, $0x10  }
0x291: {  	v49 =	vld [tilespmem:s0+$0xD5E0];
	v50 =	vand.u32 $0xFFFF, v34;
	v5 =	vshrl.u32 v34, $0x10;
	[tilespmem:s0+$0x13970] =	vst v45;
	v48 =	vpack.i.b32.b16 v6, v47  }
0x292: {  	v52 =	vld [tilespmem:s0+$0xD5F0];
	v53 =	vand.u32 $0xFFFF, v37;
	v1 =	vshrl.u32 v37, $0x10;
	v51 =	vpack.i.b32.b16 v5, v50;
	[tilespmem:s0+$0x13980] =	vst v48  }
0x293: {  	v55 =	vld [tilespmem:s0+$0xD600];
	v56 =	vand.u32 $0xFFFF, v40;
	v2 =	vshrl.u32 v40, $0x10;
	v54 =	vpack.i.b32.b16 v1, v53;
	[tilespmem:s0+$0x13990] =	vst v51  }
0x294: {  	v58 =	vld [tilespmem:s0+$0xD610];
	v59 =	vand.u32 $0xFFFF, v43;
	v3 =	vshrl.u32 v43, $0x10;
	v57 =	vpack.i.b32.b16 v2, v56;
	[tilespmem:s0+$0x139A0] =	vst v54  }
0x295: {  	v61 =	vld [tilespmem:s0+$0xD620];
	v62 =	vand.u32 $0xFFFF, v46;
	v4 =	vshrl.u32 v46, $0x10;
	v60 =	vpack.i.b32.b16 v3, v59;
	[tilespmem:s0+$0x139B0] =	vst v57  }
0x296: {  	v9 =	vld [tilespmem:s0+$0xD630];
	v63 =	vpack.i.b32.b16 v4, v62;
	[tilespmem:s0+$0x139C0] =	vst v60;
	v10 =	vand.u32 $0xFFFF, v49;
	v6 =	vshrl.u32 v49, $0x10  }
0x297: {  	v12 =	vld [tilespmem:s0+$0xD640];
	[tilespmem:s0+$0x139D0] =	vst v63;
	v13 =	vand.u32 $0xFFFF, v52;
	v5 =	vshrl.u32 v52, $0x10;
	v11 =	vpack.i.b32.b16 v6, v10  }
0x298: {  	v15 =	vld [tilespmem:s0+$0xD650];
	v16 =	vand.u32 $0xFFFF, v55;
	v1 =	vshrl.u32 v55, $0x10;
	v14 =	vpack.i.b32.b16 v5, v13;
	[tilespmem:s0+$0x139E0] =	vst v11  }
0x299: {  	v18 =	vld [tilespmem:s0+$0xD660];
	v19 =	vand.u32 $0xFFFF, v58;
	v2 =	vshrl.u32 v58, $0x10;
	v17 =	vpack.i.b32.b16 v1, v16;
	[tilespmem:s0+$0x139F0] =	vst v14  }
0x29a: {  	v21 =	vld [tilespmem:s0+$0xD670];
	v22 =	vand.u32 $0xFFFF, v61;
	v3 =	vshrl.u32 v61, $0x10;
	v20 =	vpack.i.b32.b16 v2, v19;
	[tilespmem:s0+$0x13A00] =	vst v17  }
0x29b: {  	v24 =	vld [tilespmem:s0+$0xD680];
	v25 =	vand.u32 $0xFFFF, v9;
	v4 =	vshrl.u32 v9, $0x10;
	v23 =	vpack.i.b32.b16 v3, v22;
	[tilespmem:s0+$0x13A10] =	vst v20  }
0x29c: {  	v27 =	vld [tilespmem:s0+$0xD690];
	v28 =	vand.u32 $0xFFFF, v12;
	v26 =	vpack.i.b32.b16 v4, v25;
	v6 =	vshrl.u32 v12, $0x10;
	[tilespmem:s0+$0x13A20] =	vst v23  }
0x29d: {  	v30 =	vld [tilespmem:s0+$0xD6A0];
	v31 =	vand.u32 $0xFFFF, v15;
	v5 =	vshrl.u32 v15, $0x10;
	[tilespmem:s0+$0x13A30] =	vst v26;
	v29 =	vpack.i.b32.b16 v6, v28  }
0x29e: {  	v33 =	vld [tilespmem:s0+$0xD6B0];
	v34 =	vand.u32 $0xFFFF, v18;
	v1 =	vshrl.u32 v18, $0x10;
	v32 =	vpack.i.b32.b16 v5, v31;
	[tilespmem:s0+$0x13A40] =	vst v29  }
0x29f: {  	v36 =	vld [tilespmem:s0+$0xD6C0];
	v37 =	vand.u32 $0xFFFF, v21;
	v2 =	vshrl.u32 v21, $0x10;
	v35 =	vpack.i.b32.b16 v1, v34;
	[tilespmem:s0+$0x13A50] =	vst v32  }
0x2a0: {  	v39 =	vld [tilespmem:s0+$0xD6D0];
	v40 =	vand.u32 $0xFFFF, v24;
	v3 =	vshrl.u32 v24, $0x10;
	v38 =	vpack.i.b32.b16 v2, v37;
	[tilespmem:s0+$0x13A60] =	vst v35  }
0x2a1: {  	v42 =	vld [tilespmem:s0+$0xD6E0];
	v43 =	vand.u32 $0xFFFF, v27;
	v4 =	vshrl.u32 v27, $0x10;
	v41 =	vpack.i.b32.b16 v3, v40;
	[tilespmem:s0+$0x13A70] =	vst v38  }
0x2a2: {  	v45 =	vld [tilespmem:s0+$0xD6F0];
	v46 =	vand.u32 $0xFFFF, v30;
	v44 =	vpack.i.b32.b16 v4, v43;
	v6 =	vshrl.u32 v30, $0x10;
	[tilespmem:s0+$0x13A80] =	vst v41  }
0x2a3: {  	v49 =	vld [tilespmem:s0+$0xD700];
	v48 =	vand.u32 $0xFFFF, v33;
	v5 =	vshrl.u32 v33, $0x10;
	[tilespmem:s0+$0x13A90] =	vst v44;
	v47 =	vpack.i.b32.b16 v6, v46  }
0x2a4: {  	v51 =	vand.u32 $0xFFFF, v36;
	v1 =	vshrl.u32 v36, $0x10;
	v50 =	vpack.i.b32.b16 v5, v48;
	[tilespmem:s0+$0x13AA0] =	vst v47  }
0x2a5: {  	v53 =	vand.u32 $0xFFFF, v39;
	v2 =	vshrl.u32 v39, $0x10;
	v52 =	vpack.i.b32.b16 v1, v51;
	[tilespmem:s0+$0x13AB0] =	vst v50  }
.Ltmp8:
0x2a6: {  	v55 =	vand.u32 $0xFFFF, v42;
	v56 =	vshrl.u32 v42, $0x10;
	v54 =	vpack.i.b32.b16 v2, v53;
	[tilespmem:s0+$0x13AC0] =	vst v52;
	(pc) =	sbr.rel @p0 .LBB2_12-.Ltmp8, $4  }
0x2a7: {  	v57 =	vpack.i.b32.b16 v56, v55;
	[tilespmem:s0+$0x13AD0] =	vst v54;
	v58 =	vand.u32 $0xFFFF, v45;
	v59 =	vshrl.u32 v45, $0x10  }
0x2a8: {  	[tilespmem:s0+$0x13AE0] =	vst v57;
	v60 =	vpack.i.b32.b16 v59, v58;
	v61 =	vand.u32 $0xFFFF, v49;
	v62 =	vshrl.u32 v49, $0x10  }
0x2a9: {  	[tilespmem:s0+$0x13AF0] =	vst v60;
	v63 =	vpack.i.b32.b16 v62, v61  }
0x2aa: {  	[tilespmem:s0+$0x13B00] =	vst v63  }
0x2ab: {  	s0 =	simm.s32 $0xD400;
	s1 =	sadd.s32 $0x0, s28  }
0x2ac: {  	[tilespmem:s0], [sflag:$0x2] =	stream.indirect.gather [hbm4b:s4+s9], $0x10, s1, s9, $0xb8;
	[tilespmem:$0x19C00] =	vst v63  }
0x2ad: {  	s1 =	simm.s32 $0xE0  }
.LBB2_11:
0x2ae: {  	p0 =	sne.s32 s1, $0x1B20  }
.Ltmp9:
0x2af: {  	_ = 	snop;
	(pc) =	sbr.rel @p0 .LBB2_11-.Ltmp9, $4  }
0x2b0: {  	_ = 	snop  }
0x2b1: {  	s31 =	sshra.s32 s1, $0x2;
	s1 =	sadd.s32 $0xE0, s1  }
0x2b2: {  	s0 =	sadd.s32 $0x320, s0;
	s31 =	sadd.s32 s31, s28  }
0x2b3: {  	[tilespmem:s0], [sflag:$0x2] =	stream.indirect.gather [hbm4b:s4+s9], $0x10, s31, s9, $0xb8;
	[tilespmem:$0x19C00] =	vst v63  }
.Ltmp10:
0x2b4: {  	_ = 	snop;
	(pc) =	sbr.rel .LBB2_12-.Ltmp10, $1  }
0x2b5: {  	_ =	sdelay $0x3  }
.LBB2_14:
0x2b6: {  	_ =	sfence.sel $0x180000  }
0x2b7: {  	[bflag:$0x0] =	sbarrier.arrive $0xFFFF  }
0x2b8: {  	_ =	strace $0x9000004D  }
0x2b9: {  	s0 =	stileid.u32;
	[bflag:$0x2] =	sbarrier.arrive $0xFFFF  }
0x2ba: {  	p0 =	sne.s32 s0, $0x0;
	s0 =	rddreg [dreg:$0x2]  }
0x2bb: {  	s0 =	sadd.s32 @!p0 $0x100000, s0  }
0x2bc: {  	[sflag:s0] =	ssyncadd.tile.s32 @!p0 $0x1;
	_ =	shalt  }
.Lfunc_end2:
_tile_overlayer_lowered:
.L_overlay_start_2:
0x2bd: {  	(tag) =	ssettag $0x2  }
0x2be: {  	s0 =	rddreg [dreg:$0x0];
	s2 =	stileid.u32  }
0x2bf: {  	s1 =	rddreg [dreg:$0x1];
	p0 =	sne.s32 s2, $0x0  }
0x2c0: {  	s3 =	rddreg [dreg:$0x2];
	[bflag:$0x3] =	sbarrier.arrive $0xFFFF;
	s2 =	simm.s32 @!p0 $0x1C03  }
0x2c1: {  	[timem:s3], [sflag:s2] =	dma.local @!p0 [hbm:s0], s1  }
0x2c2: {  	s0 =	simm.s32 @!p0 $0x3  }
0x2c3: {  	_ =	swait.ge @!p0 [sflag:s0], s1  }
0x2c4: {  	s1 =	ssub.s32 @!p0 $0x0, s1;
	[sflag:s0] =	ssyncset.done @!p0 $0x0  }
0x2c5: {  	[sflag:s0] =	ssyncadd.s32 @!p0 s1  }
0x2c6: {  	[bflag:$0x3] =	sbarrier.arrive $0xFFFF  }
0x2c7: {  	_ =	shalt  }

// kernel: sparse-core-data-format-call.1.cloned.1.call-start
scs
called_computation.1_lowered:
.L_overlay_start_0:
0x0: {  	s1 =	sld [smem:$0x3FD9]  }
0x1: {  	s2 =	sld [smem:$0x3FFE];
	_ =	sdelay $0x1  }
0x2: {  	s3 =	srdreg.scid  }
0x3: {  	s0 =	sand.u32 $0x1, s3  }
0x4: {  	s17 =	sshll.u32 s0, $0xA;
	s1 =	sadd.s32 s2, s1  }
0x5: {  	s1 =	sadd.s32 s1, s17  }
0x6: {  	[smem:$0x3FC6] =	sst s1  }
0x7: {  	_ = 	snop  }
0x8: {  	(tm) =	ssettm $0x1  }
0x9: {  	s18 =	sld [smem:$0x3FFB];
	_ =	sdelay $0x3  }
0xa: {  	_ =	strace s18  }
0xb: {  	s1 =	sld [smem:$0x3FFC];
	_ =	sdelay $0x3  }
0xc: {  	_ =	strace s1  }
0xd: {  	s1 =	sld [smem:$0x3FFD];
	_ =	sdelay $0x3  }
0xe: {  	_ =	strace s1  }
0xf: {  	_ =	strace $0x8FFFFFFF  }
0x10: {  	s19 =	sld [smem:$0x3FDB];
	_ =	sdelay $0x1  }
0x11: {  	s20 =	simm.s32 $_scs_section_size  }
0x12: {  	s4 =	simm.s32 $_size__tile_overlayer_lowered;
	s5 =	simm.s32 $_tile_overlayer_lowered  }
0x13: {  	s23 =	simm.s32 $0x1BFF;
	s22 =	sshll.u32 s5, $0x1;
	s1 =	sadd.s32 s20, s19  }
0x14: {  	s6 =	simm.s32 $0x0;
	s21 =	sshll.u32 s4, $0x1;
	s4 =	sadd.s32 s22, s1  }
0x15: {  	[timem:s6], [sflag:s23] =	dma.local [hbm:s4], s21  }
0x16: {  	_ =	swait.ge [sflag:s23], s21  }
0x17: {  	s2 =	ssub.s32 $0x0, s21;
	[sflag:s23] =	ssyncset.done $0x0  }
0x18: {  	[sflag:s23] =	ssyncadd.s32 s2;
	_ =	sdelay $0x1  }
0x19: {  	s24 =	simm.s32 $0x1B8B  }
0x1a: {  	_ =	swait.ge [sflag:s24], $0x1  }
0x1b: {  	[sflag:s24] =	ssyncset.done $0x0  }
0x1c: {  	s26 =	simm.s32 $0x1B8E;
	s25 =	sld [smem:$0x3FFE];
	[sflag:s24] =	ssyncadd.s32 $0xFFFFFFFF  }
0x1d: {  	s27 =	simm.s32 $execute0_lowered;
	[smem:$0x3FD2] =	sst s26  }
0x1e: {  	s4 =	sshll.u32 s27, $0x1;
	_ =	strace $0x80000046;
	[dreg:$0x1] =	wrdreg $0xFFFFFFFF  }
0x1f: {  	s28 =	simm.s32 $_size_execute0_lowered;
	s1 =	sadd.s32 s1, s4;
	[dreg:$0x0] =	wrdreg $0x0  }
0x20: {  	s4 =	sshll.u32 s28, $0x1;
	[dreg:$0x2] =	wrdreg s1  }
0x21: {  	[dreg:$0x3] =	wrdreg s4  }
0x22: {  	[dreg:$0x4] =	wrdreg $0xC0  }
0x23: {  	_ =	task [dreg:s6], $0x5FFFF  }
0x24: {  	[dreg:$0x1] =	wrdreg $0xFFFFFFFF  }
0x25: {  	[dreg:$0x0] =	wrdreg $0x60  }
0x26: {  	[dreg:$0x2] =	wrdreg s25  }
0x27: {  	[dreg:$0x3] =	wrdreg $0x9  }
0x28: {  	_ =	task.clear_ibuf [dreg:s6], $0x4FFFF;
	_ =	strace $0x90000046  }
0x29: {  	s29 =	simm.s32 $0x9;
	_ =	strace $0x80000048  }
0x2a: {  	_ =	swait.ge [sflag:s29], $0x1  }
0x2b: {  	[sflag:s29] =	ssyncadd.s32 $0xFFFFFFFF  }
0x2c: {  	_ =	strace $0x90000048  }
0x2d: {  	_ =	sfence  }
0x2e: {  	s30 =	sld [smem:$0x0];
	_ =	sdelay $0x2  }
0x2f: {  	s31 =	sshll.u32 s3, $0xD;
	s3 =	sshrl.u32 s3, $0x2  }
0x30: {  	s2 =	sand.u32 $0x4000, s31;
	s1 =	sadd.s32 s3, s30  }
0x31: {  	s0 =	sor.u32 s2, s0;
	s1 =	sshll.u32 s1, $0x11  }
0x32: {  	s0 =	sor.u32 s1, s0  }
0x33: {  	s0 =	sadd.s32 $0x8F2B, s0  }
0x34: {  	[sflag:s0] =	ssyncadd.remote.s32 $0x1  }
0x35: {  	_ =	sfence.sel $0xFFFF  }
0x36: {  	[dreg:$0x0] =	wrdreg $0xFFFFFFFF;
	(pc) =	sbr.abs _section_cstart, $3  }
0x37: {  	[dreg:$0x1] =	wrdreg $0xFFFFFFFF  }
0x38: {  	_ =	task.clear_ibuf [dreg:s6], $0x2FFFF;
	_ =	strace $0x9FFFFFFF  }
0x39: {  	(tm) =	ssettm $0x7FFFFFFF  }
tec
execute0_lowered:
.L_overlay_start_1:
0x0: {  	(tag) =	ssettag $0x1  }
0x1: {  	s0 =	srdreg.scid  }
0x2: {  	s5 =	rddreg [dreg:$0x0];
	s1 =	stileid.u32;
	s4 =	simm.s32 $0x1  }
0x3: {  	s6 =	simm.s32 $0x2;
	s8 =	simm.s32 $0x0;
	s2 =	sshll.u32 s0, $0x4  }
0x4: {  	s9 =	simm.s32 $0x0;
	s13 =	simm.s32 $0x0;
	s2 =	sand.u32 $0x10, s2  }
.Ltmp0:
0x5: {  	s10 =	simm.s32 $0x0;
	s3 =	sor.u32 s1, s2;
	(pc) =	sbr.rel .LBB1_1-.Ltmp0, $4  }
0x6: {  	s0 =	rddreg [dreg:$0x1];
	_ =	strace $0x80000047;
	s3 =	sshll.u32 s3, $0x4  }
0x7: {  	s12 =	simm.s32 $0x0;
	[sflag:s4] =	ssyncpa.u1 $0x0;
	s7 =	ssub.s32 $0x3D00, s3  }
0x8: {  	s2 =	sadd.s32 $0x1200, s5;
	[sflag:s6] =	ssyncpa.u1 $0x0;
	s6 =	sshrl.u32 s7, $0x9  }
0x9: {  	s5 =	sadd.s32 $0x1E9800, s5;
	s11 =	smov.u32 s3;
	s7 =	sadd.s32 $0x2, s6  }
.LBB1_7:
0xa: {  	s15 =	sshll.u32 s12, $0xF  }
0xb: {  	s15 =	sand.u32 $0x8000, s15  }
0xc: {  	s16 =	sshll.u32 s10, $0x7;
	s15 =	sshrl.u32 s15, $0x1  }
0xd: {  	s16 =	sadd.s32 s5, s16;
	s15 =	sor.u32 $0x8000, s15  }
0xe: {  	[hbm4b:s16+s8] =	stream.linear.scatter [tilespmem:s15], [sflag:$0x2], s14, $0x38;
	[tilespmem:$0x10000] =	vst v63  }
.LBB1_8:
0xf: {  	p0 =	slt.u32 s12, $0x2  }
0x10: {  	p1 =	sgt.s32 @!p0 s13, $0x3CF9  }
0x11: {  	s14 =	smov.u32 s13;
	s15 =	sshra.s32 @!p0 s13, $0x1F;
	p1 =	por !p1, p0  }
0x12: {  	s13 =	sand.u32 @!p0 s15, s13;
	s14 =	simm.s32 @p1 $0x3CF9  }
0x13: {  	s13 =	ssub.s32 @!p0 s14, s13  }
0x14: {  	s13 =	sadd.s32 @!p0 $0xFFFFC307, s13  }
0x15: {  	s14 =	sshll.u32 @!p0 s13, $0xC  }
0x16: {  	p1 =	sgt.s32 @!p0 s13, $0xF;
	s13 =	ssub.s32 @!p0 $0x10000, s14  }
0x17: {  	s15 =	sadd.s32 $0x200, s11;
	p1 =	por !p1, p0;
	s13 =	sshrl.u32 @!p0 s13, $0x2  }
0x18: {  	s13 =	simm.s32 @!p1 $0x0;
	p1 =	sgt.s32 s15, $0x3D08  }
0x19: {  	s15 =	smov.u32 @p1 s3;
	p1 =	sne.s32 s12, s7  }
.Ltmp1:
0x1a: {  	_ = 	snop;
	(pc) =	sbr.rel @!p1 .LBB1_9-.Ltmp1, $4  }
0x1b: {  	s14 =	simm.s32 @!p0 $0x2  }
0x1c: {  	s9 =	sadd.s32 $0x8000, s9;
	_ =	swait.ge @!p0 [sflag:s14], s13;
	s16 =	ssub.s32 @!p0 $0x0, s13  }
0x1d: {  	s13 =	smov.u32 s10;
	s12 =	sadd.s32 $0x1, s12;
	[sflag:s14] =	ssyncset.done @!p0 $0x0  }
0x1e: {  	s10 =	smov.u32 s11;
	s11 =	smov.u32 s15;
	[sflag:s14] =	ssyncadd.s32 @!p0 s16  }
.LBB1_1:
0x1f: {  	p0 =	sgt.u32 s12, s6  }
0x20: {  	p1 =	sgt.s32 @!p0 s11, $0x3CF9  }
0x21: {  	s14 =	smov.u32 s11;
	s15 =	sshra.s32 @!p0 s11, $0x1F;
	p1 =	por !p1, p0  }
0x22: {  	s15 =	sand.u32 @!p0 s15, s11;
	s14 =	simm.s32 @p1 $0x3CF9  }
0x23: {  	s14 =	ssub.s32 @!p0 s14, s15  }
0x24: {  	s14 =	sadd.s32 @!p0 $0xFFFFC307, s14  }
0x25: {  	s16 =	sshll.u32 @!p0 s11, $0x7;
	s17 =	simm.s32 @!p0 $0x0;
	s15 =	sshll.u32 @!p0 s14, $0xC  }
0x26: {  	p1 =	sgt.s32 @!p0 s14, $0xF;
	s14 =	ssub.s32 @!p0 $0x10000, s15;
	s15 =	sxor.u32 @!p0 $0xFFFFFFFF, s12  }
0x27: {  	p1 =	por !p1, p0;
	s14 =	sshrl.u32 @!p0 s14, $0x2;
	s15 =	sshll.u32 @!p0 s15, $0xE  }
0x28: {  	s16 =	sadd.s32 @!p0 s2, s16;
	s14 =	simm.s32 @!p1 $0x0;
	s15 =	sand.u32 @!p0 $0x4000, s15  }
0x29: {  	[tilespmem:s15], [sflag:$0x1] =	stream.linear.gather @!p0 [hbm4b:s16+s17], s14, $0x38;
	[tilespmem:$0x10000] =	vst v63  }
0x2a: {  	p0 =	seq.s32 s12, $0x0  }
0x2b: {  	p1 =	sge.u32 @!p0 s12, s7  }
0x2c: {  	p0 =	por p0, p1  }
.Ltmp2:
0x2d: {  	_ = 	snop;
	(pc) =	sbr.rel @p0 .LBB1_8-.Ltmp2, $1  }
0x2e: {  	_ =	sdelay $0x3  }
0x2f: {  	p0 =	sgt.s32 s10, $0x3CF9;
	s14 =	smov.u32 s10;
	s15 =	sshra.s32 s10, $0x1F  }
0x30: {  	s14 =	simm.s32 @!p0 $0x3CF9;
	s15 =	sand.u32 s15, s10  }
0x31: {  	s14 =	ssub.s32 s14, s15  }
0x32: {  	s16 =	sadd.s32 $0x10, s10;
	s14 =	sadd.s32 $0xFFFFC307, s14  }
0x33: {  	p1 =	slt.s32 s16, $0x3D09;
	s30 =	sshll.u32 s14, $0xC  }
0x34: {  	s16 =	simm.s32 @!p1 $0x3D09;
	s15 =	ssub.s32 $0x10000, s30  }
0x35: {  	p0 =	sgt.s32 s14, $0xF;
	s14 =	sshrl.u32 s15, $0x2;
	s15 =	ssub.s32 s16, s10  }
0x36: {  	s14 =	simm.s32 @p0 $0x0;
	p0 =	slt.s32 s15, $0x1  }
.Ltmp3:
0x37: {  	_ = 	snop;
	(pc) =	sbr.rel @p0 .LBB1_7-.Ltmp3, $4  }
0x38: {  	_ = 	snop  }
0x39: {  	_ =	swait.ge [sflag:s4], s14  }
0x3a: {  	s31 =	ssub.s32 $0x0, s14;
	[sflag:s4] =	ssyncset.done $0x0  }
0x3b: {  	[sflag:s4] =	ssyncadd.s32 s31  }
0x3c: {  	s16 =	sshrl.u32 s9, $0x1  }
0x3d: {  	s17 =	sand.u32 $0x4000, s16  }
0x3e: {  	s18 =	simm.s32 $0x0;
	s16 =	sor.u32 $0x200, s17;
	s17 =	sor.u32 $0x8080, s17  }
.LBB1_4:
0x3f: {  	v0 =	vld [tilespmem:s16+$0xFFFFFE70]  }
0x40: {  	v1 =	vld [tilespmem:s16+$0x70]  }
0x41: {  	v2 =	vld [tilespmem:s16+$0x0]  }
0x42: {  	v3 =	vld [tilespmem:s16+$0xFFFFFE10]  }
0x43: {  	v4 =	vld [tilespmem:s16+$0x10]  }
0x44: {  	v5 =	vld [tilespmem:s16+$0xFFFFFE20]  }
0x45: {  	v7 =	vld [tilespmem:s16+$0x20]  }
0x46: {  	v11 =	vld [tilespmem:s16+$0x30];
	v6 =	vunpack.i.l.s16.s32 v0;
	v8 =	vunpack.i.u.s16.s32 v0;
	v9 =	vunpack.i.u.s16.s32 v1  }
0x47: {  	v10 =	vunpack.i.l.s16.s32 v1;
	v0 =	vunpack.i.u.s16.s32 v2;
	v1 =	vunpack.i.l.s16.s32 v2;
	v2 =	vld [tilespmem:s16+$0xFFFFFE30]  }
0x48: {  	v8 =	vpack.i.b32.b16 v9, v8;
	v9 =	vunpack.i.u.s16.s32 v3;
	v3 =	vunpack.i.l.s16.s32 v3  }
0x49: {  	v12 =	vld [tilespmem:s16+$0xFFFFFE40];
	v6 =	vpack.i.b32.b16 v10, v6;
	[tilespmem:s17+$0x70] =	vst v8;
	v8 =	vunpack.i.u.s16.s32 v4;
	v4 =	vunpack.i.l.s16.s32 v4  }
0x4a: {  	v13 =	vld [tilespmem:s16+$0x40];
	v10 =	vunpack.i.u.s16.s32 v5;
	v5 =	vunpack.i.l.s16.s32 v5;
	[tilespmem:s17+$0xFFFFFFF0] =	vst v6;
	v3 =	vpack.i.b32.b16 v4, v3  }
0x4b: {  	v6 =	vunpack.i.l.s16.s32 v7;
	v4 =	vld [tilespmem:s16+$0xFFFFFE50];
	[tilespmem:s17+$0xFFFFFF90] =	vst v3;
	v3 =	vpack.i.b32.b16 v8, v9;
	v8 =	vunpack.i.u.s16.s32 v7  }
0x4c: {  	v7 =	vunpack.i.l.s16.s32 v11;
	[tilespmem:s17+$0x10] =	vst v3;
	v3 =	vpack.i.b32.b16 v6, v5;
	v9 =	vunpack.i.u.s16.s32 v2;
	v6 =	vld [tilespmem:s16+$0x50]  }
0x4d: {  	v5 =	vunpack.i.l.s16.s32 v2;
	v2 =	vld [tilespmem:s16+$0xFFFFFE60];
	[tilespmem:s17+$0xFFFFFFA0] =	vst v3;
	v3 =	vpack.i.b32.b16 v8, v10;
	v10 =	vunpack.i.u.s16.s32 v11  }
0x4e: {  	s21 =	simm.s32 $0x0;
	v11 =	vpack.i.b32.b16 v7, v5;
	v7 =	vunpack.i.u.s16.s32 v12;
	v8 =	vunpack.i.l.s16.s32 v12;
	[tilespmem:s17+$0x20] =	vst v3;
	v3 =	vld [tilespmem:s16+$0x60]  }
0x4f: {  	s22 =	sadd.s32 $0x80, s16;
	s20 =	smov.u32 s17;
	s19 =	smov.u32 s17;
	v5 =	vld [tilespmem:s16+$0xFFFFFE00];
	[tilespmem:s17+$0xFFFFFFB0] =	vst v11;
	v10 =	vpack.i.b32.b16 v10, v9;
	v9 =	vunpack.i.u.s16.s32 v13;
	v11 =	vunpack.i.l.s16.s32 v13  }
.LBB1_5:
0x50: {  	v12 =	vld [tilespmem:s22+$0xFFFFFE70];
	[tilespmem:s20+$0x30] =	vst v10;
	v8 =	vpack.i.b32.b16 v11, v8;
	v10 =	vunpack.i.u.s16.s32 v4;
	v4 =	vunpack.i.l.s16.s32 v4  }
0x51: {  	s21 =	sadd.s32 $0x2, s21;
	v7 =	vpack.i.b32.b16 v9, v7;
	v11 =	vld [tilespmem:s22+$0x70];
	[tilespmem:s20+$0xFFFFFFC0] =	vst v8;
	v8 =	vunpack.i.u.s16.s32 v6;
	v6 =	vunpack.i.l.s16.s32 v6  }
0x52: {  	p0 =	slt.u32 s21, $0x6;
	v9 =	vld [tilespmem:s22+$0x0];
	[tilespmem:s20+$0x40] =	vst v7;
	v4 =	vpack.i.b32.b16 v6, v4;
	v6 =	vunpack.i.u.s16.s32 v2;
	v2 =	vunpack.i.l.s16.s32 v2  }
0x53: {  	v7 =	vld [tilespmem:s22+$0xFFFFFE10];
	[tilespmem:s20+$0xFFFFFFD0] =	vst v4;
	v4 =	vpack.i.b32.b16 v8, v10;
	v8 =	vunpack.i.u.s16.s32 v3;
	v3 =	vunpack.i.l.s16.s32 v3  }
0x54: {  	v10 =	vld [tilespmem:s22+$0x10];
	v13 =	vunpack.i.u.s16.s32 v5;
	v5 =	vunpack.i.l.s16.s32 v5;
	[tilespmem:s20+$0x50] =	vst v4;
	v2 =	vpack.i.b32.b16 v3, v2  }
0x55: {  	v3 =	vld [tilespmem:s22+$0xFFFFFE20];
	v4 =	vunpack.i.l.s16.s32 v12;
	v1 =	vpack.i.b32.b16 v1, v5;
	v5 =	vpack.i.b32.b16 v0, v13;
	[tilespmem:s20+$0xFFFFFFE0] =	vst v2  }
0x56: {  	v12 =	vunpack.i.u.s16.s32 v12;
	v2 =	vld [tilespmem:s22+$0x20];
	v13 =	vunpack.i.u.s16.s32 v11;
	v11 =	vunpack.i.l.s16.s32 v11;
	[tilespmem:s20+$0xFFFFFF80] =	vst v1  }
0x57: {  	s20 =	sadd.s32 $0x100, s20;
	v0 =	vunpack.i.u.s16.s32 v9;
	v1 =	vunpack.i.l.s16.s32 v9;
	v9 =	vld [tilespmem:s22+$0xFFFFFE30];
	v12 =	vpack.i.b32.b16 v13, v12;
	[tilespmem:s19+$0x0] =	vst v5  }
0x58: {  	v6 =	vpack.i.b32.b16 v8, v6;
	v5 =	vunpack.i.u.s16.s32 v7;
	v7 =	vunpack.i.l.s16.s32 v7;
	v13 =	vld [tilespmem:s22+$0x30];
	[tilespmem:s20+$0x70] =	vst v12  }
0x59: {  	v4 =	vpack.i.b32.b16 v11, v4;
	v8 =	vunpack.i.u.s16.s32 v10;
	v10 =	vunpack.i.l.s16.s32 v10;
	v12 =	vld [tilespmem:s22+$0xFFFFFE40];
	[tilespmem:s19+$0x60] =	vst v6;
	s19 =	smov.u32 s20  }
0x5a: {  	v6 =	vpack.i.b32.b16 v10, v7;
	v7 =	vunpack.i.u.s16.s32 v3;
	v3 =	vunpack.i.l.s16.s32 v3;
	v11 =	vld [tilespmem:s22+$0x40];
	[tilespmem:s20+$0xFFFFFFF0] =	vst v4  }
.Ltmp4:
0x5b: {  	v5 =	vpack.i.b32.b16 v8, v5;
	[tilespmem:s20+$0xFFFFFF90] =	vst v6;
	v8 =	vunpack.i.u.s16.s32 v2;
	v2 =	vunpack.i.l.s16.s32 v2;
	v4 =	vld [tilespmem:s22+$0xFFFFFE50];
	(pc) =	sbr.rel @p0 .LBB1_5-.Ltmp4, $4  }
0x5c: {  	[tilespmem:s20+$0x10] =	vst v5;
	v2 =	vpack.i.b32.b16 v2, v3;
	v10 =	vunpack.i.u.s16.s32 v9;
	v3 =	vunpack.i.l.s16.s32 v9;
	v6 =	vld [tilespmem:s22+$0x50]  }
0x5d: {  	v5 =	vpack.i.b32.b16 v8, v7;
	[tilespmem:s20+$0xFFFFFFA0] =	vst v2;
	v9 =	vunpack.i.u.s16.s32 v13;
	v7 =	vunpack.i.l.s16.s32 v13;
	v2 =	vld [tilespmem:s22+$0xFFFFFE60]  }
0x5e: {  	[tilespmem:s20+$0x20] =	vst v5;
	v13 =	vpack.i.b32.b16 v7, v3;
	v7 =	vunpack.i.u.s16.s32 v12;
	v8 =	vunpack.i.l.s16.s32 v12;
	v3 =	vld [tilespmem:s22+$0x60]  }
0x5f: {  	v10 =	vpack.i.b32.b16 v9, v10;
	v5 =	vld [tilespmem:s22+$0xFFFFFE00];
	[tilespmem:s20+$0xFFFFFFB0] =	vst v13;
	v9 =	vunpack.i.u.s16.s32 v11;
	v11 =	vunpack.i.l.s16.s32 v11;
	s22 =	sadd.s32 $0x80, s22  }
0x60: {  	[tilespmem:s20+$0x30] =	vst v10;
	v8 =	vpack.i.b32.b16 v11, v8  }
0x61: {  	v51 =	vunpack.i.l.s16.s32 v4;
	v7 =	vpack.i.b32.b16 v9, v7;
	[tilespmem:s20+$0xFFFFFFC0] =	vst v8;
	v52 =	vunpack.i.l.s16.s32 v6  }
0x62: {  	v53 =	vunpack.i.u.s16.s32 v4;
	s18 =	sadd.s32 $0x1, s18;
	v54 =	vunpack.i.u.s16.s32 v6;
	[tilespmem:s20+$0x40] =	vst v7;
	v55 =	vpack.i.b32.b16 v52, v51  }
0x63: {  	p0 =	sne.s32 s18, s15;
	v56 =	vunpack.i.l.s16.s32 v2;
	v4 =	vpack.i.b32.b16 v54, v53;
	[tilespmem:s20+$0xFFFFFFD0] =	vst v55;
	v57 =	vunpack.i.l.s16.s32 v3  }
.Ltmp5:
0x64: {  	[tilespmem:s20+$0x50] =	vst v4;
	v58 =	vunpack.i.l.s16.s32 v5;
	v59 =	vpack.i.b32.b16 v57, v56;
	(pc) =	sbr.rel @p0 .LBB1_4-.Ltmp5, $4  }
.Ltmp6:
0x65: {  	v61 =	vunpack.i.u.s16.s32 v2;
	v62 =	vunpack.i.u.s16.s32 v3;
	v1 =	vpack.i.b32.b16 v1, v58;
	[tilespmem:s20+$0xFFFFFFE0] =	vst v59;
	(pc) =	sbr.rel @!p0 .LBB1_7-.Ltmp6, $4  }
0x66: {  	v60 =	vunpack.i.u.s16.s32 v5;
	v63 =	vpack.i.b32.b16 v62, v61;
	[tilespmem:s20+$0xFFFFFF80] =	vst v1  }
0x67: {  	v0 =	vpack.i.b32.b16 v0, v60;
	[tilespmem:s19+$0x60] =	vst v63  }
0x68: {  	s16 =	sadd.s32 $0x400, s16;
	s17 =	sadd.s32 $0x400, s17;
	[tilespmem:s19+$0x0] =	vst v0  }
0x69: {  	_ = 	snop  }
.LBB1_9:
0x6a: {  	_ =	sfence.sel $0x180000  }
0x6b: {  	s2 =	simm.s32 $0x1;
	[bflag:$0x0] =	sbarrier.arrive $0xFFFF  }
0x6c: {  	s31 =	simm.s32 $0x2;
	[sflag:s2] =	ssyncpa.u1 $0x1  }
0x6d: {  	[sflag:s31] =	ssyncpa.u1 $0x1  }
0x6e: {  	p0 =	sne.s32 s1, $0x0;
	_ =	strace $0x90000047  }
0x6f: {  	s0 =	sadd.s32 @!p0 $0x100000, s0;
	[bflag:$0x2] =	sbarrier.arrive $0xFFFF  }
0x70: {  	[sflag:s0] =	ssyncadd.tile.s32 @!p0 $0x1;
	_ =	shalt  }
.Lfunc_end1:
_tile_overlayer_lowered:
.L_overlay_start_2:
0x71: {  	(tag) =	ssettag $0x2  }
0x72: {  	s0 =	rddreg [dreg:$0x0];
	s2 =	stileid.u32  }
0x73: {  	s1 =	rddreg [dreg:$0x1];
	p0 =	sne.s32 s2, $0x0  }
0x74: {  	s3 =	rddreg [dreg:$0x2];
	[bflag:$0x3] =	sbarrier.arrive $0xFFFF;
	s2 =	simm.s32 @!p0 $0x1C01  }
0x75: {  	[timem:s3], [sflag:s2] =	dma.local @!p0 [hbm:s0], s1  }
0x76: {  	s0 =	simm.s32 @!p0 $0x1  }
0x77: {  	_ =	swait.ge @!p0 [sflag:s0], s1  }
0x78: {  	s1 =	ssub.s32 @!p0 $0x0, s1;
	[sflag:s0] =	ssyncset.done @!p0 $0x0  }
0x79: {  	[sflag:s0] =	ssyncadd.s32 @!p0 s1  }
0x7a: {  	[bflag:$0x3] =	sbarrier.arrive $0xFFFF  }
0x7b: {  	_ =	shalt  }

// kernel: sparse-core-data-format-call.cloned.1.call-start
scs
called_computation_lowered:
.L_overlay_start_0:
0x0: {  	s2 =	sld [smem:$0x3FD9]  }
0x1: {  	s3 =	sld [smem:$0x3FFE];
	_ =	sdelay $0x1  }
0x2: {  	s1 =	srdreg.scid  }
0x3: {  	s0 =	sand.u32 $0x1, s1  }
0x4: {  	s18 =	sshll.u32 s0, $0xA;
	s2 =	sadd.s32 s3, s2  }
0x5: {  	s2 =	sadd.s32 s2, s18  }
0x6: {  	[smem:$0x3FC6] =	sst s2  }
0x7: {  	_ = 	snop  }
0x8: {  	s2 =	sld [smem:$0x3FD0];
	(tm) =	ssettm $0x1  }
0x9: {  	s19 =	sld [smem:$0x3FFB];
	_ =	sdelay $0x3  }
0xa: {  	_ =	strace s19  }
0xb: {  	s3 =	sld [smem:$0x3FFC];
	_ =	sdelay $0x3  }
0xc: {  	_ =	strace s3  }
0xd: {  	s3 =	sld [smem:$0x3FFD];
	_ =	sdelay $0x3  }
0xe: {  	_ =	strace s3  }
0xf: {  	_ =	strace $0x8FFFFFFF  }
0x10: {  	s20 =	sld [smem:$0x3FDB];
	_ =	sdelay $0x1  }
0x11: {  	s4 =	simm.s32 $_scs_section_size  }
0x12: {  	s5 =	simm.s32 $_size__tile_overlayer_lowered;
	s6 =	simm.s32 $_tile_overlayer_lowered  }
0x13: {  	s23 =	simm.s32 $0x1BFF;
	s22 =	sshll.u32 s6, $0x1;
	s3 =	sadd.s32 s4, s20  }
0x14: {  	s7 =	simm.s32 $0x0;
	s21 =	sshll.u32 s5, $0x1;
	s5 =	sadd.s32 s22, s3  }
0x15: {  	[timem:s7], [sflag:s23] =	dma.local [hbm:s5], s21  }
0x16: {  	_ =	swait.ge [sflag:s23], s21  }
0x17: {  	s4 =	ssub.s32 $0x0, s21;
	[sflag:s23] =	ssyncset.done $0x0  }
0x18: {  	[sflag:s23] =	ssyncadd.s32 s4;
	_ =	sdelay $0x1  }
0x19: {  	s24 =	simm.s32 $0x1B8B  }
0x1a: {  	_ =	swait.ge [sflag:s24], $0x1  }
0x1b: {  	[sflag:s24] =	ssyncset.done $0x0  }
0x1c: {  	s26 =	simm.s32 $0x1B8E;
	s25 =	sld [smem:$0x3FFE];
	[sflag:s24] =	ssyncadd.s32 $0xFFFFFFFF  }
0x1d: {  	s27 =	simm.s32 $execute0_lowered;
	[smem:$0x3FD2] =	sst s26  }
0x1e: {  	s5 =	sshll.u32 s27, $0x1;
	_ =	strace $0x8000004F;
	[dreg:$0x1] =	wrdreg $0xFFFFFFFF  }
0x1f: {  	s28 =	simm.s32 $_size_execute0_lowered;
	s3 =	sadd.s32 s3, s5;
	[dreg:$0x0] =	wrdreg $0x0  }
0x20: {  	s5 =	sshll.u32 s28, $0x1;
	[dreg:$0x2] =	wrdreg s3  }
0x21: {  	[dreg:$0x3] =	wrdreg s5  }
0x22: {  	[dreg:$0x4] =	wrdreg $0xC0  }
0x23: {  	_ =	task [dreg:s7], $0x5FFFF  }
0x24: {  	[dreg:$0x1] =	wrdreg $0xFFFFFFFF  }
0x25: {  	[dreg:$0x0] =	wrdreg $0x60  }
0x26: {  	[dreg:$0x2] =	wrdreg s25  }
0x27: {  	[dreg:$0x3] =	wrdreg s2  }
0x28: {  	[dreg:$0x4] =	wrdreg $0x9  }
0x29: {  	_ =	task.clear_ibuf [dreg:s7], $0x5FFFF;
	_ =	strace $0x9000004F  }
0x2a: {  	s29 =	simm.s32 $0x9;
	_ =	strace $0x80000051  }
0x2b: {  	_ =	swait.ge [sflag:s29], $0x1  }
0x2c: {  	[sflag:s29] =	ssyncadd.s32 $0xFFFFFFFF  }
0x2d: {  	_ =	strace $0x90000051  }
0x2e: {  	_ =	sfence  }
0x2f: {  	s30 =	sld [smem:$0x0];
	_ =	sdelay $0x2  }
0x30: {  	s31 =	sshll.u32 s1, $0xD;
	s1 =	sshrl.u32 s1, $0x2  }
0x31: {  	s3 =	sand.u32 $0x4000, s31;
	s1 =	sadd.s32 s1, s30  }
0x32: {  	s0 =	sor.u32 s3, s0;
	s1 =	sshll.u32 s1, $0x11  }
0x33: {  	s0 =	sor.u32 s1, s0  }
0x34: {  	s0 =	sadd.s32 $0x8F2B, s0  }
0x35: {  	[sflag:s0] =	ssyncadd.remote.s32 $0x1  }
0x36: {  	_ =	sfence.sel $0xFFFF  }
0x37: {  	[dreg:$0x0] =	wrdreg $0xFFFFFFFF;
	(pc) =	sbr.abs _section_cstart, $3  }
0x38: {  	[dreg:$0x1] =	wrdreg $0xFFFFFFFF  }
0x39: {  	_ =	task.clear_ibuf [dreg:s7], $0x2FFFF;
	_ =	strace $0x9FFFFFFF  }
0x3a: {  	(tm) =	ssettm $0x7FFFFFFF  }
0x3b: {  	_ =	shalt  }
tec
execute0_lowered:
.L_overlay_start_1:
0x0: {  	(tag) =	ssettag $0x1  }
0x1: {  	s0 =	srdreg.scid  }
0x2: {  	s1 =	sshll.u32 s0, $0x4  }
0x3: {  	s0 =	stileid.u32;
	s1 =	sand.u32 $0x10, s1  }
0x4: {  	s1 =	sor.u32 s0, s1  }
0x5: {  	s6 =	rddreg [dreg:$0x0];
	s4 =	simm.s32 $0x1;
	s2 =	sshll.u32 s1, $0x7  }
0x6: {  	s7 =	simm.s32 $0x2;
	s13 =	simm.s32 $0x0;
	s1 =	ssub.s32 $0x4000, s2  }
0x7: {  	s8 =	simm.s32 $0x10000;
	s12 =	simm.s32 $0x0;
	s3 =	sand.u32 $0xF80, s1  }
0x8: {  	s9 =	simm.s32 $0x0;
	s5 =	sshrl.u32 s1, $0xC;
	p0 =	sne.s32 s3, $0x0  }
.Ltmp0:
0x9: {  	s1 =	rddreg [dreg:$0x2];
	s4 =	simm.s32 @!p0 $0x0;
	(pc) =	sbr.rel .LBB1_1-.Ltmp0, $4  }
0xa: {  	s11 =	simm.s32 $0x0;
	s3 =	rddreg [dreg:$0x1];
	s5 =	sadd.s32 s4, s5  }
0xb: {  	_ =	strace $0x80000050;
	s4 =	simm.s32 $0x1;
	s5 =	smul.u32 $0x19, s5  }
0xc: {  	s6 =	sadd.s32 $0x191200, s6;
	s10 =	smov.u32 s2;
	[sflag:s4] =	ssyncpa.u1 $0x0  }
0xd: {  	p0 =	por $0x0, $0x0;
	[sflag:s7] =	ssyncpa.u1 $0x0;
	s7 =	sadd.s32 $0x1, s5  }
.LBB1_4:
0xe: {  	v1 =	vperm.xlane.i2c.b16 v1;
	v0 =	vperm.xlane.i2c.b16 v0;
	s16 =	sshra.s32 s16, $0x2;
	s17 =	sshll.u32 s12, $0x3;
	s18 =	sshll.u32 s12, $0x1  }
0xf: {  	s13 =	sshll.u32 s13, $0xF;
	s30 =	sshrl.u32 s12, $0x1;
	s31 =	sand.u32 $0x7, s12  }
0x10: {  	s15 =	sadd.s32 s16, s15;
	s29 =	sand.u32 $0xF0, s18;
	s17 =	sand.u32 $0x3C00, s17;
	v2 =	vcombine.low v0, v1  }
0x11: {  	s13 =	sadd.s32 s3, s13;
	s16 =	sor.u32 s29, s17;
	v0 =	vcombine.high v0, v1;
	s17 =	sand.u32 $0x7C00, s30  }
0x12: {  	s12 =	sshll.u32 s31, $0x12;
	s13 =	sadd.s32 s17, s13;
	s16 =	sshrl.u32 s16, $0x4;
	[tilespmem:s15+$0x0 ss:$0x81] =	vst.msk $0xffff, v2  }
0x13: {  	s12 =	sor.u32 $0x200, s12;
	s13 =	sadd.s32 s16, s13;
	[tilespmem:s15+$0x810 ss:$0x81] =	vst.msk $0xffff, v0  }
0x14: {  	[hbm4b:s13+s12] =	stream.strided.scatter [tilespmem:s14], [sflag:$0x2], $0x1000, s8, s12, $0x20;
	[tilespmem:$0x4040] =	vst v63  }
.LBB1_5:
0x15: {  	s14 =	sadd.s32 $0x2, s9  }
0x16: {  	s12 =	sadd.s32 $0x1000, s10;
	s16 =	smov.u32 s10;
	p2 =	sgt.s32 s14, $0x31  }
0x17: {  	s16 =	smov.u32 @p2 s12  }
0x18: {  	s14 =	simm.s32 @p2 $0x0;
	p2 =	sgt.s32 s16, $0x3FFF  }
0x19: {  	s16 =	smov.u32 @p2 s2;
	p2 =	sne.s32 s11, s7  }
.Ltmp1:
0x1a: {  	p1 =	slt.u32 s11, $0x2;
	(pc) =	sbr.rel @!p2 .LBB1_6-.Ltmp1, $4  }
0x1b: {  	s15 =	simm.s32 @!p1 $0x2  }
0x1c: {  	s13 =	smov.u32 s9;
	p0 =	por !p0, !p0;
	_ =	swait.ge @!p1 [sflag:s15], $0x1000  }
0x1d: {  	s12 =	smov.u32 s10;
	[sflag:s15] =	ssyncset.done @!p1 $0x0;
	s9 =	smov.u32 s14  }
0x1e: {  	s11 =	sadd.s32 $0x1, s11;
	[sflag:s15] =	ssyncadd.s32 @!p1 $0xFFFFF000;
	s10 =	smov.u32 s16  }
.LBB1_1:
0x1f: {  	p1 =	sge.u32 s11, s5  }
0x20: {  	s14 =	sand.u32 @!p1 $0x1FFFFFE, s9  }
0x21: {  	s15 =	smulhi.u32 @!p1 $0x4924925, s14;
	_ =	sdelay $0x1  }
0x22: {  	s15 =	smul.u32 @!p1 $0x38, s15  }
0x23: {  	s31 =	sadd.s32 $0xFFFFFFFF, s11;
	s16 =	smul.u32 @!p1 $0x1C0, s10  }
0x24: {  	s17 =	simm.s32 @!p1 $0xE00;
	s14 =	ssub.s32 @!p1 s14, s15;
	s15 =	sxor.u32 @!p1 $0xFFFFFFFF, s11  }
0x25: {  	s16 =	sadd.s32 @!p1 s6, s16;
	s14 =	sshll.u32 @!p1 s14, $0x3;
	s15 =	sshll.u32 @!p1 s15, $0xC  }
0x26: {  	s14 =	sadd.s32 @!p1 s14, s16;
	s15 =	sand.u32 @!p1 $0x1000, s15;
	s16 =	simm.s32 @!p1 $0x20  }
0x27: {  	[tilespmem:s15], [sflag:$0x1] =	stream.strided.gather @!p1 [hbm4b:s14+s16], $0x1000, s17, s16, $0x38;
	[tilespmem:$0x4040] =	vst v63  }
0x28: {  	p1 =	sge.u32 s31, s5  }
.Ltmp2:
0x29: {  	_ = 	snop;
	(pc) =	sbr.rel @p1 .LBB1_5-.Ltmp2, $1  }
0x2a: {  	_ =	sdelay $0x3  }
0x2b: {  	s14 =	simm.s32 $0x1  }
0x2c: {  	_ =	swait.ge [sflag:s4], $0x1000;
	s14 =	simm.s32 @!p0 $0x0  }
0x2d: {  	[sflag:s4] =	ssyncset.done $0x0;
	s15 =	smul.u32 $0x4080, s14;
	s14 =	sshll.u32 s14, $0xC  }
0x2e: {  	[sflag:s4] =	ssyncadd.s32 $0xFFFFF000;
	s18 =	sor.u32 $0x10, s14  }
0x2f: {  	v0 =	vld [tilespmem:s18+$0xFFFFFFF0]  }
0x30: {  	s16 =	sand.u32 $0x1, s11;
	v1 =	vld [tilespmem:s18+$0x0]  }
0x31: {  	s16 =	smul.u32 $0x4080, s16  }
0x32: {  	s17 =	simm.s32 $0x4  }
0x33: {  	s31 =	sshrl.u32 s16, $0x2;
	s16 =	simm.s32 $0x0;
	s15 =	sshrl.u32 s15, $0x2  }
0x34: {  	s14 =	sor.u32 $0x2000, s31;
	s18 =	sadd.s32 $0x20, s18;
	s15 =	sor.u32 $0x2000, s15  }
.LBB1_3:
0x35: {  	v2 =	vperm.xlane.i2c.b16 v1;
	v3 =	vperm.xlane.i2c.b16 v0;
	v0 =	vld [tilespmem:s18+$0xFFFFFFF0];
	s19 =	smov.u32 s17;
	p1 =	sne.s32 s17, $0x1FC  }
.Ltmp3:
0x36: {  	v1 =	vld [tilespmem:s18+$0x0];
	(pc) =	sbr.rel @p1 .LBB1_3-.Ltmp3, $4  }
0x37: {  	s17 =	sadd.s32 $0x4, s17;
	s16 =	sshra.s32 s16, $0x2;
	v4 =	vcombine.low v3, v2  }
0x38: {  	s20 =	sadd.s32 s16, s15;
	s16 =	smov.u32 s19;
	v2 =	vcombine.high v3, v2  }
0x39: {  	[tilespmem:s20+$0x0 ss:$0x81] =	vst.msk $0xffff, v4  }
0x3a: {  	s18 =	sadd.s32 $0x20, s18;
	[tilespmem:s20+$0x810 ss:$0x81] =	vst.msk $0xffff, v2  }
.Ltmp4:
0x3b: {  	_ = 	snop;
	(pc) =	sbr.rel .LBB1_4-.Ltmp4, $1  }
0x3c: {  	_ =	sdelay $0x3  }
.LBB1_6:
0x3d: {  	_ =	sfence.sel $0x180000  }
0x3e: {  	s2 =	simm.s32 $0x1;
	[bflag:$0x0] =	sbarrier.arrive $0xFFFF  }
0x3f: {  	s31 =	simm.s32 $0x2;
	[sflag:s2] =	ssyncpa.u1 $0x1  }
0x40: {  	[sflag:s31] =	ssyncpa.u1 $0x1  }
0x41: {  	p0 =	sne.s32 s0, $0x0;
	_ =	strace $0x90000050  }
0x42: {  	s0 =	sadd.s32 @!p0 $0x100000, s1;
	[bflag:$0x2] =	sbarrier.arrive $0xFFFF  }
0x43: {  	[sflag:s0] =	ssyncadd.tile.s32 @!p0 $0x1;
	_ =	shalt  }
.Lfunc_end1:
_tile_overlayer_lowered:
.L_overlay_start_2:
0x44: {  	(tag) =	ssettag $0x2  }
0x45: {  	s0 =	rddreg [dreg:$0x0];
	s2 =	stileid.u32  }
0x46: {  	s1 =	rddreg [dreg:$0x1];
	p0 =	sne.s32 s2, $0x0  }
0x47: {  	s3 =	rddreg [dreg:$0x2];
	[bflag:$0x3] =	sbarrier.arrive $0xFFFF;
	s2 =	simm.s32 @!p0 $0x1C01  }
0x48: {  	[timem:s3], [sflag:s2] =	dma.local @!p0 [hbm:s0], s1  }
0x49: {  	s0 =	simm.s32 @!p0 $0x1  }
0x4a: {  	_ =	swait.ge @!p0 [sflag:s0], s1  }
0x4b: {  	s1 =	ssub.s32 @!p0 $0x0, s1;
	[sflag:s0] =	ssyncset.done @!p0 $0x0  }
0x4c: {  	[sflag:s0] =	ssyncadd.s32 @!p0 s1  }
0x4d: {  	[bflag:$0x3] =	sbarrier.arrive $0xFFFF  }
0x4e: {  	_ =	shalt  }

</sc_bundles>
